<compile_context>
chip_gen: v7x
topology: tpu7x:2x2x1
jax: 0.10.2.dev20260603
libtpu: 0.0.44.dev20260713+nightly
codegen_flags: <defaults>
</compile_context>

<pallas_src>
import functools

import jax
import jax.numpy as jnp
from jax import lax
from jax.experimental import pallas as pl
from jax.experimental.pallas import tpu as pltpu
from jax.experimental.pallas import tpu_sc as plsc

N_NODES = 10000
N_EDGES = 320000
N_REL = 64
HIDDEN = 128
N_LAYERS = 3

NUM_CORES = 2
NUM_SUBCORES = 16
NW = NUM_CORES * NUM_SUBCORES

CHUNK = 128
NCH = 80
HALF = NCH // 2
E_PAD = NW * NCH * CHUNK
PAD_DST = N_NODES

N_PAD = 10112
ROWS_PER_SUB = N_PAD // NUM_SUBCORES
ZROWS = CHUNK

CNT_TOT = N_PAD * N_REL
CNT_PER_SUB = CNT_TOT // NUM_SUBCORES
ZCNT = 10112

_mesh = plsc.VectorSubcoreMesh(core_axis_name="c", subcore_axis_name="s")


@functools.partial(
    pl.kernel,
    out_type=jax.ShapeDtypeStruct((NUM_CORES, N_REL, N_PAD), jnp.float32),
    mesh=_mesh,
    scratch_types=[
        pltpu.VMEM_SHARED((CNT_TOT,), jnp.float32),
        pltpu.VMEM((HALF, CHUNK), jnp.int32),
        pltpu.VMEM((HALF, CHUNK), jnp.int32),
        pltpu.VMEM((CHUNK,), jnp.int32),
        pltpu.VMEM((CHUNK,), jnp.int32),
        pltpu.VMEM((CHUNK,), jnp.float32),
        pltpu.VMEM((ZCNT,), jnp.float32),
        pltpu.SemaphoreType.DMA,
        pltpu.SemaphoreType.DMA,
    ],
)
def _sc_hist(ei_hbm, et_hbm, cnt_out, cnt_sh, dst_v, et_v, flat0, flat1,
             ones_v, zero_v, sem0, sem1):
    cid = lax.axis_index("c")
    sid = lax.axis_index("s")
    wid = sid * NUM_CORES + cid

    def load_idx(p):
        pltpu.sync_copy(ei_hbm.at[1, wid, pl.ds(p * HALF, HALF), :], dst_v)
        pltpu.sync_copy(et_hbm.at[wid, pl.ds(p * HALF, HALF), :], et_v)

    load_idx(0)

    def zstore(i, carry):
        zero_v[pl.ds(i * 16, 16)] = jnp.zeros((16,), jnp.float32)
        return carry
    lax.fori_loop(0, ZCNT // 16, zstore, 0)
    for k in range(CHUNK // 16):
        ones_v[pl.ds(k * 16, 16)] = jnp.ones((16,), jnp.float32)
    for k in range(CNT_PER_SUB // ZCNT):
        pltpu.sync_copy(zero_v, cnt_sh.at[pl.ds(sid * CNT_PER_SUB + k * ZCNT, ZCNT)])
    plsc.subcore_barrier()

    def compute_flat(c, buf):
        for k in range(CHUNK // 16):
            d16 = dst_v[c, pl.ds(k * 16, 16)]
            e16 = et_v[c, pl.ds(k * 16, 16)]
            buf[pl.ds(k * 16, 16)] = e16 * N_PAD + d16

    for p in range(2):
        if p:
            load_idx(p)

        compute_flat(0, flat0)
        pltpu.async_copy(ones_v, cnt_sh.at[flat0], sem0, add=True)

        def grp(g, carry):
            compute_flat(2 * g + 1, flat1)
            pltpu.async_copy(ones_v, cnt_sh.at[flat1], sem1, add=True)
            pltpu.make_async_copy(ones_v, cnt_sh.at[flat0], sem0).wait()

            @pl.when(g < HALF // 2 - 1)
            def _():
                compute_flat(2 * g + 2, flat0)
                pltpu.async_copy(ones_v, cnt_sh.at[flat0], sem0, add=True)
            pltpu.make_async_copy(ones_v, cnt_sh.at[flat1], sem1).wait()
            return carry
        lax.fori_loop(0, HALF // 2, grp, 0)
    plsc.subcore_barrier()

    for k in range(CNT_PER_SUB // ZCNT):
        base = sid * CNT_PER_SUB + k * ZCNT
        pltpu.sync_copy(cnt_sh.at[pl.ds(base, ZCNT)],
                        cnt_out.at[cid, sid * (CNT_PER_SUB // ZCNT) + k, :])


@functools.partial(
    pl.kernel,
    out_type=jax.ShapeDtypeStruct((NUM_CORES, N_PAD, HIDDEN), jnp.float32),
    mesh=_mesh,
    scratch_types=[
        pltpu.VMEM_SHARED((N_PAD, HIDDEN), jnp.float32),
        pltpu.VMEM((HALF, CHUNK), jnp.int32),
        pltpu.VMEM((HALF, CHUNK), jnp.int32),
        pltpu.VMEM((CHUNK, HIDDEN), jnp.float32),
        pltpu.VMEM((CHUNK, HIDDEN), jnp.float32),
        pltpu.SemaphoreType.DMA,
        pltpu.SemaphoreType.DMA,
    ],
)
def _sc_agg(ei_hbm, x_hbm, out_hbm, agg_sh,
            src_v, dst_v, rows0, rows1, sem0, sem1):
    cid = lax.axis_index("c")
    sid = lax.axis_index("s")
    wid = sid * NUM_CORES + cid

    def load_idx(p):
        pltpu.sync_copy(ei_hbm.at[0, wid, pl.ds(p * HALF, HALF), :], src_v)
        pltpu.sync_copy(ei_hbm.at[1, wid, pl.ds(p * HALF, HALF), :], dst_v)

    load_idx(0)
    pltpu.async_copy(x_hbm.at[src_v.at[0]], rows0, sem0)

    def zrow(r, carry):
        for c in range(HIDDEN // 16):
            rows1[r, pl.ds(c * 16, 16)] = jnp.zeros((16,), jnp.float32)
        return carry
    lax.fori_loop(0, ZROWS, zrow, 0)
    for k in range(ROWS_PER_SUB // ZROWS):
        pltpu.sync_copy(rows1, agg_sh.at[pl.ds(sid * ROWS_PER_SUB + k * ZROWS, ZROWS), :])
    rem = ROWS_PER_SUB % ZROWS
    if rem:
        base = sid * ROWS_PER_SUB + (ROWS_PER_SUB // ZROWS) * ZROWS
        pltpu.sync_copy(rows1.at[pl.ds(0, rem), :], agg_sh.at[pl.ds(base, rem), :])
    plsc.subcore_barrier()

    for p in range(2):
        if p:
            load_idx(p)
            pltpu.async_copy(x_hbm.at[src_v.at[0]], rows0, sem0)

        def grp(g, carry):
            pltpu.async_copy(x_hbm.at[src_v.at[2 * g + 1]], rows1, sem1)
            pltpu.make_async_copy(x_hbm.at[src_v.at[2 * g]], rows0, sem0).wait()
            pltpu.sync_copy(rows0, agg_sh.at[dst_v.at[2 * g]], add=True)

            @pl.when(g < HALF // 2 - 1)
            def _():
                pltpu.async_copy(x_hbm.at[src_v.at[2 * g + 2]], rows0, sem0)
            pltpu.make_async_copy(x_hbm.at[src_v.at[2 * g + 1]], rows1, sem1).wait()
            pltpu.sync_copy(rows1, agg_sh.at[dst_v.at[2 * g + 1]], add=True)
            return carry
        lax.fori_loop(0, HALF // 2, grp, 0)
    plsc.subcore_barrier()

    for k in range(ROWS_PER_SUB // ZROWS):
        sl = pl.ds(sid * ROWS_PER_SUB + k * ZROWS, ZROWS)
        pltpu.sync_copy(agg_sh.at[sl, :], out_hbm.at[cid, sl, :])
    rem = ROWS_PER_SUB % ZROWS
    if rem:
        base = sid * ROWS_PER_SUB + (ROWS_PER_SUB // ZROWS) * ZROWS
        pltpu.sync_copy(agg_sh.at[pl.ds(base, rem), :],
                        out_hbm.at[cid, pl.ds(base, rem), :])


def _tc_layer_body(sw_ref, parts_ref, cnt_ref, rel_ref, x_ref,
                   x0_ref, win_ref, wl_ref, o_ref):
    cnt = cnt_ref[0] + cnt_ref[1]
    dn = (((0,), (0,)), ((), ()))
    deg = lax.dot_general(cnt, jnp.ones((N_REL, 1), jnp.float32), dn,
                          preferred_element_type=jnp.float32)
    inv = 1.0 / jnp.maximum(deg, 1.0)
    rel_term = lax.dot_general(cnt, rel_ref[...], dn,
                               preferred_element_type=jnp.float32)
    agg = (parts_ref[0] + parts_ref[1] - rel_term) * inv
    h = (jnp.dot(agg[:N_NODES, :], win_ref[...],
                 preferred_element_type=jnp.float32)
         + jnp.dot(x_ref[...], wl_ref[...],
                   preferred_element_type=jnp.float32))
    h = jnp.where(h >= 0, h, 0.2 * h)
    alpha = 1.0 / (1.0 + jnp.exp(-sw_ref[0]))
    o_ref[...] = (1.0 - alpha) * h + alpha * x0_ref[...]


def _tc_layer(parts, cnt3, rel, x, x0, win, wl, sw):
    return pl.pallas_call(
        _tc_layer_body,
        in_specs=[
            pl.BlockSpec(memory_space=pltpu.SMEM),
            pl.BlockSpec(memory_space=pltpu.VMEM),
            pl.BlockSpec(memory_space=pltpu.VMEM),
            pl.BlockSpec(memory_space=pltpu.VMEM),
            pl.BlockSpec(memory_space=pltpu.VMEM),
            pl.BlockSpec(memory_space=pltpu.VMEM),
            pl.BlockSpec(memory_space=pltpu.VMEM),
            pl.BlockSpec(memory_space=pltpu.VMEM),
        ],
        out_specs=pl.BlockSpec(memory_space=pltpu.VMEM),
        out_shape=jax.ShapeDtypeStruct((N_NODES, HIDDEN), jnp.float32),
    )(sw, parts, cnt3, rel, x, x0, win, wl)


def kernel(entity_emb, rel_emb, W_in, W_loop, skip_weights, edge_index, edge_type):
    npad = E_PAD - N_EDGES
    pad_srcs = jnp.arange(npad, dtype=jnp.int32) % N_NODES
    pad_rows = PAD_DST + (jnp.arange(npad, dtype=jnp.int32) % (N_PAD - N_NODES))
    pad_blk = jnp.stack([pad_srcs, pad_rows])
    ei_p = jnp.concatenate([edge_index.astype(jnp.int32), pad_blk],
                           axis=1).reshape(2, NW, NCH, CHUNK)
    et_p = jnp.concatenate([edge_type.astype(jnp.int32),
                            jnp.zeros((npad,), jnp.int32)]).reshape(NW, NCH, CHUNK)

    cnt3 = _sc_hist(ei_p, et_p)

    x0 = entity_emb
    x = x0
    for i in range(N_LAYERS):
        parts = _sc_agg(ei_p, x)
        x = _tc_layer(parts, cnt3, rel_emb, x, x0, W_in[i], W_loop[i],
                      skip_weights[i].reshape(1))
    return x

# --- scband reference (transcript-rebuilt; emitter-appended) ---
"""Pipeline reference for scband-graph-nn-80169859547439 (READ-ONLY COPY).

The authoritative reference and input builder live on the scoring server;
editing this copy changes nothing except your own understanding.
"""

import jax, jax.numpy as jnp
import numpy as np

N_NODES = 10000
N_EDGES = 320000
N_REL = 64
HIDDEN = 128
N_LAYERS = 3

def setup_inputs(seed: int = 0) -> dict:
    key = jax.random.key(seed)
    ks = jax.random.split(key, 8)
    edge_index = jax.random.randint(ks[0], (2, N_EDGES), 0, N_NODES, dtype=jnp.int64 if jax.config.read('jax_enable_x64') else jnp.int32)
    edge_type = jax.random.randint(ks[1], (N_EDGES,), 0, N_REL, dtype=edge_index.dtype)
    entity_emb = jax.random.normal(ks[2], (N_NODES, HIDDEN), dtype=jnp.float32) * 0.02
    rel_emb = jax.random.normal(ks[3], (N_REL, HIDDEN), dtype=jnp.float32) * 0.02
    W_in = jax.random.normal(ks[4], (N_LAYERS, HIDDEN, HIDDEN), dtype=jnp.float32) * (1.0 / np.sqrt(HIDDEN))
    W_loop = jax.random.normal(ks[5], (N_LAYERS, HIDDEN, HIDDEN), dtype=jnp.float32) * (1.0 / np.sqrt(HIDDEN))
    skip_weights = jnp.full((N_LAYERS,), 0.5, dtype=jnp.float32)
    return {
        'entity_emb': entity_emb,
        'rel_emb': rel_emb,
        'W_in': W_in,
        'W_loop': W_loop,
        'skip_weights': skip_weights,
        'edge_index': edge_index,
        'edge_type': edge_type,
    }

def _leaky_relu(x, slope=0.2):
    return jnp.where(x >= 0, x, slope * x)

def reference(entity_emb, rel_emb, W_in, W_loop, skip_weights, edge_index, edge_type):
    # GraphNN.forward: x starts from the full entity embedding table, then
    # num_layers of CompGCN-style convolutions with learned skip gates.
    # Dropout is treated as identity (eval mode).
    src = edge_index[0]
    dst = edge_index[1]
    x = entity_emb
    x_initial = x
    n = x.shape[0]
    # in-degree normalization (computed once; graph is static across layers)
    deg = jnp.zeros((n,), dtype=jnp.float32).at[dst].add(1.0)
    inv_deg = 1.0 / jnp.maximum(deg, 1.0)
    for i in range(N_LAYERS):
        # CompGCNConv: composition phi(h_s, z_r) = h_s - z_r (sub composition),
        # scatter-add aggregation over incoming edges, degree-normalized,
        # plus self-loop transform.
        msg = x[src] - rel_emb[edge_type]              # gather: [E, d]
        agg = jnp.zeros((n, x.shape[1]), dtype=x.dtype).at[dst].add(msg)
        agg = agg * inv_deg[:, None]
        h = agg @ W_in[i] + x @ W_loop[i]
        h = _leaky_relu(h, 0.2)
        alpha = jax.nn.sigmoid(skip_weights[i])
        x = (1.0 - alpha) * h + alpha * x_initial
    return x

if __name__ == "__main__":
    import jax
    _d = setup_inputs()
    print(jax.jit(kernel)(*tuple(_d.values())))

</pallas_src>

<mosaic_0001>
#map = affine_map<(d0, d1) -> (0, 0, 0, 0)>
#map1 = affine_map<(d0, d1) -> (0, 0)>
#map2 = affine_map<(d0, d1) -> (0, 0, 0)>
module attributes {stable_mosaic.version = 14 : i64} {
  func.func @_sc_agg(%arg0: i32, %arg1: i32, %arg2: memref<2x32x80x128xi32, #tpu.memory_space<hbm>>, %arg3: memref<10000x128xf32, #tpu.memory_space<hbm>>, %arg4: memref<2x10112x128xf32, #tpu.memory_space<hbm>>, %arg5: memref<10112x128xf32, #tpu.memory_space<vmem_shared>>, %arg6: memref<40x128xi32, #tpu.memory_space<vmem>>, %arg7: memref<40x128xi32, #tpu.memory_space<vmem>>, %arg8: memref<128x128xf32, #tpu.memory_space<vmem>>, %arg9: memref<128x128xf32, #tpu.memory_space<vmem>>, %arg10: memref<!tpu.dma_semaphore, #tpu.memory_space<semaphore_mem>>, %arg11: memref<!tpu.dma_semaphore, #tpu.memory_space<semaphore_mem>>) attributes {dimension_semantics = [#tpu.dimension_semantics<core_parallel>, #tpu.dimension_semantics<subcore_parallel>], iteration_bounds = array<i64: 2, 16>, scalar_prefetch = 0 : i64, scratch_operands = 7 : i64, tpu.core_type = #tpu.core_type<sc_vector_subcore>, window_params = [{transform_indices = #map}, {transform_indices = #map1}, {transform_indices = #map2}]} {
    %mul3A = arith.constant 2 : i32
    %mul3A_0 = arith.muli %arg1, %mul3A : i32
    %add3A = arith.addi %mul3A_0, %arg0 : i32
    %run_scoped3A = arith.constant 0 : i32
    "tpu.region"() ({
      %run_scoped3A_75 = tpu.sem_alloc : memref<!tpu.dma_semaphore, #tpu.memory_space<semaphore_mem>>
      %dma_start3A_76 = arith.constant 0 : i32
      %dma_start3A_77 = arith.constant 0 : i32
      %dma_start3A_78 = tpu.memref_slice %arg2[%run_scoped3A, %add3A, %dma_start3A_76, %dma_start3A_77] : memref<2x32x80x128xi32, #tpu.memory_space<hbm>> -> memref<1x1x40x128xi32, #tpu.memory_space<hbm>>
      %dma_start3A_79 = tpu.memref_squeeze %dma_start3A_78 : memref<1x1x40x128xi32, #tpu.memory_space<hbm>> -> memref<40x128xi32, #tpu.memory_space<hbm>>
      %dma_start3A_80 = arith.constant 0 : i32
      %dma_start3A_81 = arith.constant 0 : i32
      %dma_start3A_82 = tpu.memref_slice %arg2[%run_scoped3A, %add3A, %dma_start3A_80, %dma_start3A_81] : memref<2x32x80x128xi32, #tpu.memory_space<hbm>> -> memref<1x1x40x128xi32, #tpu.memory_space<hbm>>
      %dma_start3A_83 = tpu.memref_squeeze %dma_start3A_82 : memref<1x1x40x128xi32, #tpu.memory_space<hbm>> -> memref<40x128xi32, #tpu.memory_space<hbm>>
      tpu.enqueue_dma source(%dma_start3A_83 : memref<40x128xi32, #tpu.memory_space<hbm>>) target(%arg6 : memref<40x128xi32, #tpu.memory_space<vmem>>) target_semaphore(%run_scoped3A_75 : memref<!tpu.dma_semaphore, #tpu.memory_space<semaphore_mem>>)
      %dma_wait3A = arith.constant 0 : i32
      %dma_wait3A_84 = arith.constant 0 : i32
      %dma_wait3A_85 = tpu.memref_slice %arg2[%run_scoped3A, %add3A, %dma_wait3A, %dma_wait3A_84] : memref<2x32x80x128xi32, #tpu.memory_space<hbm>> -> memref<1x1x40x128xi32, #tpu.memory_space<hbm>>
      %dma_wait3A_86 = tpu.memref_squeeze %dma_wait3A_85 : memref<1x1x40x128xi32, #tpu.memory_space<hbm>> -> memref<40x128xi32, #tpu.memory_space<hbm>>
      %dma_wait3A_87 = arith.constant 0 : i32
      %dma_wait3A_88 = arith.constant 0 : i32
      %dma_wait3A_89 = tpu.memref_slice %arg2[%run_scoped3A, %add3A, %dma_wait3A_87, %dma_wait3A_88] : memref<2x32x80x128xi32, #tpu.memory_space<hbm>> -> memref<1x1x40x128xi32, #tpu.memory_space<hbm>>
      %dma_wait3A_90 = tpu.memref_squeeze %dma_wait3A_89 : memref<1x1x40x128xi32, #tpu.memory_space<hbm>> -> memref<40x128xi32, #tpu.memory_space<hbm>>
      tpu.wait_dma2 semaphore(%run_scoped3A_75 : memref<!tpu.dma_semaphore, #tpu.memory_space<semaphore_mem>>) src(%dma_wait3A_90 : memref<40x128xi32, #tpu.memory_space<hbm>>) dst(%arg6 : memref<40x128xi32, #tpu.memory_space<vmem>>)
      tpu.yield
    }) : () -> ()
    %run_scoped3A_1 = arith.constant 1 : i32
    "tpu.region"() ({
      %run_scoped3A_75 = tpu.sem_alloc : memref<!tpu.dma_semaphore, #tpu.memory_space<semaphore_mem>>
      %dma_start3A_76 = arith.constant 0 : i32
      %dma_start3A_77 = arith.constant 0 : i32
      %dma_start3A_78 = tpu.memref_slice %arg2[%run_scoped3A_1, %add3A, %dma_start3A_76, %dma_start3A_77] : memref<2x32x80x128xi32, #tpu.memory_space<hbm>> -> memref<1x1x40x128xi32, #tpu.memory_space<hbm>>
      %dma_start3A_79 = tpu.memref_squeeze %dma_start3A_78 : memref<1x1x40x128xi32, #tpu.memory_space<hbm>> -> memref<40x128xi32, #tpu.memory_space<hbm>>
      %dma_start3A_80 = arith.constant 0 : i32
      %dma_start3A_81 = arith.constant 0 : i32
      %dma_start3A_82 = tpu.memref_slice %arg2[%run_scoped3A_1, %add3A, %dma_start3A_80, %dma_start3A_81] : memref<2x32x80x128xi32, #tpu.memory_space<hbm>> -> memref<1x1x40x128xi32, #tpu.memory_space<hbm>>
      %dma_start3A_83 = tpu.memref_squeeze %dma_start3A_82 : memref<1x1x40x128xi32, #tpu.memory_space<hbm>> -> memref<40x128xi32, #tpu.memory_space<hbm>>
      tpu.enqueue_dma source(%dma_start3A_83 : memref<40x128xi32, #tpu.memory_space<hbm>>) target(%arg7 : memref<40x128xi32, #tpu.memory_space<vmem>>) target_semaphore(%run_scoped3A_75 : memref<!tpu.dma_semaphore, #tpu.memory_space<semaphore_mem>>)
      %dma_wait3A = arith.constant 0 : i32
      %dma_wait3A_84 = arith.constant 0 : i32
      %dma_wait3A_85 = tpu.memref_slice %arg2[%run_scoped3A_1, %add3A, %dma_wait3A, %dma_wait3A_84] : memref<2x32x80x128xi32, #tpu.memory_space<hbm>> -> memref<1x1x40x128xi32, #tpu.memory_space<hbm>>
      %dma_wait3A_86 = tpu.memref_squeeze %dma_wait3A_85 : memref<1x1x40x128xi32, #tpu.memory_space<hbm>> -> memref<40x128xi32, #tpu.memory_space<hbm>>
      %dma_wait3A_87 = arith.constant 0 : i32
      %dma_wait3A_88 = arith.constant 0 : i32
      %dma_wait3A_89 = tpu.memref_slice %arg2[%run_scoped3A_1, %add3A, %dma_wait3A_87, %dma_wait3A_88] : memref<2x32x80x128xi32, #tpu.memory_space<hbm>> -> memref<1x1x40x128xi32, #tpu.memory_space<hbm>>
      %dma_wait3A_90 = tpu.memref_squeeze %dma_wait3A_89 : memref<1x1x40x128xi32, #tpu.memory_space<hbm>> -> memref<40x128xi32, #tpu.memory_space<hbm>>
      tpu.wait_dma2 semaphore(%run_scoped3A_75 : memref<!tpu.dma_semaphore, #tpu.memory_space<semaphore_mem>>) src(%dma_wait3A_90 : memref<40x128xi32, #tpu.memory_space<hbm>>) dst(%arg7 : memref<40x128xi32, #tpu.memory_space<vmem>>)
      tpu.yield
    }) : () -> ()
    %dma_start3A = arith.constant 0 : i32
    %dma_start3A_2 = arith.constant 0 : i32
    %dma_start3A_3 = tpu.memref_slice %arg6[%dma_start3A, %dma_start3A_2] : memref<40x128xi32, #tpu.memory_space<vmem>> -> memref<1x128xi32, #tpu.memory_space<vmem>>
    %dma_start3A_4 = tpu.memref_squeeze %dma_start3A_3 : memref<1x128xi32, #tpu.memory_space<vmem>> -> memref<128xi32, #tpu.memory_space<vmem>>
    %dma_start3A_5 = arith.constant 0 : i32
    %dma_start3A_6 = arith.constant 0 : i32
    %dma_start3A_7 = tpu.memref_slice %arg3[%dma_start3A_5, %dma_start3A_6] : memref<10000x128xf32, #tpu.memory_space<hbm>> -> memref<10000x128xf32, #tpu.memory_space<hbm>>
    tpu.enqueue_indirect_dma source(%dma_start3A_7 : memref<10000x128xf32, #tpu.memory_space<hbm>>) target(%arg8 : memref<128x128xf32, #tpu.memory_space<vmem>>) offsets(%dma_start3A_4 : memref<128xi32, #tpu.memory_space<vmem>>) semaphore(%arg10 : memref<!tpu.dma_semaphore, #tpu.memory_space<semaphore_mem>>)
    %scan3A = arith.constant 0 : i32
    %scan3A_8 = arith.constant 0 : i32
    %scan3A_9 = arith.constant 128 : i32
    %scan3A_10 = arith.addi %scan3A_8, %scan3A_9 : i32
    %scan3A_11 = arith.constant 1 : i32
    scf.for %scan3A_75 = %scan3A_8 to %scan3A_10 step %scan3A_11  : i32 {
      %broadcast_in_dim3A = arith.constant 0.000000e+00 : f32
      %broadcast_in_dim3A_76 = vector.broadcast %broadcast_in_dim3A : f32 to vector<16xf32>
      %swap3A = arith.index_cast %scan3A_75 : i32 to index
      %swap3A_77 = arith.constant 0 : index
      %swap3A_78 = tpu.vector_load %arg9[%swap3A, %swap3A_77] {strides = array<i32>} : memref<128x128xf32, #tpu.memory_space<vmem>>, vector<1x16xf32>,
      %swap3A_79 = vector.shape_cast %swap3A_78 : vector<1x16xf32> to vector<16xf32>
      %swap3A_80 = vector.shape_cast %broadcast_in_dim3A_76 : vector<16xf32> to vector<1x16xf32>
      tpu.vector_store %arg9[%swap3A, %swap3A_77], %swap3A_80 {strides = array<i32>} : memref<128x128xf32, #tpu.memory_space<vmem>>, vector<1x16xf32>,
      %broadcast_in_dim3A_81 = arith.constant 0.000000e+00 : f32
      %broadcast_in_dim3A_82 = vector.broadcast %broadcast_in_dim3A_81 : f32 to vector<16xf32>
      %swap3A_83 = arith.index_cast %scan3A_75 : i32 to index
      %swap3A_84 = arith.constant 16 : index
      %swap3A_85 = tpu.vector_load %arg9[%swap3A_83, %swap3A_84] {strides = array<i32>} : memref<128x128xf32, #tpu.memory_space<vmem>>, vector<1x16xf32>,
      %swap3A_86 = vector.shape_cast %swap3A_85 : vector<1x16xf32> to vector<16xf32>
      %swap3A_87 = vector.shape_cast %broadcast_in_dim3A_82 : vector<16xf32> to vector<1x16xf32>
      tpu.vector_store %arg9[%swap3A_83, %swap3A_84], %swap3A_87 {strides = array<i32>} : memref<128x128xf32, #tpu.memory_space<vmem>>, vector<1x16xf32>,
      %broadcast_in_dim3A_88 = arith.constant 0.000000e+00 : f32
      %broadcast_in_dim3A_89 = vector.broadcast %broadcast_in_dim3A_88 : f32 to vector<16xf32>
      %swap3A_90 = arith.index_cast %scan3A_75 : i32 to index
      %swap3A_91 = arith.constant 32 : index
      %swap3A_92 = tpu.vector_load %arg9[%swap3A_90, %swap3A_91] {strides = array<i32>} : memref<128x128xf32, #tpu.memory_space<vmem>>, vector<1x16xf32>,
      %swap3A_93 = vector.shape_cast %swap3A_92 : vector<1x16xf32> to vector<16xf32>
      %swap3A_94 = vector.shape_cast %broadcast_in_dim3A_89 : vector<16xf32> to vector<1x16xf32>
      tpu.vector_store %arg9[%swap3A_90, %swap3A_91], %swap3A_94 {strides = array<i32>} : memref<128x128xf32, #tpu.memory_space<vmem>>, vector<1x16xf32>,
      %broadcast_in_dim3A_95 = arith.constant 0.000000e+00 : f32
      %broadcast_in_dim3A_96 = vector.broadcast %broadcast_in_dim3A_95 : f32 to vector<16xf32>
      %swap3A_97 = arith.index_cast %scan3A_75 : i32 to index
      %swap3A_98 = arith.constant 48 : index
      %swap3A_99 = tpu.vector_load %arg9[%swap3A_97, %swap3A_98] {strides = array<i32>} : memref<128x128xf32, #tpu.memory_space<vmem>>, vector<1x16xf32>,
      %swap3A_100 = vector.shape_cast %swap3A_99 : vector<1x16xf32> to vector<16xf32>
      %swap3A_101 = vector.shape_cast %broadcast_in_dim3A_96 : vector<16xf32> to vector<1x16xf32>
      tpu.vector_store %arg9[%swap3A_97, %swap3A_98], %swap3A_101 {strides = array<i32>} : memref<128x128xf32, #tpu.memory_space<vmem>>, vector<1x16xf32>,
      %broadcast_in_dim3A_102 = arith.constant 0.000000e+00 : f32
      %broadcast_in_dim3A_103 = vector.broadcast %broadcast_in_dim3A_102 : f32 to vector<16xf32>
      %swap3A_104 = arith.index_cast %scan3A_75 : i32 to index
      %swap3A_105 = arith.constant 64 : index
      %swap3A_106 = tpu.vector_load %arg9[%swap3A_104, %swap3A_105] {strides = array<i32>} : memref<128x128xf32, #tpu.memory_space<vmem>>, vector<1x16xf32>,
      %swap3A_107 = vector.shape_cast %swap3A_106 : vector<1x16xf32> to vector<16xf32>
      %swap3A_108 = vector.shape_cast %broadcast_in_dim3A_103 : vector<16xf32> to vector<1x16xf32>
      tpu.vector_store %arg9[%swap3A_104, %swap3A_105], %swap3A_108 {strides = array<i32>} : memref<128x128xf32, #tpu.memory_space<vmem>>, vector<1x16xf32>,
      %broadcast_in_dim3A_109 = arith.constant 0.000000e+00 : f32
      %broadcast_in_dim3A_110 = vector.broadcast %broadcast_in_dim3A_109 : f32 to vector<16xf32>
      %swap3A_111 = arith.index_cast %scan3A_75 : i32 to index
      %swap3A_112 = arith.constant 80 : index
      %swap3A_113 = tpu.vector_load %arg9[%swap3A_111, %swap3A_112] {strides = array<i32>} : memref<128x128xf32, #tpu.memory_space<vmem>>, vector<1x16xf32>,
      %swap3A_114 = vector.shape_cast %swap3A_113 : vector<1x16xf32> to vector<16xf32>
      %swap3A_115 = vector.shape_cast %broadcast_in_dim3A_110 : vector<16xf32> to vector<1x16xf32>
      tpu.vector_store %arg9[%swap3A_111, %swap3A_112], %swap3A_115 {strides = array<i32>} : memref<128x128xf32, #tpu.memory_space<vmem>>, vector<1x16xf32>,
      %broadcast_in_dim3A_116 = arith.constant 0.000000e+00 : f32
      %broadcast_in_dim3A_117 = vector.broadcast %broadcast_in_dim3A_116 : f32 to vector<16xf32>
      %swap3A_118 = arith.index_cast %scan3A_75 : i32 to index
      %swap3A_119 = arith.constant 96 : index
      %swap3A_120 = tpu.vector_load %arg9[%swap3A_118, %swap3A_119] {strides = array<i32>} : memref<128x128xf32, #tpu.memory_space<vmem>>, vector<1x16xf32>,
      %swap3A_121 = vector.shape_cast %swap3A_120 : vector<1x16xf32> to vector<16xf32>
      %swap3A_122 = vector.shape_cast %broadcast_in_dim3A_117 : vector<16xf32> to vector<1x16xf32>
      tpu.vector_store %arg9[%swap3A_118, %swap3A_119], %swap3A_122 {strides = array<i32>} : memref<128x128xf32, #tpu.memory_space<vmem>>, vector<1x16xf32>,
      %broadcast_in_dim3A_123 = arith.constant 0.000000e+00 : f32
      %broadcast_in_dim3A_124 = vector.broadcast %broadcast_in_dim3A_123 : f32 to vector<16xf32>
      %swap3A_125 = arith.index_cast %scan3A_75 : i32 to index
      %swap3A_126 = arith.constant 112 : index
      %swap3A_127 = tpu.vector_load %arg9[%swap3A_125, %swap3A_126] {strides = array<i32>} : memref<128x128xf32, #tpu.memory_space<vmem>>, vector<1x16xf32>,
      %swap3A_128 = vector.shape_cast %swap3A_127 : vector<1x16xf32> to vector<16xf32>
      %swap3A_129 = vector.shape_cast %broadcast_in_dim3A_124 : vector<16xf32> to vector<1x16xf32>
      tpu.vector_store %arg9[%swap3A_125, %swap3A_126], %swap3A_129 {strides = array<i32>} : memref<128x128xf32, #tpu.memory_space<vmem>>, vector<1x16xf32>,
    }
    %scan3A_12 = arith.constant 128 : i32
    %mul3A_13 = arith.constant 632 : i32
    %mul3A_14 = arith.muli %arg1, %mul3A_13 : i32
    %add3A_15 = arith.constant 0 : i32
    %add3A_16 = arith.addi %mul3A_14, %add3A_15 : i32
    "tpu.region"() ({
      %run_scoped3A_75 = tpu.sem_alloc : memref<!tpu.dma_semaphore, #tpu.memory_space<semaphore_mem>>
      %dma_start3A_76 = arith.constant 0 : i32
      %dma_start3A_77 = tpu.memref_slice %arg5[%add3A_16, %dma_start3A_76] : memref<10112x128xf32, #tpu.memory_space<vmem_shared>> -> memref<128x128xf32, #tpu.memory_space<vmem_shared>>
      %dma_start3A_78 = arith.constant 0 : i32
      %dma_start3A_79 = tpu.memref_slice %arg5[%add3A_16, %dma_start3A_78] : memref<10112x128xf32, #tpu.memory_space<vmem_shared>> -> memref<128x128xf32, #tpu.memory_space<vmem_shared>>
      tpu.enqueue_dma source(%arg9 : memref<128x128xf32, #tpu.memory_space<vmem>>) target(%dma_start3A_79 : memref<128x128xf32, #tpu.memory_space<vmem_shared>>) target_semaphore(%run_scoped3A_75 : memref<!tpu.dma_semaphore, #tpu.memory_space<semaphore_mem>>)
      %dma_wait3A = arith.constant 0 : i32
      %dma_wait3A_80 = tpu.memref_slice %arg5[%add3A_16, %dma_wait3A] : memref<10112x128xf32, #tpu.memory_space<vmem_shared>> -> memref<128x128xf32, #tpu.memory_space<vmem_shared>>
      %dma_wait3A_81 = arith.constant 0 : i32
      %dma_wait3A_82 = tpu.memref_slice %arg5[%add3A_16, %dma_wait3A_81] : memref<10112x128xf32, #tpu.memory_space<vmem_shared>> -> memref<128x128xf32, #tpu.memory_space<vmem_shared>>
      tpu.wait_dma2 semaphore(%run_scoped3A_75 : memref<!tpu.dma_semaphore, #tpu.memory_space<semaphore_mem>>) src(%arg9 : memref<128x128xf32, #tpu.memory_space<vmem>>) dst(%dma_wait3A_82 : memref<128x128xf32, #tpu.memory_space<vmem_shared>>)
      tpu.yield
    }) : () -> ()
    %mul3A_17 = arith.constant 632 : i32
    %mul3A_18 = arith.muli %arg1, %mul3A_17 : i32
    %add3A_19 = arith.constant 128 : i32
    %add3A_20 = arith.addi %mul3A_18, %add3A_19 : i32
    "tpu.region"() ({
      %run_scoped3A_75 = tpu.sem_alloc : memref<!tpu.dma_semaphore, #tpu.memory_space<semaphore_mem>>
      %dma_start3A_76 = arith.constant 0 : i32
      %dma_start3A_77 = tpu.memref_slice %arg5[%add3A_20, %dma_start3A_76] : memref<10112x128xf32, #tpu.memory_space<vmem_shared>> -> memref<128x128xf32, #tpu.memory_space<vmem_shared>>
      %dma_start3A_78 = arith.constant 0 : i32
      %dma_start3A_79 = tpu.memref_slice %arg5[%add3A_20, %dma_start3A_78] : memref<10112x128xf32, #tpu.memory_space<vmem_shared>> -> memref<128x128xf32, #tpu.memory_space<vmem_shared>>
      tpu.enqueue_dma source(%arg9 : memref<128x128xf32, #tpu.memory_space<vmem>>) target(%dma_start3A_79 : memref<128x128xf32, #tpu.memory_space<vmem_shared>>) target_semaphore(%run_scoped3A_75 : memref<!tpu.dma_semaphore, #tpu.memory_space<semaphore_mem>>)
      %dma_wait3A = arith.constant 0 : i32
      %dma_wait3A_80 = tpu.memref_slice %arg5[%add3A_20, %dma_wait3A] : memref<10112x128xf32, #tpu.memory_space<vmem_shared>> -> memref<128x128xf32, #tpu.memory_space<vmem_shared>>
      %dma_wait3A_81 = arith.constant 0 : i32
      %dma_wait3A_82 = tpu.memref_slice %arg5[%add3A_20, %dma_wait3A_81] : memref<10112x128xf32, #tpu.memory_space<vmem_shared>> -> memref<128x128xf32, #tpu.memory_space<vmem_shared>>
      tpu.wait_dma2 semaphore(%run_scoped3A_75 : memref<!tpu.dma_semaphore, #tpu.memory_space<semaphore_mem>>) src(%arg9 : memref<128x128xf32, #tpu.memory_space<vmem>>) dst(%dma_wait3A_82 : memref<128x128xf32, #tpu.memory_space<vmem_shared>>)
      tpu.yield
    }) : () -> ()
    %mul3A_21 = arith.constant 632 : i32
    %mul3A_22 = arith.muli %arg1, %mul3A_21 : i32
    %add3A_23 = arith.constant 256 : i32
    %add3A_24 = arith.addi %mul3A_22, %add3A_23 : i32
    "tpu.region"() ({
      %run_scoped3A_75 = tpu.sem_alloc : memref<!tpu.dma_semaphore, #tpu.memory_space<semaphore_mem>>
      %dma_start3A_76 = arith.constant 0 : i32
      %dma_start3A_77 = tpu.memref_slice %arg5[%add3A_24, %dma_start3A_76] : memref<10112x128xf32, #tpu.memory_space<vmem_shared>> -> memref<128x128xf32, #tpu.memory_space<vmem_shared>>
      %dma_start3A_78 = arith.constant 0 : i32
      %dma_start3A_79 = tpu.memref_slice %arg5[%add3A_24, %dma_start3A_78] : memref<10112x128xf32, #tpu.memory_space<vmem_shared>> -> memref<128x128xf32, #tpu.memory_space<vmem_shared>>
      tpu.enqueue_dma source(%arg9 : memref<128x128xf32, #tpu.memory_space<vmem>>) target(%dma_start3A_79 : memref<128x128xf32, #tpu.memory_space<vmem_shared>>) target_semaphore(%run_scoped3A_75 : memref<!tpu.dma_semaphore, #tpu.memory_space<semaphore_mem>>)
      %dma_wait3A = arith.constant 0 : i32
      %dma_wait3A_80 = tpu.memref_slice %arg5[%add3A_24, %dma_wait3A] : memref<10112x128xf32, #tpu.memory_space<vmem_shared>> -> memref<128x128xf32, #tpu.memory_space<vmem_shared>>
      %dma_wait3A_81 = arith.constant 0 : i32
      %dma_wait3A_82 = tpu.memref_slice %arg5[%add3A_24, %dma_wait3A_81] : memref<10112x128xf32, #tpu.memory_space<vmem_shared>> -> memref<128x128xf32, #tpu.memory_space<vmem_shared>>
      tpu.wait_dma2 semaphore(%run_scoped3A_75 : memref<!tpu.dma_semaphore, #tpu.memory_space<semaphore_mem>>) src(%arg9 : memref<128x128xf32, #tpu.memory_space<vmem>>) dst(%dma_wait3A_82 : memref<128x128xf32, #tpu.memory_space<vmem_shared>>)
      tpu.yield
    }) : () -> ()
    %mul3A_25 = arith.constant 632 : i32
    %mul3A_26 = arith.muli %arg1, %mul3A_25 : i32
    %add3A_27 = arith.constant 384 : i32
    %add3A_28 = arith.addi %mul3A_26, %add3A_27 : i32
    "tpu.region"() ({
      %run_scoped3A_75 = tpu.sem_alloc : memref<!tpu.dma_semaphore, #tpu.memory_space<semaphore_mem>>
      %dma_start3A_76 = arith.constant 0 : i32
      %dma_start3A_77 = tpu.memref_slice %arg5[%add3A_28, %dma_start3A_76] : memref<10112x128xf32, #tpu.memory_space<vmem_shared>> -> memref<128x128xf32, #tpu.memory_space<vmem_shared>>
      %dma_start3A_78 = arith.constant 0 : i32
      %dma_start3A_79 = tpu.memref_slice %arg5[%add3A_28, %dma_start3A_78] : memref<10112x128xf32, #tpu.memory_space<vmem_shared>> -> memref<128x128xf32, #tpu.memory_space<vmem_shared>>
      tpu.enqueue_dma source(%arg9 : memref<128x128xf32, #tpu.memory_space<vmem>>) target(%dma_start3A_79 : memref<128x128xf32, #tpu.memory_space<vmem_shared>>) target_semaphore(%run_scoped3A_75 : memref<!tpu.dma_semaphore, #tpu.memory_space<semaphore_mem>>)
      %dma_wait3A = arith.constant 0 : i32
      %dma_wait3A_80 = tpu.memref_slice %arg5[%add3A_28, %dma_wait3A] : memref<10112x128xf32, #tpu.memory_space<vmem_shared>> -> memref<128x128xf32, #tpu.memory_space<vmem_shared>>
      %dma_wait3A_81 = arith.constant 0 : i32
      %dma_wait3A_82 = tpu.memref_slice %arg5[%add3A_28, %dma_wait3A_81] : memref<10112x128xf32, #tpu.memory_space<vmem_shared>> -> memref<128x128xf32, #tpu.memory_space<vmem_shared>>
      tpu.wait_dma2 semaphore(%run_scoped3A_75 : memref<!tpu.dma_semaphore, #tpu.memory_space<semaphore_mem>>) src(%arg9 : memref<128x128xf32, #tpu.memory_space<vmem>>) dst(%dma_wait3A_82 : memref<128x128xf32, #tpu.memory_space<vmem_shared>>)
      tpu.yield
    }) : () -> ()
    %mul3A_29 = arith.constant 632 : i32
    %mul3A_30 = arith.muli %arg1, %mul3A_29 : i32
    %add3A_31 = arith.constant 512 : i32
    %add3A_32 = arith.addi %mul3A_30, %add3A_31 : i32
    "tpu.region"() ({
      %run_scoped3A_75 = tpu.sem_alloc : memref<!tpu.dma_semaphore, #tpu.memory_space<semaphore_mem>>
      %dma_start3A_76 = arith.constant 0 : i32
      %dma_start3A_77 = arith.constant 0 : i32
      %dma_start3A_78 = tpu.memref_slice %arg9[%dma_start3A_76, %dma_start3A_77] : memref<128x128xf32, #tpu.memory_space<vmem>> -> memref<120x128xf32, #tpu.memory_space<vmem>>
      %dma_start3A_79 = arith.constant 0 : i32
      %dma_start3A_80 = tpu.memref_slice %arg5[%add3A_32, %dma_start3A_79] : memref<10112x128xf32, #tpu.memory_space<vmem_shared>> -> memref<120x128xf32, #tpu.memory_space<vmem_shared>>
      %dma_start3A_81 = arith.constant 0 : i32
      %dma_start3A_82 = tpu.memref_slice %arg5[%add3A_32, %dma_start3A_81] : memref<10112x128xf32, #tpu.memory_space<vmem_shared>> -> memref<120x128xf32, #tpu.memory_space<vmem_shared>>
      %dma_start3A_83 = arith.constant 0 : i32
      %dma_start3A_84 = arith.constant 0 : i32
      %dma_start3A_85 = tpu.memref_slice %arg9[%dma_start3A_83, %dma_start3A_84] : memref<128x128xf32, #tpu.memory_space<vmem>> -> memref<120x128xf32, #tpu.memory_space<vmem>>
      tpu.enqueue_dma source(%dma_start3A_85 : memref<120x128xf32, #tpu.memory_space<vmem>>) target(%dma_start3A_82 : memref<120x128xf32, #tpu.memory_space<vmem_shared>>) target_semaphore(%run_scoped3A_75 : memref<!tpu.dma_semaphore, #tpu.memory_space<semaphore_mem>>)
      %dma_wait3A = arith.constant 0 : i32
      %dma_wait3A_86 = arith.constant 0 : i32
      %dma_wait3A_87 = tpu.memref_slice %arg9[%dma_wait3A, %dma_wait3A_86] : memref<128x128xf32, #tpu.memory_space<vmem>> -> memref<120x128xf32, #tpu.memory_space<vmem>>
      %dma_wait3A_88 = arith.constant 0 : i32
      %dma_wait3A_89 = tpu.memref_slice %arg5[%add3A_32, %dma_wait3A_88] : memref<10112x128xf32, #tpu.memory_space<vmem_shared>> -> memref<120x128xf32, #tpu.memory_space<vmem_shared>>
      %dma_wait3A_90 = arith.constant 0 : i32
      %dma_wait3A_91 = tpu.memref_slice %arg5[%add3A_32, %dma_wait3A_90] : memref<10112x128xf32, #tpu.memory_space<vmem_shared>> -> memref<120x128xf32, #tpu.memory_space<vmem_shared>>
      %dma_wait3A_92 = arith.constant 0 : i32
      %dma_wait3A_93 = arith.constant 0 : i32
      %dma_wait3A_94 = tpu.memref_slice %arg9[%dma_wait3A_92, %dma_wait3A_93] : memref<128x128xf32, #tpu.memory_space<vmem>> -> memref<120x128xf32, #tpu.memory_space<vmem>>
      tpu.wait_dma2 semaphore(%run_scoped3A_75 : memref<!tpu.dma_semaphore, #tpu.memory_space<semaphore_mem>>) src(%dma_wait3A_94 : memref<120x128xf32, #tpu.memory_space<vmem>>) dst(%dma_wait3A_91 : memref<120x128xf32, #tpu.memory_space<vmem_shared>>)
      tpu.yield
    }) : () -> ()
    %barrier3A = arith.constant 0 : index
    tpu.barrier barrier_id(%barrier3A)
    %scan3A_33 = arith.constant 0 : i32
    %scan3A_34 = arith.constant 0 : i32
    %scan3A_35 = arith.constant 20 : i32
    %scan3A_36 = arith.addi %scan3A_34, %scan3A_35 : i32
    %scan3A_37 = arith.constant 1 : i32
    scf.for %scan3A_75 = %scan3A_34 to %scan3A_36 step %scan3A_37  : i32 {
      %mul3A_76 = arith.constant 2 : i32
      %mul3A_77 = arith.muli %mul3A_76, %scan3A_75 : i32
      %add3A_78 = arith.constant 1 : i32
      %add3A_79 = arith.addi %mul3A_77, %add3A_78 : i32
      %dma_start3A_80 = arith.constant 0 : i32
      %dma_start3A_81 = tpu.memref_slice %arg6[%add3A_79, %dma_start3A_80] : memref<40x128xi32, #tpu.memory_space<vmem>> -> memref<1x128xi32, #tpu.memory_space<vmem>>
      %dma_start3A_82 = tpu.memref_squeeze %dma_start3A_81 : memref<1x128xi32, #tpu.memory_space<vmem>> -> memref<128xi32, #tpu.memory_space<vmem>>
      %dma_start3A_83 = arith.constant 0 : i32
      %dma_start3A_84 = arith.constant 0 : i32
      %dma_start3A_85 = tpu.memref_slice %arg3[%dma_start3A_83, %dma_start3A_84] : memref<10000x128xf32, #tpu.memory_space<hbm>> -> memref<10000x128xf32, #tpu.memory_space<hbm>>
      tpu.enqueue_indirect_dma source(%dma_start3A_85 : memref<10000x128xf32, #tpu.memory_space<hbm>>) target(%arg9 : memref<128x128xf32, #tpu.memory_space<vmem>>) offsets(%dma_start3A_82 : memref<128xi32, #tpu.memory_space<vmem>>) semaphore(%arg11 : memref<!tpu.dma_semaphore, #tpu.memory_space<semaphore_mem>>)
      %mul3A_86 = arith.constant 2 : i32
      %mul3A_87 = arith.muli %mul3A_86, %scan3A_75 : i32
      %dma_wait3A = arith.constant 0 : i32
      %dma_wait3A_88 = tpu.memref_slice %arg6[%mul3A_87, %dma_wait3A] : memref<40x128xi32, #tpu.memory_space<vmem>> -> memref<1x128xi32, #tpu.memory_space<vmem>>
      %dma_wait3A_89 = tpu.memref_squeeze %dma_wait3A_88 : memref<1x128xi32, #tpu.memory_space<vmem>> -> memref<128xi32, #tpu.memory_space<vmem>>
      %dma_wait3A_90 = arith.constant 0 : i32
      %dma_wait3A_91 = arith.constant 0 : i32
      %dma_wait3A_92 = tpu.memref_slice %arg3[%dma_wait3A_90, %dma_wait3A_91] : memref<10000x128xf32, #tpu.memory_space<hbm>> -> memref<10000x128xf32, #tpu.memory_space<hbm>>
      tpu.wait_indirect_dma semaphore(%arg10 : memref<!tpu.dma_semaphore, #tpu.memory_space<semaphore_mem>>) src(%dma_wait3A_92 : memref<10000x128xf32, #tpu.memory_space<hbm>>) dst(%arg8 : memref<128x128xf32, #tpu.memory_space<vmem>>)
      %mul3A_93 = arith.constant 2 : i32
      %mul3A_94 = arith.muli %mul3A_93, %scan3A_75 : i32
      "tpu.region"() ({
        %run_scoped3A_111 = tpu.sem_alloc : memref<!tpu.dma_semaphore, #tpu.memory_space<semaphore_mem>>
        %dma_start3A_112 = arith.constant 0 : i32
        %dma_start3A_113 = tpu.memref_slice %arg7[%mul3A_94, %dma_start3A_112] : memref<40x128xi32, #tpu.memory_space<vmem>> -> memref<1x128xi32, #tpu.memory_space<vmem>>
        %dma_start3A_114 = tpu.memref_squeeze %dma_start3A_113 : memref<1x128xi32, #tpu.memory_space<vmem>> -> memref<128xi32, #tpu.memory_space<vmem>>
        %dma_start3A_115 = arith.constant 0 : i32
        %dma_start3A_116 = arith.constant 0 : i32
        %dma_start3A_117 = tpu.memref_slice %arg5[%dma_start3A_115, %dma_start3A_116] : memref<10112x128xf32, #tpu.memory_space<vmem_shared>> -> memref<10112x128xf32, #tpu.memory_space<vmem_shared>>
        tpu.enqueue_indirect_dma source(%arg8 : memref<128x128xf32, #tpu.memory_space<vmem>>) target(%dma_start3A_117 : memref<10112x128xf32, #tpu.memory_space<vmem_shared>>) offsets(%dma_start3A_114 : memref<128xi32, #tpu.memory_space<vmem>>) semaphore(%run_scoped3A_111 : memref<!tpu.dma_semaphore, #tpu.memory_space<semaphore_mem>>) {add = true}
        %dma_wait3A_118 = arith.constant 0 : i32
        %dma_wait3A_119 = tpu.memref_slice %arg7[%mul3A_94, %dma_wait3A_118] : memref<40x128xi32, #tpu.memory_space<vmem>> -> memref<1x128xi32, #tpu.memory_space<vmem>>
        %dma_wait3A_120 = tpu.memref_squeeze %dma_wait3A_119 : memref<1x128xi32, #tpu.memory_space<vmem>> -> memref<128xi32, #tpu.memory_space<vmem>>
        %dma_wait3A_121 = arith.constant 0 : i32
        %dma_wait3A_122 = arith.constant 0 : i32
        %dma_wait3A_123 = tpu.memref_slice %arg5[%dma_wait3A_121, %dma_wait3A_122] : memref<10112x128xf32, #tpu.memory_space<vmem_shared>> -> memref<10112x128xf32, #tpu.memory_space<vmem_shared>>
        tpu.wait_indirect_dma semaphore(%run_scoped3A_111 : memref<!tpu.dma_semaphore, #tpu.memory_space<semaphore_mem>>) src(%arg8 : memref<128x128xf32, #tpu.memory_space<vmem>>) dst(%dma_wait3A_123 : memref<10112x128xf32, #tpu.memory_space<vmem_shared>>)
        tpu.yield
      }) : () -> ()
      %lt3A = arith.constant 19 : i32
      %lt3A_95 = arith.cmpi slt, %scan3A_75, %lt3A : i32
      %convert_element_type3A = arith.extui %lt3A_95 : i1 to i32
      %cond3A = arith.constant 0 : i32
      %cond3A_96 = arith.cmpi ne, %convert_element_type3A, %cond3A : i32
      scf.if %cond3A_96 {
        %mul3A_111 = arith.constant 2 : i32
        %mul3A_112 = arith.muli %mul3A_111, %scan3A_75 : i32
        %add3A_113 = arith.constant 2 : i32
        %add3A_114 = arith.addi %mul3A_112, %add3A_113 : i32
        %dma_start3A_115 = arith.constant 0 : i32
        %dma_start3A_116 = tpu.memref_slice %arg6[%add3A_114, %dma_start3A_115] : memref<40x128xi32, #tpu.memory_space<vmem>> -> memref<1x128xi32, #tpu.memory_space<vmem>>
        %dma_start3A_117 = tpu.memref_squeeze %dma_start3A_116 : memref<1x128xi32, #tpu.memory_space<vmem>> -> memref<128xi32, #tpu.memory_space<vmem>>
        %dma_start3A_118 = arith.constant 0 : i32
        %dma_start3A_119 = arith.constant 0 : i32
        %dma_start3A_120 = tpu.memref_slice %arg3[%dma_start3A_118, %dma_start3A_119] : memref<10000x128xf32, #tpu.memory_space<hbm>> -> memref<10000x128xf32, #tpu.memory_space<hbm>>
        tpu.enqueue_indirect_dma source(%dma_start3A_120 : memref<10000x128xf32, #tpu.memory_space<hbm>>) target(%arg8 : memref<128x128xf32, #tpu.memory_space<vmem>>) offsets(%dma_start3A_117 : memref<128xi32, #tpu.memory_space<vmem>>) semaphore(%arg10 : memref<!tpu.dma_semaphore, #tpu.memory_space<semaphore_mem>>)
      } else {
      }
      %mul3A_97 = arith.constant 2 : i32
      %mul3A_98 = arith.muli %mul3A_97, %scan3A_75 : i32
      %add3A_99 = arith.constant 1 : i32
      %add3A_100 = arith.addi %mul3A_98, %add3A_99 : i32
      %dma_wait3A_101 = arith.constant 0 : i32
      %dma_wait3A_102 = tpu.memref_slice %arg6[%add3A_100, %dma_wait3A_101] : memref<40x128xi32, #tpu.memory_space<vmem>> -> memref<1x128xi32, #tpu.memory_space<vmem>>
      %dma_wait3A_103 = tpu.memref_squeeze %dma_wait3A_102 : memref<1x128xi32, #tpu.memory_space<vmem>> -> memref<128xi32, #tpu.memory_space<vmem>>
      %dma_wait3A_104 = arith.constant 0 : i32
      %dma_wait3A_105 = arith.constant 0 : i32
      %dma_wait3A_106 = tpu.memref_slice %arg3[%dma_wait3A_104, %dma_wait3A_105] : memref<10000x128xf32, #tpu.memory_space<hbm>> -> memref<10000x128xf32, #tpu.memory_space<hbm>>
      tpu.wait_indirect_dma semaphore(%arg11 : memref<!tpu.dma_semaphore, #tpu.memory_space<semaphore_mem>>) src(%dma_wait3A_106 : memref<10000x128xf32, #tpu.memory_space<hbm>>) dst(%arg9 : memref<128x128xf32, #tpu.memory_space<vmem>>)
      %mul3A_107 = arith.constant 2 : i32
      %mul3A_108 = arith.muli %mul3A_107, %scan3A_75 : i32
      %add3A_109 = arith.constant 1 : i32
      %add3A_110 = arith.addi %mul3A_108, %add3A_109 : i32
      "tpu.region"() ({
        %run_scoped3A_111 = tpu.sem_alloc : memref<!tpu.dma_semaphore, #tpu.memory_space<semaphore_mem>>
        %dma_start3A_112 = arith.constant 0 : i32
        %dma_start3A_113 = tpu.memref_slice %arg7[%add3A_110, %dma_start3A_112] : memref<40x128xi32, #tpu.memory_space<vmem>> -> memref<1x128xi32, #tpu.memory_space<vmem>>
        %dma_start3A_114 = tpu.memref_squeeze %dma_start3A_113 : memref<1x128xi32, #tpu.memory_space<vmem>> -> memref<128xi32, #tpu.memory_space<vmem>>
        %dma_start3A_115 = arith.constant 0 : i32
        %dma_start3A_116 = arith.constant 0 : i32
        %dma_start3A_117 = tpu.memref_slice %arg5[%dma_start3A_115, %dma_start3A_116] : memref<10112x128xf32, #tpu.memory_space<vmem_shared>> -> memref<10112x128xf32, #tpu.memory_space<vmem_shared>>
        tpu.enqueue_indirect_dma source(%arg9 : memref<128x128xf32, #tpu.memory_space<vmem>>) target(%dma_start3A_117 : memref<10112x128xf32, #tpu.memory_space<vmem_shared>>) offsets(%dma_start3A_114 : memref<128xi32, #tpu.memory_space<vmem>>) semaphore(%run_scoped3A_111 : memref<!tpu.dma_semaphore, #tpu.memory_space<semaphore_mem>>) {add = true}
        %dma_wait3A_118 = arith.constant 0 : i32
        %dma_wait3A_119 = tpu.memref_slice %arg7[%add3A_110, %dma_wait3A_118] : memref<40x128xi32, #tpu.memory_space<vmem>> -> memref<1x128xi32, #tpu.memory_space<vmem>>
        %dma_wait3A_120 = tpu.memref_squeeze %dma_wait3A_119 : memref<1x128xi32, #tpu.memory_space<vmem>> -> memref<128xi32, #tpu.memory_space<vmem>>
        %dma_wait3A_121 = arith.constant 0 : i32
        %dma_wait3A_122 = arith.constant 0 : i32
        %dma_wait3A_123 = tpu.memref_slice %arg5[%dma_wait3A_121, %dma_wait3A_122] : memref<10112x128xf32, #tpu.memory_space<vmem_shared>> -> memref<10112x128xf32, #tpu.memory_space<vmem_shared>>
        tpu.wait_indirect_dma semaphore(%run_scoped3A_111 : memref<!tpu.dma_semaphore, #tpu.memory_space<semaphore_mem>>) src(%arg9 : memref<128x128xf32, #tpu.memory_space<vmem>>) dst(%dma_wait3A_123 : memref<10112x128xf32, #tpu.memory_space<vmem_shared>>)
        tpu.yield
      }) : () -> ()
    }
    %scan3A_38 = arith.constant 20 : i32
    %run_scoped3A_39 = arith.constant 0 : i32
    "tpu.region"() ({
      %run_scoped3A_75 = tpu.sem_alloc : memref<!tpu.dma_semaphore, #tpu.memory_space<semaphore_mem>>
      %dma_start3A_76 = arith.constant 40 : i32
      %dma_start3A_77 = arith.constant 0 : i32
      %dma_start3A_78 = tpu.memref_slice %arg2[%run_scoped3A_39, %add3A, %dma_start3A_76, %dma_start3A_77] : memref<2x32x80x128xi32, #tpu.memory_space<hbm>> -> memref<1x1x40x128xi32, #tpu.memory_space<hbm>>
      %dma_start3A_79 = tpu.memref_squeeze %dma_start3A_78 : memref<1x1x40x128xi32, #tpu.memory_space<hbm>> -> memref<40x128xi32, #tpu.memory_space<hbm>>
      %dma_start3A_80 = arith.constant 40 : i32
      %dma_start3A_81 = arith.constant 0 : i32
      %dma_start3A_82 = tpu.memref_slice %arg2[%run_scoped3A_39, %add3A, %dma_start3A_80, %dma_start3A_81] : memref<2x32x80x128xi32, #tpu.memory_space<hbm>> -> memref<1x1x40x128xi32, #tpu.memory_space<hbm>>
      %dma_start3A_83 = tpu.memref_squeeze %dma_start3A_82 : memref<1x1x40x128xi32, #tpu.memory_space<hbm>> -> memref<40x128xi32, #tpu.memory_space<hbm>>
      tpu.enqueue_dma source(%dma_start3A_83 : memref<40x128xi32, #tpu.memory_space<hbm>>) target(%arg6 : memref<40x128xi32, #tpu.memory_space<vmem>>) target_semaphore(%run_scoped3A_75 : memref<!tpu.dma_semaphore, #tpu.memory_space<semaphore_mem>>)
      %dma_wait3A = arith.constant 40 : i32
      %dma_wait3A_84 = arith.constant 0 : i32
      %dma_wait3A_85 = tpu.memref_slice %arg2[%run_scoped3A_39, %add3A, %dma_wait3A, %dma_wait3A_84] : memref<2x32x80x128xi32, #tpu.memory_space<hbm>> -> memref<1x1x40x128xi32, #tpu.memory_space<hbm>>
      %dma_wait3A_86 = tpu.memref_squeeze %dma_wait3A_85 : memref<1x1x40x128xi32, #tpu.memory_space<hbm>> -> memref<40x128xi32, #tpu.memory_space<hbm>>
      %dma_wait3A_87 = arith.constant 40 : i32
      %dma_wait3A_88 = arith.constant 0 : i32
      %dma_wait3A_89 = tpu.memref_slice %arg2[%run_scoped3A_39, %add3A, %dma_wait3A_87, %dma_wait3A_88] : memref<2x32x80x128xi32, #tpu.memory_space<hbm>> -> memref<1x1x40x128xi32, #tpu.memory_space<hbm>>
      %dma_wait3A_90 = tpu.memref_squeeze %dma_wait3A_89 : memref<1x1x40x128xi32, #tpu.memory_space<hbm>> -> memref<40x128xi32, #tpu.memory_space<hbm>>
      tpu.wait_dma2 semaphore(%run_scoped3A_75 : memref<!tpu.dma_semaphore, #tpu.memory_space<semaphore_mem>>) src(%dma_wait3A_90 : memref<40x128xi32, #tpu.memory_space<hbm>>) dst(%arg6 : memref<40x128xi32, #tpu.memory_space<vmem>>)
      tpu.yield
    }) : () -> ()
    %run_scoped3A_40 = arith.constant 1 : i32
    "tpu.region"() ({
      %run_scoped3A_75 = tpu.sem_alloc : memref<!tpu.dma_semaphore, #tpu.memory_space<semaphore_mem>>
      %dma_start3A_76 = arith.constant 40 : i32
      %dma_start3A_77 = arith.constant 0 : i32
      %dma_start3A_78 = tpu.memref_slice %arg2[%run_scoped3A_40, %add3A, %dma_start3A_76, %dma_start3A_77] : memref<2x32x80x128xi32, #tpu.memory_space<hbm>> -> memref<1x1x40x128xi32, #tpu.memory_space<hbm>>
      %dma_start3A_79 = tpu.memref_squeeze %dma_start3A_78 : memref<1x1x40x128xi32, #tpu.memory_space<hbm>> -> memref<40x128xi32, #tpu.memory_space<hbm>>
      %dma_start3A_80 = arith.constant 40 : i32
      %dma_start3A_81 = arith.constant 0 : i32
      %dma_start3A_82 = tpu.memref_slice %arg2[%run_scoped3A_40, %add3A, %dma_start3A_80, %dma_start3A_81] : memref<2x32x80x128xi32, #tpu.memory_space<hbm>> -> memref<1x1x40x128xi32, #tpu.memory_space<hbm>>
      %dma_start3A_83 = tpu.memref_squeeze %dma_start3A_82 : memref<1x1x40x128xi32, #tpu.memory_space<hbm>> -> memref<40x128xi32, #tpu.memory_space<hbm>>
      tpu.enqueue_dma source(%dma_start3A_83 : memref<40x128xi32, #tpu.memory_space<hbm>>) target(%arg7 : memref<40x128xi32, #tpu.memory_space<vmem>>) target_semaphore(%run_scoped3A_75 : memref<!tpu.dma_semaphore, #tpu.memory_space<semaphore_mem>>)
      %dma_wait3A = arith.constant 40 : i32
      %dma_wait3A_84 = arith.constant 0 : i32
      %dma_wait3A_85 = tpu.memref_slice %arg2[%run_scoped3A_40, %add3A, %dma_wait3A, %dma_wait3A_84] : memref<2x32x80x128xi32, #tpu.memory_space<hbm>> -> memref<1x1x40x128xi32, #tpu.memory_space<hbm>>
      %dma_wait3A_86 = tpu.memref_squeeze %dma_wait3A_85 : memref<1x1x40x128xi32, #tpu.memory_space<hbm>> -> memref<40x128xi32, #tpu.memory_space<hbm>>
      %dma_wait3A_87 = arith.constant 40 : i32
      %dma_wait3A_88 = arith.constant 0 : i32
      %dma_wait3A_89 = tpu.memref_slice %arg2[%run_scoped3A_40, %add3A, %dma_wait3A_87, %dma_wait3A_88] : memref<2x32x80x128xi32, #tpu.memory_space<hbm>> -> memref<1x1x40x128xi32, #tpu.memory_space<hbm>>
      %dma_wait3A_90 = tpu.memref_squeeze %dma_wait3A_89 : memref<1x1x40x128xi32, #tpu.memory_space<hbm>> -> memref<40x128xi32, #tpu.memory_space<hbm>>
      tpu.wait_dma2 semaphore(%run_scoped3A_75 : memref<!tpu.dma_semaphore, #tpu.memory_space<semaphore_mem>>) src(%dma_wait3A_90 : memref<40x128xi32, #tpu.memory_space<hbm>>) dst(%arg7 : memref<40x128xi32, #tpu.memory_space<vmem>>)
      tpu.yield
    }) : () -> ()
    %dma_start3A_41 = arith.constant 0 : i32
    %dma_start3A_42 = arith.constant 0 : i32
    %dma_start3A_43 = tpu.memref_slice %arg6[%dma_start3A_41, %dma_start3A_42] : memref<40x128xi32, #tpu.memory_space<vmem>> -> memref<1x128xi32, #tpu.memory_space<vmem>>
    %dma_start3A_44 = tpu.memref_squeeze %dma_start3A_43 : memref<1x128xi32, #tpu.memory_space<vmem>> -> memref<128xi32, #tpu.memory_space<vmem>>
    %dma_start3A_45 = arith.constant 0 : i32
    %dma_start3A_46 = arith.constant 0 : i32
    %dma_start3A_47 = tpu.memref_slice %arg3[%dma_start3A_45, %dma_start3A_46] : memref<10000x128xf32, #tpu.memory_space<hbm>> -> memref<10000x128xf32, #tpu.memory_space<hbm>>
    tpu.enqueue_indirect_dma source(%dma_start3A_47 : memref<10000x128xf32, #tpu.memory_space<hbm>>) target(%arg8 : memref<128x128xf32, #tpu.memory_space<vmem>>) offsets(%dma_start3A_44 : memref<128xi32, #tpu.memory_space<vmem>>) semaphore(%arg10 : memref<!tpu.dma_semaphore, #tpu.memory_space<semaphore_mem>>)
    %scan3A_48 = arith.constant 0 : i32
    %scan3A_49 = arith.constant 0 : i32
    %scan3A_50 = arith.constant 20 : i32
    %scan3A_51 = arith.addi %scan3A_49, %scan3A_50 : i32
    %scan3A_52 = arith.constant 1 : i32
    scf.for %scan3A_75 = %scan3A_49 to %scan3A_51 step %scan3A_52  : i32 {
      %mul3A_76 = arith.constant 2 : i32
      %mul3A_77 = arith.muli %mul3A_76, %scan3A_75 : i32
      %add3A_78 = arith.constant 1 : i32
      %add3A_79 = arith.addi %mul3A_77, %add3A_78 : i32
      %dma_start3A_80 = arith.constant 0 : i32
      %dma_start3A_81 = tpu.memref_slice %arg6[%add3A_79, %dma_start3A_80] : memref<40x128xi32, #tpu.memory_space<vmem>> -> memref<1x128xi32, #tpu.memory_space<vmem>>
      %dma_start3A_82 = tpu.memref_squeeze %dma_start3A_81 : memref<1x128xi32, #tpu.memory_space<vmem>> -> memref<128xi32, #tpu.memory_space<vmem>>
      %dma_start3A_83 = arith.constant 0 : i32
      %dma_start3A_84 = arith.constant 0 : i32
      %dma_start3A_85 = tpu.memref_slice %arg3[%dma_start3A_83, %dma_start3A_84] : memref<10000x128xf32, #tpu.memory_space<hbm>> -> memref<10000x128xf32, #tpu.memory_space<hbm>>
      tpu.enqueue_indirect_dma source(%dma_start3A_85 : memref<10000x128xf32, #tpu.memory_space<hbm>>) target(%arg9 : memref<128x128xf32, #tpu.memory_space<vmem>>) offsets(%dma_start3A_82 : memref<128xi32, #tpu.memory_space<vmem>>) semaphore(%arg11 : memref<!tpu.dma_semaphore, #tpu.memory_space<semaphore_mem>>)
      %mul3A_86 = arith.constant 2 : i32
      %mul3A_87 = arith.muli %mul3A_86, %scan3A_75 : i32
      %dma_wait3A = arith.constant 0 : i32
      %dma_wait3A_88 = tpu.memref_slice %arg6[%mul3A_87, %dma_wait3A] : memref<40x128xi32, #tpu.memory_space<vmem>> -> memref<1x128xi32, #tpu.memory_space<vmem>>
      %dma_wait3A_89 = tpu.memref_squeeze %dma_wait3A_88 : memref<1x128xi32, #tpu.memory_space<vmem>> -> memref<128xi32, #tpu.memory_space<vmem>>
      %dma_wait3A_90 = arith.constant 0 : i32
      %dma_wait3A_91 = arith.constant 0 : i32
      %dma_wait3A_92 = tpu.memref_slice %arg3[%dma_wait3A_90, %dma_wait3A_91] : memref<10000x128xf32, #tpu.memory_space<hbm>> -> memref<10000x128xf32, #tpu.memory_space<hbm>>
      tpu.wait_indirect_dma semaphore(%arg10 : memref<!tpu.dma_semaphore, #tpu.memory_space<semaphore_mem>>) src(%dma_wait3A_92 : memref<10000x128xf32, #tpu.memory_space<hbm>>) dst(%arg8 : memref<128x128xf32, #tpu.memory_space<vmem>>)
      %mul3A_93 = arith.constant 2 : i32
      %mul3A_94 = arith.muli %mul3A_93, %scan3A_75 : i32
      "tpu.region"() ({
        %run_scoped3A_111 = tpu.sem_alloc : memref<!tpu.dma_semaphore, #tpu.memory_space<semaphore_mem>>
        %dma_start3A_112 = arith.constant 0 : i32
        %dma_start3A_113 = tpu.memref_slice %arg7[%mul3A_94, %dma_start3A_112] : memref<40x128xi32, #tpu.memory_space<vmem>> -> memref<1x128xi32, #tpu.memory_space<vmem>>
        %dma_start3A_114 = tpu.memref_squeeze %dma_start3A_113 : memref<1x128xi32, #tpu.memory_space<vmem>> -> memref<128xi32, #tpu.memory_space<vmem>>
        %dma_start3A_115 = arith.constant 0 : i32
        %dma_start3A_116 = arith.constant 0 : i32
        %dma_start3A_117 = tpu.memref_slice %arg5[%dma_start3A_115, %dma_start3A_116] : memref<10112x128xf32, #tpu.memory_space<vmem_shared>> -> memref<10112x128xf32, #tpu.memory_space<vmem_shared>>
        tpu.enqueue_indirect_dma source(%arg8 : memref<128x128xf32, #tpu.memory_space<vmem>>) target(%dma_start3A_117 : memref<10112x128xf32, #tpu.memory_space<vmem_shared>>) offsets(%dma_start3A_114 : memref<128xi32, #tpu.memory_space<vmem>>) semaphore(%run_scoped3A_111 : memref<!tpu.dma_semaphore, #tpu.memory_space<semaphore_mem>>) {add = true}
        %dma_wait3A_118 = arith.constant 0 : i32
        %dma_wait3A_119 = tpu.memref_slice %arg7[%mul3A_94, %dma_wait3A_118] : memref<40x128xi32, #tpu.memory_space<vmem>> -> memref<1x128xi32, #tpu.memory_space<vmem>>
        %dma_wait3A_120 = tpu.memref_squeeze %dma_wait3A_119 : memref<1x128xi32, #tpu.memory_space<vmem>> -> memref<128xi32, #tpu.memory_space<vmem>>
        %dma_wait3A_121 = arith.constant 0 : i32
        %dma_wait3A_122 = arith.constant 0 : i32
        %dma_wait3A_123 = tpu.memref_slice %arg5[%dma_wait3A_121, %dma_wait3A_122] : memref<10112x128xf32, #tpu.memory_space<vmem_shared>> -> memref<10112x128xf32, #tpu.memory_space<vmem_shared>>
        tpu.wait_indirect_dma semaphore(%run_scoped3A_111 : memref<!tpu.dma_semaphore, #tpu.memory_space<semaphore_mem>>) src(%arg8 : memref<128x128xf32, #tpu.memory_space<vmem>>) dst(%dma_wait3A_123 : memref<10112x128xf32, #tpu.memory_space<vmem_shared>>)
        tpu.yield
      }) : () -> ()
      %lt3A = arith.constant 19 : i32
      %lt3A_95 = arith.cmpi slt, %scan3A_75, %lt3A : i32
      %convert_element_type3A = arith.extui %lt3A_95 : i1 to i32
      %cond3A = arith.constant 0 : i32
      %cond3A_96 = arith.cmpi ne, %convert_element_type3A, %cond3A : i32
      scf.if %cond3A_96 {
        %mul3A_111 = arith.constant 2 : i32
        %mul3A_112 = arith.muli %mul3A_111, %scan3A_75 : i32
        %add3A_113 = arith.constant 2 : i32
        %add3A_114 = arith.addi %mul3A_112, %add3A_113 : i32
        %dma_start3A_115 = arith.constant 0 : i32
        %dma_start3A_116 = tpu.memref_slice %arg6[%add3A_114, %dma_start3A_115] : memref<40x128xi32, #tpu.memory_space<vmem>> -> memref<1x128xi32, #tpu.memory_space<vmem>>
        %dma_start3A_117 = tpu.memref_squeeze %dma_start3A_116 : memref<1x128xi32, #tpu.memory_space<vmem>> -> memref<128xi32, #tpu.memory_space<vmem>>
        %dma_start3A_118 = arith.constant 0 : i32
        %dma_start3A_119 = arith.constant 0 : i32
        %dma_start3A_120 = tpu.memref_slice %arg3[%dma_start3A_118, %dma_start3A_119] : memref<10000x128xf32, #tpu.memory_space<hbm>> -> memref<10000x128xf32, #tpu.memory_space<hbm>>
        tpu.enqueue_indirect_dma source(%dma_start3A_120 : memref<10000x128xf32, #tpu.memory_space<hbm>>) target(%arg8 : memref<128x128xf32, #tpu.memory_space<vmem>>) offsets(%dma_start3A_117 : memref<128xi32, #tpu.memory_space<vmem>>) semaphore(%arg10 : memref<!tpu.dma_semaphore, #tpu.memory_space<semaphore_mem>>)
      } else {
      }
      %mul3A_97 = arith.constant 2 : i32
      %mul3A_98 = arith.muli %mul3A_97, %scan3A_75 : i32
      %add3A_99 = arith.constant 1 : i32
      %add3A_100 = arith.addi %mul3A_98, %add3A_99 : i32
      %dma_wait3A_101 = arith.constant 0 : i32
      %dma_wait3A_102 = tpu.memref_slice %arg6[%add3A_100, %dma_wait3A_101] : memref<40x128xi32, #tpu.memory_space<vmem>> -> memref<1x128xi32, #tpu.memory_space<vmem>>
      %dma_wait3A_103 = tpu.memref_squeeze %dma_wait3A_102 : memref<1x128xi32, #tpu.memory_space<vmem>> -> memref<128xi32, #tpu.memory_space<vmem>>
      %dma_wait3A_104 = arith.constant 0 : i32
      %dma_wait3A_105 = arith.constant 0 : i32
      %dma_wait3A_106 = tpu.memref_slice %arg3[%dma_wait3A_104, %dma_wait3A_105] : memref<10000x128xf32, #tpu.memory_space<hbm>> -> memref<10000x128xf32, #tpu.memory_space<hbm>>
      tpu.wait_indirect_dma semaphore(%arg11 : memref<!tpu.dma_semaphore, #tpu.memory_space<semaphore_mem>>) src(%dma_wait3A_106 : memref<10000x128xf32, #tpu.memory_space<hbm>>) dst(%arg9 : memref<128x128xf32, #tpu.memory_space<vmem>>)
      %mul3A_107 = arith.constant 2 : i32
      %mul3A_108 = arith.muli %mul3A_107, %scan3A_75 : i32
      %add3A_109 = arith.constant 1 : i32
      %add3A_110 = arith.addi %mul3A_108, %add3A_109 : i32
      "tpu.region"() ({
        %run_scoped3A_111 = tpu.sem_alloc : memref<!tpu.dma_semaphore, #tpu.memory_space<semaphore_mem>>
        %dma_start3A_112 = arith.constant 0 : i32
        %dma_start3A_113 = tpu.memref_slice %arg7[%add3A_110, %dma_start3A_112] : memref<40x128xi32, #tpu.memory_space<vmem>> -> memref<1x128xi32, #tpu.memory_space<vmem>>
        %dma_start3A_114 = tpu.memref_squeeze %dma_start3A_113 : memref<1x128xi32, #tpu.memory_space<vmem>> -> memref<128xi32, #tpu.memory_space<vmem>>
        %dma_start3A_115 = arith.constant 0 : i32
        %dma_start3A_116 = arith.constant 0 : i32
        %dma_start3A_117 = tpu.memref_slice %arg5[%dma_start3A_115, %dma_start3A_116] : memref<10112x128xf32, #tpu.memory_space<vmem_shared>> -> memref<10112x128xf32, #tpu.memory_space<vmem_shared>>
        tpu.enqueue_indirect_dma source(%arg9 : memref<128x128xf32, #tpu.memory_space<vmem>>) target(%dma_start3A_117 : memref<10112x128xf32, #tpu.memory_space<vmem_shared>>) offsets(%dma_start3A_114 : memref<128xi32, #tpu.memory_space<vmem>>) semaphore(%run_scoped3A_111 : memref<!tpu.dma_semaphore, #tpu.memory_space<semaphore_mem>>) {add = true}
        %dma_wait3A_118 = arith.constant 0 : i32
        %dma_wait3A_119 = tpu.memref_slice %arg7[%add3A_110, %dma_wait3A_118] : memref<40x128xi32, #tpu.memory_space<vmem>> -> memref<1x128xi32, #tpu.memory_space<vmem>>
        %dma_wait3A_120 = tpu.memref_squeeze %dma_wait3A_119 : memref<1x128xi32, #tpu.memory_space<vmem>> -> memref<128xi32, #tpu.memory_space<vmem>>
        %dma_wait3A_121 = arith.constant 0 : i32
        %dma_wait3A_122 = arith.constant 0 : i32
        %dma_wait3A_123 = tpu.memref_slice %arg5[%dma_wait3A_121, %dma_wait3A_122] : memref<10112x128xf32, #tpu.memory_space<vmem_shared>> -> memref<10112x128xf32, #tpu.memory_space<vmem_shared>>
        tpu.wait_indirect_dma semaphore(%run_scoped3A_111 : memref<!tpu.dma_semaphore, #tpu.memory_space<semaphore_mem>>) src(%arg9 : memref<128x128xf32, #tpu.memory_space<vmem>>) dst(%dma_wait3A_123 : memref<10112x128xf32, #tpu.memory_space<vmem_shared>>)
        tpu.yield
      }) : () -> ()
    }
    %scan3A_53 = arith.constant 20 : i32
    %barrier3A_54 = arith.constant 0 : index
    tpu.barrier barrier_id(%barrier3A_54)
    %mul3A_55 = arith.constant 632 : i32
    %mul3A_56 = arith.muli %arg1, %mul3A_55 : i32
    %add3A_57 = arith.constant 0 : i32
    %add3A_58 = arith.addi %mul3A_56, %add3A_57 : i32
    "tpu.region"() ({
      %run_scoped3A_75 = tpu.sem_alloc : memref<!tpu.dma_semaphore, #tpu.memory_space<semaphore_mem>>
      %dma_start3A_76 = arith.constant 0 : i32
      %dma_start3A_77 = tpu.memref_slice %arg4[%arg0, %add3A_58, %dma_start3A_76] : memref<2x10112x128xf32, #tpu.memory_space<hbm>> -> memref<1x128x128xf32, #tpu.memory_space<hbm>>
      %dma_start3A_78 = tpu.memref_squeeze %dma_start3A_77 : memref<1x128x128xf32, #tpu.memory_space<hbm>> -> memref<128x128xf32, #tpu.memory_space<hbm>>
      %dma_start3A_79 = arith.constant 0 : i32
      %dma_start3A_80 = tpu.memref_slice %arg5[%add3A_58, %dma_start3A_79] : memref<10112x128xf32, #tpu.memory_space<vmem_shared>> -> memref<128x128xf32, #tpu.memory_space<vmem_shared>>
      tpu.enqueue_dma source(%dma_start3A_80 : memref<128x128xf32, #tpu.memory_space<vmem_shared>>) target(%dma_start3A_78 : memref<128x128xf32, #tpu.memory_space<hbm>>) target_semaphore(%run_scoped3A_75 : memref<!tpu.dma_semaphore, #tpu.memory_space<semaphore_mem>>)
      %dma_wait3A = arith.constant 0 : i32
      %dma_wait3A_81 = tpu.memref_slice %arg4[%arg0, %add3A_58, %dma_wait3A] : memref<2x10112x128xf32, #tpu.memory_space<hbm>> -> memref<1x128x128xf32, #tpu.memory_space<hbm>>
      %dma_wait3A_82 = tpu.memref_squeeze %dma_wait3A_81 : memref<1x128x128xf32, #tpu.memory_space<hbm>> -> memref<128x128xf32, #tpu.memory_space<hbm>>
      %dma_wait3A_83 = arith.constant 0 : i32
      %dma_wait3A_84 = tpu.memref_slice %arg5[%add3A_58, %dma_wait3A_83] : memref<10112x128xf32, #tpu.memory_space<vmem_shared>> -> memref<128x128xf32, #tpu.memory_space<vmem_shared>>
      tpu.wait_dma2 semaphore(%run_scoped3A_75 : memref<!tpu.dma_semaphore, #tpu.memory_space<semaphore_mem>>) src(%dma_wait3A_84 : memref<128x128xf32, #tpu.memory_space<vmem_shared>>) dst(%dma_wait3A_82 : memref<128x128xf32, #tpu.memory_space<hbm>>)
      tpu.yield
    }) : () -> ()
    %mul3A_59 = arith.constant 632 : i32
    %mul3A_60 = arith.muli %arg1, %mul3A_59 : i32
    %add3A_61 = arith.constant 128 : i32
    %add3A_62 = arith.addi %mul3A_60, %add3A_61 : i32
    "tpu.region"() ({
      %run_scoped3A_75 = tpu.sem_alloc : memref<!tpu.dma_semaphore, #tpu.memory_space<semaphore_mem>>
      %dma_start3A_76 = arith.constant 0 : i32
      %dma_start3A_77 = tpu.memref_slice %arg4[%arg0, %add3A_62, %dma_start3A_76] : memref<2x10112x128xf32, #tpu.memory_space<hbm>> -> memref<1x128x128xf32, #tpu.memory_space<hbm>>
      %dma_start3A_78 = tpu.memref_squeeze %dma_start3A_77 : memref<1x128x128xf32, #tpu.memory_space<hbm>> -> memref<128x128xf32, #tpu.memory_space<hbm>>
      %dma_start3A_79 = arith.constant 0 : i32
      %dma_start3A_80 = tpu.memref_slice %arg5[%add3A_62, %dma_start3A_79] : memref<10112x128xf32, #tpu.memory_space<vmem_shared>> -> memref<128x128xf32, #tpu.memory_space<vmem_shared>>
      tpu.enqueue_dma source(%dma_start3A_80 : memref<128x128xf32, #tpu.memory_space<vmem_shared>>) target(%dma_start3A_78 : memref<128x128xf32, #tpu.memory_space<hbm>>) target_semaphore(%run_scoped3A_75 : memref<!tpu.dma_semaphore, #tpu.memory_space<semaphore_mem>>)
      %dma_wait3A = arith.constant 0 : i32
      %dma_wait3A_81 = tpu.memref_slice %arg4[%arg0, %add3A_62, %dma_wait3A] : memref<2x10112x128xf32, #tpu.memory_space<hbm>> -> memref<1x128x128xf32, #tpu.memory_space<hbm>>
      %dma_wait3A_82 = tpu.memref_squeeze %dma_wait3A_81 : memref<1x128x128xf32, #tpu.memory_space<hbm>> -> memref<128x128xf32, #tpu.memory_space<hbm>>
      %dma_wait3A_83 = arith.constant 0 : i32
      %dma_wait3A_84 = tpu.memref_slice %arg5[%add3A_62, %dma_wait3A_83] : memref<10112x128xf32, #tpu.memory_space<vmem_shared>> -> memref<128x128xf32, #tpu.memory_space<vmem_shared>>
      tpu.wait_dma2 semaphore(%run_scoped3A_75 : memref<!tpu.dma_semaphore, #tpu.memory_space<semaphore_mem>>) src(%dma_wait3A_84 : memref<128x128xf32, #tpu.memory_space<vmem_shared>>) dst(%dma_wait3A_82 : memref<128x128xf32, #tpu.memory_space<hbm>>)
      tpu.yield
    }) : () -> ()
    %mul3A_63 = arith.constant 632 : i32
    %mul3A_64 = arith.muli %arg1, %mul3A_63 : i32
    %add3A_65 = arith.constant 256 : i32
    %add3A_66 = arith.addi %mul3A_64, %add3A_65 : i32
    "tpu.region"() ({
      %run_scoped3A_75 = tpu.sem_alloc : memref<!tpu.dma_semaphore, #tpu.memory_space<semaphore_mem>>
      %dma_start3A_76 = arith.constant 0 : i32
      %dma_start3A_77 = tpu.memref_slice %arg4[%arg0, %add3A_66, %dma_start3A_76] : memref<2x10112x128xf32, #tpu.memory_space<hbm>> -> memref<1x128x128xf32, #tpu.memory_space<hbm>>
      %dma_start3A_78 = tpu.memref_squeeze %dma_start3A_77 : memref<1x128x128xf32, #tpu.memory_space<hbm>> -> memref<128x128xf32, #tpu.memory_space<hbm>>
      %dma_start3A_79 = arith.constant 0 : i32
      %dma_start3A_80 = tpu.memref_slice %arg5[%add3A_66, %dma_start3A_79] : memref<10112x128xf32, #tpu.memory_space<vmem_shared>> -> memref<128x128xf32, #tpu.memory_space<vmem_shared>>
      tpu.enqueue_dma source(%dma_start3A_80 : memref<128x128xf32, #tpu.memory_space<vmem_shared>>) target(%dma_start3A_78 : memref<128x128xf32, #tpu.memory_space<hbm>>) target_semaphore(%run_scoped3A_75 : memref<!tpu.dma_semaphore, #tpu.memory_space<semaphore_mem>>)
      %dma_wait3A = arith.constant 0 : i32
      %dma_wait3A_81 = tpu.memref_slice %arg4[%arg0, %add3A_66, %dma_wait3A] : memref<2x10112x128xf32, #tpu.memory_space<hbm>> -> memref<1x128x128xf32, #tpu.memory_space<hbm>>
      %dma_wait3A_82 = tpu.memref_squeeze %dma_wait3A_81 : memref<1x128x128xf32, #tpu.memory_space<hbm>> -> memref<128x128xf32, #tpu.memory_space<hbm>>
      %dma_wait3A_83 = arith.constant 0 : i32
      %dma_wait3A_84 = tpu.memref_slice %arg5[%add3A_66, %dma_wait3A_83] : memref<10112x128xf32, #tpu.memory_space<vmem_shared>> -> memref<128x128xf32, #tpu.memory_space<vmem_shared>>
      tpu.wait_dma2 semaphore(%run_scoped3A_75 : memref<!tpu.dma_semaphore, #tpu.memory_space<semaphore_mem>>) src(%dma_wait3A_84 : memref<128x128xf32, #tpu.memory_space<vmem_shared>>) dst(%dma_wait3A_82 : memref<128x128xf32, #tpu.memory_space<hbm>>)
      tpu.yield
    }) : () -> ()
    %mul3A_67 = arith.constant 632 : i32
    %mul3A_68 = arith.muli %arg1, %mul3A_67 : i32
    %add3A_69 = arith.constant 384 : i32
    %add3A_70 = arith.addi %mul3A_68, %add3A_69 : i32
    "tpu.region"() ({
      %run_scoped3A_75 = tpu.sem_alloc : memref<!tpu.dma_semaphore, #tpu.memory_space<semaphore_mem>>
      %dma_start3A_76 = arith.constant 0 : i32
      %dma_start3A_77 = tpu.memref_slice %arg4[%arg0, %add3A_70, %dma_start3A_76] : memref<2x10112x128xf32, #tpu.memory_space<hbm>> -> memref<1x128x128xf32, #tpu.memory_space<hbm>>
      %dma_start3A_78 = tpu.memref_squeeze %dma_start3A_77 : memref<1x128x128xf32, #tpu.memory_space<hbm>> -> memref<128x128xf32, #tpu.memory_space<hbm>>
      %dma_start3A_79 = arith.constant 0 : i32
      %dma_start3A_80 = tpu.memref_slice %arg5[%add3A_70, %dma_start3A_79] : memref<10112x128xf32, #tpu.memory_space<vmem_shared>> -> memref<128x128xf32, #tpu.memory_space<vmem_shared>>
      tpu.enqueue_dma source(%dma_start3A_80 : memref<128x128xf32, #tpu.memory_space<vmem_shared>>) target(%dma_start3A_78 : memref<128x128xf32, #tpu.memory_space<hbm>>) target_semaphore(%run_scoped3A_75 : memref<!tpu.dma_semaphore, #tpu.memory_space<semaphore_mem>>)
      %dma_wait3A = arith.constant 0 : i32
      %dma_wait3A_81 = tpu.memref_slice %arg4[%arg0, %add3A_70, %dma_wait3A] : memref<2x10112x128xf32, #tpu.memory_space<hbm>> -> memref<1x128x128xf32, #tpu.memory_space<hbm>>
      %dma_wait3A_82 = tpu.memref_squeeze %dma_wait3A_81 : memref<1x128x128xf32, #tpu.memory_space<hbm>> -> memref<128x128xf32, #tpu.memory_space<hbm>>
      %dma_wait3A_83 = arith.constant 0 : i32
      %dma_wait3A_84 = tpu.memref_slice %arg5[%add3A_70, %dma_wait3A_83] : memref<10112x128xf32, #tpu.memory_space<vmem_shared>> -> memref<128x128xf32, #tpu.memory_space<vmem_shared>>
      tpu.wait_dma2 semaphore(%run_scoped3A_75 : memref<!tpu.dma_semaphore, #tpu.memory_space<semaphore_mem>>) src(%dma_wait3A_84 : memref<128x128xf32, #tpu.memory_space<vmem_shared>>) dst(%dma_wait3A_82 : memref<128x128xf32, #tpu.memory_space<hbm>>)
      tpu.yield
    }) : () -> ()
    %mul3A_71 = arith.constant 632 : i32
    %mul3A_72 = arith.muli %arg1, %mul3A_71 : i32
    %add3A_73 = arith.constant 512 : i32
    %add3A_74 = arith.addi %mul3A_72, %add3A_73 : i32
    "tpu.region"() ({
      %run_scoped3A_75 = tpu.sem_alloc : memref<!tpu.dma_semaphore, #tpu.memory_space<semaphore_mem>>
      %dma_start3A_76 = arith.constant 0 : i32
      %dma_start3A_77 = tpu.memref_slice %arg4[%arg0, %add3A_74, %dma_start3A_76] : memref<2x10112x128xf32, #tpu.memory_space<hbm>> -> memref<1x120x128xf32, #tpu.memory_space<hbm>>
      %dma_start3A_78 = tpu.memref_squeeze %dma_start3A_77 : memref<1x120x128xf32, #tpu.memory_space<hbm>> -> memref<120x128xf32, #tpu.memory_space<hbm>>
      %dma_start3A_79 = arith.constant 0 : i32
      %dma_start3A_80 = tpu.memref_slice %arg5[%add3A_74, %dma_start3A_79] : memref<10112x128xf32, #tpu.memory_space<vmem_shared>> -> memref<120x128xf32, #tpu.memory_space<vmem_shared>>
      tpu.enqueue_dma source(%dma_start3A_80 : memref<120x128xf32, #tpu.memory_space<vmem_shared>>) target(%dma_start3A_78 : memref<120x128xf32, #tpu.memory_space<hbm>>) target_semaphore(%run_scoped3A_75 : memref<!tpu.dma_semaphore, #tpu.memory_space<semaphore_mem>>)
      %dma_wait3A = arith.constant 0 : i32
      %dma_wait3A_81 = tpu.memref_slice %arg4[%arg0, %add3A_74, %dma_wait3A] : memref<2x10112x128xf32, #tpu.memory_space<hbm>> -> memref<1x120x128xf32, #tpu.memory_space<hbm>>
      %dma_wait3A_82 = tpu.memref_squeeze %dma_wait3A_81 : memref<1x120x128xf32, #tpu.memory_space<hbm>> -> memref<120x128xf32, #tpu.memory_space<hbm>>
      %dma_wait3A_83 = arith.constant 0 : i32
      %dma_wait3A_84 = tpu.memref_slice %arg5[%add3A_74, %dma_wait3A_83] : memref<10112x128xf32, #tpu.memory_space<vmem_shared>> -> memref<120x128xf32, #tpu.memory_space<vmem_shared>>
      tpu.wait_dma2 semaphore(%run_scoped3A_75 : memref<!tpu.dma_semaphore, #tpu.memory_space<semaphore_mem>>) src(%dma_wait3A_84 : memref<120x128xf32, #tpu.memory_space<vmem_shared>>) dst(%dma_wait3A_82 : memref<120x128xf32, #tpu.memory_space<hbm>>)
      tpu.yield
    }) : () -> ()
    return
  }
}

#map = affine_map<(d0, d1) -> (0, 0, 0, 0)>
#map1 = affine_map<(d0, d1) -> (0, 0, 0)>
module attributes {stable_mosaic.version = 14 : i64} {
  func.func @_sc_hist(%arg0: i32, %arg1: i32, %arg2: memref<2x32x80x128xi32, #tpu.memory_space<hbm>>, %arg3: memref<32x80x128xi32, #tpu.memory_space<hbm>>, %arg4: memref<2x64x10112xf32, #tpu.memory_space<hbm>>, %arg5: memref<647168xf32, #tpu.memory_space<vmem_shared>>, %arg6: memref<40x128xi32, #tpu.memory_space<vmem>>, %arg7: memref<40x128xi32, #tpu.memory_space<vmem>>, %arg8: memref<128xi32, #tpu.memory_space<vmem>>, %arg9: memref<128xi32, #tpu.memory_space<vmem>>, %arg10: memref<128xf32, #tpu.memory_space<vmem>>, %arg11: memref<10112xf32, #tpu.memory_space<vmem>>, %arg12: memref<!tpu.dma_semaphore, #tpu.memory_space<semaphore_mem>>, %arg13: memref<!tpu.dma_semaphore, #tpu.memory_space<semaphore_mem>>) attributes {dimension_semantics = [#tpu.dimension_semantics<core_parallel>, #tpu.dimension_semantics<subcore_parallel>], iteration_bounds = array<i64: 2, 16>, scalar_prefetch = 0 : i64, scratch_operands = 9 : i64, tpu.core_type = #tpu.core_type<sc_vector_subcore>, window_params = [{transform_indices = #map}, {transform_indices = #map1}, {transform_indices = #map1}]} {
    %mul3A = arith.constant 2 : i32
    %mul3A_0 = arith.muli %arg1, %mul3A : i32
    %add3A = arith.addi %mul3A_0, %arg0 : i32
    %run_scoped3A = arith.constant 1 : i32
    "tpu.region"() ({
      %run_scoped3A_404 = tpu.sem_alloc : memref<!tpu.dma_semaphore, #tpu.memory_space<semaphore_mem>>
      %dma_start3A_405 = arith.constant 0 : i32
      %dma_start3A_406 = arith.constant 0 : i32
      %dma_start3A_407 = tpu.memref_slice %arg2[%run_scoped3A, %add3A, %dma_start3A_405, %dma_start3A_406] : memref<2x32x80x128xi32, #tpu.memory_space<hbm>> -> memref<1x1x40x128xi32, #tpu.memory_space<hbm>>
      %dma_start3A_408 = tpu.memref_squeeze %dma_start3A_407 : memref<1x1x40x128xi32, #tpu.memory_space<hbm>> -> memref<40x128xi32, #tpu.memory_space<hbm>>
      %dma_start3A_409 = arith.constant 0 : i32
      %dma_start3A_410 = arith.constant 0 : i32
      %dma_start3A_411 = tpu.memref_slice %arg2[%run_scoped3A, %add3A, %dma_start3A_409, %dma_start3A_410] : memref<2x32x80x128xi32, #tpu.memory_space<hbm>> -> memref<1x1x40x128xi32, #tpu.memory_space<hbm>>
      %dma_start3A_412 = tpu.memref_squeeze %dma_start3A_411 : memref<1x1x40x128xi32, #tpu.memory_space<hbm>> -> memref<40x128xi32, #tpu.memory_space<hbm>>
      tpu.enqueue_dma source(%dma_start3A_412 : memref<40x128xi32, #tpu.memory_space<hbm>>) target(%arg6 : memref<40x128xi32, #tpu.memory_space<vmem>>) target_semaphore(%run_scoped3A_404 : memref<!tpu.dma_semaphore, #tpu.memory_space<semaphore_mem>>)
      %dma_wait3A = arith.constant 0 : i32
      %dma_wait3A_413 = arith.constant 0 : i32
      %dma_wait3A_414 = tpu.memref_slice %arg2[%run_scoped3A, %add3A, %dma_wait3A, %dma_wait3A_413] : memref<2x32x80x128xi32, #tpu.memory_space<hbm>> -> memref<1x1x40x128xi32, #tpu.memory_space<hbm>>
      %dma_wait3A_415 = tpu.memref_squeeze %dma_wait3A_414 : memref<1x1x40x128xi32, #tpu.memory_space<hbm>> -> memref<40x128xi32, #tpu.memory_space<hbm>>
      %dma_wait3A_416 = arith.constant 0 : i32
      %dma_wait3A_417 = arith.constant 0 : i32
      %dma_wait3A_418 = tpu.memref_slice %arg2[%run_scoped3A, %add3A, %dma_wait3A_416, %dma_wait3A_417] : memref<2x32x80x128xi32, #tpu.memory_space<hbm>> -> memref<1x1x40x128xi32, #tpu.memory_space<hbm>>
      %dma_wait3A_419 = tpu.memref_squeeze %dma_wait3A_418 : memref<1x1x40x128xi32, #tpu.memory_space<hbm>> -> memref<40x128xi32, #tpu.memory_space<hbm>>
      tpu.wait_dma2 semaphore(%run_scoped3A_404 : memref<!tpu.dma_semaphore, #tpu.memory_space<semaphore_mem>>) src(%dma_wait3A_419 : memref<40x128xi32, #tpu.memory_space<hbm>>) dst(%arg6 : memref<40x128xi32, #tpu.memory_space<vmem>>)
      tpu.yield
    }) : () -> ()
    "tpu.region"() ({
      %run_scoped3A_404 = tpu.sem_alloc : memref<!tpu.dma_semaphore, #tpu.memory_space<semaphore_mem>>
      %dma_start3A_405 = arith.constant 0 : i32
      %dma_start3A_406 = arith.constant 0 : i32
      %dma_start3A_407 = tpu.memref_slice %arg3[%add3A, %dma_start3A_405, %dma_start3A_406] : memref<32x80x128xi32, #tpu.memory_space<hbm>> -> memref<1x40x128xi32, #tpu.memory_space<hbm>>
      %dma_start3A_408 = tpu.memref_squeeze %dma_start3A_407 : memref<1x40x128xi32, #tpu.memory_space<hbm>> -> memref<40x128xi32, #tpu.memory_space<hbm>>
      %dma_start3A_409 = arith.constant 0 : i32
      %dma_start3A_410 = arith.constant 0 : i32
      %dma_start3A_411 = tpu.memref_slice %arg3[%add3A, %dma_start3A_409, %dma_start3A_410] : memref<32x80x128xi32, #tpu.memory_space<hbm>> -> memref<1x40x128xi32, #tpu.memory_space<hbm>>
      %dma_start3A_412 = tpu.memref_squeeze %dma_start3A_411 : memref<1x40x128xi32, #tpu.memory_space<hbm>> -> memref<40x128xi32, #tpu.memory_space<hbm>>
      tpu.enqueue_dma source(%dma_start3A_412 : memref<40x128xi32, #tpu.memory_space<hbm>>) target(%arg7 : memref<40x128xi32, #tpu.memory_space<vmem>>) target_semaphore(%run_scoped3A_404 : memref<!tpu.dma_semaphore, #tpu.memory_space<semaphore_mem>>)
      %dma_wait3A = arith.constant 0 : i32
      %dma_wait3A_413 = arith.constant 0 : i32
      %dma_wait3A_414 = tpu.memref_slice %arg3[%add3A, %dma_wait3A, %dma_wait3A_413] : memref<32x80x128xi32, #tpu.memory_space<hbm>> -> memref<1x40x128xi32, #tpu.memory_space<hbm>>
      %dma_wait3A_415 = tpu.memref_squeeze %dma_wait3A_414 : memref<1x40x128xi32, #tpu.memory_space<hbm>> -> memref<40x128xi32, #tpu.memory_space<hbm>>
      %dma_wait3A_416 = arith.constant 0 : i32
      %dma_wait3A_417 = arith.constant 0 : i32
      %dma_wait3A_418 = tpu.memref_slice %arg3[%add3A, %dma_wait3A_416, %dma_wait3A_417] : memref<32x80x128xi32, #tpu.memory_space<hbm>> -> memref<1x40x128xi32, #tpu.memory_space<hbm>>
      %dma_wait3A_419 = tpu.memref_squeeze %dma_wait3A_418 : memref<1x40x128xi32, #tpu.memory_space<hbm>> -> memref<40x128xi32, #tpu.memory_space<hbm>>
      tpu.wait_dma2 semaphore(%run_scoped3A_404 : memref<!tpu.dma_semaphore, #tpu.memory_space<semaphore_mem>>) src(%dma_wait3A_419 : memref<40x128xi32, #tpu.memory_space<hbm>>) dst(%arg7 : memref<40x128xi32, #tpu.memory_space<vmem>>)
      tpu.yield
    }) : () -> ()
    %scan3A = arith.constant 0 : i32
    %scan3A_1 = arith.constant 0 : i32
    %scan3A_2 = arith.constant 632 : i32
    %scan3A_3 = arith.addi %scan3A_1, %scan3A_2 : i32
    %scan3A_4 = arith.constant 1 : i32
    scf.for %scan3A_404 = %scan3A_1 to %scan3A_3 step %scan3A_4  : i32 {
      %broadcast_in_dim3A_405 = arith.constant 0.000000e+00 : f32
      %broadcast_in_dim3A_406 = vector.broadcast %broadcast_in_dim3A_405 : f32 to vector<16xf32>
      %mul3A_407 = arith.constant 16 : i32
      %mul3A_408 = arith.muli %scan3A_404, %mul3A_407 : i32
      %swap3A_409 = arith.index_cast %mul3A_408 : i32 to index
      %swap3A_410 = tpu.vector_load %arg11[%swap3A_409] {strides = array<i32>} : memref<10112xf32, #tpu.memory_space<vmem>>, vector<16xf32>,
      %swap3A_411 = vector.shape_cast %swap3A_410 : vector<16xf32> to vector<16xf32>
      %swap3A_412 = vector.shape_cast %broadcast_in_dim3A_406 : vector<16xf32> to vector<16xf32>
      tpu.vector_store %arg11[%swap3A_409], %swap3A_412 {strides = array<i32>} : memref<10112xf32, #tpu.memory_space<vmem>>, vector<16xf32>,
    }
    %scan3A_5 = arith.constant 632 : i32
    %broadcast_in_dim3A = arith.constant 1.000000e+00 : f32
    %broadcast_in_dim3A_6 = vector.broadcast %broadcast_in_dim3A : f32 to vector<16xf32>
    %swap3A = arith.constant 0 : index
    %swap3A_7 = tpu.vector_load %arg10[%swap3A] {strides = array<i32>} : memref<128xf32, #tpu.memory_space<vmem>>, vector<16xf32>,
    %swap3A_8 = vector.shape_cast %swap3A_7 : vector<16xf32> to vector<16xf32>
    %swap3A_9 = vector.shape_cast %broadcast_in_dim3A_6 : vector<16xf32> to vector<16xf32>
    tpu.vector_store %arg10[%swap3A], %swap3A_9 {strides = array<i32>} : memref<128xf32, #tpu.memory_space<vmem>>, vector<16xf32>,
    %broadcast_in_dim3A_10 = arith.constant 1.000000e+00 : f32
    %broadcast_in_dim3A_11 = vector.broadcast %broadcast_in_dim3A_10 : f32 to vector<16xf32>
    %swap3A_12 = arith.constant 16 : index
    %swap3A_13 = tpu.vector_load %arg10[%swap3A_12] {strides = array<i32>} : memref<128xf32, #tpu.memory_space<vmem>>, vector<16xf32>,
    %swap3A_14 = vector.shape_cast %swap3A_13 : vector<16xf32> to vector<16xf32>
    %swap3A_15 = vector.shape_cast %broadcast_in_dim3A_11 : vector<16xf32> to vector<16xf32>
    tpu.vector_store %arg10[%swap3A_12], %swap3A_15 {strides = array<i32>} : memref<128xf32, #tpu.memory_space<vmem>>, vector<16xf32>,
    %broadcast_in_dim3A_16 = arith.constant 1.000000e+00 : f32
    %broadcast_in_dim3A_17 = vector.broadcast %broadcast_in_dim3A_16 : f32 to vector<16xf32>
    %swap3A_18 = arith.constant 32 : index
    %swap3A_19 = tpu.vector_load %arg10[%swap3A_18] {strides = array<i32>} : memref<128xf32, #tpu.memory_space<vmem>>, vector<16xf32>,
    %swap3A_20 = vector.shape_cast %swap3A_19 : vector<16xf32> to vector<16xf32>
    %swap3A_21 = vector.shape_cast %broadcast_in_dim3A_17 : vector<16xf32> to vector<16xf32>
    tpu.vector_store %arg10[%swap3A_18], %swap3A_21 {strides = array<i32>} : memref<128xf32, #tpu.memory_space<vmem>>, vector<16xf32>,
    %broadcast_in_dim3A_22 = arith.constant 1.000000e+00 : f32
    %broadcast_in_dim3A_23 = vector.broadcast %broadcast_in_dim3A_22 : f32 to vector<16xf32>
    %swap3A_24 = arith.constant 48 : index
    %swap3A_25 = tpu.vector_load %arg10[%swap3A_24] {strides = array<i32>} : memref<128xf32, #tpu.memory_space<vmem>>, vector<16xf32>,
    %swap3A_26 = vector.shape_cast %swap3A_25 : vector<16xf32> to vector<16xf32>
    %swap3A_27 = vector.shape_cast %broadcast_in_dim3A_23 : vector<16xf32> to vector<16xf32>
    tpu.vector_store %arg10[%swap3A_24], %swap3A_27 {strides = array<i32>} : memref<128xf32, #tpu.memory_space<vmem>>, vector<16xf32>,
    %broadcast_in_dim3A_28 = arith.constant 1.000000e+00 : f32
    %broadcast_in_dim3A_29 = vector.broadcast %broadcast_in_dim3A_28 : f32 to vector<16xf32>
    %swap3A_30 = arith.constant 64 : index
    %swap3A_31 = tpu.vector_load %arg10[%swap3A_30] {strides = array<i32>} : memref<128xf32, #tpu.memory_space<vmem>>, vector<16xf32>,
    %swap3A_32 = vector.shape_cast %swap3A_31 : vector<16xf32> to vector<16xf32>
    %swap3A_33 = vector.shape_cast %broadcast_in_dim3A_29 : vector<16xf32> to vector<16xf32>
    tpu.vector_store %arg10[%swap3A_30], %swap3A_33 {strides = array<i32>} : memref<128xf32, #tpu.memory_space<vmem>>, vector<16xf32>,
    %broadcast_in_dim3A_34 = arith.constant 1.000000e+00 : f32
    %broadcast_in_dim3A_35 = vector.broadcast %broadcast_in_dim3A_34 : f32 to vector<16xf32>
    %swap3A_36 = arith.constant 80 : index
    %swap3A_37 = tpu.vector_load %arg10[%swap3A_36] {strides = array<i32>} : memref<128xf32, #tpu.memory_space<vmem>>, vector<16xf32>,
    %swap3A_38 = vector.shape_cast %swap3A_37 : vector<16xf32> to vector<16xf32>
    %swap3A_39 = vector.shape_cast %broadcast_in_dim3A_35 : vector<16xf32> to vector<16xf32>
    tpu.vector_store %arg10[%swap3A_36], %swap3A_39 {strides = array<i32>} : memref<128xf32, #tpu.memory_space<vmem>>, vector<16xf32>,
    %broadcast_in_dim3A_40 = arith.constant 1.000000e+00 : f32
    %broadcast_in_dim3A_41 = vector.broadcast %broadcast_in_dim3A_40 : f32 to vector<16xf32>
    %swap3A_42 = arith.constant 96 : index
    %swap3A_43 = tpu.vector_load %arg10[%swap3A_42] {strides = array<i32>} : memref<128xf32, #tpu.memory_space<vmem>>, vector<16xf32>,
    %swap3A_44 = vector.shape_cast %swap3A_43 : vector<16xf32> to vector<16xf32>
    %swap3A_45 = vector.shape_cast %broadcast_in_dim3A_41 : vector<16xf32> to vector<16xf32>
    tpu.vector_store %arg10[%swap3A_42], %swap3A_45 {strides = array<i32>} : memref<128xf32, #tpu.memory_space<vmem>>, vector<16xf32>,
    %broadcast_in_dim3A_46 = arith.constant 1.000000e+00 : f32
    %broadcast_in_dim3A_47 = vector.broadcast %broadcast_in_dim3A_46 : f32 to vector<16xf32>
    %swap3A_48 = arith.constant 112 : index
    %swap3A_49 = tpu.vector_load %arg10[%swap3A_48] {strides = array<i32>} : memref<128xf32, #tpu.memory_space<vmem>>, vector<16xf32>,
    %swap3A_50 = vector.shape_cast %swap3A_49 : vector<16xf32> to vector<16xf32>
    %swap3A_51 = vector.shape_cast %broadcast_in_dim3A_47 : vector<16xf32> to vector<16xf32>
    tpu.vector_store %arg10[%swap3A_48], %swap3A_51 {strides = array<i32>} : memref<128xf32, #tpu.memory_space<vmem>>, vector<16xf32>,
    %mul3A_52 = arith.constant 40448 : i32
    %mul3A_53 = arith.muli %arg1, %mul3A_52 : i32
    %add3A_54 = arith.constant 0 : i32
    %add3A_55 = arith.addi %mul3A_53, %add3A_54 : i32
    "tpu.region"() ({
      %run_scoped3A_404 = tpu.sem_alloc : memref<!tpu.dma_semaphore, #tpu.memory_space<semaphore_mem>>
      %dma_start3A_405 = tpu.memref_slice %arg5[%add3A_55] : memref<647168xf32, #tpu.memory_space<vmem_shared>> -> memref<10112xf32, #tpu.memory_space<vmem_shared>>
      %dma_start3A_406 = tpu.memref_slice %arg5[%add3A_55] : memref<647168xf32, #tpu.memory_space<vmem_shared>> -> memref<10112xf32, #tpu.memory_space<vmem_shared>>
      tpu.enqueue_dma source(%arg11 : memref<10112xf32, #tpu.memory_space<vmem>>) target(%dma_start3A_406 : memref<10112xf32, #tpu.memory_space<vmem_shared>>) target_semaphore(%run_scoped3A_404 : memref<!tpu.dma_semaphore, #tpu.memory_space<semaphore_mem>>)
      %dma_wait3A = tpu.memref_slice %arg5[%add3A_55] : memref<647168xf32, #tpu.memory_space<vmem_shared>> -> memref<10112xf32, #tpu.memory_space<vmem_shared>>
      %dma_wait3A_407 = tpu.memref_slice %arg5[%add3A_55] : memref<647168xf32, #tpu.memory_space<vmem_shared>> -> memref<10112xf32, #tpu.memory_space<vmem_shared>>
      tpu.wait_dma2 semaphore(%run_scoped3A_404 : memref<!tpu.dma_semaphore, #tpu.memory_space<semaphore_mem>>) src(%arg11 : memref<10112xf32, #tpu.memory_space<vmem>>) dst(%dma_wait3A_407 : memref<10112xf32, #tpu.memory_space<vmem_shared>>)
      tpu.yield
    }) : () -> ()
    %mul3A_56 = arith.constant 40448 : i32
    %mul3A_57 = arith.muli %arg1, %mul3A_56 : i32
    %add3A_58 = arith.constant 10112 : i32
    %add3A_59 = arith.addi %mul3A_57, %add3A_58 : i32
    "tpu.region"() ({
      %run_scoped3A_404 = tpu.sem_alloc : memref<!tpu.dma_semaphore, #tpu.memory_space<semaphore_mem>>
      %dma_start3A_405 = tpu.memref_slice %arg5[%add3A_59] : memref<647168xf32, #tpu.memory_space<vmem_shared>> -> memref<10112xf32, #tpu.memory_space<vmem_shared>>
      %dma_start3A_406 = tpu.memref_slice %arg5[%add3A_59] : memref<647168xf32, #tpu.memory_space<vmem_shared>> -> memref<10112xf32, #tpu.memory_space<vmem_shared>>
      tpu.enqueue_dma source(%arg11 : memref<10112xf32, #tpu.memory_space<vmem>>) target(%dma_start3A_406 : memref<10112xf32, #tpu.memory_space<vmem_shared>>) target_semaphore(%run_scoped3A_404 : memref<!tpu.dma_semaphore, #tpu.memory_space<semaphore_mem>>)
      %dma_wait3A = tpu.memref_slice %arg5[%add3A_59] : memref<647168xf32, #tpu.memory_space<vmem_shared>> -> memref<10112xf32, #tpu.memory_space<vmem_shared>>
      %dma_wait3A_407 = tpu.memref_slice %arg5[%add3A_59] : memref<647168xf32, #tpu.memory_space<vmem_shared>> -> memref<10112xf32, #tpu.memory_space<vmem_shared>>
      tpu.wait_dma2 semaphore(%run_scoped3A_404 : memref<!tpu.dma_semaphore, #tpu.memory_space<semaphore_mem>>) src(%arg11 : memref<10112xf32, #tpu.memory_space<vmem>>) dst(%dma_wait3A_407 : memref<10112xf32, #tpu.memory_space<vmem_shared>>)
      tpu.yield
    }) : () -> ()
    %mul3A_60 = arith.constant 40448 : i32
    %mul3A_61 = arith.muli %arg1, %mul3A_60 : i32
    %add3A_62 = arith.constant 20224 : i32
    %add3A_63 = arith.addi %mul3A_61, %add3A_62 : i32
    "tpu.region"() ({
      %run_scoped3A_404 = tpu.sem_alloc : memref<!tpu.dma_semaphore, #tpu.memory_space<semaphore_mem>>
      %dma_start3A_405 = tpu.memref_slice %arg5[%add3A_63] : memref<647168xf32, #tpu.memory_space<vmem_shared>> -> memref<10112xf32, #tpu.memory_space<vmem_shared>>
      %dma_start3A_406 = tpu.memref_slice %arg5[%add3A_63] : memref<647168xf32, #tpu.memory_space<vmem_shared>> -> memref<10112xf32, #tpu.memory_space<vmem_shared>>
      tpu.enqueue_dma source(%arg11 : memref<10112xf32, #tpu.memory_space<vmem>>) target(%dma_start3A_406 : memref<10112xf32, #tpu.memory_space<vmem_shared>>) target_semaphore(%run_scoped3A_404 : memref<!tpu.dma_semaphore, #tpu.memory_space<semaphore_mem>>)
      %dma_wait3A = tpu.memref_slice %arg5[%add3A_63] : memref<647168xf32, #tpu.memory_space<vmem_shared>> -> memref<10112xf32, #tpu.memory_space<vmem_shared>>
      %dma_wait3A_407 = tpu.memref_slice %arg5[%add3A_63] : memref<647168xf32, #tpu.memory_space<vmem_shared>> -> memref<10112xf32, #tpu.memory_space<vmem_shared>>
      tpu.wait_dma2 semaphore(%run_scoped3A_404 : memref<!tpu.dma_semaphore, #tpu.memory_space<semaphore_mem>>) src(%arg11 : memref<10112xf32, #tpu.memory_space<vmem>>) dst(%dma_wait3A_407 : memref<10112xf32, #tpu.memory_space<vmem_shared>>)
      tpu.yield
    }) : () -> ()
    %mul3A_64 = arith.constant 40448 : i32
    %mul3A_65 = arith.muli %arg1, %mul3A_64 : i32
    %add3A_66 = arith.constant 30336 : i32
    %add3A_67 = arith.addi %mul3A_65, %add3A_66 : i32
    "tpu.region"() ({
      %run_scoped3A_404 = tpu.sem_alloc : memref<!tpu.dma_semaphore, #tpu.memory_space<semaphore_mem>>
      %dma_start3A_405 = tpu.memref_slice %arg5[%add3A_67] : memref<647168xf32, #tpu.memory_space<vmem_shared>> -> memref<10112xf32, #tpu.memory_space<vmem_shared>>
      %dma_start3A_406 = tpu.memref_slice %arg5[%add3A_67] : memref<647168xf32, #tpu.memory_space<vmem_shared>> -> memref<10112xf32, #tpu.memory_space<vmem_shared>>
      tpu.enqueue_dma source(%arg11 : memref<10112xf32, #tpu.memory_space<vmem>>) target(%dma_start3A_406 : memref<10112xf32, #tpu.memory_space<vmem_shared>>) target_semaphore(%run_scoped3A_404 : memref<!tpu.dma_semaphore, #tpu.memory_space<semaphore_mem>>)
      %dma_wait3A = tpu.memref_slice %arg5[%add3A_67] : memref<647168xf32, #tpu.memory_space<vmem_shared>> -> memref<10112xf32, #tpu.memory_space<vmem_shared>>
      %dma_wait3A_407 = tpu.memref_slice %arg5[%add3A_67] : memref<647168xf32, #tpu.memory_space<vmem_shared>> -> memref<10112xf32, #tpu.memory_space<vmem_shared>>
      tpu.wait_dma2 semaphore(%run_scoped3A_404 : memref<!tpu.dma_semaphore, #tpu.memory_space<semaphore_mem>>) src(%arg11 : memref<10112xf32, #tpu.memory_space<vmem>>) dst(%dma_wait3A_407 : memref<10112xf32, #tpu.memory_space<vmem_shared>>)
      tpu.yield
    }) : () -> ()
    %barrier3A = arith.constant 0 : index
    tpu.barrier barrier_id(%barrier3A)
    %get3A = arith.constant 0 : i32
    %get3A_68 = arith.index_cast %get3A : i32 to index
    %get3A_69 = arith.constant 0 : index
    %get3A_70 = tpu.vector_load %arg6[%get3A_68, %get3A_69] {strides = array<i32>} : memref<40x128xi32, #tpu.memory_space<vmem>>, vector<1x16xi32>,
    %get3A_71 = vector.shape_cast %get3A_70 : vector<1x16xi32> to vector<16xi32>
    %get3A_72 = arith.constant 0 : i32
    %get3A_73 = arith.index_cast %get3A_72 : i32 to index
    %get3A_74 = arith.constant 0 : index
    %get3A_75 = tpu.vector_load %arg7[%get3A_73, %get3A_74] {strides = array<i32>} : memref<40x128xi32, #tpu.memory_space<vmem>>, vector<1x16xi32>,
    %get3A_76 = vector.shape_cast %get3A_75 : vector<1x16xi32> to vector<16xi32>
    %mul3A_77 = arith.constant 10112 : i32
    %mul3A_78 = vector.broadcast %mul3A_77 : i32 to vector<16xi32>
    %mul3A_79 = arith.muli %get3A_76, %mul3A_78 : vector<16xi32>
    %add3A_80 = arith.addi %mul3A_79, %get3A_71 : vector<16xi32>
    %swap3A_81 = arith.constant 0 : index
    %swap3A_82 = tpu.vector_load %arg8[%swap3A_81] {strides = array<i32>} : memref<128xi32, #tpu.memory_space<vmem>>, vector<16xi32>,
    %swap3A_83 = vector.shape_cast %swap3A_82 : vector<16xi32> to vector<16xi32>
    %swap3A_84 = vector.shape_cast %add3A_80 : vector<16xi32> to vector<16xi32>
    tpu.vector_store %arg8[%swap3A_81], %swap3A_84 {strides = array<i32>} : memref<128xi32, #tpu.memory_space<vmem>>, vector<16xi32>,
    %get3A_85 = arith.constant 0 : i32
    %get3A_86 = arith.index_cast %get3A_85 : i32 to index
    %get3A_87 = arith.constant 16 : index
    %get3A_88 = tpu.vector_load %arg6[%get3A_86, %get3A_87] {strides = array<i32>} : memref<40x128xi32, #tpu.memory_space<vmem>>, vector<1x16xi32>,
    %get3A_89 = vector.shape_cast %get3A_88 : vector<1x16xi32> to vector<16xi32>
    %get3A_90 = arith.constant 0 : i32
    %get3A_91 = arith.index_cast %get3A_90 : i32 to index
    %get3A_92 = arith.constant 16 : index
    %get3A_93 = tpu.vector_load %arg7[%get3A_91, %get3A_92] {strides = array<i32>} : memref<40x128xi32, #tpu.memory_space<vmem>>, vector<1x16xi32>,
    %get3A_94 = vector.shape_cast %get3A_93 : vector<1x16xi32> to vector<16xi32>
    %mul3A_95 = arith.constant 10112 : i32
    %mul3A_96 = vector.broadcast %mul3A_95 : i32 to vector<16xi32>
    %mul3A_97 = arith.muli %get3A_94, %mul3A_96 : vector<16xi32>
    %add3A_98 = arith.addi %mul3A_97, %get3A_89 : vector<16xi32>
    %swap3A_99 = arith.constant 16 : index
    %swap3A_100 = tpu.vector_load %arg8[%swap3A_99] {strides = array<i32>} : memref<128xi32, #tpu.memory_space<vmem>>, vector<16xi32>,
    %swap3A_101 = vector.shape_cast %swap3A_100 : vector<16xi32> to vector<16xi32>
    %swap3A_102 = vector.shape_cast %add3A_98 : vector<16xi32> to vector<16xi32>
    tpu.vector_store %arg8[%swap3A_99], %swap3A_102 {strides = array<i32>} : memref<128xi32, #tpu.memory_space<vmem>>, vector<16xi32>,
    %get3A_103 = arith.constant 0 : i32
    %get3A_104 = arith.index_cast %get3A_103 : i32 to index
    %get3A_105 = arith.constant 32 : index
    %get3A_106 = tpu.vector_load %arg6[%get3A_104, %get3A_105] {strides = array<i32>} : memref<40x128xi32, #tpu.memory_space<vmem>>, vector<1x16xi32>,
    %get3A_107 = vector.shape_cast %get3A_106 : vector<1x16xi32> to vector<16xi32>
    %get3A_108 = arith.constant 0 : i32
    %get3A_109 = arith.index_cast %get3A_108 : i32 to index
    %get3A_110 = arith.constant 32 : index
    %get3A_111 = tpu.vector_load %arg7[%get3A_109, %get3A_110] {strides = array<i32>} : memref<40x128xi32, #tpu.memory_space<vmem>>, vector<1x16xi32>,
    %get3A_112 = vector.shape_cast %get3A_111 : vector<1x16xi32> to vector<16xi32>
    %mul3A_113 = arith.constant 10112 : i32
    %mul3A_114 = vector.broadcast %mul3A_113 : i32 to vector<16xi32>
    %mul3A_115 = arith.muli %get3A_112, %mul3A_114 : vector<16xi32>
    %add3A_116 = arith.addi %mul3A_115, %get3A_107 : vector<16xi32>
    %swap3A_117 = arith.constant 32 : index
    %swap3A_118 = tpu.vector_load %arg8[%swap3A_117] {strides = array<i32>} : memref<128xi32, #tpu.memory_space<vmem>>, vector<16xi32>,
    %swap3A_119 = vector.shape_cast %swap3A_118 : vector<16xi32> to vector<16xi32>
    %swap3A_120 = vector.shape_cast %add3A_116 : vector<16xi32> to vector<16xi32>
    tpu.vector_store %arg8[%swap3A_117], %swap3A_120 {strides = array<i32>} : memref<128xi32, #tpu.memory_space<vmem>>, vector<16xi32>,
    %get3A_121 = arith.constant 0 : i32
    %get3A_122 = arith.index_cast %get3A_121 : i32 to index
    %get3A_123 = arith.constant 48 : index
    %get3A_124 = tpu.vector_load %arg6[%get3A_122, %get3A_123] {strides = array<i32>} : memref<40x128xi32, #tpu.memory_space<vmem>>, vector<1x16xi32>,
    %get3A_125 = vector.shape_cast %get3A_124 : vector<1x16xi32> to vector<16xi32>
    %get3A_126 = arith.constant 0 : i32
    %get3A_127 = arith.index_cast %get3A_126 : i32 to index
    %get3A_128 = arith.constant 48 : index
    %get3A_129 = tpu.vector_load %arg7[%get3A_127, %get3A_128] {strides = array<i32>} : memref<40x128xi32, #tpu.memory_space<vmem>>, vector<1x16xi32>,
    %get3A_130 = vector.shape_cast %get3A_129 : vector<1x16xi32> to vector<16xi32>
    %mul3A_131 = arith.constant 10112 : i32
    %mul3A_132 = vector.broadcast %mul3A_131 : i32 to vector<16xi32>
    %mul3A_133 = arith.muli %get3A_130, %mul3A_132 : vector<16xi32>
    %add3A_134 = arith.addi %mul3A_133, %get3A_125 : vector<16xi32>
    %swap3A_135 = arith.constant 48 : index
    %swap3A_136 = tpu.vector_load %arg8[%swap3A_135] {strides = array<i32>} : memref<128xi32, #tpu.memory_space<vmem>>, vector<16xi32>,
    %swap3A_137 = vector.shape_cast %swap3A_136 : vector<16xi32> to vector<16xi32>
    %swap3A_138 = vector.shape_cast %add3A_134 : vector<16xi32> to vector<16xi32>
    tpu.vector_store %arg8[%swap3A_135], %swap3A_138 {strides = array<i32>} : memref<128xi32, #tpu.memory_space<vmem>>, vector<16xi32>,
    %get3A_139 = arith.constant 0 : i32
    %get3A_140 = arith.index_cast %get3A_139 : i32 to index
    %get3A_141 = arith.constant 64 : index
    %get3A_142 = tpu.vector_load %arg6[%get3A_140, %get3A_141] {strides = array<i32>} : memref<40x128xi32, #tpu.memory_space<vmem>>, vector<1x16xi32>,
    %get3A_143 = vector.shape_cast %get3A_142 : vector<1x16xi32> to vector<16xi32>
    %get3A_144 = arith.constant 0 : i32
    %get3A_145 = arith.index_cast %get3A_144 : i32 to index
    %get3A_146 = arith.constant 64 : index
    %get3A_147 = tpu.vector_load %arg7[%get3A_145, %get3A_146] {strides = array<i32>} : memref<40x128xi32, #tpu.memory_space<vmem>>, vector<1x16xi32>,
    %get3A_148 = vector.shape_cast %get3A_147 : vector<1x16xi32> to vector<16xi32>
    %mul3A_149 = arith.constant 10112 : i32
    %mul3A_150 = vector.broadcast %mul3A_149 : i32 to vector<16xi32>
    %mul3A_151 = arith.muli %get3A_148, %mul3A_150 : vector<16xi32>
    %add3A_152 = arith.addi %mul3A_151, %get3A_143 : vector<16xi32>
    %swap3A_153 = arith.constant 64 : index
    %swap3A_154 = tpu.vector_load %arg8[%swap3A_153] {strides = array<i32>} : memref<128xi32, #tpu.memory_space<vmem>>, vector<16xi32>,
    %swap3A_155 = vector.shape_cast %swap3A_154 : vector<16xi32> to vector<16xi32>
    %swap3A_156 = vector.shape_cast %add3A_152 : vector<16xi32> to vector<16xi32>
    tpu.vector_store %arg8[%swap3A_153], %swap3A_156 {strides = array<i32>} : memref<128xi32, #tpu.memory_space<vmem>>, vector<16xi32>,
    %get3A_157 = arith.constant 0 : i32
    %get3A_158 = arith.index_cast %get3A_157 : i32 to index
    %get3A_159 = arith.constant 80 : index
    %get3A_160 = tpu.vector_load %arg6[%get3A_158, %get3A_159] {strides = array<i32>} : memref<40x128xi32, #tpu.memory_space<vmem>>, vector<1x16xi32>,
    %get3A_161 = vector.shape_cast %get3A_160 : vector<1x16xi32> to vector<16xi32>
    %get3A_162 = arith.constant 0 : i32
    %get3A_163 = arith.index_cast %get3A_162 : i32 to index
    %get3A_164 = arith.constant 80 : index
    %get3A_165 = tpu.vector_load %arg7[%get3A_163, %get3A_164] {strides = array<i32>} : memref<40x128xi32, #tpu.memory_space<vmem>>, vector<1x16xi32>,
    %get3A_166 = vector.shape_cast %get3A_165 : vector<1x16xi32> to vector<16xi32>
    %mul3A_167 = arith.constant 10112 : i32
    %mul3A_168 = vector.broadcast %mul3A_167 : i32 to vector<16xi32>
    %mul3A_169 = arith.muli %get3A_166, %mul3A_168 : vector<16xi32>
    %add3A_170 = arith.addi %mul3A_169, %get3A_161 : vector<16xi32>
    %swap3A_171 = arith.constant 80 : index
    %swap3A_172 = tpu.vector_load %arg8[%swap3A_171] {strides = array<i32>} : memref<128xi32, #tpu.memory_space<vmem>>, vector<16xi32>,
    %swap3A_173 = vector.shape_cast %swap3A_172 : vector<16xi32> to vector<16xi32>
    %swap3A_174 = vector.shape_cast %add3A_170 : vector<16xi32> to vector<16xi32>
    tpu.vector_store %arg8[%swap3A_171], %swap3A_174 {strides = array<i32>} : memref<128xi32, #tpu.memory_space<vmem>>, vector<16xi32>,
    %get3A_175 = arith.constant 0 : i32
    %get3A_176 = arith.index_cast %get3A_175 : i32 to index
    %get3A_177 = arith.constant 96 : index
    %get3A_178 = tpu.vector_load %arg6[%get3A_176, %get3A_177] {strides = array<i32>} : memref<40x128xi32, #tpu.memory_space<vmem>>, vector<1x16xi32>,
    %get3A_179 = vector.shape_cast %get3A_178 : vector<1x16xi32> to vector<16xi32>
    %get3A_180 = arith.constant 0 : i32
    %get3A_181 = arith.index_cast %get3A_180 : i32 to index
    %get3A_182 = arith.constant 96 : index
    %get3A_183 = tpu.vector_load %arg7[%get3A_181, %get3A_182] {strides = array<i32>} : memref<40x128xi32, #tpu.memory_space<vmem>>, vector<1x16xi32>,
    %get3A_184 = vector.shape_cast %get3A_183 : vector<1x16xi32> to vector<16xi32>
    %mul3A_185 = arith.constant 10112 : i32
    %mul3A_186 = vector.broadcast %mul3A_185 : i32 to vector<16xi32>
    %mul3A_187 = arith.muli %get3A_184, %mul3A_186 : vector<16xi32>
    %add3A_188 = arith.addi %mul3A_187, %get3A_179 : vector<16xi32>
    %swap3A_189 = arith.constant 96 : index
    %swap3A_190 = tpu.vector_load %arg8[%swap3A_189] {strides = array<i32>} : memref<128xi32, #tpu.memory_space<vmem>>, vector<16xi32>,
    %swap3A_191 = vector.shape_cast %swap3A_190 : vector<16xi32> to vector<16xi32>
    %swap3A_192 = vector.shape_cast %add3A_188 : vector<16xi32> to vector<16xi32>
    tpu.vector_store %arg8[%swap3A_189], %swap3A_192 {strides = array<i32>} : memref<128xi32, #tpu.memory_space<vmem>>, vector<16xi32>,
    %get3A_193 = arith.constant 0 : i32
    %get3A_194 = arith.index_cast %get3A_193 : i32 to index
    %get3A_195 = arith.constant 112 : index
    %get3A_196 = tpu.vector_load %arg6[%get3A_194, %get3A_195] {strides = array<i32>} : memref<40x128xi32, #tpu.memory_space<vmem>>, vector<1x16xi32>,
    %get3A_197 = vector.shape_cast %get3A_196 : vector<1x16xi32> to vector<16xi32>
    %get3A_198 = arith.constant 0 : i32
    %get3A_199 = arith.index_cast %get3A_198 : i32 to index
    %get3A_200 = arith.constant 112 : index
    %get3A_201 = tpu.vector_load %arg7[%get3A_199, %get3A_200] {strides = array<i32>} : memref<40x128xi32, #tpu.memory_space<vmem>>, vector<1x16xi32>,
    %get3A_202 = vector.shape_cast %get3A_201 : vector<1x16xi32> to vector<16xi32>
    %mul3A_203 = arith.constant 10112 : i32
    %mul3A_204 = vector.broadcast %mul3A_203 : i32 to vector<16xi32>
    %mul3A_205 = arith.muli %get3A_202, %mul3A_204 : vector<16xi32>
    %add3A_206 = arith.addi %mul3A_205, %get3A_197 : vector<16xi32>
    %swap3A_207 = arith.constant 112 : index
    %swap3A_208 = tpu.vector_load %arg8[%swap3A_207] {strides = array<i32>} : memref<128xi32, #tpu.memory_space<vmem>>, vector<16xi32>,
    %swap3A_209 = vector.shape_cast %swap3A_208 : vector<16xi32> to vector<16xi32>
    %swap3A_210 = vector.shape_cast %add3A_206 : vector<16xi32> to vector<16xi32>
    tpu.vector_store %arg8[%swap3A_207], %swap3A_210 {strides = array<i32>} : memref<128xi32, #tpu.memory_space<vmem>>, vector<16xi32>,
    %dma_start3A = arith.constant 0 : i32
    %dma_start3A_211 = tpu.memref_slice %arg5[%dma_start3A] : memref<647168xf32, #tpu.memory_space<vmem_shared>> -> memref<647168xf32, #tpu.memory_space<vmem_shared>>
    tpu.enqueue_indirect_dma source(%arg10 : memref<128xf32, #tpu.memory_space<vmem>>) target(%dma_start3A_211 : memref<647168xf32, #tpu.memory_space<vmem_shared>>) offsets(%arg8 : memref<128xi32, #tpu.memory_space<vmem>>) semaphore(%arg12 : memref<!tpu.dma_semaphore, #tpu.memory_space<semaphore_mem>>) {add = true}
    %scan3A_212 = arith.constant 0 : i32
    %scan3A_213 = arith.constant 0 : i32
    %scan3A_214 = arith.constant 20 : i32
    %scan3A_215 = arith.addi %scan3A_213, %scan3A_214 : i32
    %scan3A_216 = arith.constant 1 : i32
    scf.for %scan3A_404 = %scan3A_213 to %scan3A_215 step %scan3A_216  : i32 {
      %mul3A_405 = arith.constant 2 : i32
      %mul3A_406 = arith.muli %mul3A_405, %scan3A_404 : i32
      %add3A_407 = arith.constant 1 : i32
      %add3A_408 = arith.addi %mul3A_406, %add3A_407 : i32
      %get3A_409 = arith.index_cast %add3A_408 : i32 to index
      %get3A_410 = arith.constant 0 : index
      %get3A_411 = tpu.vector_load %arg6[%get3A_409, %get3A_410] {strides = array<i32>} : memref<40x128xi32, #tpu.memory_space<vmem>>, vector<1x16xi32>,
      %get3A_412 = vector.shape_cast %get3A_411 : vector<1x16xi32> to vector<16xi32>
      %get3A_413 = arith.index_cast %add3A_408 : i32 to index
      %get3A_414 = arith.constant 0 : index
      %get3A_415 = tpu.vector_load %arg7[%get3A_413, %get3A_414] {strides = array<i32>} : memref<40x128xi32, #tpu.memory_space<vmem>>, vector<1x16xi32>,
      %get3A_416 = vector.shape_cast %get3A_415 : vector<1x16xi32> to vector<16xi32>
      %mul3A_417 = arith.constant 10112 : i32
      %mul3A_418 = vector.broadcast %mul3A_417 : i32 to vector<16xi32>
      %mul3A_419 = arith.muli %get3A_416, %mul3A_418 : vector<16xi32>
      %add3A_420 = arith.addi %mul3A_419, %get3A_412 : vector<16xi32>
      %swap3A_421 = arith.constant 0 : index
      %swap3A_422 = tpu.vector_load %arg9[%swap3A_421] {strides = array<i32>} : memref<128xi32, #tpu.memory_space<vmem>>, vector<16xi32>,
      %swap3A_423 = vector.shape_cast %swap3A_422 : vector<16xi32> to vector<16xi32>
      %swap3A_424 = vector.shape_cast %add3A_420 : vector<16xi32> to vector<16xi32>
      tpu.vector_store %arg9[%swap3A_421], %swap3A_424 {strides = array<i32>} : memref<128xi32, #tpu.memory_space<vmem>>, vector<16xi32>,
      %get3A_425 = arith.index_cast %add3A_408 : i32 to index
      %get3A_426 = arith.constant 16 : index
      %get3A_427 = tpu.vector_load %arg6[%get3A_425, %get3A_426] {strides = array<i32>} : memref<40x128xi32, #tpu.memory_space<vmem>>, vector<1x16xi32>,
      %get3A_428 = vector.shape_cast %get3A_427 : vector<1x16xi32> to vector<16xi32>
      %get3A_429 = arith.index_cast %add3A_408 : i32 to index
      %get3A_430 = arith.constant 16 : index
      %get3A_431 = tpu.vector_load %arg7[%get3A_429, %get3A_430] {strides = array<i32>} : memref<40x128xi32, #tpu.memory_space<vmem>>, vector<1x16xi32>,
      %get3A_432 = vector.shape_cast %get3A_431 : vector<1x16xi32> to vector<16xi32>
      %mul3A_433 = arith.constant 10112 : i32
      %mul3A_434 = vector.broadcast %mul3A_433 : i32 to vector<16xi32>
      %mul3A_435 = arith.muli %get3A_432, %mul3A_434 : vector<16xi32>
      %add3A_436 = arith.addi %mul3A_435, %get3A_428 : vector<16xi32>
      %swap3A_437 = arith.constant 16 : index
      %swap3A_438 = tpu.vector_load %arg9[%swap3A_437] {strides = array<i32>} : memref<128xi32, #tpu.memory_space<vmem>>, vector<16xi32>,
      %swap3A_439 = vector.shape_cast %swap3A_438 : vector<16xi32> to vector<16xi32>
      %swap3A_440 = vector.shape_cast %add3A_436 : vector<16xi32> to vector<16xi32>
      tpu.vector_store %arg9[%swap3A_437], %swap3A_440 {strides = array<i32>} : memref<128xi32, #tpu.memory_space<vmem>>, vector<16xi32>,
      %get3A_441 = arith.index_cast %add3A_408 : i32 to index
      %get3A_442 = arith.constant 32 : index
      %get3A_443 = tpu.vector_load %arg6[%get3A_441, %get3A_442] {strides = array<i32>} : memref<40x128xi32, #tpu.memory_space<vmem>>, vector<1x16xi32>,
      %get3A_444 = vector.shape_cast %get3A_443 : vector<1x16xi32> to vector<16xi32>
      %get3A_445 = arith.index_cast %add3A_408 : i32 to index
      %get3A_446 = arith.constant 32 : index
      %get3A_447 = tpu.vector_load %arg7[%get3A_445, %get3A_446] {strides = array<i32>} : memref<40x128xi32, #tpu.memory_space<vmem>>, vector<1x16xi32>,
      %get3A_448 = vector.shape_cast %get3A_447 : vector<1x16xi32> to vector<16xi32>
      %mul3A_449 = arith.constant 10112 : i32
      %mul3A_450 = vector.broadcast %mul3A_449 : i32 to vector<16xi32>
      %mul3A_451 = arith.muli %get3A_448, %mul3A_450 : vector<16xi32>
      %add3A_452 = arith.addi %mul3A_451, %get3A_444 : vector<16xi32>
      %swap3A_453 = arith.constant 32 : index
      %swap3A_454 = tpu.vector_load %arg9[%swap3A_453] {strides = array<i32>} : memref<128xi32, #tpu.memory_space<vmem>>, vector<16xi32>,
      %swap3A_455 = vector.shape_cast %swap3A_454 : vector<16xi32> to vector<16xi32>
      %swap3A_456 = vector.shape_cast %add3A_452 : vector<16xi32> to vector<16xi32>
      tpu.vector_store %arg9[%swap3A_453], %swap3A_456 {strides = array<i32>} : memref<128xi32, #tpu.memory_space<vmem>>, vector<16xi32>,
      %get3A_457 = arith.index_cast %add3A_408 : i32 to index
      %get3A_458 = arith.constant 48 : index
      %get3A_459 = tpu.vector_load %arg6[%get3A_457, %get3A_458] {strides = array<i32>} : memref<40x128xi32, #tpu.memory_space<vmem>>, vector<1x16xi32>,
      %get3A_460 = vector.shape_cast %get3A_459 : vector<1x16xi32> to vector<16xi32>
      %get3A_461 = arith.index_cast %add3A_408 : i32 to index
      %get3A_462 = arith.constant 48 : index
      %get3A_463 = tpu.vector_load %arg7[%get3A_461, %get3A_462] {strides = array<i32>} : memref<40x128xi32, #tpu.memory_space<vmem>>, vector<1x16xi32>,
      %get3A_464 = vector.shape_cast %get3A_463 : vector<1x16xi32> to vector<16xi32>
      %mul3A_465 = arith.constant 10112 : i32
      %mul3A_466 = vector.broadcast %mul3A_465 : i32 to vector<16xi32>
      %mul3A_467 = arith.muli %get3A_464, %mul3A_466 : vector<16xi32>
      %add3A_468 = arith.addi %mul3A_467, %get3A_460 : vector<16xi32>
      %swap3A_469 = arith.constant 48 : index
      %swap3A_470 = tpu.vector_load %arg9[%swap3A_469] {strides = array<i32>} : memref<128xi32, #tpu.memory_space<vmem>>, vector<16xi32>,
      %swap3A_471 = vector.shape_cast %swap3A_470 : vector<16xi32> to vector<16xi32>
      %swap3A_472 = vector.shape_cast %add3A_468 : vector<16xi32> to vector<16xi32>
      tpu.vector_store %arg9[%swap3A_469], %swap3A_472 {strides = array<i32>} : memref<128xi32, #tpu.memory_space<vmem>>, vector<16xi32>,
      %get3A_473 = arith.index_cast %add3A_408 : i32 to index
      %get3A_474 = arith.constant 64 : index
      %get3A_475 = tpu.vector_load %arg6[%get3A_473, %get3A_474] {strides = array<i32>} : memref<40x128xi32, #tpu.memory_space<vmem>>, vector<1x16xi32>,
      %get3A_476 = vector.shape_cast %get3A_475 : vector<1x16xi32> to vector<16xi32>
      %get3A_477 = arith.index_cast %add3A_408 : i32 to index
      %get3A_478 = arith.constant 64 : index
      %get3A_479 = tpu.vector_load %arg7[%get3A_477, %get3A_478] {strides = array<i32>} : memref<40x128xi32, #tpu.memory_space<vmem>>, vector<1x16xi32>,
      %get3A_480 = vector.shape_cast %get3A_479 : vector<1x16xi32> to vector<16xi32>
      %mul3A_481 = arith.constant 10112 : i32
      %mul3A_482 = vector.broadcast %mul3A_481 : i32 to vector<16xi32>
      %mul3A_483 = arith.muli %get3A_480, %mul3A_482 : vector<16xi32>
      %add3A_484 = arith.addi %mul3A_483, %get3A_476 : vector<16xi32>
      %swap3A_485 = arith.constant 64 : index
      %swap3A_486 = tpu.vector_load %arg9[%swap3A_485] {strides = array<i32>} : memref<128xi32, #tpu.memory_space<vmem>>, vector<16xi32>,
      %swap3A_487 = vector.shape_cast %swap3A_486 : vector<16xi32> to vector<16xi32>
      %swap3A_488 = vector.shape_cast %add3A_484 : vector<16xi32> to vector<16xi32>
      tpu.vector_store %arg9[%swap3A_485], %swap3A_488 {strides = array<i32>} : memref<128xi32, #tpu.memory_space<vmem>>, vector<16xi32>,
      %get3A_489 = arith.index_cast %add3A_408 : i32 to index
      %get3A_490 = arith.constant 80 : index
      %get3A_491 = tpu.vector_load %arg6[%get3A_489, %get3A_490] {strides = array<i32>} : memref<40x128xi32, #tpu.memory_space<vmem>>, vector<1x16xi32>,
      %get3A_492 = vector.shape_cast %get3A_491 : vector<1x16xi32> to vector<16xi32>
      %get3A_493 = arith.index_cast %add3A_408 : i32 to index
      %get3A_494 = arith.constant 80 : index
      %get3A_495 = tpu.vector_load %arg7[%get3A_493, %get3A_494] {strides = array<i32>} : memref<40x128xi32, #tpu.memory_space<vmem>>, vector<1x16xi32>,
      %get3A_496 = vector.shape_cast %get3A_495 : vector<1x16xi32> to vector<16xi32>
      %mul3A_497 = arith.constant 10112 : i32
      %mul3A_498 = vector.broadcast %mul3A_497 : i32 to vector<16xi32>
      %mul3A_499 = arith.muli %get3A_496, %mul3A_498 : vector<16xi32>
      %add3A_500 = arith.addi %mul3A_499, %get3A_492 : vector<16xi32>
      %swap3A_501 = arith.constant 80 : index
      %swap3A_502 = tpu.vector_load %arg9[%swap3A_501] {strides = array<i32>} : memref<128xi32, #tpu.memory_space<vmem>>, vector<16xi32>,
      %swap3A_503 = vector.shape_cast %swap3A_502 : vector<16xi32> to vector<16xi32>
      %swap3A_504 = vector.shape_cast %add3A_500 : vector<16xi32> to vector<16xi32>
      tpu.vector_store %arg9[%swap3A_501], %swap3A_504 {strides = array<i32>} : memref<128xi32, #tpu.memory_space<vmem>>, vector<16xi32>,
      %get3A_505 = arith.index_cast %add3A_408 : i32 to index
      %get3A_506 = arith.constant 96 : index
      %get3A_507 = tpu.vector_load %arg6[%get3A_505, %get3A_506] {strides = array<i32>} : memref<40x128xi32, #tpu.memory_space<vmem>>, vector<1x16xi32>,
      %get3A_508 = vector.shape_cast %get3A_507 : vector<1x16xi32> to vector<16xi32>
      %get3A_509 = arith.index_cast %add3A_408 : i32 to index
      %get3A_510 = arith.constant 96 : index
      %get3A_511 = tpu.vector_load %arg7[%get3A_509, %get3A_510] {strides = array<i32>} : memref<40x128xi32, #tpu.memory_space<vmem>>, vector<1x16xi32>,
      %get3A_512 = vector.shape_cast %get3A_511 : vector<1x16xi32> to vector<16xi32>
      %mul3A_513 = arith.constant 10112 : i32
      %mul3A_514 = vector.broadcast %mul3A_513 : i32 to vector<16xi32>
      %mul3A_515 = arith.muli %get3A_512, %mul3A_514 : vector<16xi32>
      %add3A_516 = arith.addi %mul3A_515, %get3A_508 : vector<16xi32>
      %swap3A_517 = arith.constant 96 : index
      %swap3A_518 = tpu.vector_load %arg9[%swap3A_517] {strides = array<i32>} : memref<128xi32, #tpu.memory_space<vmem>>, vector<16xi32>,
      %swap3A_519 = vector.shape_cast %swap3A_518 : vector<16xi32> to vector<16xi32>
      %swap3A_520 = vector.shape_cast %add3A_516 : vector<16xi32> to vector<16xi32>
      tpu.vector_store %arg9[%swap3A_517], %swap3A_520 {strides = array<i32>} : memref<128xi32, #tpu.memory_space<vmem>>, vector<16xi32>,
      %get3A_521 = arith.index_cast %add3A_408 : i32 to index
      %get3A_522 = arith.constant 112 : index
      %get3A_523 = tpu.vector_load %arg6[%get3A_521, %get3A_522] {strides = array<i32>} : memref<40x128xi32, #tpu.memory_space<vmem>>, vector<1x16xi32>,
      %get3A_524 = vector.shape_cast %get3A_523 : vector<1x16xi32> to vector<16xi32>
      %get3A_525 = arith.index_cast %add3A_408 : i32 to index
      %get3A_526 = arith.constant 112 : index
      %get3A_527 = tpu.vector_load %arg7[%get3A_525, %get3A_526] {strides = array<i32>} : memref<40x128xi32, #tpu.memory_space<vmem>>, vector<1x16xi32>,
      %get3A_528 = vector.shape_cast %get3A_527 : vector<1x16xi32> to vector<16xi32>
      %mul3A_529 = arith.constant 10112 : i32
      %mul3A_530 = vector.broadcast %mul3A_529 : i32 to vector<16xi32>
      %mul3A_531 = arith.muli %get3A_528, %mul3A_530 : vector<16xi32>
      %add3A_532 = arith.addi %mul3A_531, %get3A_524 : vector<16xi32>
      %swap3A_533 = arith.constant 112 : index
      %swap3A_534 = tpu.vector_load %arg9[%swap3A_533] {strides = array<i32>} : memref<128xi32, #tpu.memory_space<vmem>>, vector<16xi32>,
      %swap3A_535 = vector.shape_cast %swap3A_534 : vector<16xi32> to vector<16xi32>
      %swap3A_536 = vector.shape_cast %add3A_532 : vector<16xi32> to vector<16xi32>
      tpu.vector_store %arg9[%swap3A_533], %swap3A_536 {strides = array<i32>} : memref<128xi32, #tpu.memory_space<vmem>>, vector<16xi32>,
      %dma_start3A_537 = arith.constant 0 : i32
      %dma_start3A_538 = tpu.memref_slice %arg5[%dma_start3A_537] : memref<647168xf32, #tpu.memory_space<vmem_shared>> -> memref<647168xf32, #tpu.memory_space<vmem_shared>>
      tpu.enqueue_indirect_dma source(%arg10 : memref<128xf32, #tpu.memory_space<vmem>>) target(%dma_start3A_538 : memref<647168xf32, #tpu.memory_space<vmem_shared>>) offsets(%arg9 : memref<128xi32, #tpu.memory_space<vmem>>) semaphore(%arg13 : memref<!tpu.dma_semaphore, #tpu.memory_space<semaphore_mem>>) {add = true}
      %dma_wait3A = arith.constant 0 : i32
      %dma_wait3A_539 = tpu.memref_slice %arg5[%dma_wait3A] : memref<647168xf32, #tpu.memory_space<vmem_shared>> -> memref<647168xf32, #tpu.memory_space<vmem_shared>>
      tpu.wait_indirect_dma semaphore(%arg12 : memref<!tpu.dma_semaphore, #tpu.memory_space<semaphore_mem>>) src(%arg10 : memref<128xf32, #tpu.memory_space<vmem>>) dst(%dma_wait3A_539 : memref<647168xf32, #tpu.memory_space<vmem_shared>>)
      %lt3A = arith.constant 19 : i32
      %lt3A_540 = arith.cmpi slt, %scan3A_404, %lt3A : i32
      %convert_element_type3A = arith.extui %lt3A_540 : i1 to i32
      %cond3A = arith.constant 0 : i32
      %cond3A_541 = arith.cmpi ne, %convert_element_type3A, %cond3A : i32
      scf.if %cond3A_541 {
        %mul3A_544 = arith.constant 2 : i32
        %mul3A_545 = arith.muli %mul3A_544, %scan3A_404 : i32
        %add3A_546 = arith.constant 2 : i32
        %add3A_547 = arith.addi %mul3A_545, %add3A_546 : i32
        %get3A_548 = arith.index_cast %add3A_547 : i32 to index
        %get3A_549 = arith.constant 0 : index
        %get3A_550 = tpu.vector_load %arg6[%get3A_548, %get3A_549] {strides = array<i32>} : memref<40x128xi32, #tpu.memory_space<vmem>>, vector<1x16xi32>,
        %get3A_551 = vector.shape_cast %get3A_550 : vector<1x16xi32> to vector<16xi32>
        %get3A_552 = arith.index_cast %add3A_547 : i32 to index
        %get3A_553 = arith.constant 0 : index
        %get3A_554 = tpu.vector_load %arg7[%get3A_552, %get3A_553] {strides = array<i32>} : memref<40x128xi32, #tpu.memory_space<vmem>>, vector<1x16xi32>,
        %get3A_555 = vector.shape_cast %get3A_554 : vector<1x16xi32> to vector<16xi32>
        %mul3A_556 = arith.constant 10112 : i32
        %mul3A_557 = vector.broadcast %mul3A_556 : i32 to vector<16xi32>
        %mul3A_558 = arith.muli %get3A_555, %mul3A_557 : vector<16xi32>
        %add3A_559 = arith.addi %mul3A_558, %get3A_551 : vector<16xi32>
        %swap3A_560 = arith.constant 0 : index
        %swap3A_561 = tpu.vector_load %arg8[%swap3A_560] {strides = array<i32>} : memref<128xi32, #tpu.memory_space<vmem>>, vector<16xi32>,
        %swap3A_562 = vector.shape_cast %swap3A_561 : vector<16xi32> to vector<16xi32>
        %swap3A_563 = vector.shape_cast %add3A_559 : vector<16xi32> to vector<16xi32>
        tpu.vector_store %arg8[%swap3A_560], %swap3A_563 {strides = array<i32>} : memref<128xi32, #tpu.memory_space<vmem>>, vector<16xi32>,
        %get3A_564 = arith.index_cast %add3A_547 : i32 to index
        %get3A_565 = arith.constant 16 : index
        %get3A_566 = tpu.vector_load %arg6[%get3A_564, %get3A_565] {strides = array<i32>} : memref<40x128xi32, #tpu.memory_space<vmem>>, vector<1x16xi32>,
        %get3A_567 = vector.shape_cast %get3A_566 : vector<1x16xi32> to vector<16xi32>
        %get3A_568 = arith.index_cast %add3A_547 : i32 to index
        %get3A_569 = arith.constant 16 : index
        %get3A_570 = tpu.vector_load %arg7[%get3A_568, %get3A_569] {strides = array<i32>} : memref<40x128xi32, #tpu.memory_space<vmem>>, vector<1x16xi32>,
        %get3A_571 = vector.shape_cast %get3A_570 : vector<1x16xi32> to vector<16xi32>
        %mul3A_572 = arith.constant 10112 : i32
        %mul3A_573 = vector.broadcast %mul3A_572 : i32 to vector<16xi32>
        %mul3A_574 = arith.muli %get3A_571, %mul3A_573 : vector<16xi32>
        %add3A_575 = arith.addi %mul3A_574, %get3A_567 : vector<16xi32>
        %swap3A_576 = arith.constant 16 : index
        %swap3A_577 = tpu.vector_load %arg8[%swap3A_576] {strides = array<i32>} : memref<128xi32, #tpu.memory_space<vmem>>, vector<16xi32>,
        %swap3A_578 = vector.shape_cast %swap3A_577 : vector<16xi32> to vector<16xi32>
        %swap3A_579 = vector.shape_cast %add3A_575 : vector<16xi32> to vector<16xi32>
        tpu.vector_store %arg8[%swap3A_576], %swap3A_579 {strides = array<i32>} : memref<128xi32, #tpu.memory_space<vmem>>, vector<16xi32>,
        %get3A_580 = arith.index_cast %add3A_547 : i32 to index
        %get3A_581 = arith.constant 32 : index
        %get3A_582 = tpu.vector_load %arg6[%get3A_580, %get3A_581] {strides = array<i32>} : memref<40x128xi32, #tpu.memory_space<vmem>>, vector<1x16xi32>,
        %get3A_583 = vector.shape_cast %get3A_582 : vector<1x16xi32> to vector<16xi32>
        %get3A_584 = arith.index_cast %add3A_547 : i32 to index
        %get3A_585 = arith.constant 32 : index
        %get3A_586 = tpu.vector_load %arg7[%get3A_584, %get3A_585] {strides = array<i32>} : memref<40x128xi32, #tpu.memory_space<vmem>>, vector<1x16xi32>,
        %get3A_587 = vector.shape_cast %get3A_586 : vector<1x16xi32> to vector<16xi32>
        %mul3A_588 = arith.constant 10112 : i32
        %mul3A_589 = vector.broadcast %mul3A_588 : i32 to vector<16xi32>
        %mul3A_590 = arith.muli %get3A_587, %mul3A_589 : vector<16xi32>
        %add3A_591 = arith.addi %mul3A_590, %get3A_583 : vector<16xi32>
        %swap3A_592 = arith.constant 32 : index
        %swap3A_593 = tpu.vector_load %arg8[%swap3A_592] {strides = array<i32>} : memref<128xi32, #tpu.memory_space<vmem>>, vector<16xi32>,
        %swap3A_594 = vector.shape_cast %swap3A_593 : vector<16xi32> to vector<16xi32>
        %swap3A_595 = vector.shape_cast %add3A_591 : vector<16xi32> to vector<16xi32>
        tpu.vector_store %arg8[%swap3A_592], %swap3A_595 {strides = array<i32>} : memref<128xi32, #tpu.memory_space<vmem>>, vector<16xi32>,
        %get3A_596 = arith.index_cast %add3A_547 : i32 to index
        %get3A_597 = arith.constant 48 : index
        %get3A_598 = tpu.vector_load %arg6[%get3A_596, %get3A_597] {strides = array<i32>} : memref<40x128xi32, #tpu.memory_space<vmem>>, vector<1x16xi32>,
        %get3A_599 = vector.shape_cast %get3A_598 : vector<1x16xi32> to vector<16xi32>
        %get3A_600 = arith.index_cast %add3A_547 : i32 to index
        %get3A_601 = arith.constant 48 : index
        %get3A_602 = tpu.vector_load %arg7[%get3A_600, %get3A_601] {strides = array<i32>} : memref<40x128xi32, #tpu.memory_space<vmem>>, vector<1x16xi32>,
        %get3A_603 = vector.shape_cast %get3A_602 : vector<1x16xi32> to vector<16xi32>
        %mul3A_604 = arith.constant 10112 : i32
        %mul3A_605 = vector.broadcast %mul3A_604 : i32 to vector<16xi32>
        %mul3A_606 = arith.muli %get3A_603, %mul3A_605 : vector<16xi32>
        %add3A_607 = arith.addi %mul3A_606, %get3A_599 : vector<16xi32>
        %swap3A_608 = arith.constant 48 : index
        %swap3A_609 = tpu.vector_load %arg8[%swap3A_608] {strides = array<i32>} : memref<128xi32, #tpu.memory_space<vmem>>, vector<16xi32>,
        %swap3A_610 = vector.shape_cast %swap3A_609 : vector<16xi32> to vector<16xi32>
        %swap3A_611 = vector.shape_cast %add3A_607 : vector<16xi32> to vector<16xi32>
        tpu.vector_store %arg8[%swap3A_608], %swap3A_611 {strides = array<i32>} : memref<128xi32, #tpu.memory_space<vmem>>, vector<16xi32>,
        %get3A_612 = arith.index_cast %add3A_547 : i32 to index
        %get3A_613 = arith.constant 64 : index
        %get3A_614 = tpu.vector_load %arg6[%get3A_612, %get3A_613] {strides = array<i32>} : memref<40x128xi32, #tpu.memory_space<vmem>>, vector<1x16xi32>,
        %get3A_615 = vector.shape_cast %get3A_614 : vector<1x16xi32> to vector<16xi32>
        %get3A_616 = arith.index_cast %add3A_547 : i32 to index
        %get3A_617 = arith.constant 64 : index
        %get3A_618 = tpu.vector_load %arg7[%get3A_616, %get3A_617] {strides = array<i32>} : memref<40x128xi32, #tpu.memory_space<vmem>>, vector<1x16xi32>,
        %get3A_619 = vector.shape_cast %get3A_618 : vector<1x16xi32> to vector<16xi32>
        %mul3A_620 = arith.constant 10112 : i32
        %mul3A_621 = vector.broadcast %mul3A_620 : i32 to vector<16xi32>
        %mul3A_622 = arith.muli %get3A_619, %mul3A_621 : vector<16xi32>
        %add3A_623 = arith.addi %mul3A_622, %get3A_615 : vector<16xi32>
        %swap3A_624 = arith.constant 64 : index
        %swap3A_625 = tpu.vector_load %arg8[%swap3A_624] {strides = array<i32>} : memref<128xi32, #tpu.memory_space<vmem>>, vector<16xi32>,
        %swap3A_626 = vector.shape_cast %swap3A_625 : vector<16xi32> to vector<16xi32>
        %swap3A_627 = vector.shape_cast %add3A_623 : vector<16xi32> to vector<16xi32>
        tpu.vector_store %arg8[%swap3A_624], %swap3A_627 {strides = array<i32>} : memref<128xi32, #tpu.memory_space<vmem>>, vector<16xi32>,
        %get3A_628 = arith.index_cast %add3A_547 : i32 to index
        %get3A_629 = arith.constant 80 : index
        %get3A_630 = tpu.vector_load %arg6[%get3A_628, %get3A_629] {strides = array<i32>} : memref<40x128xi32, #tpu.memory_space<vmem>>, vector<1x16xi32>,
        %get3A_631 = vector.shape_cast %get3A_630 : vector<1x16xi32> to vector<16xi32>
        %get3A_632 = arith.index_cast %add3A_547 : i32 to index
        %get3A_633 = arith.constant 80 : index
        %get3A_634 = tpu.vector_load %arg7[%get3A_632, %get3A_633] {strides = array<i32>} : memref<40x128xi32, #tpu.memory_space<vmem>>, vector<1x16xi32>,
        %get3A_635 = vector.shape_cast %get3A_634 : vector<1x16xi32> to vector<16xi32>
        %mul3A_636 = arith.constant 10112 : i32
        %mul3A_637 = vector.broadcast %mul3A_636 : i32 to vector<16xi32>
        %mul3A_638 = arith.muli %get3A_635, %mul3A_637 : vector<16xi32>
        %add3A_639 = arith.addi %mul3A_638, %get3A_631 : vector<16xi32>
        %swap3A_640 = arith.constant 80 : index
        %swap3A_641 = tpu.vector_load %arg8[%swap3A_640] {strides = array<i32>} : memref<128xi32, #tpu.memory_space<vmem>>, vector<16xi32>,
        %swap3A_642 = vector.shape_cast %swap3A_641 : vector<16xi32> to vector<16xi32>
        %swap3A_643 = vector.shape_cast %add3A_639 : vector<16xi32> to vector<16xi32>
        tpu.vector_store %arg8[%swap3A_640], %swap3A_643 {strides = array<i32>} : memref<128xi32, #tpu.memory_space<vmem>>, vector<16xi32>,
        %get3A_644 = arith.index_cast %add3A_547 : i32 to index
        %get3A_645 = arith.constant 96 : index
        %get3A_646 = tpu.vector_load %arg6[%get3A_644, %get3A_645] {strides = array<i32>} : memref<40x128xi32, #tpu.memory_space<vmem>>, vector<1x16xi32>,
        %get3A_647 = vector.shape_cast %get3A_646 : vector<1x16xi32> to vector<16xi32>
        %get3A_648 = arith.index_cast %add3A_547 : i32 to index
        %get3A_649 = arith.constant 96 : index
        %get3A_650 = tpu.vector_load %arg7[%get3A_648, %get3A_649] {strides = array<i32>} : memref<40x128xi32, #tpu.memory_space<vmem>>, vector<1x16xi32>,
        %get3A_651 = vector.shape_cast %get3A_650 : vector<1x16xi32> to vector<16xi32>
        %mul3A_652 = arith.constant 10112 : i32
        %mul3A_653 = vector.broadcast %mul3A_652 : i32 to vector<16xi32>
        %mul3A_654 = arith.muli %get3A_651, %mul3A_653 : vector<16xi32>
        %add3A_655 = arith.addi %mul3A_654, %get3A_647 : vector<16xi32>
        %swap3A_656 = arith.constant 96 : index
        %swap3A_657 = tpu.vector_load %arg8[%swap3A_656] {strides = array<i32>} : memref<128xi32, #tpu.memory_space<vmem>>, vector<16xi32>,
        %swap3A_658 = vector.shape_cast %swap3A_657 : vector<16xi32> to vector<16xi32>
        %swap3A_659 = vector.shape_cast %add3A_655 : vector<16xi32> to vector<16xi32>
        tpu.vector_store %arg8[%swap3A_656], %swap3A_659 {strides = array<i32>} : memref<128xi32, #tpu.memory_space<vmem>>, vector<16xi32>,
        %get3A_660 = arith.index_cast %add3A_547 : i32 to index
        %get3A_661 = arith.constant 112 : index
        %get3A_662 = tpu.vector_load %arg6[%get3A_660, %get3A_661] {strides = array<i32>} : memref<40x128xi32, #tpu.memory_space<vmem>>, vector<1x16xi32>,
        %get3A_663 = vector.shape_cast %get3A_662 : vector<1x16xi32> to vector<16xi32>
        %get3A_664 = arith.index_cast %add3A_547 : i32 to index
        %get3A_665 = arith.constant 112 : index
        %get3A_666 = tpu.vector_load %arg7[%get3A_664, %get3A_665] {strides = array<i32>} : memref<40x128xi32, #tpu.memory_space<vmem>>, vector<1x16xi32>,
        %get3A_667 = vector.shape_cast %get3A_666 : vector<1x16xi32> to vector<16xi32>
        %mul3A_668 = arith.constant 10112 : i32
        %mul3A_669 = vector.broadcast %mul3A_668 : i32 to vector<16xi32>
        %mul3A_670 = arith.muli %get3A_667, %mul3A_669 : vector<16xi32>
        %add3A_671 = arith.addi %mul3A_670, %get3A_663 : vector<16xi32>
        %swap3A_672 = arith.constant 112 : index
        %swap3A_673 = tpu.vector_load %arg8[%swap3A_672] {strides = array<i32>} : memref<128xi32, #tpu.memory_space<vmem>>, vector<16xi32>,
        %swap3A_674 = vector.shape_cast %swap3A_673 : vector<16xi32> to vector<16xi32>
        %swap3A_675 = vector.shape_cast %add3A_671 : vector<16xi32> to vector<16xi32>
        tpu.vector_store %arg8[%swap3A_672], %swap3A_675 {strides = array<i32>} : memref<128xi32, #tpu.memory_space<vmem>>, vector<16xi32>,
        %dma_start3A_676 = arith.constant 0 : i32
        %dma_start3A_677 = tpu.memref_slice %arg5[%dma_start3A_676] : memref<647168xf32, #tpu.memory_space<vmem_shared>> -> memref<647168xf32, #tpu.memory_space<vmem_shared>>
        tpu.enqueue_indirect_dma source(%arg10 : memref<128xf32, #tpu.memory_space<vmem>>) target(%dma_start3A_677 : memref<647168xf32, #tpu.memory_space<vmem_shared>>) offsets(%arg8 : memref<128xi32, #tpu.memory_space<vmem>>) semaphore(%arg12 : memref<!tpu.dma_semaphore, #tpu.memory_space<semaphore_mem>>) {add = true}
      } else {
      }
      %dma_wait3A_542 = arith.constant 0 : i32
      %dma_wait3A_543 = tpu.memref_slice %arg5[%dma_wait3A_542] : memref<647168xf32, #tpu.memory_space<vmem_shared>> -> memref<647168xf32, #tpu.memory_space<vmem_shared>>
      tpu.wait_indirect_dma semaphore(%arg13 : memref<!tpu.dma_semaphore, #tpu.memory_space<semaphore_mem>>) src(%arg10 : memref<128xf32, #tpu.memory_space<vmem>>) dst(%dma_wait3A_543 : memref<647168xf32, #tpu.memory_space<vmem_shared>>)
    }
    %scan3A_217 = arith.constant 20 : i32
    %run_scoped3A_218 = arith.constant 1 : i32
    "tpu.region"() ({
      %run_scoped3A_404 = tpu.sem_alloc : memref<!tpu.dma_semaphore, #tpu.memory_space<semaphore_mem>>
      %dma_start3A_405 = arith.constant 40 : i32
      %dma_start3A_406 = arith.constant 0 : i32
      %dma_start3A_407 = tpu.memref_slice %arg2[%run_scoped3A_218, %add3A, %dma_start3A_405, %dma_start3A_406] : memref<2x32x80x128xi32, #tpu.memory_space<hbm>> -> memref<1x1x40x128xi32, #tpu.memory_space<hbm>>
      %dma_start3A_408 = tpu.memref_squeeze %dma_start3A_407 : memref<1x1x40x128xi32, #tpu.memory_space<hbm>> -> memref<40x128xi32, #tpu.memory_space<hbm>>
      %dma_start3A_409 = arith.constant 40 : i32
      %dma_start3A_410 = arith.constant 0 : i32
      %dma_start3A_411 = tpu.memref_slice %arg2[%run_scoped3A_218, %add3A, %dma_start3A_409, %dma_start3A_410] : memref<2x32x80x128xi32, #tpu.memory_space<hbm>> -> memref<1x1x40x128xi32, #tpu.memory_space<hbm>>
      %dma_start3A_412 = tpu.memref_squeeze %dma_start3A_411 : memref<1x1x40x128xi32, #tpu.memory_space<hbm>> -> memref<40x128xi32, #tpu.memory_space<hbm>>
      tpu.enqueue_dma source(%dma_start3A_412 : memref<40x128xi32, #tpu.memory_space<hbm>>) target(%arg6 : memref<40x128xi32, #tpu.memory_space<vmem>>) target_semaphore(%run_scoped3A_404 : memref<!tpu.dma_semaphore, #tpu.memory_space<semaphore_mem>>)
      %dma_wait3A = arith.constant 40 : i32
      %dma_wait3A_413 = arith.constant 0 : i32
      %dma_wait3A_414 = tpu.memref_slice %arg2[%run_scoped3A_218, %add3A, %dma_wait3A, %dma_wait3A_413] : memref<2x32x80x128xi32, #tpu.memory_space<hbm>> -> memref<1x1x40x128xi32, #tpu.memory_space<hbm>>
      %dma_wait3A_415 = tpu.memref_squeeze %dma_wait3A_414 : memref<1x1x40x128xi32, #tpu.memory_space<hbm>> -> memref<40x128xi32, #tpu.memory_space<hbm>>
      %dma_wait3A_416 = arith.constant 40 : i32
      %dma_wait3A_417 = arith.constant 0 : i32
      %dma_wait3A_418 = tpu.memref_slice %arg2[%run_scoped3A_218, %add3A, %dma_wait3A_416, %dma_wait3A_417] : memref<2x32x80x128xi32, #tpu.memory_space<hbm>> -> memref<1x1x40x128xi32, #tpu.memory_space<hbm>>
      %dma_wait3A_419 = tpu.memref_squeeze %dma_wait3A_418 : memref<1x1x40x128xi32, #tpu.memory_space<hbm>> -> memref<40x128xi32, #tpu.memory_space<hbm>>
      tpu.wait_dma2 semaphore(%run_scoped3A_404 : memref<!tpu.dma_semaphore, #tpu.memory_space<semaphore_mem>>) src(%dma_wait3A_419 : memref<40x128xi32, #tpu.memory_space<hbm>>) dst(%arg6 : memref<40x128xi32, #tpu.memory_space<vmem>>)
      tpu.yield
    }) : () -> ()
    "tpu.region"() ({
      %run_scoped3A_404 = tpu.sem_alloc : memref<!tpu.dma_semaphore, #tpu.memory_space<semaphore_mem>>
      %dma_start3A_405 = arith.constant 40 : i32
      %dma_start3A_406 = arith.constant 0 : i32
      %dma_start3A_407 = tpu.memref_slice %arg3[%add3A, %dma_start3A_405, %dma_start3A_406] : memref<32x80x128xi32, #tpu.memory_space<hbm>> -> memref<1x40x128xi32, #tpu.memory_space<hbm>>
      %dma_start3A_408 = tpu.memref_squeeze %dma_start3A_407 : memref<1x40x128xi32, #tpu.memory_space<hbm>> -> memref<40x128xi32, #tpu.memory_space<hbm>>
      %dma_start3A_409 = arith.constant 40 : i32
      %dma_start3A_410 = arith.constant 0 : i32
      %dma_start3A_411 = tpu.memref_slice %arg3[%add3A, %dma_start3A_409, %dma_start3A_410] : memref<32x80x128xi32, #tpu.memory_space<hbm>> -> memref<1x40x128xi32, #tpu.memory_space<hbm>>
      %dma_start3A_412 = tpu.memref_squeeze %dma_start3A_411 : memref<1x40x128xi32, #tpu.memory_space<hbm>> -> memref<40x128xi32, #tpu.memory_space<hbm>>
      tpu.enqueue_dma source(%dma_start3A_412 : memref<40x128xi32, #tpu.memory_space<hbm>>) target(%arg7 : memref<40x128xi32, #tpu.memory_space<vmem>>) target_semaphore(%run_scoped3A_404 : memref<!tpu.dma_semaphore, #tpu.memory_space<semaphore_mem>>)
      %dma_wait3A = arith.constant 40 : i32
      %dma_wait3A_413 = arith.constant 0 : i32
      %dma_wait3A_414 = tpu.memref_slice %arg3[%add3A, %dma_wait3A, %dma_wait3A_413] : memref<32x80x128xi32, #tpu.memory_space<hbm>> -> memref<1x40x128xi32, #tpu.memory_space<hbm>>
      %dma_wait3A_415 = tpu.memref_squeeze %dma_wait3A_414 : memref<1x40x128xi32, #tpu.memory_space<hbm>> -> memref<40x128xi32, #tpu.memory_space<hbm>>
      %dma_wait3A_416 = arith.constant 40 : i32
      %dma_wait3A_417 = arith.constant 0 : i32
      %dma_wait3A_418 = tpu.memref_slice %arg3[%add3A, %dma_wait3A_416, %dma_wait3A_417] : memref<32x80x128xi32, #tpu.memory_space<hbm>> -> memref<1x40x128xi32, #tpu.memory_space<hbm>>
      %dma_wait3A_419 = tpu.memref_squeeze %dma_wait3A_418 : memref<1x40x128xi32, #tpu.memory_space<hbm>> -> memref<40x128xi32, #tpu.memory_space<hbm>>
      tpu.wait_dma2 semaphore(%run_scoped3A_404 : memref<!tpu.dma_semaphore, #tpu.memory_space<semaphore_mem>>) src(%dma_wait3A_419 : memref<40x128xi32, #tpu.memory_space<hbm>>) dst(%arg7 : memref<40x128xi32, #tpu.memory_space<vmem>>)
      tpu.yield
    }) : () -> ()
    %get3A_219 = arith.constant 0 : i32
    %get3A_220 = arith.index_cast %get3A_219 : i32 to index
    %get3A_221 = arith.constant 0 : index
    %get3A_222 = tpu.vector_load %arg6[%get3A_220, %get3A_221] {strides = array<i32>} : memref<40x128xi32, #tpu.memory_space<vmem>>, vector<1x16xi32>,
    %get3A_223 = vector.shape_cast %get3A_222 : vector<1x16xi32> to vector<16xi32>
    %get3A_224 = arith.constant 0 : i32
    %get3A_225 = arith.index_cast %get3A_224 : i32 to index
    %get3A_226 = arith.constant 0 : index
    %get3A_227 = tpu.vector_load %arg7[%get3A_225, %get3A_226] {strides = array<i32>} : memref<40x128xi32, #tpu.memory_space<vmem>>, vector<1x16xi32>,
    %get3A_228 = vector.shape_cast %get3A_227 : vector<1x16xi32> to vector<16xi32>
    %mul3A_229 = arith.constant 10112 : i32
    %mul3A_230 = vector.broadcast %mul3A_229 : i32 to vector<16xi32>
    %mul3A_231 = arith.muli %get3A_228, %mul3A_230 : vector<16xi32>
    %add3A_232 = arith.addi %mul3A_231, %get3A_223 : vector<16xi32>
    %swap3A_233 = arith.constant 0 : index
    %swap3A_234 = tpu.vector_load %arg8[%swap3A_233] {strides = array<i32>} : memref<128xi32, #tpu.memory_space<vmem>>, vector<16xi32>,
    %swap3A_235 = vector.shape_cast %swap3A_234 : vector<16xi32> to vector<16xi32>
    %swap3A_236 = vector.shape_cast %add3A_232 : vector<16xi32> to vector<16xi32>
    tpu.vector_store %arg8[%swap3A_233], %swap3A_236 {strides = array<i32>} : memref<128xi32, #tpu.memory_space<vmem>>, vector<16xi32>,
    %get3A_237 = arith.constant 0 : i32
    %get3A_238 = arith.index_cast %get3A_237 : i32 to index
    %get3A_239 = arith.constant 16 : index
    %get3A_240 = tpu.vector_load %arg6[%get3A_238, %get3A_239] {strides = array<i32>} : memref<40x128xi32, #tpu.memory_space<vmem>>, vector<1x16xi32>,
    %get3A_241 = vector.shape_cast %get3A_240 : vector<1x16xi32> to vector<16xi32>
    %get3A_242 = arith.constant 0 : i32
    %get3A_243 = arith.index_cast %get3A_242 : i32 to index
    %get3A_244 = arith.constant 16 : index
    %get3A_245 = tpu.vector_load %arg7[%get3A_243, %get3A_244] {strides = array<i32>} : memref<40x128xi32, #tpu.memory_space<vmem>>, vector<1x16xi32>,
    %get3A_246 = vector.shape_cast %get3A_245 : vector<1x16xi32> to vector<16xi32>
    %mul3A_247 = arith.constant 10112 : i32
    %mul3A_248 = vector.broadcast %mul3A_247 : i32 to vector<16xi32>
    %mul3A_249 = arith.muli %get3A_246, %mul3A_248 : vector<16xi32>
    %add3A_250 = arith.addi %mul3A_249, %get3A_241 : vector<16xi32>
    %swap3A_251 = arith.constant 16 : index
    %swap3A_252 = tpu.vector_load %arg8[%swap3A_251] {strides = array<i32>} : memref<128xi32, #tpu.memory_space<vmem>>, vector<16xi32>,
    %swap3A_253 = vector.shape_cast %swap3A_252 : vector<16xi32> to vector<16xi32>
    %swap3A_254 = vector.shape_cast %add3A_250 : vector<16xi32> to vector<16xi32>
    tpu.vector_store %arg8[%swap3A_251], %swap3A_254 {strides = array<i32>} : memref<128xi32, #tpu.memory_space<vmem>>, vector<16xi32>,
    %get3A_255 = arith.constant 0 : i32
    %get3A_256 = arith.index_cast %get3A_255 : i32 to index
    %get3A_257 = arith.constant 32 : index
    %get3A_258 = tpu.vector_load %arg6[%get3A_256, %get3A_257] {strides = array<i32>} : memref<40x128xi32, #tpu.memory_space<vmem>>, vector<1x16xi32>,
    %get3A_259 = vector.shape_cast %get3A_258 : vector<1x16xi32> to vector<16xi32>
    %get3A_260 = arith.constant 0 : i32
    %get3A_261 = arith.index_cast %get3A_260 : i32 to index
    %get3A_262 = arith.constant 32 : index
    %get3A_263 = tpu.vector_load %arg7[%get3A_261, %get3A_262] {strides = array<i32>} : memref<40x128xi32, #tpu.memory_space<vmem>>, vector<1x16xi32>,
    %get3A_264 = vector.shape_cast %get3A_263 : vector<1x16xi32> to vector<16xi32>
    %mul3A_265 = arith.constant 10112 : i32
    %mul3A_266 = vector.broadcast %mul3A_265 : i32 to vector<16xi32>
    %mul3A_267 = arith.muli %get3A_264, %mul3A_266 : vector<16xi32>
    %add3A_268 = arith.addi %mul3A_267, %get3A_259 : vector<16xi32>
    %swap3A_269 = arith.constant 32 : index
    %swap3A_270 = tpu.vector_load %arg8[%swap3A_269] {strides = array<i32>} : memref<128xi32, #tpu.memory_space<vmem>>, vector<16xi32>,
    %swap3A_271 = vector.shape_cast %swap3A_270 : vector<16xi32> to vector<16xi32>
    %swap3A_272 = vector.shape_cast %add3A_268 : vector<16xi32> to vector<16xi32>
    tpu.vector_store %arg8[%swap3A_269], %swap3A_272 {strides = array<i32>} : memref<128xi32, #tpu.memory_space<vmem>>, vector<16xi32>,
    %get3A_273 = arith.constant 0 : i32
    %get3A_274 = arith.index_cast %get3A_273 : i32 to index
    %get3A_275 = arith.constant 48 : index
    %get3A_276 = tpu.vector_load %arg6[%get3A_274, %get3A_275] {strides = array<i32>} : memref<40x128xi32, #tpu.memory_space<vmem>>, vector<1x16xi32>,
    %get3A_277 = vector.shape_cast %get3A_276 : vector<1x16xi32> to vector<16xi32>
    %get3A_278 = arith.constant 0 : i32
    %get3A_279 = arith.index_cast %get3A_278 : i32 to index
    %get3A_280 = arith.constant 48 : index
    %get3A_281 = tpu.vector_load %arg7[%get3A_279, %get3A_280] {strides = array<i32>} : memref<40x128xi32, #tpu.memory_space<vmem>>, vector<1x16xi32>,
    %get3A_282 = vector.shape_cast %get3A_281 : vector<1x16xi32> to vector<16xi32>
    %mul3A_283 = arith.constant 10112 : i32
    %mul3A_284 = vector.broadcast %mul3A_283 : i32 to vector<16xi32>
    %mul3A_285 = arith.muli %get3A_282, %mul3A_284 : vector<16xi32>
    %add3A_286 = arith.addi %mul3A_285, %get3A_277 : vector<16xi32>
    %swap3A_287 = arith.constant 48 : index
    %swap3A_288 = tpu.vector_load %arg8[%swap3A_287] {strides = array<i32>} : memref<128xi32, #tpu.memory_space<vmem>>, vector<16xi32>,
    %swap3A_289 = vector.shape_cast %swap3A_288 : vector<16xi32> to vector<16xi32>
    %swap3A_290 = vector.shape_cast %add3A_286 : vector<16xi32> to vector<16xi32>
    tpu.vector_store %arg8[%swap3A_287], %swap3A_290 {strides = array<i32>} : memref<128xi32, #tpu.memory_space<vmem>>, vector<16xi32>,
    %get3A_291 = arith.constant 0 : i32
    %get3A_292 = arith.index_cast %get3A_291 : i32 to index
    %get3A_293 = arith.constant 64 : index
    %get3A_294 = tpu.vector_load %arg6[%get3A_292, %get3A_293] {strides = array<i32>} : memref<40x128xi32, #tpu.memory_space<vmem>>, vector<1x16xi32>,
    %get3A_295 = vector.shape_cast %get3A_294 : vector<1x16xi32> to vector<16xi32>
    %get3A_296 = arith.constant 0 : i32
    %get3A_297 = arith.index_cast %get3A_296 : i32 to index
    %get3A_298 = arith.constant 64 : index
    %get3A_299 = tpu.vector_load %arg7[%get3A_297, %get3A_298] {strides = array<i32>} : memref<40x128xi32, #tpu.memory_space<vmem>>, vector<1x16xi32>,
    %get3A_300 = vector.shape_cast %get3A_299 : vector<1x16xi32> to vector<16xi32>
    %mul3A_301 = arith.constant 10112 : i32
    %mul3A_302 = vector.broadcast %mul3A_301 : i32 to vector<16xi32>
    %mul3A_303 = arith.muli %get3A_300, %mul3A_302 : vector<16xi32>
    %add3A_304 = arith.addi %mul3A_303, %get3A_295 : vector<16xi32>
    %swap3A_305 = arith.constant 64 : index
    %swap3A_306 = tpu.vector_load %arg8[%swap3A_305] {strides = array<i32>} : memref<128xi32, #tpu.memory_space<vmem>>, vector<16xi32>,
    %swap3A_307 = vector.shape_cast %swap3A_306 : vector<16xi32> to vector<16xi32>
    %swap3A_308 = vector.shape_cast %add3A_304 : vector<16xi32> to vector<16xi32>
    tpu.vector_store %arg8[%swap3A_305], %swap3A_308 {strides = array<i32>} : memref<128xi32, #tpu.memory_space<vmem>>, vector<16xi32>,
    %get3A_309 = arith.constant 0 : i32
    %get3A_310 = arith.index_cast %get3A_309 : i32 to index
    %get3A_311 = arith.constant 80 : index
    %get3A_312 = tpu.vector_load %arg6[%get3A_310, %get3A_311] {strides = array<i32>} : memref<40x128xi32, #tpu.memory_space<vmem>>, vector<1x16xi32>,
    %get3A_313 = vector.shape_cast %get3A_312 : vector<1x16xi32> to vector<16xi32>
    %get3A_314 = arith.constant 0 : i32
    %get3A_315 = arith.index_cast %get3A_314 : i32 to index
    %get3A_316 = arith.constant 80 : index
    %get3A_317 = tpu.vector_load %arg7[%get3A_315, %get3A_316] {strides = array<i32>} : memref<40x128xi32, #tpu.memory_space<vmem>>, vector<1x16xi32>,
    %get3A_318 = vector.shape_cast %get3A_317 : vector<1x16xi32> to vector<16xi32>
    %mul3A_319 = arith.constant 10112 : i32
    %mul3A_320 = vector.broadcast %mul3A_319 : i32 to vector<16xi32>
    %mul3A_321 = arith.muli %get3A_318, %mul3A_320 : vector<16xi32>
    %add3A_322 = arith.addi %mul3A_321, %get3A_313 : vector<16xi32>
    %swap3A_323 = arith.constant 80 : index
    %swap3A_324 = tpu.vector_load %arg8[%swap3A_323] {strides = array<i32>} : memref<128xi32, #tpu.memory_space<vmem>>, vector<16xi32>,
    %swap3A_325 = vector.shape_cast %swap3A_324 : vector<16xi32> to vector<16xi32>
    %swap3A_326 = vector.shape_cast %add3A_322 : vector<16xi32> to vector<16xi32>
    tpu.vector_store %arg8[%swap3A_323], %swap3A_326 {strides = array<i32>} : memref<128xi32, #tpu.memory_space<vmem>>, vector<16xi32>,
    %get3A_327 = arith.constant 0 : i32
    %get3A_328 = arith.index_cast %get3A_327 : i32 to index
    %get3A_329 = arith.constant 96 : index
    %get3A_330 = tpu.vector_load %arg6[%get3A_328, %get3A_329] {strides = array<i32>} : memref<40x128xi32, #tpu.memory_space<vmem>>, vector<1x16xi32>,
    %get3A_331 = vector.shape_cast %get3A_330 : vector<1x16xi32> to vector<16xi32>
    %get3A_332 = arith.constant 0 : i32
    %get3A_333 = arith.index_cast %get3A_332 : i32 to index
    %get3A_334 = arith.constant 96 : index
    %get3A_335 = tpu.vector_load %arg7[%get3A_333, %get3A_334] {strides = array<i32>} : memref<40x128xi32, #tpu.memory_space<vmem>>, vector<1x16xi32>,
    %get3A_336 = vector.shape_cast %get3A_335 : vector<1x16xi32> to vector<16xi32>
    %mul3A_337 = arith.constant 10112 : i32
    %mul3A_338 = vector.broadcast %mul3A_337 : i32 to vector<16xi32>
    %mul3A_339 = arith.muli %get3A_336, %mul3A_338 : vector<16xi32>
    %add3A_340 = arith.addi %mul3A_339, %get3A_331 : vector<16xi32>
    %swap3A_341 = arith.constant 96 : index
    %swap3A_342 = tpu.vector_load %arg8[%swap3A_341] {strides = array<i32>} : memref<128xi32, #tpu.memory_space<vmem>>, vector<16xi32>,
    %swap3A_343 = vector.shape_cast %swap3A_342 : vector<16xi32> to vector<16xi32>
    %swap3A_344 = vector.shape_cast %add3A_340 : vector<16xi32> to vector<16xi32>
    tpu.vector_store %arg8[%swap3A_341], %swap3A_344 {strides = array<i32>} : memref<128xi32, #tpu.memory_space<vmem>>, vector<16xi32>,
    %get3A_345 = arith.constant 0 : i32
    %get3A_346 = arith.index_cast %get3A_345 : i32 to index
    %get3A_347 = arith.constant 112 : index
    %get3A_348 = tpu.vector_load %arg6[%get3A_346, %get3A_347] {strides = array<i32>} : memref<40x128xi32, #tpu.memory_space<vmem>>, vector<1x16xi32>,
    %get3A_349 = vector.shape_cast %get3A_348 : vector<1x16xi32> to vector<16xi32>
    %get3A_350 = arith.constant 0 : i32
    %get3A_351 = arith.index_cast %get3A_350 : i32 to index
    %get3A_352 = arith.constant 112 : index
    %get3A_353 = tpu.vector_load %arg7[%get3A_351, %get3A_352] {strides = array<i32>} : memref<40x128xi32, #tpu.memory_space<vmem>>, vector<1x16xi32>,
    %get3A_354 = vector.shape_cast %get3A_353 : vector<1x16xi32> to vector<16xi32>
    %mul3A_355 = arith.constant 10112 : i32
    %mul3A_356 = vector.broadcast %mul3A_355 : i32 to vector<16xi32>
    %mul3A_357 = arith.muli %get3A_354, %mul3A_356 : vector<16xi32>
    %add3A_358 = arith.addi %mul3A_357, %get3A_349 : vector<16xi32>
    %swap3A_359 = arith.constant 112 : index
    %swap3A_360 = tpu.vector_load %arg8[%swap3A_359] {strides = array<i32>} : memref<128xi32, #tpu.memory_space<vmem>>, vector<16xi32>,
    %swap3A_361 = vector.shape_cast %swap3A_360 : vector<16xi32> to vector<16xi32>
    %swap3A_362 = vector.shape_cast %add3A_358 : vector<16xi32> to vector<16xi32>
    tpu.vector_store %arg8[%swap3A_359], %swap3A_362 {strides = array<i32>} : memref<128xi32, #tpu.memory_space<vmem>>, vector<16xi32>,
    %dma_start3A_363 = arith.constant 0 : i32
    %dma_start3A_364 = tpu.memref_slice %arg5[%dma_start3A_363] : memref<647168xf32, #tpu.memory_space<vmem_shared>> -> memref<647168xf32, #tpu.memory_space<vmem_shared>>
    tpu.enqueue_indirect_dma source(%arg10 : memref<128xf32, #tpu.memory_space<vmem>>) target(%dma_start3A_364 : memref<647168xf32, #tpu.memory_space<vmem_shared>>) offsets(%arg8 : memref<128xi32, #tpu.memory_space<vmem>>) semaphore(%arg12 : memref<!tpu.dma_semaphore, #tpu.memory_space<semaphore_mem>>) {add = true}
    %scan3A_365 = arith.constant 0 : i32
    %scan3A_366 = arith.constant 0 : i32
    %scan3A_367 = arith.constant 20 : i32
    %scan3A_368 = arith.addi %scan3A_366, %scan3A_367 : i32
    %scan3A_369 = arith.constant 1 : i32
    scf.for %scan3A_404 = %scan3A_366 to %scan3A_368 step %scan3A_369  : i32 {
      %mul3A_405 = arith.constant 2 : i32
      %mul3A_406 = arith.muli %mul3A_405, %scan3A_404 : i32
      %add3A_407 = arith.constant 1 : i32
      %add3A_408 = arith.addi %mul3A_406, %add3A_407 : i32
      %get3A_409 = arith.index_cast %add3A_408 : i32 to index
      %get3A_410 = arith.constant 0 : index
      %get3A_411 = tpu.vector_load %arg6[%get3A_409, %get3A_410] {strides = array<i32>} : memref<40x128xi32, #tpu.memory_space<vmem>>, vector<1x16xi32>,
      %get3A_412 = vector.shape_cast %get3A_411 : vector<1x16xi32> to vector<16xi32>
      %get3A_413 = arith.index_cast %add3A_408 : i32 to index
      %get3A_414 = arith.constant 0 : index
      %get3A_415 = tpu.vector_load %arg7[%get3A_413, %get3A_414] {strides = array<i32>} : memref<40x128xi32, #tpu.memory_space<vmem>>, vector<1x16xi32>,
      %get3A_416 = vector.shape_cast %get3A_415 : vector<1x16xi32> to vector<16xi32>
      %mul3A_417 = arith.constant 10112 : i32
      %mul3A_418 = vector.broadcast %mul3A_417 : i32 to vector<16xi32>
      %mul3A_419 = arith.muli %get3A_416, %mul3A_418 : vector<16xi32>
      %add3A_420 = arith.addi %mul3A_419, %get3A_412 : vector<16xi32>
      %swap3A_421 = arith.constant 0 : index
      %swap3A_422 = tpu.vector_load %arg9[%swap3A_421] {strides = array<i32>} : memref<128xi32, #tpu.memory_space<vmem>>, vector<16xi32>,
      %swap3A_423 = vector.shape_cast %swap3A_422 : vector<16xi32> to vector<16xi32>
      %swap3A_424 = vector.shape_cast %add3A_420 : vector<16xi32> to vector<16xi32>
      tpu.vector_store %arg9[%swap3A_421], %swap3A_424 {strides = array<i32>} : memref<128xi32, #tpu.memory_space<vmem>>, vector<16xi32>,
      %get3A_425 = arith.index_cast %add3A_408 : i32 to index
      %get3A_426 = arith.constant 16 : index
      %get3A_427 = tpu.vector_load %arg6[%get3A_425, %get3A_426] {strides = array<i32>} : memref<40x128xi32, #tpu.memory_space<vmem>>, vector<1x16xi32>,
      %get3A_428 = vector.shape_cast %get3A_427 : vector<1x16xi32> to vector<16xi32>
      %get3A_429 = arith.index_cast %add3A_408 : i32 to index
      %get3A_430 = arith.constant 16 : index
      %get3A_431 = tpu.vector_load %arg7[%get3A_429, %get3A_430] {strides = array<i32>} : memref<40x128xi32, #tpu.memory_space<vmem>>, vector<1x16xi32>,
      %get3A_432 = vector.shape_cast %get3A_431 : vector<1x16xi32> to vector<16xi32>
      %mul3A_433 = arith.constant 10112 : i32
      %mul3A_434 = vector.broadcast %mul3A_433 : i32 to vector<16xi32>
      %mul3A_435 = arith.muli %get3A_432, %mul3A_434 : vector<16xi32>
      %add3A_436 = arith.addi %mul3A_435, %get3A_428 : vector<16xi32>
      %swap3A_437 = arith.constant 16 : index
      %swap3A_438 = tpu.vector_load %arg9[%swap3A_437] {strides = array<i32>} : memref<128xi32, #tpu.memory_space<vmem>>, vector<16xi32>,
      %swap3A_439 = vector.shape_cast %swap3A_438 : vector<16xi32> to vector<16xi32>
      %swap3A_440 = vector.shape_cast %add3A_436 : vector<16xi32> to vector<16xi32>
      tpu.vector_store %arg9[%swap3A_437], %swap3A_440 {strides = array<i32>} : memref<128xi32, #tpu.memory_space<vmem>>, vector<16xi32>,
      %get3A_441 = arith.index_cast %add3A_408 : i32 to index
      %get3A_442 = arith.constant 32 : index
      %get3A_443 = tpu.vector_load %arg6[%get3A_441, %get3A_442] {strides = array<i32>} : memref<40x128xi32, #tpu.memory_space<vmem>>, vector<1x16xi32>,
      %get3A_444 = vector.shape_cast %get3A_443 : vector<1x16xi32> to vector<16xi32>
      %get3A_445 = arith.index_cast %add3A_408 : i32 to index
      %get3A_446 = arith.constant 32 : index
      %get3A_447 = tpu.vector_load %arg7[%get3A_445, %get3A_446] {strides = array<i32>} : memref<40x128xi32, #tpu.memory_space<vmem>>, vector<1x16xi32>,
      %get3A_448 = vector.shape_cast %get3A_447 : vector<1x16xi32> to vector<16xi32>
      %mul3A_449 = arith.constant 10112 : i32
      %mul3A_450 = vector.broadcast %mul3A_449 : i32 to vector<16xi32>
      %mul3A_451 = arith.muli %get3A_448, %mul3A_450 : vector<16xi32>
      %add3A_452 = arith.addi %mul3A_451, %get3A_444 : vector<16xi32>
      %swap3A_453 = arith.constant 32 : index
      %swap3A_454 = tpu.vector_load %arg9[%swap3A_453] {strides = array<i32>} : memref<128xi32, #tpu.memory_space<vmem>>, vector<16xi32>,
      %swap3A_455 = vector.shape_cast %swap3A_454 : vector<16xi32> to vector<16xi32>
      %swap3A_456 = vector.shape_cast %add3A_452 : vector<16xi32> to vector<16xi32>
      tpu.vector_store %arg9[%swap3A_453], %swap3A_456 {strides = array<i32>} : memref<128xi32, #tpu.memory_space<vmem>>, vector<16xi32>,
      %get3A_457 = arith.index_cast %add3A_408 : i32 to index
      %get3A_458 = arith.constant 48 : index
      %get3A_459 = tpu.vector_load %arg6[%get3A_457, %get3A_458] {strides = array<i32>} : memref<40x128xi32, #tpu.memory_space<vmem>>, vector<1x16xi32>,
      %get3A_460 = vector.shape_cast %get3A_459 : vector<1x16xi32> to vector<16xi32>
      %get3A_461 = arith.index_cast %add3A_408 : i32 to index
      %get3A_462 = arith.constant 48 : index
      %get3A_463 = tpu.vector_load %arg7[%get3A_461, %get3A_462] {strides = array<i32>} : memref<40x128xi32, #tpu.memory_space<vmem>>, vector<1x16xi32>,
      %get3A_464 = vector.shape_cast %get3A_463 : vector<1x16xi32> to vector<16xi32>
      %mul3A_465 = arith.constant 10112 : i32
      %mul3A_466 = vector.broadcast %mul3A_465 : i32 to vector<16xi32>
      %mul3A_467 = arith.muli %get3A_464, %mul3A_466 : vector<16xi32>
      %add3A_468 = arith.addi %mul3A_467, %get3A_460 : vector<16xi32>
      %swap3A_469 = arith.constant 48 : index
      %swap3A_470 = tpu.vector_load %arg9[%swap3A_469] {strides = array<i32>} : memref<128xi32, #tpu.memory_space<vmem>>, vector<16xi32>,
      %swap3A_471 = vector.shape_cast %swap3A_470 : vector<16xi32> to vector<16xi32>
      %swap3A_472 = vector.shape_cast %add3A_468 : vector<16xi32> to vector<16xi32>
      tpu.vector_store %arg9[%swap3A_469], %swap3A_472 {strides = array<i32>} : memref<128xi32, #tpu.memory_space<vmem>>, vector<16xi32>,
      %get3A_473 = arith.index_cast %add3A_408 : i32 to index
      %get3A_474 = arith.constant 64 : index
      %get3A_475 = tpu.vector_load %arg6[%get3A_473, %get3A_474] {strides = array<i32>} : memref<40x128xi32, #tpu.memory_space<vmem>>, vector<1x16xi32>,
      %get3A_476 = vector.shape_cast %get3A_475 : vector<1x16xi32> to vector<16xi32>
      %get3A_477 = arith.index_cast %add3A_408 : i32 to index
      %get3A_478 = arith.constant 64 : index
      %get3A_479 = tpu.vector_load %arg7[%get3A_477, %get3A_478] {strides = array<i32>} : memref<40x128xi32, #tpu.memory_space<vmem>>, vector<1x16xi32>,
      %get3A_480 = vector.shape_cast %get3A_479 : vector<1x16xi32> to vector<16xi32>
      %mul3A_481 = arith.constant 10112 : i32
      %mul3A_482 = vector.broadcast %mul3A_481 : i32 to vector<16xi32>
      %mul3A_483 = arith.muli %get3A_480, %mul3A_482 : vector<16xi32>
      %add3A_484 = arith.addi %mul3A_483, %get3A_476 : vector<16xi32>
      %swap3A_485 = arith.constant 64 : index
      %swap3A_486 = tpu.vector_load %arg9[%swap3A_485] {strides = array<i32>} : memref<128xi32, #tpu.memory_space<vmem>>, vector<16xi32>,
      %swap3A_487 = vector.shape_cast %swap3A_486 : vector<16xi32> to vector<16xi32>
      %swap3A_488 = vector.shape_cast %add3A_484 : vector<16xi32> to vector<16xi32>
      tpu.vector_store %arg9[%swap3A_485], %swap3A_488 {strides = array<i32>} : memref<128xi32, #tpu.memory_space<vmem>>, vector<16xi32>,
      %get3A_489 = arith.index_cast %add3A_408 : i32 to index
      %get3A_490 = arith.constant 80 : index
      %get3A_491 = tpu.vector_load %arg6[%get3A_489, %get3A_490] {strides = array<i32>} : memref<40x128xi32, #tpu.memory_space<vmem>>, vector<1x16xi32>,
      %get3A_492 = vector.shape_cast %get3A_491 : vector<1x16xi32> to vector<16xi32>
      %get3A_493 = arith.index_cast %add3A_408 : i32 to index
      %get3A_494 = arith.constant 80 : index
      %get3A_495 = tpu.vector_load %arg7[%get3A_493, %get3A_494] {strides = array<i32>} : memref<40x128xi32, #tpu.memory_space<vmem>>, vector<1x16xi32>,
      %get3A_496 = vector.shape_cast %get3A_495 : vector<1x16xi32> to vector<16xi32>
      %mul3A_497 = arith.constant 10112 : i32
      %mul3A_498 = vector.broadcast %mul3A_497 : i32 to vector<16xi32>
      %mul3A_499 = arith.muli %get3A_496, %mul3A_498 : vector<16xi32>
      %add3A_500 = arith.addi %mul3A_499, %get3A_492 : vector<16xi32>
      %swap3A_501 = arith.constant 80 : index
      %swap3A_502 = tpu.vector_load %arg9[%swap3A_501] {strides = array<i32>} : memref<128xi32, #tpu.memory_space<vmem>>, vector<16xi32>,
      %swap3A_503 = vector.shape_cast %swap3A_502 : vector<16xi32> to vector<16xi32>
      %swap3A_504 = vector.shape_cast %add3A_500 : vector<16xi32> to vector<16xi32>
      tpu.vector_store %arg9[%swap3A_501], %swap3A_504 {strides = array<i32>} : memref<128xi32, #tpu.memory_space<vmem>>, vector<16xi32>,
      %get3A_505 = arith.index_cast %add3A_408 : i32 to index
      %get3A_506 = arith.constant 96 : index
      %get3A_507 = tpu.vector_load %arg6[%get3A_505, %get3A_506] {strides = array<i32>} : memref<40x128xi32, #tpu.memory_space<vmem>>, vector<1x16xi32>,
      %get3A_508 = vector.shape_cast %get3A_507 : vector<1x16xi32> to vector<16xi32>
      %get3A_509 = arith.index_cast %add3A_408 : i32 to index
      %get3A_510 = arith.constant 96 : index
      %get3A_511 = tpu.vector_load %arg7[%get3A_509, %get3A_510] {strides = array<i32>} : memref<40x128xi32, #tpu.memory_space<vmem>>, vector<1x16xi32>,
      %get3A_512 = vector.shape_cast %get3A_511 : vector<1x16xi32> to vector<16xi32>
      %mul3A_513 = arith.constant 10112 : i32
      %mul3A_514 = vector.broadcast %mul3A_513 : i32 to vector<16xi32>
      %mul3A_515 = arith.muli %get3A_512, %mul3A_514 : vector<16xi32>
      %add3A_516 = arith.addi %mul3A_515, %get3A_508 : vector<16xi32>
      %swap3A_517 = arith.constant 96 : index
      %swap3A_518 = tpu.vector_load %arg9[%swap3A_517] {strides = array<i32>} : memref<128xi32, #tpu.memory_space<vmem>>, vector<16xi32>,
      %swap3A_519 = vector.shape_cast %swap3A_518 : vector<16xi32> to vector<16xi32>
      %swap3A_520 = vector.shape_cast %add3A_516 : vector<16xi32> to vector<16xi32>
      tpu.vector_store %arg9[%swap3A_517], %swap3A_520 {strides = array<i32>} : memref<128xi32, #tpu.memory_space<vmem>>, vector<16xi32>,
      %get3A_521 = arith.index_cast %add3A_408 : i32 to index
      %get3A_522 = arith.constant 112 : index
      %get3A_523 = tpu.vector_load %arg6[%get3A_521, %get3A_522] {strides = array<i32>} : memref<40x128xi32, #tpu.memory_space<vmem>>, vector<1x16xi32>,
      %get3A_524 = vector.shape_cast %get3A_523 : vector<1x16xi32> to vector<16xi32>
      %get3A_525 = arith.index_cast %add3A_408 : i32 to index
      %get3A_526 = arith.constant 112 : index
      %get3A_527 = tpu.vector_load %arg7[%get3A_525, %get3A_526] {strides = array<i32>} : memref<40x128xi32, #tpu.memory_space<vmem>>, vector<1x16xi32>,
      %get3A_528 = vector.shape_cast %get3A_527 : vector<1x16xi32> to vector<16xi32>
      %mul3A_529 = arith.constant 10112 : i32
      %mul3A_530 = vector.broadcast %mul3A_529 : i32 to vector<16xi32>
      %mul3A_531 = arith.muli %get3A_528, %mul3A_530 : vector<16xi32>
      %add3A_532 = arith.addi %mul3A_531, %get3A_524 : vector<16xi32>
      %swap3A_533 = arith.constant 112 : index
      %swap3A_534 = tpu.vector_load %arg9[%swap3A_533] {strides = array<i32>} : memref<128xi32, #tpu.memory_space<vmem>>, vector<16xi32>,
      %swap3A_535 = vector.shape_cast %swap3A_534 : vector<16xi32> to vector<16xi32>
      %swap3A_536 = vector.shape_cast %add3A_532 : vector<16xi32> to vector<16xi32>
      tpu.vector_store %arg9[%swap3A_533], %swap3A_536 {strides = array<i32>} : memref<128xi32, #tpu.memory_space<vmem>>, vector<16xi32>,
      %dma_start3A_537 = arith.constant 0 : i32
      %dma_start3A_538 = tpu.memref_slice %arg5[%dma_start3A_537] : memref<647168xf32, #tpu.memory_space<vmem_shared>> -> memref<647168xf32, #tpu.memory_space<vmem_shared>>
      tpu.enqueue_indirect_dma source(%arg10 : memref<128xf32, #tpu.memory_space<vmem>>) target(%dma_start3A_538 : memref<647168xf32, #tpu.memory_space<vmem_shared>>) offsets(%arg9 : memref<128xi32, #tpu.memory_space<vmem>>) semaphore(%arg13 : memref<!tpu.dma_semaphore, #tpu.memory_space<semaphore_mem>>) {add = true}
      %dma_wait3A = arith.constant 0 : i32
      %dma_wait3A_539 = tpu.memref_slice %arg5[%dma_wait3A] : memref<647168xf32, #tpu.memory_space<vmem_shared>> -> memref<647168xf32, #tpu.memory_space<vmem_shared>>
      tpu.wait_indirect_dma semaphore(%arg12 : memref<!tpu.dma_semaphore, #tpu.memory_space<semaphore_mem>>) src(%arg10 : memref<128xf32, #tpu.memory_space<vmem>>) dst(%dma_wait3A_539 : memref<647168xf32, #tpu.memory_space<vmem_shared>>)
      %lt3A = arith.constant 19 : i32
      %lt3A_540 = arith.cmpi slt, %scan3A_404, %lt3A : i32
      %convert_element_type3A = arith.extui %lt3A_540 : i1 to i32
      %cond3A = arith.constant 0 : i32
      %cond3A_541 = arith.cmpi ne, %convert_element_type3A, %cond3A : i32
      scf.if %cond3A_541 {
        %mul3A_544 = arith.constant 2 : i32
        %mul3A_545 = arith.muli %mul3A_544, %scan3A_404 : i32
        %add3A_546 = arith.constant 2 : i32
        %add3A_547 = arith.addi %mul3A_545, %add3A_546 : i32
        %get3A_548 = arith.index_cast %add3A_547 : i32 to index
        %get3A_549 = arith.constant 0 : index
        %get3A_550 = tpu.vector_load %arg6[%get3A_548, %get3A_549] {strides = array<i32>} : memref<40x128xi32, #tpu.memory_space<vmem>>, vector<1x16xi32>,
        %get3A_551 = vector.shape_cast %get3A_550 : vector<1x16xi32> to vector<16xi32>
        %get3A_552 = arith.index_cast %add3A_547 : i32 to index
        %get3A_553 = arith.constant 0 : index
        %get3A_554 = tpu.vector_load %arg7[%get3A_552, %get3A_553] {strides = array<i32>} : memref<40x128xi32, #tpu.memory_space<vmem>>, vector<1x16xi32>,
        %get3A_555 = vector.shape_cast %get3A_554 : vector<1x16xi32> to vector<16xi32>
        %mul3A_556 = arith.constant 10112 : i32
        %mul3A_557 = vector.broadcast %mul3A_556 : i32 to vector<16xi32>
        %mul3A_558 = arith.muli %get3A_555, %mul3A_557 : vector<16xi32>
        %add3A_559 = arith.addi %mul3A_558, %get3A_551 : vector<16xi32>
        %swap3A_560 = arith.constant 0 : index
        %swap3A_561 = tpu.vector_load %arg8[%swap3A_560] {strides = array<i32>} : memref<128xi32, #tpu.memory_space<vmem>>, vector<16xi32>,
        %swap3A_562 = vector.shape_cast %swap3A_561 : vector<16xi32> to vector<16xi32>
        %swap3A_563 = vector.shape_cast %add3A_559 : vector<16xi32> to vector<16xi32>
        tpu.vector_store %arg8[%swap3A_560], %swap3A_563 {strides = array<i32>} : memref<128xi32, #tpu.memory_space<vmem>>, vector<16xi32>,
        %get3A_564 = arith.index_cast %add3A_547 : i32 to index
        %get3A_565 = arith.constant 16 : index
        %get3A_566 = tpu.vector_load %arg6[%get3A_564, %get3A_565] {strides = array<i32>} : memref<40x128xi32, #tpu.memory_space<vmem>>, vector<1x16xi32>,
        %get3A_567 = vector.shape_cast %get3A_566 : vector<1x16xi32> to vector<16xi32>
        %get3A_568 = arith.index_cast %add3A_547 : i32 to index
        %get3A_569 = arith.constant 16 : index
        %get3A_570 = tpu.vector_load %arg7[%get3A_568, %get3A_569] {strides = array<i32>} : memref<40x128xi32, #tpu.memory_space<vmem>>, vector<1x16xi32>,
        %get3A_571 = vector.shape_cast %get3A_570 : vector<1x16xi32> to vector<16xi32>
        %mul3A_572 = arith.constant 10112 : i32
        %mul3A_573 = vector.broadcast %mul3A_572 : i32 to vector<16xi32>
        %mul3A_574 = arith.muli %get3A_571, %mul3A_573 : vector<16xi32>
        %add3A_575 = arith.addi %mul3A_574, %get3A_567 : vector<16xi32>
        %swap3A_576 = arith.constant 16 : index
        %swap3A_577 = tpu.vector_load %arg8[%swap3A_576] {strides = array<i32>} : memref<128xi32, #tpu.memory_space<vmem>>, vector<16xi32>,
        %swap3A_578 = vector.shape_cast %swap3A_577 : vector<16xi32> to vector<16xi32>
        %swap3A_579 = vector.shape_cast %add3A_575 : vector<16xi32> to vector<16xi32>
        tpu.vector_store %arg8[%swap3A_576], %swap3A_579 {strides = array<i32>} : memref<128xi32, #tpu.memory_space<vmem>>, vector<16xi32>,
        %get3A_580 = arith.index_cast %add3A_547 : i32 to index
        %get3A_581 = arith.constant 32 : index
        %get3A_582 = tpu.vector_load %arg6[%get3A_580, %get3A_581] {strides = array<i32>} : memref<40x128xi32, #tpu.memory_space<vmem>>, vector<1x16xi32>,
        %get3A_583 = vector.shape_cast %get3A_582 : vector<1x16xi32> to vector<16xi32>
        %get3A_584 = arith.index_cast %add3A_547 : i32 to index
        %get3A_585 = arith.constant 32 : index
        %get3A_586 = tpu.vector_load %arg7[%get3A_584, %get3A_585] {strides = array<i32>} : memref<40x128xi32, #tpu.memory_space<vmem>>, vector<1x16xi32>,
        %get3A_587 = vector.shape_cast %get3A_586 : vector<1x16xi32> to vector<16xi32>
        %mul3A_588 = arith.constant 10112 : i32
        %mul3A_589 = vector.broadcast %mul3A_588 : i32 to vector<16xi32>
        %mul3A_590 = arith.muli %get3A_587, %mul3A_589 : vector<16xi32>
        %add3A_591 = arith.addi %mul3A_590, %get3A_583 : vector<16xi32>
        %swap3A_592 = arith.constant 32 : index
        %swap3A_593 = tpu.vector_load %arg8[%swap3A_592] {strides = array<i32>} : memref<128xi32, #tpu.memory_space<vmem>>, vector<16xi32>,
        %swap3A_594 = vector.shape_cast %swap3A_593 : vector<16xi32> to vector<16xi32>
        %swap3A_595 = vector.shape_cast %add3A_591 : vector<16xi32> to vector<16xi32>
        tpu.vector_store %arg8[%swap3A_592], %swap3A_595 {strides = array<i32>} : memref<128xi32, #tpu.memory_space<vmem>>, vector<16xi32>,
        %get3A_596 = arith.index_cast %add3A_547 : i32 to index
        %get3A_597 = arith.constant 48 : index
        %get3A_598 = tpu.vector_load %arg6[%get3A_596, %get3A_597] {strides = array<i32>} : memref<40x128xi32, #tpu.memory_space<vmem>>, vector<1x16xi32>,
        %get3A_599 = vector.shape_cast %get3A_598 : vector<1x16xi32> to vector<16xi32>
        %get3A_600 = arith.index_cast %add3A_547 : i32 to index
        %get3A_601 = arith.constant 48 : index
        %get3A_602 = tpu.vector_load %arg7[%get3A_600, %get3A_601] {strides = array<i32>} : memref<40x128xi32, #tpu.memory_space<vmem>>, vector<1x16xi32>,
        %get3A_603 = vector.shape_cast %get3A_602 : vector<1x16xi32> to vector<16xi32>
        %mul3A_604 = arith.constant 10112 : i32
        %mul3A_605 = vector.broadcast %mul3A_604 : i32 to vector<16xi32>
        %mul3A_606 = arith.muli %get3A_603, %mul3A_605 : vector<16xi32>
        %add3A_607 = arith.addi %mul3A_606, %get3A_599 : vector<16xi32>
        %swap3A_608 = arith.constant 48 : index
        %swap3A_609 = tpu.vector_load %arg8[%swap3A_608] {strides = array<i32>} : memref<128xi32, #tpu.memory_space<vmem>>, vector<16xi32>,
        %swap3A_610 = vector.shape_cast %swap3A_609 : vector<16xi32> to vector<16xi32>
        %swap3A_611 = vector.shape_cast %add3A_607 : vector<16xi32> to vector<16xi32>
        tpu.vector_store %arg8[%swap3A_608], %swap3A_611 {strides = array<i32>} : memref<128xi32, #tpu.memory_space<vmem>>, vector<16xi32>,
        %get3A_612 = arith.index_cast %add3A_547 : i32 to index
        %get3A_613 = arith.constant 64 : index
        %get3A_614 = tpu.vector_load %arg6[%get3A_612, %get3A_613] {strides = array<i32>} : memref<40x128xi32, #tpu.memory_space<vmem>>, vector<1x16xi32>,
        %get3A_615 = vector.shape_cast %get3A_614 : vector<1x16xi32> to vector<16xi32>
        %get3A_616 = arith.index_cast %add3A_547 : i32 to index
        %get3A_617 = arith.constant 64 : index
        %get3A_618 = tpu.vector_load %arg7[%get3A_616, %get3A_617] {strides = array<i32>} : memref<40x128xi32, #tpu.memory_space<vmem>>, vector<1x16xi32>,
        %get3A_619 = vector.shape_cast %get3A_618 : vector<1x16xi32> to vector<16xi32>
        %mul3A_620 = arith.constant 10112 : i32
        %mul3A_621 = vector.broadcast %mul3A_620 : i32 to vector<16xi32>
        %mul3A_622 = arith.muli %get3A_619, %mul3A_621 : vector<16xi32>
        %add3A_623 = arith.addi %mul3A_622, %get3A_615 : vector<16xi32>
        %swap3A_624 = arith.constant 64 : index
        %swap3A_625 = tpu.vector_load %arg8[%swap3A_624] {strides = array<i32>} : memref<128xi32, #tpu.memory_space<vmem>>, vector<16xi32>,
        %swap3A_626 = vector.shape_cast %swap3A_625 : vector<16xi32> to vector<16xi32>
        %swap3A_627 = vector.shape_cast %add3A_623 : vector<16xi32> to vector<16xi32>
        tpu.vector_store %arg8[%swap3A_624], %swap3A_627 {strides = array<i32>} : memref<128xi32, #tpu.memory_space<vmem>>, vector<16xi32>,
        %get3A_628 = arith.index_cast %add3A_547 : i32 to index
        %get3A_629 = arith.constant 80 : index
        %get3A_630 = tpu.vector_load %arg6[%get3A_628, %get3A_629] {strides = array<i32>} : memref<40x128xi32, #tpu.memory_space<vmem>>, vector<1x16xi32>,
        %get3A_631 = vector.shape_cast %get3A_630 : vector<1x16xi32> to vector<16xi32>
        %get3A_632 = arith.index_cast %add3A_547 : i32 to index
        %get3A_633 = arith.constant 80 : index
        %get3A_634 = tpu.vector_load %arg7[%get3A_632, %get3A_633] {strides = array<i32>} : memref<40x128xi32, #tpu.memory_space<vmem>>, vector<1x16xi32>,
        %get3A_635 = vector.shape_cast %get3A_634 : vector<1x16xi32> to vector<16xi32>
        %mul3A_636 = arith.constant 10112 : i32
        %mul3A_637 = vector.broadcast %mul3A_636 : i32 to vector<16xi32>
        %mul3A_638 = arith.muli %get3A_635, %mul3A_637 : vector<16xi32>
        %add3A_639 = arith.addi %mul3A_638, %get3A_631 : vector<16xi32>
        %swap3A_640 = arith.constant 80 : index
        %swap3A_641 = tpu.vector_load %arg8[%swap3A_640] {strides = array<i32>} : memref<128xi32, #tpu.memory_space<vmem>>, vector<16xi32>,
        %swap3A_642 = vector.shape_cast %swap3A_641 : vector<16xi32> to vector<16xi32>
        %swap3A_643 = vector.shape_cast %add3A_639 : vector<16xi32> to vector<16xi32>
        tpu.vector_store %arg8[%swap3A_640], %swap3A_643 {strides = array<i32>} : memref<128xi32, #tpu.memory_space<vmem>>, vector<16xi32>,
        %get3A_644 = arith.index_cast %add3A_547 : i32 to index
        %get3A_645 = arith.constant 96 : index
        %get3A_646 = tpu.vector_load %arg6[%get3A_644, %get3A_645] {strides = array<i32>} : memref<40x128xi32, #tpu.memory_space<vmem>>, vector<1x16xi32>,
        %get3A_647 = vector.shape_cast %get3A_646 : vector<1x16xi32> to vector<16xi32>
        %get3A_648 = arith.index_cast %add3A_547 : i32 to index
        %get3A_649 = arith.constant 96 : index
        %get3A_650 = tpu.vector_load %arg7[%get3A_648, %get3A_649] {strides = array<i32>} : memref<40x128xi32, #tpu.memory_space<vmem>>, vector<1x16xi32>,
        %get3A_651 = vector.shape_cast %get3A_650 : vector<1x16xi32> to vector<16xi32>
        %mul3A_652 = arith.constant 10112 : i32
        %mul3A_653 = vector.broadcast %mul3A_652 : i32 to vector<16xi32>
        %mul3A_654 = arith.muli %get3A_651, %mul3A_653 : vector<16xi32>
        %add3A_655 = arith.addi %mul3A_654, %get3A_647 : vector<16xi32>
        %swap3A_656 = arith.constant 96 : index
        %swap3A_657 = tpu.vector_load %arg8[%swap3A_656] {strides = array<i32>} : memref<128xi32, #tpu.memory_space<vmem>>, vector<16xi32>,
        %swap3A_658 = vector.shape_cast %swap3A_657 : vector<16xi32> to vector<16xi32>
        %swap3A_659 = vector.shape_cast %add3A_655 : vector<16xi32> to vector<16xi32>
        tpu.vector_store %arg8[%swap3A_656], %swap3A_659 {strides = array<i32>} : memref<128xi32, #tpu.memory_space<vmem>>, vector<16xi32>,
        %get3A_660 = arith.index_cast %add3A_547 : i32 to index
        %get3A_661 = arith.constant 112 : index
        %get3A_662 = tpu.vector_load %arg6[%get3A_660, %get3A_661] {strides = array<i32>} : memref<40x128xi32, #tpu.memory_space<vmem>>, vector<1x16xi32>,
        %get3A_663 = vector.shape_cast %get3A_662 : vector<1x16xi32> to vector<16xi32>
        %get3A_664 = arith.index_cast %add3A_547 : i32 to index
        %get3A_665 = arith.constant 112 : index
        %get3A_666 = tpu.vector_load %arg7[%get3A_664, %get3A_665] {strides = array<i32>} : memref<40x128xi32, #tpu.memory_space<vmem>>, vector<1x16xi32>,
        %get3A_667 = vector.shape_cast %get3A_666 : vector<1x16xi32> to vector<16xi32>
        %mul3A_668 = arith.constant 10112 : i32
        %mul3A_669 = vector.broadcast %mul3A_668 : i32 to vector<16xi32>
        %mul3A_670 = arith.muli %get3A_667, %mul3A_669 : vector<16xi32>
        %add3A_671 = arith.addi %mul3A_670, %get3A_663 : vector<16xi32>
        %swap3A_672 = arith.constant 112 : index
        %swap3A_673 = tpu.vector_load %arg8[%swap3A_672] {strides = array<i32>} : memref<128xi32, #tpu.memory_space<vmem>>, vector<16xi32>,
        %swap3A_674 = vector.shape_cast %swap3A_673 : vector<16xi32> to vector<16xi32>
        %swap3A_675 = vector.shape_cast %add3A_671 : vector<16xi32> to vector<16xi32>
        tpu.vector_store %arg8[%swap3A_672], %swap3A_675 {strides = array<i32>} : memref<128xi32, #tpu.memory_space<vmem>>, vector<16xi32>,
        %dma_start3A_676 = arith.constant 0 : i32
        %dma_start3A_677 = tpu.memref_slice %arg5[%dma_start3A_676] : memref<647168xf32, #tpu.memory_space<vmem_shared>> -> memref<647168xf32, #tpu.memory_space<vmem_shared>>
        tpu.enqueue_indirect_dma source(%arg10 : memref<128xf32, #tpu.memory_space<vmem>>) target(%dma_start3A_677 : memref<647168xf32, #tpu.memory_space<vmem_shared>>) offsets(%arg8 : memref<128xi32, #tpu.memory_space<vmem>>) semaphore(%arg12 : memref<!tpu.dma_semaphore, #tpu.memory_space<semaphore_mem>>) {add = true}
      } else {
      }
      %dma_wait3A_542 = arith.constant 0 : i32
      %dma_wait3A_543 = tpu.memref_slice %arg5[%dma_wait3A_542] : memref<647168xf32, #tpu.memory_space<vmem_shared>> -> memref<647168xf32, #tpu.memory_space<vmem_shared>>
      tpu.wait_indirect_dma semaphore(%arg13 : memref<!tpu.dma_semaphore, #tpu.memory_space<semaphore_mem>>) src(%arg10 : memref<128xf32, #tpu.memory_space<vmem>>) dst(%dma_wait3A_543 : memref<647168xf32, #tpu.memory_space<vmem_shared>>)
    }
    %scan3A_370 = arith.constant 20 : i32
    %barrier3A_371 = arith.constant 0 : index
    tpu.barrier barrier_id(%barrier3A_371)
    %mul3A_372 = arith.constant 40448 : i32
    %mul3A_373 = arith.muli %arg1, %mul3A_372 : i32
    %add3A_374 = arith.constant 0 : i32
    %add3A_375 = arith.addi %mul3A_373, %add3A_374 : i32
    %mul3A_376 = arith.constant 4 : i32
    %mul3A_377 = arith.muli %arg1, %mul3A_376 : i32
    %add3A_378 = arith.constant 0 : i32
    %add3A_379 = arith.addi %mul3A_377, %add3A_378 : i32
    "tpu.region"() ({
      %run_scoped3A_404 = tpu.sem_alloc : memref<!tpu.dma_semaphore, #tpu.memory_space<semaphore_mem>>
      %dma_start3A_405 = arith.constant 0 : i32
      %dma_start3A_406 = tpu.memref_slice %arg4[%arg0, %add3A_379, %dma_start3A_405] : memref<2x64x10112xf32, #tpu.memory_space<hbm>> -> memref<1x1x10112xf32, #tpu.memory_space<hbm>>
      %dma_start3A_407 = tpu.memref_squeeze %dma_start3A_406 : memref<1x1x10112xf32, #tpu.memory_space<hbm>> -> memref<10112xf32, #tpu.memory_space<hbm>>
      %dma_start3A_408 = tpu.memref_slice %arg5[%add3A_375] : memref<647168xf32, #tpu.memory_space<vmem_shared>> -> memref<10112xf32, #tpu.memory_space<vmem_shared>>
      tpu.enqueue_dma source(%dma_start3A_408 : memref<10112xf32, #tpu.memory_space<vmem_shared>>) target(%dma_start3A_407 : memref<10112xf32, #tpu.memory_space<hbm>>) target_semaphore(%run_scoped3A_404 : memref<!tpu.dma_semaphore, #tpu.memory_space<semaphore_mem>>)
      %dma_wait3A = arith.constant 0 : i32
      %dma_wait3A_409 = tpu.memref_slice %arg4[%arg0, %add3A_379, %dma_wait3A] : memref<2x64x10112xf32, #tpu.memory_space<hbm>> -> memref<1x1x10112xf32, #tpu.memory_space<hbm>>
      %dma_wait3A_410 = tpu.memref_squeeze %dma_wait3A_409 : memref<1x1x10112xf32, #tpu.memory_space<hbm>> -> memref<10112xf32, #tpu.memory_space<hbm>>
      %dma_wait3A_411 = tpu.memref_slice %arg5[%add3A_375] : memref<647168xf32, #tpu.memory_space<vmem_shared>> -> memref<10112xf32, #tpu.memory_space<vmem_shared>>
      tpu.wait_dma2 semaphore(%run_scoped3A_404 : memref<!tpu.dma_semaphore, #tpu.memory_space<semaphore_mem>>) src(%dma_wait3A_411 : memref<10112xf32, #tpu.memory_space<vmem_shared>>) dst(%dma_wait3A_410 : memref<10112xf32, #tpu.memory_space<hbm>>)
      tpu.yield
    }) : () -> ()
    %mul3A_380 = arith.constant 40448 : i32
    %mul3A_381 = arith.muli %arg1, %mul3A_380 : i32
    %add3A_382 = arith.constant 10112 : i32
    %add3A_383 = arith.addi %mul3A_381, %add3A_382 : i32
    %mul3A_384 = arith.constant 4 : i32
    %mul3A_385 = arith.muli %arg1, %mul3A_384 : i32
    %add3A_386 = arith.constant 1 : i32
    %add3A_387 = arith.addi %mul3A_385, %add3A_386 : i32
    "tpu.region"() ({
      %run_scoped3A_404 = tpu.sem_alloc : memref<!tpu.dma_semaphore, #tpu.memory_space<semaphore_mem>>
      %dma_start3A_405 = arith.constant 0 : i32
      %dma_start3A_406 = tpu.memref_slice %arg4[%arg0, %add3A_387, %dma_start3A_405] : memref<2x64x10112xf32, #tpu.memory_space<hbm>> -> memref<1x1x10112xf32, #tpu.memory_space<hbm>>
      %dma_start3A_407 = tpu.memref_squeeze %dma_start3A_406 : memref<1x1x10112xf32, #tpu.memory_space<hbm>> -> memref<10112xf32, #tpu.memory_space<hbm>>
      %dma_start3A_408 = tpu.memref_slice %arg5[%add3A_383] : memref<647168xf32, #tpu.memory_space<vmem_shared>> -> memref<10112xf32, #tpu.memory_space<vmem_shared>>
      tpu.enqueue_dma source(%dma_start3A_408 : memref<10112xf32, #tpu.memory_space<vmem_shared>>) target(%dma_start3A_407 : memref<10112xf32, #tpu.memory_space<hbm>>) target_semaphore(%run_scoped3A_404 : memref<!tpu.dma_semaphore, #tpu.memory_space<semaphore_mem>>)
      %dma_wait3A = arith.constant 0 : i32
      %dma_wait3A_409 = tpu.memref_slice %arg4[%arg0, %add3A_387, %dma_wait3A] : memref<2x64x10112xf32, #tpu.memory_space<hbm>> -> memref<1x1x10112xf32, #tpu.memory_space<hbm>>
      %dma_wait3A_410 = tpu.memref_squeeze %dma_wait3A_409 : memref<1x1x10112xf32, #tpu.memory_space<hbm>> -> memref<10112xf32, #tpu.memory_space<hbm>>
      %dma_wait3A_411 = tpu.memref_slice %arg5[%add3A_383] : memref<647168xf32, #tpu.memory_space<vmem_shared>> -> memref<10112xf32, #tpu.memory_space<vmem_shared>>
      tpu.wait_dma2 semaphore(%run_scoped3A_404 : memref<!tpu.dma_semaphore, #tpu.memory_space<semaphore_mem>>) src(%dma_wait3A_411 : memref<10112xf32, #tpu.memory_space<vmem_shared>>) dst(%dma_wait3A_410 : memref<10112xf32, #tpu.memory_space<hbm>>)
      tpu.yield
    }) : () -> ()
    %mul3A_388 = arith.constant 40448 : i32
    %mul3A_389 = arith.muli %arg1, %mul3A_388 : i32
    %add3A_390 = arith.constant 20224 : i32
    %add3A_391 = arith.addi %mul3A_389, %add3A_390 : i32
    %mul3A_392 = arith.constant 4 : i32
    %mul3A_393 = arith.muli %arg1, %mul3A_392 : i32
    %add3A_394 = arith.constant 2 : i32
    %add3A_395 = arith.addi %mul3A_393, %add3A_394 : i32
    "tpu.region"() ({
      %run_scoped3A_404 = tpu.sem_alloc : memref<!tpu.dma_semaphore, #tpu.memory_space<semaphore_mem>>
      %dma_start3A_405 = arith.constant 0 : i32
      %dma_start3A_406 = tpu.memref_slice %arg4[%arg0, %add3A_395, %dma_start3A_405] : memref<2x64x10112xf32, #tpu.memory_space<hbm>> -> memref<1x1x10112xf32, #tpu.memory_space<hbm>>
      %dma_start3A_407 = tpu.memref_squeeze %dma_start3A_406 : memref<1x1x10112xf32, #tpu.memory_space<hbm>> -> memref<10112xf32, #tpu.memory_space<hbm>>
      %dma_start3A_408 = tpu.memref_slice %arg5[%add3A_391] : memref<647168xf32, #tpu.memory_space<vmem_shared>> -> memref<10112xf32, #tpu.memory_space<vmem_shared>>
      tpu.enqueue_dma source(%dma_start3A_408 : memref<10112xf32, #tpu.memory_space<vmem_shared>>) target(%dma_start3A_407 : memref<10112xf32, #tpu.memory_space<hbm>>) target_semaphore(%run_scoped3A_404 : memref<!tpu.dma_semaphore, #tpu.memory_space<semaphore_mem>>)
      %dma_wait3A = arith.constant 0 : i32
      %dma_wait3A_409 = tpu.memref_slice %arg4[%arg0, %add3A_395, %dma_wait3A] : memref<2x64x10112xf32, #tpu.memory_space<hbm>> -> memref<1x1x10112xf32, #tpu.memory_space<hbm>>
      %dma_wait3A_410 = tpu.memref_squeeze %dma_wait3A_409 : memref<1x1x10112xf32, #tpu.memory_space<hbm>> -> memref<10112xf32, #tpu.memory_space<hbm>>
      %dma_wait3A_411 = tpu.memref_slice %arg5[%add3A_391] : memref<647168xf32, #tpu.memory_space<vmem_shared>> -> memref<10112xf32, #tpu.memory_space<vmem_shared>>
      tpu.wait_dma2 semaphore(%run_scoped3A_404 : memref<!tpu.dma_semaphore, #tpu.memory_space<semaphore_mem>>) src(%dma_wait3A_411 : memref<10112xf32, #tpu.memory_space<vmem_shared>>) dst(%dma_wait3A_410 : memref<10112xf32, #tpu.memory_space<hbm>>)
      tpu.yield
    }) : () -> ()
    %mul3A_396 = arith.constant 40448 : i32
    %mul3A_397 = arith.muli %arg1, %mul3A_396 : i32
    %add3A_398 = arith.constant 30336 : i32
    %add3A_399 = arith.addi %mul3A_397, %add3A_398 : i32
    %mul3A_400 = arith.constant 4 : i32
    %mul3A_401 = arith.muli %arg1, %mul3A_400 : i32
    %add3A_402 = arith.constant 3 : i32
    %add3A_403 = arith.addi %mul3A_401, %add3A_402 : i32
    "tpu.region"() ({
      %run_scoped3A_404 = tpu.sem_alloc : memref<!tpu.dma_semaphore, #tpu.memory_space<semaphore_mem>>
      %dma_start3A_405 = arith.constant 0 : i32
      %dma_start3A_406 = tpu.memref_slice %arg4[%arg0, %add3A_403, %dma_start3A_405] : memref<2x64x10112xf32, #tpu.memory_space<hbm>> -> memref<1x1x10112xf32, #tpu.memory_space<hbm>>
      %dma_start3A_407 = tpu.memref_squeeze %dma_start3A_406 : memref<1x1x10112xf32, #tpu.memory_space<hbm>> -> memref<10112xf32, #tpu.memory_space<hbm>>
      %dma_start3A_408 = tpu.memref_slice %arg5[%add3A_399] : memref<647168xf32, #tpu.memory_space<vmem_shared>> -> memref<10112xf32, #tpu.memory_space<vmem_shared>>
      tpu.enqueue_dma source(%dma_start3A_408 : memref<10112xf32, #tpu.memory_space<vmem_shared>>) target(%dma_start3A_407 : memref<10112xf32, #tpu.memory_space<hbm>>) target_semaphore(%run_scoped3A_404 : memref<!tpu.dma_semaphore, #tpu.memory_space<semaphore_mem>>)
      %dma_wait3A = arith.constant 0 : i32
      %dma_wait3A_409 = tpu.memref_slice %arg4[%arg0, %add3A_403, %dma_wait3A] : memref<2x64x10112xf32, #tpu.memory_space<hbm>> -> memref<1x1x10112xf32, #tpu.memory_space<hbm>>
      %dma_wait3A_410 = tpu.memref_squeeze %dma_wait3A_409 : memref<1x1x10112xf32, #tpu.memory_space<hbm>> -> memref<10112xf32, #tpu.memory_space<hbm>>
      %dma_wait3A_411 = tpu.memref_slice %arg5[%add3A_399] : memref<647168xf32, #tpu.memory_space<vmem_shared>> -> memref<10112xf32, #tpu.memory_space<vmem_shared>>
      tpu.wait_dma2 semaphore(%run_scoped3A_404 : memref<!tpu.dma_semaphore, #tpu.memory_space<semaphore_mem>>) src(%dma_wait3A_411 : memref<10112xf32, #tpu.memory_space<vmem_shared>>) dst(%dma_wait3A_410 : memref<10112xf32, #tpu.memory_space<hbm>>)
      tpu.yield
    }) : () -> ()
    return
  }
}

#map = affine_map<(d0, d1) -> (0, 0, 0, 0)>
#map1 = affine_map<(d0, d1) -> (0, 0)>
#map2 = affine_map<(d0, d1) -> (0, 0, 0)>
module attributes {stable_mosaic.version = 14 : i64} {
  func.func @_sc_agg(%arg0: i32, %arg1: i32, %arg2: memref<2x32x80x128xi32, #tpu.memory_space<hbm>>, %arg3: memref<10000x128xf32, #tpu.memory_space<hbm>>, %arg4: memref<2x10112x128xf32, #tpu.memory_space<hbm>>, %arg5: memref<10112x128xf32, #tpu.memory_space<vmem_shared>>, %arg6: memref<40x128xi32, #tpu.memory_space<vmem>>, %arg7: memref<40x128xi32, #tpu.memory_space<vmem>>, %arg8: memref<128x128xf32, #tpu.memory_space<vmem>>, %arg9: memref<128x128xf32, #tpu.memory_space<vmem>>, %arg10: memref<!tpu.dma_semaphore, #tpu.memory_space<semaphore_mem>>, %arg11: memref<!tpu.dma_semaphore, #tpu.memory_space<semaphore_mem>>) attributes {dimension_semantics = [#tpu.dimension_semantics<core_parallel>, #tpu.dimension_semantics<subcore_parallel>], iteration_bounds = array<i64: 2, 16>, scalar_prefetch = 0 : i64, scratch_operands = 7 : i64, tpu.core_type = #tpu.core_type<sc_vector_subcore>, window_params = [{transform_indices = #map}, {transform_indices = #map1}, {transform_indices = #map2}]} {
    %mul3A = arith.constant 2 : i32
    %mul3A_0 = arith.muli %arg1, %mul3A : i32
    %add3A = arith.addi %mul3A_0, %arg0 : i32
    %run_scoped3A = arith.constant 0 : i32
    "tpu.region"() ({
      %run_scoped3A_75 = tpu.sem_alloc : memref<!tpu.dma_semaphore, #tpu.memory_space<semaphore_mem>>
      %dma_start3A_76 = arith.constant 0 : i32
      %dma_start3A_77 = arith.constant 0 : i32
      %dma_start3A_78 = tpu.memref_slice %arg2[%run_scoped3A, %add3A, %dma_start3A_76, %dma_start3A_77] : memref<2x32x80x128xi32, #tpu.memory_space<hbm>> -> memref<1x1x40x128xi32, #tpu.memory_space<hbm>>
      %dma_start3A_79 = tpu.memref_squeeze %dma_start3A_78 : memref<1x1x40x128xi32, #tpu.memory_space<hbm>> -> memref<40x128xi32, #tpu.memory_space<hbm>>
      %dma_start3A_80 = arith.constant 0 : i32
      %dma_start3A_81 = arith.constant 0 : i32
      %dma_start3A_82 = tpu.memref_slice %arg2[%run_scoped3A, %add3A, %dma_start3A_80, %dma_start3A_81] : memref<2x32x80x128xi32, #tpu.memory_space<hbm>> -> memref<1x1x40x128xi32, #tpu.memory_space<hbm>>
      %dma_start3A_83 = tpu.memref_squeeze %dma_start3A_82 : memref<1x1x40x128xi32, #tpu.memory_space<hbm>> -> memref<40x128xi32, #tpu.memory_space<hbm>>
      tpu.enqueue_dma source(%dma_start3A_83 : memref<40x128xi32, #tpu.memory_space<hbm>>) target(%arg6 : memref<40x128xi32, #tpu.memory_space<vmem>>) target_semaphore(%run_scoped3A_75 : memref<!tpu.dma_semaphore, #tpu.memory_space<semaphore_mem>>)
      %dma_wait3A = arith.constant 0 : i32
      %dma_wait3A_84 = arith.constant 0 : i32
      %dma_wait3A_85 = tpu.memref_slice %arg2[%run_scoped3A, %add3A, %dma_wait3A, %dma_wait3A_84] : memref<2x32x80x128xi32, #tpu.memory_space<hbm>> -> memref<1x1x40x128xi32, #tpu.memory_space<hbm>>
      %dma_wait3A_86 = tpu.memref_squeeze %dma_wait3A_85 : memref<1x1x40x128xi32, #tpu.memory_space<hbm>> -> memref<40x128xi32, #tpu.memory_space<hbm>>
      %dma_wait3A_87 = arith.constant 0 : i32
      %dma_wait3A_88 = arith.constant 0 : i32
      %dma_wait3A_89 = tpu.memref_slice %arg2[%run_scoped3A, %add3A, %dma_wait3A_87, %dma_wait3A_88] : memref<2x32x80x128xi32, #tpu.memory_space<hbm>> -> memref<1x1x40x128xi32, #tpu.memory_space<hbm>>
      %dma_wait3A_90 = tpu.memref_squeeze %dma_wait3A_89 : memref<1x1x40x128xi32, #tpu.memory_space<hbm>> -> memref<40x128xi32, #tpu.memory_space<hbm>>
      tpu.wait_dma2 semaphore(%run_scoped3A_75 : memref<!tpu.dma_semaphore, #tpu.memory_space<semaphore_mem>>) src(%dma_wait3A_90 : memref<40x128xi32, #tpu.memory_space<hbm>>) dst(%arg6 : memref<40x128xi32, #tpu.memory_space<vmem>>)
      tpu.yield
    }) : () -> ()
    %run_scoped3A_1 = arith.constant 1 : i32
    "tpu.region"() ({
      %run_scoped3A_75 = tpu.sem_alloc : memref<!tpu.dma_semaphore, #tpu.memory_space<semaphore_mem>>
      %dma_start3A_76 = arith.constant 0 : i32
      %dma_start3A_77 = arith.constant 0 : i32
      %dma_start3A_78 = tpu.memref_slice %arg2[%run_scoped3A_1, %add3A, %dma_start3A_76, %dma_start3A_77] : memref<2x32x80x128xi32, #tpu.memory_space<hbm>> -> memref<1x1x40x128xi32, #tpu.memory_space<hbm>>
      %dma_start3A_79 = tpu.memref_squeeze %dma_start3A_78 : memref<1x1x40x128xi32, #tpu.memory_space<hbm>> -> memref<40x128xi32, #tpu.memory_space<hbm>>
      %dma_start3A_80 = arith.constant 0 : i32
      %dma_start3A_81 = arith.constant 0 : i32
      %dma_start3A_82 = tpu.memref_slice %arg2[%run_scoped3A_1, %add3A, %dma_start3A_80, %dma_start3A_81] : memref<2x32x80x128xi32, #tpu.memory_space<hbm>> -> memref<1x1x40x128xi32, #tpu.memory_space<hbm>>
      %dma_start3A_83 = tpu.memref_squeeze %dma_start3A_82 : memref<1x1x40x128xi32, #tpu.memory_space<hbm>> -> memref<40x128xi32, #tpu.memory_space<hbm>>
      tpu.enqueue_dma source(%dma_start3A_83 : memref<40x128xi32, #tpu.memory_space<hbm>>) target(%arg7 : memref<40x128xi32, #tpu.memory_space<vmem>>) target_semaphore(%run_scoped3A_75 : memref<!tpu.dma_semaphore, #tpu.memory_space<semaphore_mem>>)
      %dma_wait3A = arith.constant 0 : i32
      %dma_wait3A_84 = arith.constant 0 : i32
      %dma_wait3A_85 = tpu.memref_slice %arg2[%run_scoped3A_1, %add3A, %dma_wait3A, %dma_wait3A_84] : memref<2x32x80x128xi32, #tpu.memory_space<hbm>> -> memref<1x1x40x128xi32, #tpu.memory_space<hbm>>
      %dma_wait3A_86 = tpu.memref_squeeze %dma_wait3A_85 : memref<1x1x40x128xi32, #tpu.memory_space<hbm>> -> memref<40x128xi32, #tpu.memory_space<hbm>>
      %dma_wait3A_87 = arith.constant 0 : i32
      %dma_wait3A_88 = arith.constant 0 : i32
      %dma_wait3A_89 = tpu.memref_slice %arg2[%run_scoped3A_1, %add3A, %dma_wait3A_87, %dma_wait3A_88] : memref<2x32x80x128xi32, #tpu.memory_space<hbm>> -> memref<1x1x40x128xi32, #tpu.memory_space<hbm>>
      %dma_wait3A_90 = tpu.memref_squeeze %dma_wait3A_89 : memref<1x1x40x128xi32, #tpu.memory_space<hbm>> -> memref<40x128xi32, #tpu.memory_space<hbm>>
      tpu.wait_dma2 semaphore(%run_scoped3A_75 : memref<!tpu.dma_semaphore, #tpu.memory_space<semaphore_mem>>) src(%dma_wait3A_90 : memref<40x128xi32, #tpu.memory_space<hbm>>) dst(%arg7 : memref<40x128xi32, #tpu.memory_space<vmem>>)
      tpu.yield
    }) : () -> ()
    %dma_start3A = arith.constant 0 : i32
    %dma_start3A_2 = arith.constant 0 : i32
    %dma_start3A_3 = tpu.memref_slice %arg6[%dma_start3A, %dma_start3A_2] : memref<40x128xi32, #tpu.memory_space<vmem>> -> memref<1x128xi32, #tpu.memory_space<vmem>>
    %dma_start3A_4 = tpu.memref_squeeze %dma_start3A_3 : memref<1x128xi32, #tpu.memory_space<vmem>> -> memref<128xi32, #tpu.memory_space<vmem>>
    %dma_start3A_5 = arith.constant 0 : i32
    %dma_start3A_6 = arith.constant 0 : i32
    %dma_start3A_7 = tpu.memref_slice %arg3[%dma_start3A_5, %dma_start3A_6] : memref<10000x128xf32, #tpu.memory_space<hbm>> -> memref<10000x128xf32, #tpu.memory_space<hbm>>
    tpu.enqueue_indirect_dma source(%dma_start3A_7 : memref<10000x128xf32, #tpu.memory_space<hbm>>) target(%arg8 : memref<128x128xf32, #tpu.memory_space<vmem>>) offsets(%dma_start3A_4 : memref<128xi32, #tpu.memory_space<vmem>>) semaphore(%arg10 : memref<!tpu.dma_semaphore, #tpu.memory_space<semaphore_mem>>)
    %scan3A = arith.constant 0 : i32
    %scan3A_8 = arith.constant 0 : i32
    %scan3A_9 = arith.constant 128 : i32
    %scan3A_10 = arith.addi %scan3A_8, %scan3A_9 : i32
    %scan3A_11 = arith.constant 1 : i32
    scf.for %scan3A_75 = %scan3A_8 to %scan3A_10 step %scan3A_11  : i32 {
      %broadcast_in_dim3A = arith.constant 0.000000e+00 : f32
      %broadcast_in_dim3A_76 = vector.broadcast %broadcast_in_dim3A : f32 to vector<16xf32>
      %swap3A = arith.index_cast %scan3A_75 : i32 to index
      %swap3A_77 = arith.constant 0 : index
      %swap3A_78 = tpu.vector_load %arg9[%swap3A, %swap3A_77] {strides = array<i32>} : memref<128x128xf32, #tpu.memory_space<vmem>>, vector<1x16xf32>,
      %swap3A_79 = vector.shape_cast %swap3A_78 : vector<1x16xf32> to vector<16xf32>
      %swap3A_80 = vector.shape_cast %broadcast_in_dim3A_76 : vector<16xf32> to vector<1x16xf32>
      tpu.vector_store %arg9[%swap3A, %swap3A_77], %swap3A_80 {strides = array<i32>} : memref<128x128xf32, #tpu.memory_space<vmem>>, vector<1x16xf32>,
      %broadcast_in_dim3A_81 = arith.constant 0.000000e+00 : f32
      %broadcast_in_dim3A_82 = vector.broadcast %broadcast_in_dim3A_81 : f32 to vector<16xf32>
      %swap3A_83 = arith.index_cast %scan3A_75 : i32 to index
      %swap3A_84 = arith.constant 16 : index
      %swap3A_85 = tpu.vector_load %arg9[%swap3A_83, %swap3A_84] {strides = array<i32>} : memref<128x128xf32, #tpu.memory_space<vmem>>, vector<1x16xf32>,
      %swap3A_86 = vector.shape_cast %swap3A_85 : vector<1x16xf32> to vector<16xf32>
      %swap3A_87 = vector.shape_cast %broadcast_in_dim3A_82 : vector<16xf32> to vector<1x16xf32>
      tpu.vector_store %arg9[%swap3A_83, %swap3A_84], %swap3A_87 {strides = array<i32>} : memref<128x128xf32, #tpu.memory_space<vmem>>, vector<1x16xf32>,
      %broadcast_in_dim3A_88 = arith.constant 0.000000e+00 : f32
      %broadcast_in_dim3A_89 = vector.broadcast %broadcast_in_dim3A_88 : f32 to vector<16xf32>
      %swap3A_90 = arith.index_cast %scan3A_75 : i32 to index
      %swap3A_91 = arith.constant 32 : index
      %swap3A_92 = tpu.vector_load %arg9[%swap3A_90, %swap3A_91] {strides = array<i32>} : memref<128x128xf32, #tpu.memory_space<vmem>>, vector<1x16xf32>,
      %swap3A_93 = vector.shape_cast %swap3A_92 : vector<1x16xf32> to vector<16xf32>
      %swap3A_94 = vector.shape_cast %broadcast_in_dim3A_89 : vector<16xf32> to vector<1x16xf32>
      tpu.vector_store %arg9[%swap3A_90, %swap3A_91], %swap3A_94 {strides = array<i32>} : memref<128x128xf32, #tpu.memory_space<vmem>>, vector<1x16xf32>,
      %broadcast_in_dim3A_95 = arith.constant 0.000000e+00 : f32
      %broadcast_in_dim3A_96 = vector.broadcast %broadcast_in_dim3A_95 : f32 to vector<16xf32>
      %swap3A_97 = arith.index_cast %scan3A_75 : i32 to index
      %swap3A_98 = arith.constant 48 : index
      %swap3A_99 = tpu.vector_load %arg9[%swap3A_97, %swap3A_98] {strides = array<i32>} : memref<128x128xf32, #tpu.memory_space<vmem>>, vector<1x16xf32>,
      %swap3A_100 = vector.shape_cast %swap3A_99 : vector<1x16xf32> to vector<16xf32>
      %swap3A_101 = vector.shape_cast %broadcast_in_dim3A_96 : vector<16xf32> to vector<1x16xf32>
      tpu.vector_store %arg9[%swap3A_97, %swap3A_98], %swap3A_101 {strides = array<i32>} : memref<128x128xf32, #tpu.memory_space<vmem>>, vector<1x16xf32>,
      %broadcast_in_dim3A_102 = arith.constant 0.000000e+00 : f32
      %broadcast_in_dim3A_103 = vector.broadcast %broadcast_in_dim3A_102 : f32 to vector<16xf32>
      %swap3A_104 = arith.index_cast %scan3A_75 : i32 to index
      %swap3A_105 = arith.constant 64 : index
      %swap3A_106 = tpu.vector_load %arg9[%swap3A_104, %swap3A_105] {strides = array<i32>} : memref<128x128xf32, #tpu.memory_space<vmem>>, vector<1x16xf32>,
      %swap3A_107 = vector.shape_cast %swap3A_106 : vector<1x16xf32> to vector<16xf32>
      %swap3A_108 = vector.shape_cast %broadcast_in_dim3A_103 : vector<16xf32> to vector<1x16xf32>
      tpu.vector_store %arg9[%swap3A_104, %swap3A_105], %swap3A_108 {strides = array<i32>} : memref<128x128xf32, #tpu.memory_space<vmem>>, vector<1x16xf32>,
      %broadcast_in_dim3A_109 = arith.constant 0.000000e+00 : f32
      %broadcast_in_dim3A_110 = vector.broadcast %broadcast_in_dim3A_109 : f32 to vector<16xf32>
      %swap3A_111 = arith.index_cast %scan3A_75 : i32 to index
      %swap3A_112 = arith.constant 80 : index
      %swap3A_113 = tpu.vector_load %arg9[%swap3A_111, %swap3A_112] {strides = array<i32>} : memref<128x128xf32, #tpu.memory_space<vmem>>, vector<1x16xf32>,
      %swap3A_114 = vector.shape_cast %swap3A_113 : vector<1x16xf32> to vector<16xf32>
      %swap3A_115 = vector.shape_cast %broadcast_in_dim3A_110 : vector<16xf32> to vector<1x16xf32>
      tpu.vector_store %arg9[%swap3A_111, %swap3A_112], %swap3A_115 {strides = array<i32>} : memref<128x128xf32, #tpu.memory_space<vmem>>, vector<1x16xf32>,
      %broadcast_in_dim3A_116 = arith.constant 0.000000e+00 : f32
      %broadcast_in_dim3A_117 = vector.broadcast %broadcast_in_dim3A_116 : f32 to vector<16xf32>
      %swap3A_118 = arith.index_cast %scan3A_75 : i32 to index
      %swap3A_119 = arith.constant 96 : index
      %swap3A_120 = tpu.vector_load %arg9[%swap3A_118, %swap3A_119] {strides = array<i32>} : memref<128x128xf32, #tpu.memory_space<vmem>>, vector<1x16xf32>,
      %swap3A_121 = vector.shape_cast %swap3A_120 : vector<1x16xf32> to vector<16xf32>
      %swap3A_122 = vector.shape_cast %broadcast_in_dim3A_117 : vector<16xf32> to vector<1x16xf32>
      tpu.vector_store %arg9[%swap3A_118, %swap3A_119], %swap3A_122 {strides = array<i32>} : memref<128x128xf32, #tpu.memory_space<vmem>>, vector<1x16xf32>,
      %broadcast_in_dim3A_123 = arith.constant 0.000000e+00 : f32
      %broadcast_in_dim3A_124 = vector.broadcast %broadcast_in_dim3A_123 : f32 to vector<16xf32>
      %swap3A_125 = arith.index_cast %scan3A_75 : i32 to index
      %swap3A_126 = arith.constant 112 : index
      %swap3A_127 = tpu.vector_load %arg9[%swap3A_125, %swap3A_126] {strides = array<i32>} : memref<128x128xf32, #tpu.memory_space<vmem>>, vector<1x16xf32>,
      %swap3A_128 = vector.shape_cast %swap3A_127 : vector<1x16xf32> to vector<16xf32>
      %swap3A_129 = vector.shape_cast %broadcast_in_dim3A_124 : vector<16xf32> to vector<1x16xf32>
      tpu.vector_store %arg9[%swap3A_125, %swap3A_126], %swap3A_129 {strides = array<i32>} : memref<128x128xf32, #tpu.memory_space<vmem>>, vector<1x16xf32>,
    }
    %scan3A_12 = arith.constant 128 : i32
    %mul3A_13 = arith.constant 632 : i32
    %mul3A_14 = arith.muli %arg1, %mul3A_13 : i32
    %add3A_15 = arith.constant 0 : i32
    %add3A_16 = arith.addi %mul3A_14, %add3A_15 : i32
    "tpu.region"() ({
      %run_scoped3A_75 = tpu.sem_alloc : memref<!tpu.dma_semaphore, #tpu.memory_space<semaphore_mem>>
      %dma_start3A_76 = arith.constant 0 : i32
      %dma_start3A_77 = tpu.memref_slice %arg5[%add3A_16, %dma_start3A_76] : memref<10112x128xf32, #tpu.memory_space<vmem_shared>> -> memref<128x128xf32, #tpu.memory_space<vmem_shared>>
      %dma_start3A_78 = arith.constant 0 : i32
      %dma_start3A_79 = tpu.memref_slice %arg5[%add3A_16, %dma_start3A_78] : memref<10112x128xf32, #tpu.memory_space<vmem_shared>> -> memref<128x128xf32, #tpu.memory_space<vmem_shared>>
      tpu.enqueue_dma source(%arg9 : memref<128x128xf32, #tpu.memory_space<vmem>>) target(%dma_start3A_79 : memref<128x128xf32, #tpu.memory_space<vmem_shared>>) target_semaphore(%run_scoped3A_75 : memref<!tpu.dma_semaphore, #tpu.memory_space<semaphore_mem>>)
      %dma_wait3A = arith.constant 0 : i32
      %dma_wait3A_80 = tpu.memref_slice %arg5[%add3A_16, %dma_wait3A] : memref<10112x128xf32, #tpu.memory_space<vmem_shared>> -> memref<128x128xf32, #tpu.memory_space<vmem_shared>>
      %dma_wait3A_81 = arith.constant 0 : i32
      %dma_wait3A_82 = tpu.memref_slice %arg5[%add3A_16, %dma_wait3A_81] : memref<10112x128xf32, #tpu.memory_space<vmem_shared>> -> memref<128x128xf32, #tpu.memory_space<vmem_shared>>
      tpu.wait_dma2 semaphore(%run_scoped3A_75 : memref<!tpu.dma_semaphore, #tpu.memory_space<semaphore_mem>>) src(%arg9 : memref<128x128xf32, #tpu.memory_space<vmem>>) dst(%dma_wait3A_82 : memref<128x128xf32, #tpu.memory_space<vmem_shared>>)
      tpu.yield
    }) : () -> ()
    %mul3A_17 = arith.constant 632 : i32
    %mul3A_18 = arith.muli %arg1, %mul3A_17 : i32
    %add3A_19 = arith.constant 128 : i32
    %add3A_20 = arith.addi %mul3A_18, %add3A_19 : i32
    "tpu.region"() ({
      %run_scoped3A_75 = tpu.sem_alloc : memref<!tpu.dma_semaphore, #tpu.memory_space<semaphore_mem>>
      %dma_start3A_76 = arith.constant 0 : i32
      %dma_start3A_77 = tpu.memref_slice %arg5[%add3A_20, %dma_start3A_76] : memref<10112x128xf32, #tpu.memory_space<vmem_shared>> -> memref<128x128xf32, #tpu.memory_space<vmem_shared>>
      %dma_start3A_78 = arith.constant 0 : i32
      %dma_start3A_79 = tpu.memref_slice %arg5[%add3A_20, %dma_start3A_78] : memref<10112x128xf32, #tpu.memory_space<vmem_shared>> -> memref<128x128xf32, #tpu.memory_space<vmem_shared>>
      tpu.enqueue_dma source(%arg9 : memref<128x128xf32, #tpu.memory_space<vmem>>) target(%dma_start3A_79 : memref<128x128xf32, #tpu.memory_space<vmem_shared>>) target_semaphore(%run_scoped3A_75 : memref<!tpu.dma_semaphore, #tpu.memory_space<semaphore_mem>>)
      %dma_wait3A = arith.constant 0 : i32
      %dma_wait3A_80 = tpu.memref_slice %arg5[%add3A_20, %dma_wait3A] : memref<10112x128xf32, #tpu.memory_space<vmem_shared>> -> memref<128x128xf32, #tpu.memory_space<vmem_shared>>
      %dma_wait3A_81 = arith.constant 0 : i32
      %dma_wait3A_82 = tpu.memref_slice %arg5[%add3A_20, %dma_wait3A_81] : memref<10112x128xf32, #tpu.memory_space<vmem_shared>> -> memref<128x128xf32, #tpu.memory_space<vmem_shared>>
      tpu.wait_dma2 semaphore(%run_scoped3A_75 : memref<!tpu.dma_semaphore, #tpu.memory_space<semaphore_mem>>) src(%arg9 : memref<128x128xf32, #tpu.memory_space<vmem>>) dst(%dma_wait3A_82 : memref<128x128xf32, #tpu.memory_space<vmem_shared>>)
      tpu.yield
    }) : () -> ()
    %mul3A_21 = arith.constant 632 : i32
    %mul3A_22 = arith.muli %arg1, %mul3A_21 : i32
    %add3A_23 = arith.constant 256 : i32
    %add3A_24 = arith.addi %mul3A_22, %add3A_23 : i32
    "tpu.region"() ({
      %run_scoped3A_75 = tpu.sem_alloc : memref<!tpu.dma_semaphore, #tpu.memory_space<semaphore_mem>>
      %dma_start3A_76 = arith.constant 0 : i32
      %dma_start3A_77 = tpu.memref_slice %arg5[%add3A_24, %dma_start3A_76] : memref<10112x128xf32, #tpu.memory_space<vmem_shared>> -> memref<128x128xf32, #tpu.memory_space<vmem_shared>>
      %dma_start3A_78 = arith.constant 0 : i32
      %dma_start3A_79 = tpu.memref_slice %arg5[%add3A_24, %dma_start3A_78] : memref<10112x128xf32, #tpu.memory_space<vmem_shared>> -> memref<128x128xf32, #tpu.memory_space<vmem_shared>>
      tpu.enqueue_dma source(%arg9 : memref<128x128xf32, #tpu.memory_space<vmem>>) target(%dma_start3A_79 : memref<128x128xf32, #tpu.memory_space<vmem_shared>>) target_semaphore(%run_scoped3A_75 : memref<!tpu.dma_semaphore, #tpu.memory_space<semaphore_mem>>)
      %dma_wait3A = arith.constant 0 : i32
      %dma_wait3A_80 = tpu.memref_slice %arg5[%add3A_24, %dma_wait3A] : memref<10112x128xf32, #tpu.memory_space<vmem_shared>> -> memref<128x128xf32, #tpu.memory_space<vmem_shared>>
      %dma_wait3A_81 = arith.constant 0 : i32
      %dma_wait3A_82 = tpu.memref_slice %arg5[%add3A_24, %dma_wait3A_81] : memref<10112x128xf32, #tpu.memory_space<vmem_shared>> -> memref<128x128xf32, #tpu.memory_space<vmem_shared>>
      tpu.wait_dma2 semaphore(%run_scoped3A_75 : memref<!tpu.dma_semaphore, #tpu.memory_space<semaphore_mem>>) src(%arg9 : memref<128x128xf32, #tpu.memory_space<vmem>>) dst(%dma_wait3A_82 : memref<128x128xf32, #tpu.memory_space<vmem_shared>>)
      tpu.yield
    }) : () -> ()
    %mul3A_25 = arith.constant 632 : i32
    %mul3A_26 = arith.muli %arg1, %mul3A_25 : i32
    %add3A_27 = arith.constant 384 : i32
    %add3A_28 = arith.addi %mul3A_26, %add3A_27 : i32
    "tpu.region"() ({
      %run_scoped3A_75 = tpu.sem_alloc : memref<!tpu.dma_semaphore, #tpu.memory_space<semaphore_mem>>
      %dma_start3A_76 = arith.constant 0 : i32
      %dma_start3A_77 = tpu.memref_slice %arg5[%add3A_28, %dma_start3A_76] : memref<10112x128xf32, #tpu.memory_space<vmem_shared>> -> memref<128x128xf32, #tpu.memory_space<vmem_shared>>
      %dma_start3A_78 = arith.constant 0 : i32
      %dma_start3A_79 = tpu.memref_slice %arg5[%add3A_28, %dma_start3A_78] : memref<10112x128xf32, #tpu.memory_space<vmem_shared>> -> memref<128x128xf32, #tpu.memory_space<vmem_shared>>
      tpu.enqueue_dma source(%arg9 : memref<128x128xf32, #tpu.memory_space<vmem>>) target(%dma_start3A_79 : memref<128x128xf32, #tpu.memory_space<vmem_shared>>) target_semaphore(%run_scoped3A_75 : memref<!tpu.dma_semaphore, #tpu.memory_space<semaphore_mem>>)
      %dma_wait3A = arith.constant 0 : i32
      %dma_wait3A_80 = tpu.memref_slice %arg5[%add3A_28, %dma_wait3A] : memref<10112x128xf32, #tpu.memory_space<vmem_shared>> -> memref<128x128xf32, #tpu.memory_space<vmem_shared>>
      %dma_wait3A_81 = arith.constant 0 : i32
      %dma_wait3A_82 = tpu.memref_slice %arg5[%add3A_28, %dma_wait3A_81] : memref<10112x128xf32, #tpu.memory_space<vmem_shared>> -> memref<128x128xf32, #tpu.memory_space<vmem_shared>>
      tpu.wait_dma2 semaphore(%run_scoped3A_75 : memref<!tpu.dma_semaphore, #tpu.memory_space<semaphore_mem>>) src(%arg9 : memref<128x128xf32, #tpu.memory_space<vmem>>) dst(%dma_wait3A_82 : memref<128x128xf32, #tpu.memory_space<vmem_shared>>)
      tpu.yield
    }) : () -> ()
    %mul3A_29 = arith.constant 632 : i32
    %mul3A_30 = arith.muli %arg1, %mul3A_29 : i32
    %add3A_31 = arith.constant 512 : i32
    %add3A_32 = arith.addi %mul3A_30, %add3A_31 : i32
    "tpu.region"() ({
      %run_scoped3A_75 = tpu.sem_alloc : memref<!tpu.dma_semaphore, #tpu.memory_space<semaphore_mem>>
      %dma_start3A_76 = arith.constant 0 : i32
      %dma_start3A_77 = arith.constant 0 : i32
      %dma_start3A_78 = tpu.memref_slice %arg9[%dma_start3A_76, %dma_start3A_77] : memref<128x128xf32, #tpu.memory_space<vmem>> -> memref<120x128xf32, #tpu.memory_space<vmem>>
      %dma_start3A_79 = arith.constant 0 : i32
      %dma_start3A_80 = tpu.memref_slice %arg5[%add3A_32, %dma_start3A_79] : memref<10112x128xf32, #tpu.memory_space<vmem_shared>> -> memref<120x128xf32, #tpu.memory_space<vmem_shared>>
      %dma_start3A_81 = arith.constant 0 : i32
      %dma_start3A_82 = tpu.memref_slice %arg5[%add3A_32, %dma_start3A_81] : memref<10112x128xf32, #tpu.memory_space<vmem_shared>> -> memref<120x128xf32, #tpu.memory_space<vmem_shared>>
      %dma_start3A_83 = arith.constant 0 : i32
      %dma_start3A_84 = arith.constant 0 : i32
      %dma_start3A_85 = tpu.memref_slice %arg9[%dma_start3A_83, %dma_start3A_84] : memref<128x128xf32, #tpu.memory_space<vmem>> -> memref<120x128xf32, #tpu.memory_space<vmem>>
      tpu.enqueue_dma source(%dma_start3A_85 : memref<120x128xf32, #tpu.memory_space<vmem>>) target(%dma_start3A_82 : memref<120x128xf32, #tpu.memory_space<vmem_shared>>) target_semaphore(%run_scoped3A_75 : memref<!tpu.dma_semaphore, #tpu.memory_space<semaphore_mem>>)
      %dma_wait3A = arith.constant 0 : i32
      %dma_wait3A_86 = arith.constant 0 : i32
      %dma_wait3A_87 = tpu.memref_slice %arg9[%dma_wait3A, %dma_wait3A_86] : memref<128x128xf32, #tpu.memory_space<vmem>> -> memref<120x128xf32, #tpu.memory_space<vmem>>
      %dma_wait3A_88 = arith.constant 0 : i32
      %dma_wait3A_89 = tpu.memref_slice %arg5[%add3A_32, %dma_wait3A_88] : memref<10112x128xf32, #tpu.memory_space<vmem_shared>> -> memref<120x128xf32, #tpu.memory_space<vmem_shared>>
      %dma_wait3A_90 = arith.constant 0 : i32
      %dma_wait3A_91 = tpu.memref_slice %arg5[%add3A_32, %dma_wait3A_90] : memref<10112x128xf32, #tpu.memory_space<vmem_shared>> -> memref<120x128xf32, #tpu.memory_space<vmem_shared>>
      %dma_wait3A_92 = arith.constant 0 : i32
      %dma_wait3A_93 = arith.constant 0 : i32
      %dma_wait3A_94 = tpu.memref_slice %arg9[%dma_wait3A_92, %dma_wait3A_93] : memref<128x128xf32, #tpu.memory_space<vmem>> -> memref<120x128xf32, #tpu.memory_space<vmem>>
      tpu.wait_dma2 semaphore(%run_scoped3A_75 : memref<!tpu.dma_semaphore, #tpu.memory_space<semaphore_mem>>) src(%dma_wait3A_94 : memref<120x128xf32, #tpu.memory_space<vmem>>) dst(%dma_wait3A_91 : memref<120x128xf32, #tpu.memory_space<vmem_shared>>)
      tpu.yield
    }) : () -> ()
    %barrier3A = arith.constant 0 : index
    tpu.barrier barrier_id(%barrier3A)
    %scan3A_33 = arith.constant 0 : i32
    %scan3A_34 = arith.constant 0 : i32
    %scan3A_35 = arith.constant 20 : i32
    %scan3A_36 = arith.addi %scan3A_34, %scan3A_35 : i32
    %scan3A_37 = arith.constant 1 : i32
    scf.for %scan3A_75 = %scan3A_34 to %scan3A_36 step %scan3A_37  : i32 {
      %mul3A_76 = arith.constant 2 : i32
      %mul3A_77 = arith.muli %mul3A_76, %scan3A_75 : i32
      %add3A_78 = arith.constant 1 : i32
      %add3A_79 = arith.addi %mul3A_77, %add3A_78 : i32
      %dma_start3A_80 = arith.constant 0 : i32
      %dma_start3A_81 = tpu.memref_slice %arg6[%add3A_79, %dma_start3A_80] : memref<40x128xi32, #tpu.memory_space<vmem>> -> memref<1x128xi32, #tpu.memory_space<vmem>>
      %dma_start3A_82 = tpu.memref_squeeze %dma_start3A_81 : memref<1x128xi32, #tpu.memory_space<vmem>> -> memref<128xi32, #tpu.memory_space<vmem>>
      %dma_start3A_83 = arith.constant 0 : i32
      %dma_start3A_84 = arith.constant 0 : i32
      %dma_start3A_85 = tpu.memref_slice %arg3[%dma_start3A_83, %dma_start3A_84] : memref<10000x128xf32, #tpu.memory_space<hbm>> -> memref<10000x128xf32, #tpu.memory_space<hbm>>
      tpu.enqueue_indirect_dma source(%dma_start3A_85 : memref<10000x128xf32, #tpu.memory_space<hbm>>) target(%arg9 : memref<128x128xf32, #tpu.memory_space<vmem>>) offsets(%dma_start3A_82 : memref<128xi32, #tpu.memory_space<vmem>>) semaphore(%arg11 : memref<!tpu.dma_semaphore, #tpu.memory_space<semaphore_mem>>)
      %mul3A_86 = arith.constant 2 : i32
      %mul3A_87 = arith.muli %mul3A_86, %scan3A_75 : i32
      %dma_wait3A = arith.constant 0 : i32
      %dma_wait3A_88 = tpu.memref_slice %arg6[%mul3A_87, %dma_wait3A] : memref<40x128xi32, #tpu.memory_space<vmem>> -> memref<1x128xi32, #tpu.memory_space<vmem>>
      %dma_wait3A_89 = tpu.memref_squeeze %dma_wait3A_88 : memref<1x128xi32, #tpu.memory_space<vmem>> -> memref<128xi32, #tpu.memory_space<vmem>>
      %dma_wait3A_90 = arith.constant 0 : i32
      %dma_wait3A_91 = arith.constant 0 : i32
      %dma_wait3A_92 = tpu.memref_slice %arg3[%dma_wait3A_90, %dma_wait3A_91] : memref<10000x128xf32, #tpu.memory_space<hbm>> -> memref<10000x128xf32, #tpu.memory_space<hbm>>
      tpu.wait_indirect_dma semaphore(%arg10 : memref<!tpu.dma_semaphore, #tpu.memory_space<semaphore_mem>>) src(%dma_wait3A_92 : memref<10000x128xf32, #tpu.memory_space<hbm>>) dst(%arg8 : memref<128x128xf32, #tpu.memory_space<vmem>>)
      %mul3A_93 = arith.constant 2 : i32
      %mul3A_94 = arith.muli %mul3A_93, %scan3A_75 : i32
      "tpu.region"() ({
        %run_scoped3A_111 = tpu.sem_alloc : memref<!tpu.dma_semaphore, #tpu.memory_space<semaphore_mem>>
        %dma_start3A_112 = arith.constant 0 : i32
        %dma_start3A_113 = tpu.memref_slice %arg7[%mul3A_94, %dma_start3A_112] : memref<40x128xi32, #tpu.memory_space<vmem>> -> memref<1x128xi32, #tpu.memory_space<vmem>>
        %dma_start3A_114 = tpu.memref_squeeze %dma_start3A_113 : memref<1x128xi32, #tpu.memory_space<vmem>> -> memref<128xi32, #tpu.memory_space<vmem>>
        %dma_start3A_115 = arith.constant 0 : i32
        %dma_start3A_116 = arith.constant 0 : i32
        %dma_start3A_117 = tpu.memref_slice %arg5[%dma_start3A_115, %dma_start3A_116] : memref<10112x128xf32, #tpu.memory_space<vmem_shared>> -> memref<10112x128xf32, #tpu.memory_space<vmem_shared>>
        tpu.enqueue_indirect_dma source(%arg8 : memref<128x128xf32, #tpu.memory_space<vmem>>) target(%dma_start3A_117 : memref<10112x128xf32, #tpu.memory_space<vmem_shared>>) offsets(%dma_start3A_114 : memref<128xi32, #tpu.memory_space<vmem>>) semaphore(%run_scoped3A_111 : memref<!tpu.dma_semaphore, #tpu.memory_space<semaphore_mem>>) {add = true}
        %dma_wait3A_118 = arith.constant 0 : i32
        %dma_wait3A_119 = tpu.memref_slice %arg7[%mul3A_94, %dma_wait3A_118] : memref<40x128xi32, #tpu.memory_space<vmem>> -> memref<1x128xi32, #tpu.memory_space<vmem>>
        %dma_wait3A_120 = tpu.memref_squeeze %dma_wait3A_119 : memref<1x128xi32, #tpu.memory_space<vmem>> -> memref<128xi32, #tpu.memory_space<vmem>>
        %dma_wait3A_121 = arith.constant 0 : i32
        %dma_wait3A_122 = arith.constant 0 : i32
        %dma_wait3A_123 = tpu.memref_slice %arg5[%dma_wait3A_121, %dma_wait3A_122] : memref<10112x128xf32, #tpu.memory_space<vmem_shared>> -> memref<10112x128xf32, #tpu.memory_space<vmem_shared>>
        tpu.wait_indirect_dma semaphore(%run_scoped3A_111 : memref<!tpu.dma_semaphore, #tpu.memory_space<semaphore_mem>>) src(%arg8 : memref<128x128xf32, #tpu.memory_space<vmem>>) dst(%dma_wait3A_123 : memref<10112x128xf32, #tpu.memory_space<vmem_shared>>)
        tpu.yield
      }) : () -> ()
      %lt3A = arith.constant 19 : i32
      %lt3A_95 = arith.cmpi slt, %scan3A_75, %lt3A : i32
      %convert_element_type3A = arith.extui %lt3A_95 : i1 to i32
      %cond3A = arith.constant 0 : i32
      %cond3A_96 = arith.cmpi ne, %convert_element_type3A, %cond3A : i32
      scf.if %cond3A_96 {
        %mul3A_111 = arith.constant 2 : i32
        %mul3A_112 = arith.muli %mul3A_111, %scan3A_75 : i32
        %add3A_113 = arith.constant 2 : i32
        %add3A_114 = arith.addi %mul3A_112, %add3A_113 : i32
        %dma_start3A_115 = arith.constant 0 : i32
        %dma_start3A_116 = tpu.memref_slice %arg6[%add3A_114, %dma_start3A_115] : memref<40x128xi32, #tpu.memory_space<vmem>> -> memref<1x128xi32, #tpu.memory_space<vmem>>
        %dma_start3A_117 = tpu.memref_squeeze %dma_start3A_116 : memref<1x128xi32, #tpu.memory_space<vmem>> -> memref<128xi32, #tpu.memory_space<vmem>>
        %dma_start3A_118 = arith.constant 0 : i32
        %dma_start3A_119 = arith.constant 0 : i32
        %dma_start3A_120 = tpu.memref_slice %arg3[%dma_start3A_118, %dma_start3A_119] : memref<10000x128xf32, #tpu.memory_space<hbm>> -> memref<10000x128xf32, #tpu.memory_space<hbm>>
        tpu.enqueue_indirect_dma source(%dma_start3A_120 : memref<10000x128xf32, #tpu.memory_space<hbm>>) target(%arg8 : memref<128x128xf32, #tpu.memory_space<vmem>>) offsets(%dma_start3A_117 : memref<128xi32, #tpu.memory_space<vmem>>) semaphore(%arg10 : memref<!tpu.dma_semaphore, #tpu.memory_space<semaphore_mem>>)
      } else {
      }
      %mul3A_97 = arith.constant 2 : i32
      %mul3A_98 = arith.muli %mul3A_97, %scan3A_75 : i32
      %add3A_99 = arith.constant 1 : i32
      %add3A_100 = arith.addi %mul3A_98, %add3A_99 : i32
      %dma_wait3A_101 = arith.constant 0 : i32
      %dma_wait3A_102 = tpu.memref_slice %arg6[%add3A_100, %dma_wait3A_101] : memref<40x128xi32, #tpu.memory_space<vmem>> -> memref<1x128xi32, #tpu.memory_space<vmem>>
      %dma_wait3A_103 = tpu.memref_squeeze %dma_wait3A_102 : memref<1x128xi32, #tpu.memory_space<vmem>> -> memref<128xi32, #tpu.memory_space<vmem>>
      %dma_wait3A_104 = arith.constant 0 : i32
      %dma_wait3A_105 = arith.constant 0 : i32
      %dma_wait3A_106 = tpu.memref_slice %arg3[%dma_wait3A_104, %dma_wait3A_105] : memref<10000x128xf32, #tpu.memory_space<hbm>> -> memref<10000x128xf32, #tpu.memory_space<hbm>>
      tpu.wait_indirect_dma semaphore(%arg11 : memref<!tpu.dma_semaphore, #tpu.memory_space<semaphore_mem>>) src(%dma_wait3A_106 : memref<10000x128xf32, #tpu.memory_space<hbm>>) dst(%arg9 : memref<128x128xf32, #tpu.memory_space<vmem>>)
      %mul3A_107 = arith.constant 2 : i32
      %mul3A_108 = arith.muli %mul3A_107, %scan3A_75 : i32
      %add3A_109 = arith.constant 1 : i32
      %add3A_110 = arith.addi %mul3A_108, %add3A_109 : i32
      "tpu.region"() ({
        %run_scoped3A_111 = tpu.sem_alloc : memref<!tpu.dma_semaphore, #tpu.memory_space<semaphore_mem>>
        %dma_start3A_112 = arith.constant 0 : i32
        %dma_start3A_113 = tpu.memref_slice %arg7[%add3A_110, %dma_start3A_112] : memref<40x128xi32, #tpu.memory_space<vmem>> -> memref<1x128xi32, #tpu.memory_space<vmem>>
        %dma_start3A_114 = tpu.memref_squeeze %dma_start3A_113 : memref<1x128xi32, #tpu.memory_space<vmem>> -> memref<128xi32, #tpu.memory_space<vmem>>
        %dma_start3A_115 = arith.constant 0 : i32
        %dma_start3A_116 = arith.constant 0 : i32
        %dma_start3A_117 = tpu.memref_slice %arg5[%dma_start3A_115, %dma_start3A_116] : memref<10112x128xf32, #tpu.memory_space<vmem_shared>> -> memref<10112x128xf32, #tpu.memory_space<vmem_shared>>
        tpu.enqueue_indirect_dma source(%arg9 : memref<128x128xf32, #tpu.memory_space<vmem>>) target(%dma_start3A_117 : memref<10112x128xf32, #tpu.memory_space<vmem_shared>>) offsets(%dma_start3A_114 : memref<128xi32, #tpu.memory_space<vmem>>) semaphore(%run_scoped3A_111 : memref<!tpu.dma_semaphore, #tpu.memory_space<semaphore_mem>>) {add = true}
        %dma_wait3A_118 = arith.constant 0 : i32
        %dma_wait3A_119 = tpu.memref_slice %arg7[%add3A_110, %dma_wait3A_118] : memref<40x128xi32, #tpu.memory_space<vmem>> -> memref<1x128xi32, #tpu.memory_space<vmem>>
        %dma_wait3A_120 = tpu.memref_squeeze %dma_wait3A_119 : memref<1x128xi32, #tpu.memory_space<vmem>> -> memref<128xi32, #tpu.memory_space<vmem>>
        %dma_wait3A_121 = arith.constant 0 : i32
        %dma_wait3A_122 = arith.constant 0 : i32
        %dma_wait3A_123 = tpu.memref_slice %arg5[%dma_wait3A_121, %dma_wait3A_122] : memref<10112x128xf32, #tpu.memory_space<vmem_shared>> -> memref<10112x128xf32, #tpu.memory_space<vmem_shared>>
        tpu.wait_indirect_dma semaphore(%run_scoped3A_111 : memref<!tpu.dma_semaphore, #tpu.memory_space<semaphore_mem>>) src(%arg9 : memref<128x128xf32, #tpu.memory_space<vmem>>) dst(%dma_wait3A_123 : memref<10112x128xf32, #tpu.memory_space<vmem_shared>>)
        tpu.yield
      }) : () -> ()
    }
    %scan3A_38 = arith.constant 20 : i32
    %run_scoped3A_39 = arith.constant 0 : i32
    "tpu.region"() ({
      %run_scoped3A_75 = tpu.sem_alloc : memref<!tpu.dma_semaphore, #tpu.memory_space<semaphore_mem>>
      %dma_start3A_76 = arith.constant 40 : i32
      %dma_start3A_77 = arith.constant 0 : i32
      %dma_start3A_78 = tpu.memref_slice %arg2[%run_scoped3A_39, %add3A, %dma_start3A_76, %dma_start3A_77] : memref<2x32x80x128xi32, #tpu.memory_space<hbm>> -> memref<1x1x40x128xi32, #tpu.memory_space<hbm>>
      %dma_start3A_79 = tpu.memref_squeeze %dma_start3A_78 : memref<1x1x40x128xi32, #tpu.memory_space<hbm>> -> memref<40x128xi32, #tpu.memory_space<hbm>>
      %dma_start3A_80 = arith.constant 40 : i32
      %dma_start3A_81 = arith.constant 0 : i32
      %dma_start3A_82 = tpu.memref_slice %arg2[%run_scoped3A_39, %add3A, %dma_start3A_80, %dma_start3A_81] : memref<2x32x80x128xi32, #tpu.memory_space<hbm>> -> memref<1x1x40x128xi32, #tpu.memory_space<hbm>>
      %dma_start3A_83 = tpu.memref_squeeze %dma_start3A_82 : memref<1x1x40x128xi32, #tpu.memory_space<hbm>> -> memref<40x128xi32, #tpu.memory_space<hbm>>
      tpu.enqueue_dma source(%dma_start3A_83 : memref<40x128xi32, #tpu.memory_space<hbm>>) target(%arg6 : memref<40x128xi32, #tpu.memory_space<vmem>>) target_semaphore(%run_scoped3A_75 : memref<!tpu.dma_semaphore, #tpu.memory_space<semaphore_mem>>)
      %dma_wait3A = arith.constant 40 : i32
      %dma_wait3A_84 = arith.constant 0 : i32
      %dma_wait3A_85 = tpu.memref_slice %arg2[%run_scoped3A_39, %add3A, %dma_wait3A, %dma_wait3A_84] : memref<2x32x80x128xi32, #tpu.memory_space<hbm>> -> memref<1x1x40x128xi32, #tpu.memory_space<hbm>>
      %dma_wait3A_86 = tpu.memref_squeeze %dma_wait3A_85 : memref<1x1x40x128xi32, #tpu.memory_space<hbm>> -> memref<40x128xi32, #tpu.memory_space<hbm>>
      %dma_wait3A_87 = arith.constant 40 : i32
      %dma_wait3A_88 = arith.constant 0 : i32
      %dma_wait3A_89 = tpu.memref_slice %arg2[%run_scoped3A_39, %add3A, %dma_wait3A_87, %dma_wait3A_88] : memref<2x32x80x128xi32, #tpu.memory_space<hbm>> -> memref<1x1x40x128xi32, #tpu.memory_space<hbm>>
      %dma_wait3A_90 = tpu.memref_squeeze %dma_wait3A_89 : memref<1x1x40x128xi32, #tpu.memory_space<hbm>> -> memref<40x128xi32, #tpu.memory_space<hbm>>
      tpu.wait_dma2 semaphore(%run_scoped3A_75 : memref<!tpu.dma_semaphore, #tpu.memory_space<semaphore_mem>>) src(%dma_wait3A_90 : memref<40x128xi32, #tpu.memory_space<hbm>>) dst(%arg6 : memref<40x128xi32, #tpu.memory_space<vmem>>)
      tpu.yield
    }) : () -> ()
    %run_scoped3A_40 = arith.constant 1 : i32
    "tpu.region"() ({
      %run_scoped3A_75 = tpu.sem_alloc : memref<!tpu.dma_semaphore, #tpu.memory_space<semaphore_mem>>
      %dma_start3A_76 = arith.constant 40 : i32
      %dma_start3A_77 = arith.constant 0 : i32
      %dma_start3A_78 = tpu.memref_slice %arg2[%run_scoped3A_40, %add3A, %dma_start3A_76, %dma_start3A_77] : memref<2x32x80x128xi32, #tpu.memory_space<hbm>> -> memref<1x1x40x128xi32, #tpu.memory_space<hbm>>
      %dma_start3A_79 = tpu.memref_squeeze %dma_start3A_78 : memref<1x1x40x128xi32, #tpu.memory_space<hbm>> -> memref<40x128xi32, #tpu.memory_space<hbm>>
      %dma_start3A_80 = arith.constant 40 : i32
      %dma_start3A_81 = arith.constant 0 : i32
      %dma_start3A_82 = tpu.memref_slice %arg2[%run_scoped3A_40, %add3A, %dma_start3A_80, %dma_start3A_81] : memref<2x32x80x128xi32, #tpu.memory_space<hbm>> -> memref<1x1x40x128xi32, #tpu.memory_space<hbm>>
      %dma_start3A_83 = tpu.memref_squeeze %dma_start3A_82 : memref<1x1x40x128xi32, #tpu.memory_space<hbm>> -> memref<40x128xi32, #tpu.memory_space<hbm>>
      tpu.enqueue_dma source(%dma_start3A_83 : memref<40x128xi32, #tpu.memory_space<hbm>>) target(%arg7 : memref<40x128xi32, #tpu.memory_space<vmem>>) target_semaphore(%run_scoped3A_75 : memref<!tpu.dma_semaphore, #tpu.memory_space<semaphore_mem>>)
      %dma_wait3A = arith.constant 40 : i32
      %dma_wait3A_84 = arith.constant 0 : i32
      %dma_wait3A_85 = tpu.memref_slice %arg2[%run_scoped3A_40, %add3A, %dma_wait3A, %dma_wait3A_84] : memref<2x32x80x128xi32, #tpu.memory_space<hbm>> -> memref<1x1x40x128xi32, #tpu.memory_space<hbm>>
      %dma_wait3A_86 = tpu.memref_squeeze %dma_wait3A_85 : memref<1x1x40x128xi32, #tpu.memory_space<hbm>> -> memref<40x128xi32, #tpu.memory_space<hbm>>
      %dma_wait3A_87 = arith.constant 40 : i32
      %dma_wait3A_88 = arith.constant 0 : i32
      %dma_wait3A_89 = tpu.memref_slice %arg2[%run_scoped3A_40, %add3A, %dma_wait3A_87, %dma_wait3A_88] : memref<2x32x80x128xi32, #tpu.memory_space<hbm>> -> memref<1x1x40x128xi32, #tpu.memory_space<hbm>>
      %dma_wait3A_90 = tpu.memref_squeeze %dma_wait3A_89 : memref<1x1x40x128xi32, #tpu.memory_space<hbm>> -> memref<40x128xi32, #tpu.memory_space<hbm>>
      tpu.wait_dma2 semaphore(%run_scoped3A_75 : memref<!tpu.dma_semaphore, #tpu.memory_space<semaphore_mem>>) src(%dma_wait3A_90 : memref<40x128xi32, #tpu.memory_space<hbm>>) dst(%arg7 : memref<40x128xi32, #tpu.memory_space<vmem>>)
      tpu.yield
    }) : () -> ()
    %dma_start3A_41 = arith.constant 0 : i32
    %dma_start3A_42 = arith.constant 0 : i32
    %dma_start3A_43 = tpu.memref_slice %arg6[%dma_start3A_41, %dma_start3A_42] : memref<40x128xi32, #tpu.memory_space<vmem>> -> memref<1x128xi32, #tpu.memory_space<vmem>>
    %dma_start3A_44 = tpu.memref_squeeze %dma_start3A_43 : memref<1x128xi32, #tpu.memory_space<vmem>> -> memref<128xi32, #tpu.memory_space<vmem>>
    %dma_start3A_45 = arith.constant 0 : i32
    %dma_start3A_46 = arith.constant 0 : i32
    %dma_start3A_47 = tpu.memref_slice %arg3[%dma_start3A_45, %dma_start3A_46] : memref<10000x128xf32, #tpu.memory_space<hbm>> -> memref<10000x128xf32, #tpu.memory_space<hbm>>
    tpu.enqueue_indirect_dma source(%dma_start3A_47 : memref<10000x128xf32, #tpu.memory_space<hbm>>) target(%arg8 : memref<128x128xf32, #tpu.memory_space<vmem>>) offsets(%dma_start3A_44 : memref<128xi32, #tpu.memory_space<vmem>>) semaphore(%arg10 : memref<!tpu.dma_semaphore, #tpu.memory_space<semaphore_mem>>)
    %scan3A_48 = arith.constant 0 : i32
    %scan3A_49 = arith.constant 0 : i32
    %scan3A_50 = arith.constant 20 : i32
    %scan3A_51 = arith.addi %scan3A_49, %scan3A_50 : i32
    %scan3A_52 = arith.constant 1 : i32
    scf.for %scan3A_75 = %scan3A_49 to %scan3A_51 step %scan3A_52  : i32 {
      %mul3A_76 = arith.constant 2 : i32
      %mul3A_77 = arith.muli %mul3A_76, %scan3A_75 : i32
      %add3A_78 = arith.constant 1 : i32
      %add3A_79 = arith.addi %mul3A_77, %add3A_78 : i32
      %dma_start3A_80 = arith.constant 0 : i32
      %dma_start3A_81 = tpu.memref_slice %arg6[%add3A_79, %dma_start3A_80] : memref<40x128xi32, #tpu.memory_space<vmem>> -> memref<1x128xi32, #tpu.memory_space<vmem>>
      %dma_start3A_82 = tpu.memref_squeeze %dma_start3A_81 : memref<1x128xi32, #tpu.memory_space<vmem>> -> memref<128xi32, #tpu.memory_space<vmem>>
      %dma_start3A_83 = arith.constant 0 : i32
      %dma_start3A_84 = arith.constant 0 : i32
      %dma_start3A_85 = tpu.memref_slice %arg3[%dma_start3A_83, %dma_start3A_84] : memref<10000x128xf32, #tpu.memory_space<hbm>> -> memref<10000x128xf32, #tpu.memory_space<hbm>>
      tpu.enqueue_indirect_dma source(%dma_start3A_85 : memref<10000x128xf32, #tpu.memory_space<hbm>>) target(%arg9 : memref<128x128xf32, #tpu.memory_space<vmem>>) offsets(%dma_start3A_82 : memref<128xi32, #tpu.memory_space<vmem>>) semaphore(%arg11 : memref<!tpu.dma_semaphore, #tpu.memory_space<semaphore_mem>>)
      %mul3A_86 = arith.constant 2 : i32
      %mul3A_87 = arith.muli %mul3A_86, %scan3A_75 : i32
      %dma_wait3A = arith.constant 0 : i32
      %dma_wait3A_88 = tpu.memref_slice %arg6[%mul3A_87, %dma_wait3A] : memref<40x128xi32, #tpu.memory_space<vmem>> -> memref<1x128xi32, #tpu.memory_space<vmem>>
      %dma_wait3A_89 = tpu.memref_squeeze %dma_wait3A_88 : memref<1x128xi32, #tpu.memory_space<vmem>> -> memref<128xi32, #tpu.memory_space<vmem>>
      %dma_wait3A_90 = arith.constant 0 : i32
      %dma_wait3A_91 = arith.constant 0 : i32
      %dma_wait3A_92 = tpu.memref_slice %arg3[%dma_wait3A_90, %dma_wait3A_91] : memref<10000x128xf32, #tpu.memory_space<hbm>> -> memref<10000x128xf32, #tpu.memory_space<hbm>>
      tpu.wait_indirect_dma semaphore(%arg10 : memref<!tpu.dma_semaphore, #tpu.memory_space<semaphore_mem>>) src(%dma_wait3A_92 : memref<10000x128xf32, #tpu.memory_space<hbm>>) dst(%arg8 : memref<128x128xf32, #tpu.memory_space<vmem>>)
      %mul3A_93 = arith.constant 2 : i32
      %mul3A_94 = arith.muli %mul3A_93, %scan3A_75 : i32
      "tpu.region"() ({
        %run_scoped3A_111 = tpu.sem_alloc : memref<!tpu.dma_semaphore, #tpu.memory_space<semaphore_mem>>
        %dma_start3A_112 = arith.constant 0 : i32
        %dma_start3A_113 = tpu.memref_slice %arg7[%mul3A_94, %dma_start3A_112] : memref<40x128xi32, #tpu.memory_space<vmem>> -> memref<1x128xi32, #tpu.memory_space<vmem>>
        %dma_start3A_114 = tpu.memref_squeeze %dma_start3A_113 : memref<1x128xi32, #tpu.memory_space<vmem>> -> memref<128xi32, #tpu.memory_space<vmem>>
        %dma_start3A_115 = arith.constant 0 : i32
        %dma_start3A_116 = arith.constant 0 : i32
        %dma_start3A_117 = tpu.memref_slice %arg5[%dma_start3A_115, %dma_start3A_116] : memref<10112x128xf32, #tpu.memory_space<vmem_shared>> -> memref<10112x128xf32, #tpu.memory_space<vmem_shared>>
        tpu.enqueue_indirect_dma source(%arg8 : memref<128x128xf32, #tpu.memory_space<vmem>>) target(%dma_start3A_117 : memref<10112x128xf32, #tpu.memory_space<vmem_shared>>) offsets(%dma_start3A_114 : memref<128xi32, #tpu.memory_space<vmem>>) semaphore(%run_scoped3A_111 : memref<!tpu.dma_semaphore, #tpu.memory_space<semaphore_mem>>) {add = true}
        %dma_wait3A_118 = arith.constant 0 : i32
        %dma_wait3A_119 = tpu.memref_slice %arg7[%mul3A_94, %dma_wait3A_118] : memref<40x128xi32, #tpu.memory_space<vmem>> -> memref<1x128xi32, #tpu.memory_space<vmem>>
        %dma_wait3A_120 = tpu.memref_squeeze %dma_wait3A_119 : memref<1x128xi32, #tpu.memory_space<vmem>> -> memref<128xi32, #tpu.memory_space<vmem>>
        %dma_wait3A_121 = arith.constant 0 : i32
        %dma_wait3A_122 = arith.constant 0 : i32
        %dma_wait3A_123 = tpu.memref_slice %arg5[%dma_wait3A_121, %dma_wait3A_122] : memref<10112x128xf32, #tpu.memory_space<vmem_shared>> -> memref<10112x128xf32, #tpu.memory_space<vmem_shared>>
        tpu.wait_indirect_dma semaphore(%run_scoped3A_111 : memref<!tpu.dma_semaphore, #tpu.memory_space<semaphore_mem>>) src(%arg8 : memref<128x128xf32, #tpu.memory_space<vmem>>) dst(%dma_wait3A_123 : memref<10112x128xf32, #tpu.memory_space<vmem_shared>>)
        tpu.yield
      }) : () -> ()
      %lt3A = arith.constant 19 : i32
      %lt3A_95 = arith.cmpi slt, %scan3A_75, %lt3A : i32
      %convert_element_type3A = arith.extui %lt3A_95 : i1 to i32
      %cond3A = arith.constant 0 : i32
      %cond3A_96 = arith.cmpi ne, %convert_element_type3A, %cond3A : i32
      scf.if %cond3A_96 {
        %mul3A_111 = arith.constant 2 : i32
        %mul3A_112 = arith.muli %mul3A_111, %scan3A_75 : i32
        %add3A_113 = arith.constant 2 : i32
        %add3A_114 = arith.addi %mul3A_112, %add3A_113 : i32
        %dma_start3A_115 = arith.constant 0 : i32
        %dma_start3A_116 = tpu.memref_slice %arg6[%add3A_114, %dma_start3A_115] : memref<40x128xi32, #tpu.memory_space<vmem>> -> memref<1x128xi32, #tpu.memory_space<vmem>>
        %dma_start3A_117 = tpu.memref_squeeze %dma_start3A_116 : memref<1x128xi32, #tpu.memory_space<vmem>> -> memref<128xi32, #tpu.memory_space<vmem>>
        %dma_start3A_118 = arith.constant 0 : i32
        %dma_start3A_119 = arith.constant 0 : i32
        %dma_start3A_120 = tpu.memref_slice %arg3[%dma_start3A_118, %dma_start3A_119] : memref<10000x128xf32, #tpu.memory_space<hbm>> -> memref<10000x128xf32, #tpu.memory_space<hbm>>
        tpu.enqueue_indirect_dma source(%dma_start3A_120 : memref<10000x128xf32, #tpu.memory_space<hbm>>) target(%arg8 : memref<128x128xf32, #tpu.memory_space<vmem>>) offsets(%dma_start3A_117 : memref<128xi32, #tpu.memory_space<vmem>>) semaphore(%arg10 : memref<!tpu.dma_semaphore, #tpu.memory_space<semaphore_mem>>)
      } else {
      }
      %mul3A_97 = arith.constant 2 : i32
      %mul3A_98 = arith.muli %mul3A_97, %scan3A_75 : i32
      %add3A_99 = arith.constant 1 : i32
      %add3A_100 = arith.addi %mul3A_98, %add3A_99 : i32
      %dma_wait3A_101 = arith.constant 0 : i32
      %dma_wait3A_102 = tpu.memref_slice %arg6[%add3A_100, %dma_wait3A_101] : memref<40x128xi32, #tpu.memory_space<vmem>> -> memref<1x128xi32, #tpu.memory_space<vmem>>
      %dma_wait3A_103 = tpu.memref_squeeze %dma_wait3A_102 : memref<1x128xi32, #tpu.memory_space<vmem>> -> memref<128xi32, #tpu.memory_space<vmem>>
      %dma_wait3A_104 = arith.constant 0 : i32
      %dma_wait3A_105 = arith.constant 0 : i32
      %dma_wait3A_106 = tpu.memref_slice %arg3[%dma_wait3A_104, %dma_wait3A_105] : memref<10000x128xf32, #tpu.memory_space<hbm>> -> memref<10000x128xf32, #tpu.memory_space<hbm>>
      tpu.wait_indirect_dma semaphore(%arg11 : memref<!tpu.dma_semaphore, #tpu.memory_space<semaphore_mem>>) src(%dma_wait3A_106 : memref<10000x128xf32, #tpu.memory_space<hbm>>) dst(%arg9 : memref<128x128xf32, #tpu.memory_space<vmem>>)
      %mul3A_107 = arith.constant 2 : i32
      %mul3A_108 = arith.muli %mul3A_107, %scan3A_75 : i32
      %add3A_109 = arith.constant 1 : i32
      %add3A_110 = arith.addi %mul3A_108, %add3A_109 : i32
      "tpu.region"() ({
        %run_scoped3A_111 = tpu.sem_alloc : memref<!tpu.dma_semaphore, #tpu.memory_space<semaphore_mem>>
        %dma_start3A_112 = arith.constant 0 : i32
        %dma_start3A_113 = tpu.memref_slice %arg7[%add3A_110, %dma_start3A_112] : memref<40x128xi32, #tpu.memory_space<vmem>> -> memref<1x128xi32, #tpu.memory_space<vmem>>
        %dma_start3A_114 = tpu.memref_squeeze %dma_start3A_113 : memref<1x128xi32, #tpu.memory_space<vmem>> -> memref<128xi32, #tpu.memory_space<vmem>>
        %dma_start3A_115 = arith.constant 0 : i32
        %dma_start3A_116 = arith.constant 0 : i32
        %dma_start3A_117 = tpu.memref_slice %arg5[%dma_start3A_115, %dma_start3A_116] : memref<10112x128xf32, #tpu.memory_space<vmem_shared>> -> memref<10112x128xf32, #tpu.memory_space<vmem_shared>>
        tpu.enqueue_indirect_dma source(%arg9 : memref<128x128xf32, #tpu.memory_space<vmem>>) target(%dma_start3A_117 : memref<10112x128xf32, #tpu.memory_space<vmem_shared>>) offsets(%dma_start3A_114 : memref<128xi32, #tpu.memory_space<vmem>>) semaphore(%run_scoped3A_111 : memref<!tpu.dma_semaphore, #tpu.memory_space<semaphore_mem>>) {add = true}
        %dma_wait3A_118 = arith.constant 0 : i32
        %dma_wait3A_119 = tpu.memref_slice %arg7[%add3A_110, %dma_wait3A_118] : memref<40x128xi32, #tpu.memory_space<vmem>> -> memref<1x128xi32, #tpu.memory_space<vmem>>
        %dma_wait3A_120 = tpu.memref_squeeze %dma_wait3A_119 : memref<1x128xi32, #tpu.memory_space<vmem>> -> memref<128xi32, #tpu.memory_space<vmem>>
        %dma_wait3A_121 = arith.constant 0 : i32
        %dma_wait3A_122 = arith.constant 0 : i32
        %dma_wait3A_123 = tpu.memref_slice %arg5[%dma_wait3A_121, %dma_wait3A_122] : memref<10112x128xf32, #tpu.memory_space<vmem_shared>> -> memref<10112x128xf32, #tpu.memory_space<vmem_shared>>
        tpu.wait_indirect_dma semaphore(%run_scoped3A_111 : memref<!tpu.dma_semaphore, #tpu.memory_space<semaphore_mem>>) src(%arg9 : memref<128x128xf32, #tpu.memory_space<vmem>>) dst(%dma_wait3A_123 : memref<10112x128xf32, #tpu.memory_space<vmem_shared>>)
        tpu.yield
      }) : () -> ()
    }
    %scan3A_53 = arith.constant 20 : i32
    %barrier3A_54 = arith.constant 0 : index
    tpu.barrier barrier_id(%barrier3A_54)
    %mul3A_55 = arith.constant 632 : i32
    %mul3A_56 = arith.muli %arg1, %mul3A_55 : i32
    %add3A_57 = arith.constant 0 : i32
    %add3A_58 = arith.addi %mul3A_56, %add3A_57 : i32
    "tpu.region"() ({
      %run_scoped3A_75 = tpu.sem_alloc : memref<!tpu.dma_semaphore, #tpu.memory_space<semaphore_mem>>
      %dma_start3A_76 = arith.constant 0 : i32
      %dma_start3A_77 = tpu.memref_slice %arg4[%arg0, %add3A_58, %dma_start3A_76] : memref<2x10112x128xf32, #tpu.memory_space<hbm>> -> memref<1x128x128xf32, #tpu.memory_space<hbm>>
      %dma_start3A_78 = tpu.memref_squeeze %dma_start3A_77 : memref<1x128x128xf32, #tpu.memory_space<hbm>> -> memref<128x128xf32, #tpu.memory_space<hbm>>
      %dma_start3A_79 = arith.constant 0 : i32
      %dma_start3A_80 = tpu.memref_slice %arg5[%add3A_58, %dma_start3A_79] : memref<10112x128xf32, #tpu.memory_space<vmem_shared>> -> memref<128x128xf32, #tpu.memory_space<vmem_shared>>
      tpu.enqueue_dma source(%dma_start3A_80 : memref<128x128xf32, #tpu.memory_space<vmem_shared>>) target(%dma_start3A_78 : memref<128x128xf32, #tpu.memory_space<hbm>>) target_semaphore(%run_scoped3A_75 : memref<!tpu.dma_semaphore, #tpu.memory_space<semaphore_mem>>)
      %dma_wait3A = arith.constant 0 : i32
      %dma_wait3A_81 = tpu.memref_slice %arg4[%arg0, %add3A_58, %dma_wait3A] : memref<2x10112x128xf32, #tpu.memory_space<hbm>> -> memref<1x128x128xf32, #tpu.memory_space<hbm>>
      %dma_wait3A_82 = tpu.memref_squeeze %dma_wait3A_81 : memref<1x128x128xf32, #tpu.memory_space<hbm>> -> memref<128x128xf32, #tpu.memory_space<hbm>>
      %dma_wait3A_83 = arith.constant 0 : i32
      %dma_wait3A_84 = tpu.memref_slice %arg5[%add3A_58, %dma_wait3A_83] : memref<10112x128xf32, #tpu.memory_space<vmem_shared>> -> memref<128x128xf32, #tpu.memory_space<vmem_shared>>
      tpu.wait_dma2 semaphore(%run_scoped3A_75 : memref<!tpu.dma_semaphore, #tpu.memory_space<semaphore_mem>>) src(%dma_wait3A_84 : memref<128x128xf32, #tpu.memory_space<vmem_shared>>) dst(%dma_wait3A_82 : memref<128x128xf32, #tpu.memory_space<hbm>>)
      tpu.yield
    }) : () -> ()
    %mul3A_59 = arith.constant 632 : i32
    %mul3A_60 = arith.muli %arg1, %mul3A_59 : i32
    %add3A_61 = arith.constant 128 : i32
    %add3A_62 = arith.addi %mul3A_60, %add3A_61 : i32
    "tpu.region"() ({
      %run_scoped3A_75 = tpu.sem_alloc : memref<!tpu.dma_semaphore, #tpu.memory_space<semaphore_mem>>
      %dma_start3A_76 = arith.constant 0 : i32
      %dma_start3A_77 = tpu.memref_slice %arg4[%arg0, %add3A_62, %dma_start3A_76] : memref<2x10112x128xf32, #tpu.memory_space<hbm>> -> memref<1x128x128xf32, #tpu.memory_space<hbm>>
      %dma_start3A_78 = tpu.memref_squeeze %dma_start3A_77 : memref<1x128x128xf32, #tpu.memory_space<hbm>> -> memref<128x128xf32, #tpu.memory_space<hbm>>
      %dma_start3A_79 = arith.constant 0 : i32
      %dma_start3A_80 = tpu.memref_slice %arg5[%add3A_62, %dma_start3A_79] : memref<10112x128xf32, #tpu.memory_space<vmem_shared>> -> memref<128x128xf32, #tpu.memory_space<vmem_shared>>
      tpu.enqueue_dma source(%dma_start3A_80 : memref<128x128xf32, #tpu.memory_space<vmem_shared>>) target(%dma_start3A_78 : memref<128x128xf32, #tpu.memory_space<hbm>>) target_semaphore(%run_scoped3A_75 : memref<!tpu.dma_semaphore, #tpu.memory_space<semaphore_mem>>)
      %dma_wait3A = arith.constant 0 : i32
      %dma_wait3A_81 = tpu.memref_slice %arg4[%arg0, %add3A_62, %dma_wait3A] : memref<2x10112x128xf32, #tpu.memory_space<hbm>> -> memref<1x128x128xf32, #tpu.memory_space<hbm>>
      %dma_wait3A_82 = tpu.memref_squeeze %dma_wait3A_81 : memref<1x128x128xf32, #tpu.memory_space<hbm>> -> memref<128x128xf32, #tpu.memory_space<hbm>>
      %dma_wait3A_83 = arith.constant 0 : i32
      %dma_wait3A_84 = tpu.memref_slice %arg5[%add3A_62, %dma_wait3A_83] : memref<10112x128xf32, #tpu.memory_space<vmem_shared>> -> memref<128x128xf32, #tpu.memory_space<vmem_shared>>
      tpu.wait_dma2 semaphore(%run_scoped3A_75 : memref<!tpu.dma_semaphore, #tpu.memory_space<semaphore_mem>>) src(%dma_wait3A_84 : memref<128x128xf32, #tpu.memory_space<vmem_shared>>) dst(%dma_wait3A_82 : memref<128x128xf32, #tpu.memory_space<hbm>>)
      tpu.yield
    }) : () -> ()
    %mul3A_63 = arith.constant 632 : i32
    %mul3A_64 = arith.muli %arg1, %mul3A_63 : i32
    %add3A_65 = arith.constant 256 : i32
    %add3A_66 = arith.addi %mul3A_64, %add3A_65 : i32
    "tpu.region"() ({
      %run_scoped3A_75 = tpu.sem_alloc : memref<!tpu.dma_semaphore, #tpu.memory_space<semaphore_mem>>
      %dma_start3A_76 = arith.constant 0 : i32
      %dma_start3A_77 = tpu.memref_slice %arg4[%arg0, %add3A_66, %dma_start3A_76] : memref<2x10112x128xf32, #tpu.memory_space<hbm>> -> memref<1x128x128xf32, #tpu.memory_space<hbm>>
      %dma_start3A_78 = tpu.memref_squeeze %dma_start3A_77 : memref<1x128x128xf32, #tpu.memory_space<hbm>> -> memref<128x128xf32, #tpu.memory_space<hbm>>
      %dma_start3A_79 = arith.constant 0 : i32
      %dma_start3A_80 = tpu.memref_slice %arg5[%add3A_66, %dma_start3A_79] : memref<10112x128xf32, #tpu.memory_space<vmem_shared>> -> memref<128x128xf32, #tpu.memory_space<vmem_shared>>
      tpu.enqueue_dma source(%dma_start3A_80 : memref<128x128xf32, #tpu.memory_space<vmem_shared>>) target(%dma_start3A_78 : memref<128x128xf32, #tpu.memory_space<hbm>>) target_semaphore(%run_scoped3A_75 : memref<!tpu.dma_semaphore, #tpu.memory_space<semaphore_mem>>)
      %dma_wait3A = arith.constant 0 : i32
      %dma_wait3A_81 = tpu.memref_slice %arg4[%arg0, %add3A_66, %dma_wait3A] : memref<2x10112x128xf32, #tpu.memory_space<hbm>> -> memref<1x128x128xf32, #tpu.memory_space<hbm>>
      %dma_wait3A_82 = tpu.memref_squeeze %dma_wait3A_81 : memref<1x128x128xf32, #tpu.memory_space<hbm>> -> memref<128x128xf32, #tpu.memory_space<hbm>>
      %dma_wait3A_83 = arith.constant 0 : i32
      %dma_wait3A_84 = tpu.memref_slice %arg5[%add3A_66, %dma_wait3A_83] : memref<10112x128xf32, #tpu.memory_space<vmem_shared>> -> memref<128x128xf32, #tpu.memory_space<vmem_shared>>
      tpu.wait_dma2 semaphore(%run_scoped3A_75 : memref<!tpu.dma_semaphore, #tpu.memory_space<semaphore_mem>>) src(%dma_wait3A_84 : memref<128x128xf32, #tpu.memory_space<vmem_shared>>) dst(%dma_wait3A_82 : memref<128x128xf32, #tpu.memory_space<hbm>>)
      tpu.yield
    }) : () -> ()
    %mul3A_67 = arith.constant 632 : i32
    %mul3A_68 = arith.muli %arg1, %mul3A_67 : i32
    %add3A_69 = arith.constant 384 : i32
    %add3A_70 = arith.addi %mul3A_68, %add3A_69 : i32
    "tpu.region"() ({
      %run_scoped3A_75 = tpu.sem_alloc : memref<!tpu.dma_semaphore, #tpu.memory_space<semaphore_mem>>
      %dma_start3A_76 = arith.constant 0 : i32
      %dma_start3A_77 = tpu.memref_slice %arg4[%arg0, %add3A_70, %dma_start3A_76] : memref<2x10112x128xf32, #tpu.memory_space<hbm>> -> memref<1x128x128xf32, #tpu.memory_space<hbm>>
      %dma_start3A_78 = tpu.memref_squeeze %dma_start3A_77 : memref<1x128x128xf32, #tpu.memory_space<hbm>> -> memref<128x128xf32, #tpu.memory_space<hbm>>
      %dma_start3A_79 = arith.constant 0 : i32
      %dma_start3A_80 = tpu.memref_slice %arg5[%add3A_70, %dma_start3A_79] : memref<10112x128xf32, #tpu.memory_space<vmem_shared>> -> memref<128x128xf32, #tpu.memory_space<vmem_shared>>
      tpu.enqueue_dma source(%dma_start3A_80 : memref<128x128xf32, #tpu.memory_space<vmem_shared>>) target(%dma_start3A_78 : memref<128x128xf32, #tpu.memory_space<hbm>>) target_semaphore(%run_scoped3A_75 : memref<!tpu.dma_semaphore, #tpu.memory_space<semaphore_mem>>)
      %dma_wait3A = arith.constant 0 : i32
      %dma_wait3A_81 = tpu.memref_slice %arg4[%arg0, %add3A_70, %dma_wait3A] : memref<2x10112x128xf32, #tpu.memory_space<hbm>> -> memref<1x128x128xf32, #tpu.memory_space<hbm>>
      %dma_wait3A_82 = tpu.memref_squeeze %dma_wait3A_81 : memref<1x128x128xf32, #tpu.memory_space<hbm>> -> memref<128x128xf32, #tpu.memory_space<hbm>>
      %dma_wait3A_83 = arith.constant 0 : i32
      %dma_wait3A_84 = tpu.memref_slice %arg5[%add3A_70, %dma_wait3A_83] : memref<10112x128xf32, #tpu.memory_space<vmem_shared>> -> memref<128x128xf32, #tpu.memory_space<vmem_shared>>
      tpu.wait_dma2 semaphore(%run_scoped3A_75 : memref<!tpu.dma_semaphore, #tpu.memory_space<semaphore_mem>>) src(%dma_wait3A_84 : memref<128x128xf32, #tpu.memory_space<vmem_shared>>) dst(%dma_wait3A_82 : memref<128x128xf32, #tpu.memory_space<hbm>>)
      tpu.yield
    }) : () -> ()
    %mul3A_71 = arith.constant 632 : i32
    %mul3A_72 = arith.muli %arg1, %mul3A_71 : i32
    %add3A_73 = arith.constant 512 : i32
    %add3A_74 = arith.addi %mul3A_72, %add3A_73 : i32
    "tpu.region"() ({
      %run_scoped3A_75 = tpu.sem_alloc : memref<!tpu.dma_semaphore, #tpu.memory_space<semaphore_mem>>
      %dma_start3A_76 = arith.constant 0 : i32
      %dma_start3A_77 = tpu.memref_slice %arg4[%arg0, %add3A_74, %dma_start3A_76] : memref<2x10112x128xf32, #tpu.memory_space<hbm>> -> memref<1x120x128xf32, #tpu.memory_space<hbm>>
      %dma_start3A_78 = tpu.memref_squeeze %dma_start3A_77 : memref<1x120x128xf32, #tpu.memory_space<hbm>> -> memref<120x128xf32, #tpu.memory_space<hbm>>
      %dma_start3A_79 = arith.constant 0 : i32
      %dma_start3A_80 = tpu.memref_slice %arg5[%add3A_74, %dma_start3A_79] : memref<10112x128xf32, #tpu.memory_space<vmem_shared>> -> memref<120x128xf32, #tpu.memory_space<vmem_shared>>
      tpu.enqueue_dma source(%dma_start3A_80 : memref<120x128xf32, #tpu.memory_space<vmem_shared>>) target(%dma_start3A_78 : memref<120x128xf32, #tpu.memory_space<hbm>>) target_semaphore(%run_scoped3A_75 : memref<!tpu.dma_semaphore, #tpu.memory_space<semaphore_mem>>)
      %dma_wait3A = arith.constant 0 : i32
      %dma_wait3A_81 = tpu.memref_slice %arg4[%arg0, %add3A_74, %dma_wait3A] : memref<2x10112x128xf32, #tpu.memory_space<hbm>> -> memref<1x120x128xf32, #tpu.memory_space<hbm>>
      %dma_wait3A_82 = tpu.memref_squeeze %dma_wait3A_81 : memref<1x120x128xf32, #tpu.memory_space<hbm>> -> memref<120x128xf32, #tpu.memory_space<hbm>>
      %dma_wait3A_83 = arith.constant 0 : i32
      %dma_wait3A_84 = tpu.memref_slice %arg5[%add3A_74, %dma_wait3A_83] : memref<10112x128xf32, #tpu.memory_space<vmem_shared>> -> memref<120x128xf32, #tpu.memory_space<vmem_shared>>
      tpu.wait_dma2 semaphore(%run_scoped3A_75 : memref<!tpu.dma_semaphore, #tpu.memory_space<semaphore_mem>>) src(%dma_wait3A_84 : memref<120x128xf32, #tpu.memory_space<vmem_shared>>) dst(%dma_wait3A_82 : memref<120x128xf32, #tpu.memory_space<hbm>>)
      tpu.yield
    }) : () -> ()
    return
  }
}

#map = affine_map<(d0, d1) -> (0, 0, 0, 0)>
#map1 = affine_map<(d0, d1) -> (0, 0)>
#map2 = affine_map<(d0, d1) -> (0, 0, 0)>
module attributes {stable_mosaic.version = 14 : i64} {
  func.func @_sc_agg(%arg0: i32, %arg1: i32, %arg2: memref<2x32x80x128xi32, #tpu.memory_space<hbm>>, %arg3: memref<10000x128xf32, #tpu.memory_space<hbm>>, %arg4: memref<2x10112x128xf32, #tpu.memory_space<hbm>>, %arg5: memref<10112x128xf32, #tpu.memory_space<vmem_shared>>, %arg6: memref<40x128xi32, #tpu.memory_space<vmem>>, %arg7: memref<40x128xi32, #tpu.memory_space<vmem>>, %arg8: memref<128x128xf32, #tpu.memory_space<vmem>>, %arg9: memref<128x128xf32, #tpu.memory_space<vmem>>, %arg10: memref<!tpu.dma_semaphore, #tpu.memory_space<semaphore_mem>>, %arg11: memref<!tpu.dma_semaphore, #tpu.memory_space<semaphore_mem>>) attributes {dimension_semantics = [#tpu.dimension_semantics<core_parallel>, #tpu.dimension_semantics<subcore_parallel>], iteration_bounds = array<i64: 2, 16>, scalar_prefetch = 0 : i64, scratch_operands = 7 : i64, tpu.core_type = #tpu.core_type<sc_vector_subcore>, window_params = [{transform_indices = #map}, {transform_indices = #map1}, {transform_indices = #map2}]} {
    %mul3A = arith.constant 2 : i32
    %mul3A_0 = arith.muli %arg1, %mul3A : i32
    %add3A = arith.addi %mul3A_0, %arg0 : i32
    %run_scoped3A = arith.constant 0 : i32
    "tpu.region"() ({
      %run_scoped3A_75 = tpu.sem_alloc : memref<!tpu.dma_semaphore, #tpu.memory_space<semaphore_mem>>
      %dma_start3A_76 = arith.constant 0 : i32
      %dma_start3A_77 = arith.constant 0 : i32
      %dma_start3A_78 = tpu.memref_slice %arg2[%run_scoped3A, %add3A, %dma_start3A_76, %dma_start3A_77] : memref<2x32x80x128xi32, #tpu.memory_space<hbm>> -> memref<1x1x40x128xi32, #tpu.memory_space<hbm>>
      %dma_start3A_79 = tpu.memref_squeeze %dma_start3A_78 : memref<1x1x40x128xi32, #tpu.memory_space<hbm>> -> memref<40x128xi32, #tpu.memory_space<hbm>>
      %dma_start3A_80 = arith.constant 0 : i32
      %dma_start3A_81 = arith.constant 0 : i32
      %dma_start3A_82 = tpu.memref_slice %arg2[%run_scoped3A, %add3A, %dma_start3A_80, %dma_start3A_81] : memref<2x32x80x128xi32, #tpu.memory_space<hbm>> -> memref<1x1x40x128xi32, #tpu.memory_space<hbm>>
      %dma_start3A_83 = tpu.memref_squeeze %dma_start3A_82 : memref<1x1x40x128xi32, #tpu.memory_space<hbm>> -> memref<40x128xi32, #tpu.memory_space<hbm>>
      tpu.enqueue_dma source(%dma_start3A_83 : memref<40x128xi32, #tpu.memory_space<hbm>>) target(%arg6 : memref<40x128xi32, #tpu.memory_space<vmem>>) target_semaphore(%run_scoped3A_75 : memref<!tpu.dma_semaphore, #tpu.memory_space<semaphore_mem>>)
      %dma_wait3A = arith.constant 0 : i32
      %dma_wait3A_84 = arith.constant 0 : i32
      %dma_wait3A_85 = tpu.memref_slice %arg2[%run_scoped3A, %add3A, %dma_wait3A, %dma_wait3A_84] : memref<2x32x80x128xi32, #tpu.memory_space<hbm>> -> memref<1x1x40x128xi32, #tpu.memory_space<hbm>>
      %dma_wait3A_86 = tpu.memref_squeeze %dma_wait3A_85 : memref<1x1x40x128xi32, #tpu.memory_space<hbm>> -> memref<40x128xi32, #tpu.memory_space<hbm>>
      %dma_wait3A_87 = arith.constant 0 : i32
      %dma_wait3A_88 = arith.constant 0 : i32
      %dma_wait3A_89 = tpu.memref_slice %arg2[%run_scoped3A, %add3A, %dma_wait3A_87, %dma_wait3A_88] : memref<2x32x80x128xi32, #tpu.memory_space<hbm>> -> memref<1x1x40x128xi32, #tpu.memory_space<hbm>>
      %dma_wait3A_90 = tpu.memref_squeeze %dma_wait3A_89 : memref<1x1x40x128xi32, #tpu.memory_space<hbm>> -> memref<40x128xi32, #tpu.memory_space<hbm>>
      tpu.wait_dma2 semaphore(%run_scoped3A_75 : memref<!tpu.dma_semaphore, #tpu.memory_space<semaphore_mem>>) src(%dma_wait3A_90 : memref<40x128xi32, #tpu.memory_space<hbm>>) dst(%arg6 : memref<40x128xi32, #tpu.memory_space<vmem>>)
      tpu.yield
    }) : () -> ()
    %run_scoped3A_1 = arith.constant 1 : i32
    "tpu.region"() ({
      %run_scoped3A_75 = tpu.sem_alloc : memref<!tpu.dma_semaphore, #tpu.memory_space<semaphore_mem>>
      %dma_start3A_76 = arith.constant 0 : i32
      %dma_start3A_77 = arith.constant 0 : i32
      %dma_start3A_78 = tpu.memref_slice %arg2[%run_scoped3A_1, %add3A, %dma_start3A_76, %dma_start3A_77] : memref<2x32x80x128xi32, #tpu.memory_space<hbm>> -> memref<1x1x40x128xi32, #tpu.memory_space<hbm>>
      %dma_start3A_79 = tpu.memref_squeeze %dma_start3A_78 : memref<1x1x40x128xi32, #tpu.memory_space<hbm>> -> memref<40x128xi32, #tpu.memory_space<hbm>>
      %dma_start3A_80 = arith.constant 0 : i32
      %dma_start3A_81 = arith.constant 0 : i32
      %dma_start3A_82 = tpu.memref_slice %arg2[%run_scoped3A_1, %add3A, %dma_start3A_80, %dma_start3A_81] : memref<2x32x80x128xi32, #tpu.memory_space<hbm>> -> memref<1x1x40x128xi32, #tpu.memory_space<hbm>>
      %dma_start3A_83 = tpu.memref_squeeze %dma_start3A_82 : memref<1x1x40x128xi32, #tpu.memory_space<hbm>> -> memref<40x128xi32, #tpu.memory_space<hbm>>
      tpu.enqueue_dma source(%dma_start3A_83 : memref<40x128xi32, #tpu.memory_space<hbm>>) target(%arg7 : memref<40x128xi32, #tpu.memory_space<vmem>>) target_semaphore(%run_scoped3A_75 : memref<!tpu.dma_semaphore, #tpu.memory_space<semaphore_mem>>)
      %dma_wait3A = arith.constant 0 : i32
      %dma_wait3A_84 = arith.constant 0 : i32
      %dma_wait3A_85 = tpu.memref_slice %arg2[%run_scoped3A_1, %add3A, %dma_wait3A, %dma_wait3A_84] : memref<2x32x80x128xi32, #tpu.memory_space<hbm>> -> memref<1x1x40x128xi32, #tpu.memory_space<hbm>>
      %dma_wait3A_86 = tpu.memref_squeeze %dma_wait3A_85 : memref<1x1x40x128xi32, #tpu.memory_space<hbm>> -> memref<40x128xi32, #tpu.memory_space<hbm>>
      %dma_wait3A_87 = arith.constant 0 : i32
      %dma_wait3A_88 = arith.constant 0 : i32
      %dma_wait3A_89 = tpu.memref_slice %arg2[%run_scoped3A_1, %add3A, %dma_wait3A_87, %dma_wait3A_88] : memref<2x32x80x128xi32, #tpu.memory_space<hbm>> -> memref<1x1x40x128xi32, #tpu.memory_space<hbm>>
      %dma_wait3A_90 = tpu.memref_squeeze %dma_wait3A_89 : memref<1x1x40x128xi32, #tpu.memory_space<hbm>> -> memref<40x128xi32, #tpu.memory_space<hbm>>
      tpu.wait_dma2 semaphore(%run_scoped3A_75 : memref<!tpu.dma_semaphore, #tpu.memory_space<semaphore_mem>>) src(%dma_wait3A_90 : memref<40x128xi32, #tpu.memory_space<hbm>>) dst(%arg7 : memref<40x128xi32, #tpu.memory_space<vmem>>)
      tpu.yield
    }) : () -> ()
    %dma_start3A = arith.constant 0 : i32
    %dma_start3A_2 = arith.constant 0 : i32
    %dma_start3A_3 = tpu.memref_slice %arg6[%dma_start3A, %dma_start3A_2] : memref<40x128xi32, #tpu.memory_space<vmem>> -> memref<1x128xi32, #tpu.memory_space<vmem>>
    %dma_start3A_4 = tpu.memref_squeeze %dma_start3A_3 : memref<1x128xi32, #tpu.memory_space<vmem>> -> memref<128xi32, #tpu.memory_space<vmem>>
    %dma_start3A_5 = arith.constant 0 : i32
    %dma_start3A_6 = arith.constant 0 : i32
    %dma_start3A_7 = tpu.memref_slice %arg3[%dma_start3A_5, %dma_start3A_6] : memref<10000x128xf32, #tpu.memory_space<hbm>> -> memref<10000x128xf32, #tpu.memory_space<hbm>>
    tpu.enqueue_indirect_dma source(%dma_start3A_7 : memref<10000x128xf32, #tpu.memory_space<hbm>>) target(%arg8 : memref<128x128xf32, #tpu.memory_space<vmem>>) offsets(%dma_start3A_4 : memref<128xi32, #tpu.memory_space<vmem>>) semaphore(%arg10 : memref<!tpu.dma_semaphore, #tpu.memory_space<semaphore_mem>>)
    %scan3A = arith.constant 0 : i32
    %scan3A_8 = arith.constant 0 : i32
    %scan3A_9 = arith.constant 128 : i32
    %scan3A_10 = arith.addi %scan3A_8, %scan3A_9 : i32
    %scan3A_11 = arith.constant 1 : i32
    scf.for %scan3A_75 = %scan3A_8 to %scan3A_10 step %scan3A_11  : i32 {
      %broadcast_in_dim3A = arith.constant 0.000000e+00 : f32
      %broadcast_in_dim3A_76 = vector.broadcast %broadcast_in_dim3A : f32 to vector<16xf32>
      %swap3A = arith.index_cast %scan3A_75 : i32 to index
      %swap3A_77 = arith.constant 0 : index
      %swap3A_78 = tpu.vector_load %arg9[%swap3A, %swap3A_77] {strides = array<i32>} : memref<128x128xf32, #tpu.memory_space<vmem>>, vector<1x16xf32>,
      %swap3A_79 = vector.shape_cast %swap3A_78 : vector<1x16xf32> to vector<16xf32>
      %swap3A_80 = vector.shape_cast %broadcast_in_dim3A_76 : vector<16xf32> to vector<1x16xf32>
      tpu.vector_store %arg9[%swap3A, %swap3A_77], %swap3A_80 {strides = array<i32>} : memref<128x128xf32, #tpu.memory_space<vmem>>, vector<1x16xf32>,
      %broadcast_in_dim3A_81 = arith.constant 0.000000e+00 : f32
      %broadcast_in_dim3A_82 = vector.broadcast %broadcast_in_dim3A_81 : f32 to vector<16xf32>
      %swap3A_83 = arith.index_cast %scan3A_75 : i32 to index
      %swap3A_84 = arith.constant 16 : index
      %swap3A_85 = tpu.vector_load %arg9[%swap3A_83, %swap3A_84] {strides = array<i32>} : memref<128x128xf32, #tpu.memory_space<vmem>>, vector<1x16xf32>,
      %swap3A_86 = vector.shape_cast %swap3A_85 : vector<1x16xf32> to vector<16xf32>
      %swap3A_87 = vector.shape_cast %broadcast_in_dim3A_82 : vector<16xf32> to vector<1x16xf32>
      tpu.vector_store %arg9[%swap3A_83, %swap3A_84], %swap3A_87 {strides = array<i32>} : memref<128x128xf32, #tpu.memory_space<vmem>>, vector<1x16xf32>,
      %broadcast_in_dim3A_88 = arith.constant 0.000000e+00 : f32
      %broadcast_in_dim3A_89 = vector.broadcast %broadcast_in_dim3A_88 : f32 to vector<16xf32>
      %swap3A_90 = arith.index_cast %scan3A_75 : i32 to index
      %swap3A_91 = arith.constant 32 : index
      %swap3A_92 = tpu.vector_load %arg9[%swap3A_90, %swap3A_91] {strides = array<i32>} : memref<128x128xf32, #tpu.memory_space<vmem>>, vector<1x16xf32>,
      %swap3A_93 = vector.shape_cast %swap3A_92 : vector<1x16xf32> to vector<16xf32>
      %swap3A_94 = vector.shape_cast %broadcast_in_dim3A_89 : vector<16xf32> to vector<1x16xf32>
      tpu.vector_store %arg9[%swap3A_90, %swap3A_91], %swap3A_94 {strides = array<i32>} : memref<128x128xf32, #tpu.memory_space<vmem>>, vector<1x16xf32>,
      %broadcast_in_dim3A_95 = arith.constant 0.000000e+00 : f32
      %broadcast_in_dim3A_96 = vector.broadcast %broadcast_in_dim3A_95 : f32 to vector<16xf32>
      %swap3A_97 = arith.index_cast %scan3A_75 : i32 to index
      %swap3A_98 = arith.constant 48 : index
      %swap3A_99 = tpu.vector_load %arg9[%swap3A_97, %swap3A_98] {strides = array<i32>} : memref<128x128xf32, #tpu.memory_space<vmem>>, vector<1x16xf32>,
      %swap3A_100 = vector.shape_cast %swap3A_99 : vector<1x16xf32> to vector<16xf32>
      %swap3A_101 = vector.shape_cast %broadcast_in_dim3A_96 : vector<16xf32> to vector<1x16xf32>
      tpu.vector_store %arg9[%swap3A_97, %swap3A_98], %swap3A_101 {strides = array<i32>} : memref<128x128xf32, #tpu.memory_space<vmem>>, vector<1x16xf32>,
      %broadcast_in_dim3A_102 = arith.constant 0.000000e+00 : f32
      %broadcast_in_dim3A_103 = vector.broadcast %broadcast_in_dim3A_102 : f32 to vector<16xf32>
      %swap3A_104 = arith.index_cast %scan3A_75 : i32 to index
      %swap3A_105 = arith.constant 64 : index
      %swap3A_106 = tpu.vector_load %arg9[%swap3A_104, %swap3A_105] {strides = array<i32>} : memref<128x128xf32, #tpu.memory_space<vmem>>, vector<1x16xf32>,
      %swap3A_107 = vector.shape_cast %swap3A_106 : vector<1x16xf32> to vector<16xf32>
      %swap3A_108 = vector.shape_cast %broadcast_in_dim3A_103 : vector<16xf32> to vector<1x16xf32>
      tpu.vector_store %arg9[%swap3A_104, %swap3A_105], %swap3A_108 {strides = array<i32>} : memref<128x128xf32, #tpu.memory_space<vmem>>, vector<1x16xf32>,
      %broadcast_in_dim3A_109 = arith.constant 0.000000e+00 : f32
      %broadcast_in_dim3A_110 = vector.broadcast %broadcast_in_dim3A_109 : f32 to vector<16xf32>
      %swap3A_111 = arith.index_cast %scan3A_75 : i32 to index
      %swap3A_112 = arith.constant 80 : index
      %swap3A_113 = tpu.vector_load %arg9[%swap3A_111, %swap3A_112] {strides = array<i32>} : memref<128x128xf32, #tpu.memory_space<vmem>>, vector<1x16xf32>,
      %swap3A_114 = vector.shape_cast %swap3A_113 : vector<1x16xf32> to vector<16xf32>
      %swap3A_115 = vector.shape_cast %broadcast_in_dim3A_110 : vector<16xf32> to vector<1x16xf32>
      tpu.vector_store %arg9[%swap3A_111, %swap3A_112], %swap3A_115 {strides = array<i32>} : memref<128x128xf32, #tpu.memory_space<vmem>>, vector<1x16xf32>,
      %broadcast_in_dim3A_116 = arith.constant 0.000000e+00 : f32
      %broadcast_in_dim3A_117 = vector.broadcast %broadcast_in_dim3A_116 : f32 to vector<16xf32>
      %swap3A_118 = arith.index_cast %scan3A_75 : i32 to index
      %swap3A_119 = arith.constant 96 : index
      %swap3A_120 = tpu.vector_load %arg9[%swap3A_118, %swap3A_119] {strides = array<i32>} : memref<128x128xf32, #tpu.memory_space<vmem>>, vector<1x16xf32>,
      %swap3A_121 = vector.shape_cast %swap3A_120 : vector<1x16xf32> to vector<16xf32>
      %swap3A_122 = vector.shape_cast %broadcast_in_dim3A_117 : vector<16xf32> to vector<1x16xf32>
      tpu.vector_store %arg9[%swap3A_118, %swap3A_119], %swap3A_122 {strides = array<i32>} : memref<128x128xf32, #tpu.memory_space<vmem>>, vector<1x16xf32>,
      %broadcast_in_dim3A_123 = arith.constant 0.000000e+00 : f32
      %broadcast_in_dim3A_124 = vector.broadcast %broadcast_in_dim3A_123 : f32 to vector<16xf32>
      %swap3A_125 = arith.index_cast %scan3A_75 : i32 to index
      %swap3A_126 = arith.constant 112 : index
      %swap3A_127 = tpu.vector_load %arg9[%swap3A_125, %swap3A_126] {strides = array<i32>} : memref<128x128xf32, #tpu.memory_space<vmem>>, vector<1x16xf32>,
      %swap3A_128 = vector.shape_cast %swap3A_127 : vector<1x16xf32> to vector<16xf32>
      %swap3A_129 = vector.shape_cast %broadcast_in_dim3A_124 : vector<16xf32> to vector<1x16xf32>
      tpu.vector_store %arg9[%swap3A_125, %swap3A_126], %swap3A_129 {strides = array<i32>} : memref<128x128xf32, #tpu.memory_space<vmem>>, vector<1x16xf32>,
    }
    %scan3A_12 = arith.constant 128 : i32
    %mul3A_13 = arith.constant 632 : i32
    %mul3A_14 = arith.muli %arg1, %mul3A_13 : i32
    %add3A_15 = arith.constant 0 : i32
    %add3A_16 = arith.addi %mul3A_14, %add3A_15 : i32
    "tpu.region"() ({
      %run_scoped3A_75 = tpu.sem_alloc : memref<!tpu.dma_semaphore, #tpu.memory_space<semaphore_mem>>
      %dma_start3A_76 = arith.constant 0 : i32
      %dma_start3A_77 = tpu.memref_slice %arg5[%add3A_16, %dma_start3A_76] : memref<10112x128xf32, #tpu.memory_space<vmem_shared>> -> memref<128x128xf32, #tpu.memory_space<vmem_shared>>
      %dma_start3A_78 = arith.constant 0 : i32
      %dma_start3A_79 = tpu.memref_slice %arg5[%add3A_16, %dma_start3A_78] : memref<10112x128xf32, #tpu.memory_space<vmem_shared>> -> memref<128x128xf32, #tpu.memory_space<vmem_shared>>
      tpu.enqueue_dma source(%arg9 : memref<128x128xf32, #tpu.memory_space<vmem>>) target(%dma_start3A_79 : memref<128x128xf32, #tpu.memory_space<vmem_shared>>) target_semaphore(%run_scoped3A_75 : memref<!tpu.dma_semaphore, #tpu.memory_space<semaphore_mem>>)
      %dma_wait3A = arith.constant 0 : i32
      %dma_wait3A_80 = tpu.memref_slice %arg5[%add3A_16, %dma_wait3A] : memref<10112x128xf32, #tpu.memory_space<vmem_shared>> -> memref<128x128xf32, #tpu.memory_space<vmem_shared>>
      %dma_wait3A_81 = arith.constant 0 : i32
      %dma_wait3A_82 = tpu.memref_slice %arg5[%add3A_16, %dma_wait3A_81] : memref<10112x128xf32, #tpu.memory_space<vmem_shared>> -> memref<128x128xf32, #tpu.memory_space<vmem_shared>>
      tpu.wait_dma2 semaphore(%run_scoped3A_75 : memref<!tpu.dma_semaphore, #tpu.memory_space<semaphore_mem>>) src(%arg9 : memref<128x128xf32, #tpu.memory_space<vmem>>) dst(%dma_wait3A_82 : memref<128x128xf32, #tpu.memory_space<vmem_shared>>)
      tpu.yield
    }) : () -> ()
    %mul3A_17 = arith.constant 632 : i32
    %mul3A_18 = arith.muli %arg1, %mul3A_17 : i32
    %add3A_19 = arith.constant 128 : i32
    %add3A_20 = arith.addi %mul3A_18, %add3A_19 : i32
    "tpu.region"() ({
      %run_scoped3A_75 = tpu.sem_alloc : memref<!tpu.dma_semaphore, #tpu.memory_space<semaphore_mem>>
      %dma_start3A_76 = arith.constant 0 : i32
      %dma_start3A_77 = tpu.memref_slice %arg5[%add3A_20, %dma_start3A_76] : memref<10112x128xf32, #tpu.memory_space<vmem_shared>> -> memref<128x128xf32, #tpu.memory_space<vmem_shared>>
      %dma_start3A_78 = arith.constant 0 : i32
      %dma_start3A_79 = tpu.memref_slice %arg5[%add3A_20, %dma_start3A_78] : memref<10112x128xf32, #tpu.memory_space<vmem_shared>> -> memref<128x128xf32, #tpu.memory_space<vmem_shared>>
      tpu.enqueue_dma source(%arg9 : memref<128x128xf32, #tpu.memory_space<vmem>>) target(%dma_start3A_79 : memref<128x128xf32, #tpu.memory_space<vmem_shared>>) target_semaphore(%run_scoped3A_75 : memref<!tpu.dma_semaphore, #tpu.memory_space<semaphore_mem>>)
      %dma_wait3A = arith.constant 0 : i32
      %dma_wait3A_80 = tpu.memref_slice %arg5[%add3A_20, %dma_wait3A] : memref<10112x128xf32, #tpu.memory_space<vmem_shared>> -> memref<128x128xf32, #tpu.memory_space<vmem_shared>>
      %dma_wait3A_81 = arith.constant 0 : i32
      %dma_wait3A_82 = tpu.memref_slice %arg5[%add3A_20, %dma_wait3A_81] : memref<10112x128xf32, #tpu.memory_space<vmem_shared>> -> memref<128x128xf32, #tpu.memory_space<vmem_shared>>
      tpu.wait_dma2 semaphore(%run_scoped3A_75 : memref<!tpu.dma_semaphore, #tpu.memory_space<semaphore_mem>>) src(%arg9 : memref<128x128xf32, #tpu.memory_space<vmem>>) dst(%dma_wait3A_82 : memref<128x128xf32, #tpu.memory_space<vmem_shared>>)
      tpu.yield
    }) : () -> ()
    %mul3A_21 = arith.constant 632 : i32
    %mul3A_22 = arith.muli %arg1, %mul3A_21 : i32
    %add3A_23 = arith.constant 256 : i32
    %add3A_24 = arith.addi %mul3A_22, %add3A_23 : i32
    "tpu.region"() ({
      %run_scoped3A_75 = tpu.sem_alloc : memref<!tpu.dma_semaphore, #tpu.memory_space<semaphore_mem>>
      %dma_start3A_76 = arith.constant 0 : i32
      %dma_start3A_77 = tpu.memref_slice %arg5[%add3A_24, %dma_start3A_76] : memref<10112x128xf32, #tpu.memory_space<vmem_shared>> -> memref<128x128xf32, #tpu.memory_space<vmem_shared>>
      %dma_start3A_78 = arith.constant 0 : i32
      %dma_start3A_79 = tpu.memref_slice %arg5[%add3A_24, %dma_start3A_78] : memref<10112x128xf32, #tpu.memory_space<vmem_shared>> -> memref<128x128xf32, #tpu.memory_space<vmem_shared>>
      tpu.enqueue_dma source(%arg9 : memref<128x128xf32, #tpu.memory_space<vmem>>) target(%dma_start3A_79 : memref<128x128xf32, #tpu.memory_space<vmem_shared>>) target_semaphore(%run_scoped3A_75 : memref<!tpu.dma_semaphore, #tpu.memory_space<semaphore_mem>>)
      %dma_wait3A = arith.constant 0 : i32
      %dma_wait3A_80 = tpu.memref_slice %arg5[%add3A_24, %dma_wait3A] : memref<10112x128xf32, #tpu.memory_space<vmem_shared>> -> memref<128x128xf32, #tpu.memory_space<vmem_shared>>
      %dma_wait3A_81 = arith.constant 0 : i32
      %dma_wait3A_82 = tpu.memref_slice %arg5[%add3A_24, %dma_wait3A_81] : memref<10112x128xf32, #tpu.memory_space<vmem_shared>> -> memref<128x128xf32, #tpu.memory_space<vmem_shared>>
      tpu.wait_dma2 semaphore(%run_scoped3A_75 : memref<!tpu.dma_semaphore, #tpu.memory_space<semaphore_mem>>) src(%arg9 : memref<128x128xf32, #tpu.memory_space<vmem>>) dst(%dma_wait3A_82 : memref<128x128xf32, #tpu.memory_space<vmem_shared>>)
      tpu.yield
    }) : () -> ()
    %mul3A_25 = arith.constant 632 : i32
    %mul3A_26 = arith.muli %arg1, %mul3A_25 : i32
    %add3A_27 = arith.constant 384 : i32
    %add3A_28 = arith.addi %mul3A_26, %add3A_27 : i32
    "tpu.region"() ({
      %run_scoped3A_75 = tpu.sem_alloc : memref<!tpu.dma_semaphore, #tpu.memory_space<semaphore_mem>>
      %dma_start3A_76 = arith.constant 0 : i32
      %dma_start3A_77 = tpu.memref_slice %arg5[%add3A_28, %dma_start3A_76] : memref<10112x128xf32, #tpu.memory_space<vmem_shared>> -> memref<128x128xf32, #tpu.memory_space<vmem_shared>>
      %dma_start3A_78 = arith.constant 0 : i32
      %dma_start3A_79 = tpu.memref_slice %arg5[%add3A_28, %dma_start3A_78] : memref<10112x128xf32, #tpu.memory_space<vmem_shared>> -> memref<128x128xf32, #tpu.memory_space<vmem_shared>>
      tpu.enqueue_dma source(%arg9 : memref<128x128xf32, #tpu.memory_space<vmem>>) target(%dma_start3A_79 : memref<128x128xf32, #tpu.memory_space<vmem_shared>>) target_semaphore(%run_scoped3A_75 : memref<!tpu.dma_semaphore, #tpu.memory_space<semaphore_mem>>)
      %dma_wait3A = arith.constant 0 : i32
      %dma_wait3A_80 = tpu.memref_slice %arg5[%add3A_28, %dma_wait3A] : memref<10112x128xf32, #tpu.memory_space<vmem_shared>> -> memref<128x128xf32, #tpu.memory_space<vmem_shared>>
      %dma_wait3A_81 = arith.constant 0 : i32
      %dma_wait3A_82 = tpu.memref_slice %arg5[%add3A_28, %dma_wait3A_81] : memref<10112x128xf32, #tpu.memory_space<vmem_shared>> -> memref<128x128xf32, #tpu.memory_space<vmem_shared>>
      tpu.wait_dma2 semaphore(%run_scoped3A_75 : memref<!tpu.dma_semaphore, #tpu.memory_space<semaphore_mem>>) src(%arg9 : memref<128x128xf32, #tpu.memory_space<vmem>>) dst(%dma_wait3A_82 : memref<128x128xf32, #tpu.memory_space<vmem_shared>>)
      tpu.yield
    }) : () -> ()
    %mul3A_29 = arith.constant 632 : i32
    %mul3A_30 = arith.muli %arg1, %mul3A_29 : i32
    %add3A_31 = arith.constant 512 : i32
    %add3A_32 = arith.addi %mul3A_30, %add3A_31 : i32
    "tpu.region"() ({
      %run_scoped3A_75 = tpu.sem_alloc : memref<!tpu.dma_semaphore, #tpu.memory_space<semaphore_mem>>
      %dma_start3A_76 = arith.constant 0 : i32
      %dma_start3A_77 = arith.constant 0 : i32
      %dma_start3A_78 = tpu.memref_slice %arg9[%dma_start3A_76, %dma_start3A_77] : memref<128x128xf32, #tpu.memory_space<vmem>> -> memref<120x128xf32, #tpu.memory_space<vmem>>
      %dma_start3A_79 = arith.constant 0 : i32
      %dma_start3A_80 = tpu.memref_slice %arg5[%add3A_32, %dma_start3A_79] : memref<10112x128xf32, #tpu.memory_space<vmem_shared>> -> memref<120x128xf32, #tpu.memory_space<vmem_shared>>
      %dma_start3A_81 = arith.constant 0 : i32
      %dma_start3A_82 = tpu.memref_slice %arg5[%add3A_32, %dma_start3A_81] : memref<10112x128xf32, #tpu.memory_space<vmem_shared>> -> memref<120x128xf32, #tpu.memory_space<vmem_shared>>
      %dma_start3A_83 = arith.constant 0 : i32
      %dma_start3A_84 = arith.constant 0 : i32
      %dma_start3A_85 = tpu.memref_slice %arg9[%dma_start3A_83, %dma_start3A_84] : memref<128x128xf32, #tpu.memory_space<vmem>> -> memref<120x128xf32, #tpu.memory_space<vmem>>
      tpu.enqueue_dma source(%dma_start3A_85 : memref<120x128xf32, #tpu.memory_space<vmem>>) target(%dma_start3A_82 : memref<120x128xf32, #tpu.memory_space<vmem_shared>>) target_semaphore(%run_scoped3A_75 : memref<!tpu.dma_semaphore, #tpu.memory_space<semaphore_mem>>)
      %dma_wait3A = arith.constant 0 : i32
      %dma_wait3A_86 = arith.constant 0 : i32
      %dma_wait3A_87 = tpu.memref_slice %arg9[%dma_wait3A, %dma_wait3A_86] : memref<128x128xf32, #tpu.memory_space<vmem>> -> memref<120x128xf32, #tpu.memory_space<vmem>>
      %dma_wait3A_88 = arith.constant 0 : i32
      %dma_wait3A_89 = tpu.memref_slice %arg5[%add3A_32, %dma_wait3A_88] : memref<10112x128xf32, #tpu.memory_space<vmem_shared>> -> memref<120x128xf32, #tpu.memory_space<vmem_shared>>
      %dma_wait3A_90 = arith.constant 0 : i32
      %dma_wait3A_91 = tpu.memref_slice %arg5[%add3A_32, %dma_wait3A_90] : memref<10112x128xf32, #tpu.memory_space<vmem_shared>> -> memref<120x128xf32, #tpu.memory_space<vmem_shared>>
      %dma_wait3A_92 = arith.constant 0 : i32
      %dma_wait3A_93 = arith.constant 0 : i32
      %dma_wait3A_94 = tpu.memref_slice %arg9[%dma_wait3A_92, %dma_wait3A_93] : memref<128x128xf32, #tpu.memory_space<vmem>> -> memref<120x128xf32, #tpu.memory_space<vmem>>
      tpu.wait_dma2 semaphore(%run_scoped3A_75 : memref<!tpu.dma_semaphore, #tpu.memory_space<semaphore_mem>>) src(%dma_wait3A_94 : memref<120x128xf32, #tpu.memory_space<vmem>>) dst(%dma_wait3A_91 : memref<120x128xf32, #tpu.memory_space<vmem_shared>>)
      tpu.yield
    }) : () -> ()
    %barrier3A = arith.constant 0 : index
    tpu.barrier barrier_id(%barrier3A)
    %scan3A_33 = arith.constant 0 : i32
    %scan3A_34 = arith.constant 0 : i32
    %scan3A_35 = arith.constant 20 : i32
    %scan3A_36 = arith.addi %scan3A_34, %scan3A_35 : i32
    %scan3A_37 = arith.constant 1 : i32
    scf.for %scan3A_75 = %scan3A_34 to %scan3A_36 step %scan3A_37  : i32 {
      %mul3A_76 = arith.constant 2 : i32
      %mul3A_77 = arith.muli %mul3A_76, %scan3A_75 : i32
      %add3A_78 = arith.constant 1 : i32
      %add3A_79 = arith.addi %mul3A_77, %add3A_78 : i32
      %dma_start3A_80 = arith.constant 0 : i32
      %dma_start3A_81 = tpu.memref_slice %arg6[%add3A_79, %dma_start3A_80] : memref<40x128xi32, #tpu.memory_space<vmem>> -> memref<1x128xi32, #tpu.memory_space<vmem>>
      %dma_start3A_82 = tpu.memref_squeeze %dma_start3A_81 : memref<1x128xi32, #tpu.memory_space<vmem>> -> memref<128xi32, #tpu.memory_space<vmem>>
      %dma_start3A_83 = arith.constant 0 : i32
      %dma_start3A_84 = arith.constant 0 : i32
      %dma_start3A_85 = tpu.memref_slice %arg3[%dma_start3A_83, %dma_start3A_84] : memref<10000x128xf32, #tpu.memory_space<hbm>> -> memref<10000x128xf32, #tpu.memory_space<hbm>>
      tpu.enqueue_indirect_dma source(%dma_start3A_85 : memref<10000x128xf32, #tpu.memory_space<hbm>>) target(%arg9 : memref<128x128xf32, #tpu.memory_space<vmem>>) offsets(%dma_start3A_82 : memref<128xi32, #tpu.memory_space<vmem>>) semaphore(%arg11 : memref<!tpu.dma_semaphore, #tpu.memory_space<semaphore_mem>>)
      %mul3A_86 = arith.constant 2 : i32
      %mul3A_87 = arith.muli %mul3A_86, %scan3A_75 : i32
      %dma_wait3A = arith.constant 0 : i32
      %dma_wait3A_88 = tpu.memref_slice %arg6[%mul3A_87, %dma_wait3A] : memref<40x128xi32, #tpu.memory_space<vmem>> -> memref<1x128xi32, #tpu.memory_space<vmem>>
      %dma_wait3A_89 = tpu.memref_squeeze %dma_wait3A_88 : memref<1x128xi32, #tpu.memory_space<vmem>> -> memref<128xi32, #tpu.memory_space<vmem>>
      %dma_wait3A_90 = arith.constant 0 : i32
      %dma_wait3A_91 = arith.constant 0 : i32
      %dma_wait3A_92 = tpu.memref_slice %arg3[%dma_wait3A_90, %dma_wait3A_91] : memref<10000x128xf32, #tpu.memory_space<hbm>> -> memref<10000x128xf32, #tpu.memory_space<hbm>>
      tpu.wait_indirect_dma semaphore(%arg10 : memref<!tpu.dma_semaphore, #tpu.memory_space<semaphore_mem>>) src(%dma_wait3A_92 : memref<10000x128xf32, #tpu.memory_space<hbm>>) dst(%arg8 : memref<128x128xf32, #tpu.memory_space<vmem>>)
      %mul3A_93 = arith.constant 2 : i32
      %mul3A_94 = arith.muli %mul3A_93, %scan3A_75 : i32
      "tpu.region"() ({
        %run_scoped3A_111 = tpu.sem_alloc : memref<!tpu.dma_semaphore, #tpu.memory_space<semaphore_mem>>
        %dma_start3A_112 = arith.constant 0 : i32
        %dma_start3A_113 = tpu.memref_slice %arg7[%mul3A_94, %dma_start3A_112] : memref<40x128xi32, #tpu.memory_space<vmem>> -> memref<1x128xi32, #tpu.memory_space<vmem>>
        %dma_start3A_114 = tpu.memref_squeeze %dma_start3A_113 : memref<1x128xi32, #tpu.memory_space<vmem>> -> memref<128xi32, #tpu.memory_space<vmem>>
        %dma_start3A_115 = arith.constant 0 : i32
        %dma_start3A_116 = arith.constant 0 : i32
        %dma_start3A_117 = tpu.memref_slice %arg5[%dma_start3A_115, %dma_start3A_116] : memref<10112x128xf32, #tpu.memory_space<vmem_shared>> -> memref<10112x128xf32, #tpu.memory_space<vmem_shared>>
        tpu.enqueue_indirect_dma source(%arg8 : memref<128x128xf32, #tpu.memory_space<vmem>>) target(%dma_start3A_117 : memref<10112x128xf32, #tpu.memory_space<vmem_shared>>) offsets(%dma_start3A_114 : memref<128xi32, #tpu.memory_space<vmem>>) semaphore(%run_scoped3A_111 : memref<!tpu.dma_semaphore, #tpu.memory_space<semaphore_mem>>) {add = true}
        %dma_wait3A_118 = arith.constant 0 : i32
        %dma_wait3A_119 = tpu.memref_slice %arg7[%mul3A_94, %dma_wait3A_118] : memref<40x128xi32, #tpu.memory_space<vmem>> -> memref<1x128xi32, #tpu.memory_space<vmem>>
        %dma_wait3A_120 = tpu.memref_squeeze %dma_wait3A_119 : memref<1x128xi32, #tpu.memory_space<vmem>> -> memref<128xi32, #tpu.memory_space<vmem>>
        %dma_wait3A_121 = arith.constant 0 : i32
        %dma_wait3A_122 = arith.constant 0 : i32
        %dma_wait3A_123 = tpu.memref_slice %arg5[%dma_wait3A_121, %dma_wait3A_122] : memref<10112x128xf32, #tpu.memory_space<vmem_shared>> -> memref<10112x128xf32, #tpu.memory_space<vmem_shared>>
        tpu.wait_indirect_dma semaphore(%run_scoped3A_111 : memref<!tpu.dma_semaphore, #tpu.memory_space<semaphore_mem>>) src(%arg8 : memref<128x128xf32, #tpu.memory_space<vmem>>) dst(%dma_wait3A_123 : memref<10112x128xf32, #tpu.memory_space<vmem_shared>>)
        tpu.yield
      }) : () -> ()
      %lt3A = arith.constant 19 : i32
      %lt3A_95 = arith.cmpi slt, %scan3A_75, %lt3A : i32
      %convert_element_type3A = arith.extui %lt3A_95 : i1 to i32
      %cond3A = arith.constant 0 : i32
      %cond3A_96 = arith.cmpi ne, %convert_element_type3A, %cond3A : i32
      scf.if %cond3A_96 {
        %mul3A_111 = arith.constant 2 : i32
        %mul3A_112 = arith.muli %mul3A_111, %scan3A_75 : i32
        %add3A_113 = arith.constant 2 : i32
        %add3A_114 = arith.addi %mul3A_112, %add3A_113 : i32
        %dma_start3A_115 = arith.constant 0 : i32
        %dma_start3A_116 = tpu.memref_slice %arg6[%add3A_114, %dma_start3A_115] : memref<40x128xi32, #tpu.memory_space<vmem>> -> memref<1x128xi32, #tpu.memory_space<vmem>>
        %dma_start3A_117 = tpu.memref_squeeze %dma_start3A_116 : memref<1x128xi32, #tpu.memory_space<vmem>> -> memref<128xi32, #tpu.memory_space<vmem>>
        %dma_start3A_118 = arith.constant 0 : i32
        %dma_start3A_119 = arith.constant 0 : i32
        %dma_start3A_120 = tpu.memref_slice %arg3[%dma_start3A_118, %dma_start3A_119] : memref<10000x128xf32, #tpu.memory_space<hbm>> -> memref<10000x128xf32, #tpu.memory_space<hbm>>
        tpu.enqueue_indirect_dma source(%dma_start3A_120 : memref<10000x128xf32, #tpu.memory_space<hbm>>) target(%arg8 : memref<128x128xf32, #tpu.memory_space<vmem>>) offsets(%dma_start3A_117 : memref<128xi32, #tpu.memory_space<vmem>>) semaphore(%arg10 : memref<!tpu.dma_semaphore, #tpu.memory_space<semaphore_mem>>)
      } else {
      }
      %mul3A_97 = arith.constant 2 : i32
      %mul3A_98 = arith.muli %mul3A_97, %scan3A_75 : i32
      %add3A_99 = arith.constant 1 : i32
      %add3A_100 = arith.addi %mul3A_98, %add3A_99 : i32
      %dma_wait3A_101 = arith.constant 0 : i32
      %dma_wait3A_102 = tpu.memref_slice %arg6[%add3A_100, %dma_wait3A_101] : memref<40x128xi32, #tpu.memory_space<vmem>> -> memref<1x128xi32, #tpu.memory_space<vmem>>
      %dma_wait3A_103 = tpu.memref_squeeze %dma_wait3A_102 : memref<1x128xi32, #tpu.memory_space<vmem>> -> memref<128xi32, #tpu.memory_space<vmem>>
      %dma_wait3A_104 = arith.constant 0 : i32
      %dma_wait3A_105 = arith.constant 0 : i32
      %dma_wait3A_106 = tpu.memref_slice %arg3[%dma_wait3A_104, %dma_wait3A_105] : memref<10000x128xf32, #tpu.memory_space<hbm>> -> memref<10000x128xf32, #tpu.memory_space<hbm>>
      tpu.wait_indirect_dma semaphore(%arg11 : memref<!tpu.dma_semaphore, #tpu.memory_space<semaphore_mem>>) src(%dma_wait3A_106 : memref<10000x128xf32, #tpu.memory_space<hbm>>) dst(%arg9 : memref<128x128xf32, #tpu.memory_space<vmem>>)
      %mul3A_107 = arith.constant 2 : i32
      %mul3A_108 = arith.muli %mul3A_107, %scan3A_75 : i32
      %add3A_109 = arith.constant 1 : i32
      %add3A_110 = arith.addi %mul3A_108, %add3A_109 : i32
      "tpu.region"() ({
        %run_scoped3A_111 = tpu.sem_alloc : memref<!tpu.dma_semaphore, #tpu.memory_space<semaphore_mem>>
        %dma_start3A_112 = arith.constant 0 : i32
        %dma_start3A_113 = tpu.memref_slice %arg7[%add3A_110, %dma_start3A_112] : memref<40x128xi32, #tpu.memory_space<vmem>> -> memref<1x128xi32, #tpu.memory_space<vmem>>
        %dma_start3A_114 = tpu.memref_squeeze %dma_start3A_113 : memref<1x128xi32, #tpu.memory_space<vmem>> -> memref<128xi32, #tpu.memory_space<vmem>>
        %dma_start3A_115 = arith.constant 0 : i32
        %dma_start3A_116 = arith.constant 0 : i32
        %dma_start3A_117 = tpu.memref_slice %arg5[%dma_start3A_115, %dma_start3A_116] : memref<10112x128xf32, #tpu.memory_space<vmem_shared>> -> memref<10112x128xf32, #tpu.memory_space<vmem_shared>>
        tpu.enqueue_indirect_dma source(%arg9 : memref<128x128xf32, #tpu.memory_space<vmem>>) target(%dma_start3A_117 : memref<10112x128xf32, #tpu.memory_space<vmem_shared>>) offsets(%dma_start3A_114 : memref<128xi32, #tpu.memory_space<vmem>>) semaphore(%run_scoped3A_111 : memref<!tpu.dma_semaphore, #tpu.memory_space<semaphore_mem>>) {add = true}
        %dma_wait3A_118 = arith.constant 0 : i32
        %dma_wait3A_119 = tpu.memref_slice %arg7[%add3A_110, %dma_wait3A_118] : memref<40x128xi32, #tpu.memory_space<vmem>> -> memref<1x128xi32, #tpu.memory_space<vmem>>
        %dma_wait3A_120 = tpu.memref_squeeze %dma_wait3A_119 : memref<1x128xi32, #tpu.memory_space<vmem>> -> memref<128xi32, #tpu.memory_space<vmem>>
        %dma_wait3A_121 = arith.constant 0 : i32
        %dma_wait3A_122 = arith.constant 0 : i32
        %dma_wait3A_123 = tpu.memref_slice %arg5[%dma_wait3A_121, %dma_wait3A_122] : memref<10112x128xf32, #tpu.memory_space<vmem_shared>> -> memref<10112x128xf32, #tpu.memory_space<vmem_shared>>
        tpu.wait_indirect_dma semaphore(%run_scoped3A_111 : memref<!tpu.dma_semaphore, #tpu.memory_space<semaphore_mem>>) src(%arg9 : memref<128x128xf32, #tpu.memory_space<vmem>>) dst(%dma_wait3A_123 : memref<10112x128xf32, #tpu.memory_space<vmem_shared>>)
        tpu.yield
      }) : () -> ()
    }
    %scan3A_38 = arith.constant 20 : i32
    %run_scoped3A_39 = arith.constant 0 : i32
    "tpu.region"() ({
      %run_scoped3A_75 = tpu.sem_alloc : memref<!tpu.dma_semaphore, #tpu.memory_space<semaphore_mem>>
      %dma_start3A_76 = arith.constant 40 : i32
      %dma_start3A_77 = arith.constant 0 : i32
      %dma_start3A_78 = tpu.memref_slice %arg2[%run_scoped3A_39, %add3A, %dma_start3A_76, %dma_start3A_77] : memref<2x32x80x128xi32, #tpu.memory_space<hbm>> -> memref<1x1x40x128xi32, #tpu.memory_space<hbm>>
      %dma_start3A_79 = tpu.memref_squeeze %dma_start3A_78 : memref<1x1x40x128xi32, #tpu.memory_space<hbm>> -> memref<40x128xi32, #tpu.memory_space<hbm>>
      %dma_start3A_80 = arith.constant 40 : i32
      %dma_start3A_81 = arith.constant 0 : i32
      %dma_start3A_82 = tpu.memref_slice %arg2[%run_scoped3A_39, %add3A, %dma_start3A_80, %dma_start3A_81] : memref<2x32x80x128xi32, #tpu.memory_space<hbm>> -> memref<1x1x40x128xi32, #tpu.memory_space<hbm>>
      %dma_start3A_83 = tpu.memref_squeeze %dma_start3A_82 : memref<1x1x40x128xi32, #tpu.memory_space<hbm>> -> memref<40x128xi32, #tpu.memory_space<hbm>>
      tpu.enqueue_dma source(%dma_start3A_83 : memref<40x128xi32, #tpu.memory_space<hbm>>) target(%arg6 : memref<40x128xi32, #tpu.memory_space<vmem>>) target_semaphore(%run_scoped3A_75 : memref<!tpu.dma_semaphore, #tpu.memory_space<semaphore_mem>>)
      %dma_wait3A = arith.constant 40 : i32
      %dma_wait3A_84 = arith.constant 0 : i32
      %dma_wait3A_85 = tpu.memref_slice %arg2[%run_scoped3A_39, %add3A, %dma_wait3A, %dma_wait3A_84] : memref<2x32x80x128xi32, #tpu.memory_space<hbm>> -> memref<1x1x40x128xi32, #tpu.memory_space<hbm>>
      %dma_wait3A_86 = tpu.memref_squeeze %dma_wait3A_85 : memref<1x1x40x128xi32, #tpu.memory_space<hbm>> -> memref<40x128xi32, #tpu.memory_space<hbm>>
      %dma_wait3A_87 = arith.constant 40 : i32
      %dma_wait3A_88 = arith.constant 0 : i32
      %dma_wait3A_89 = tpu.memref_slice %arg2[%run_scoped3A_39, %add3A, %dma_wait3A_87, %dma_wait3A_88] : memref<2x32x80x128xi32, #tpu.memory_space<hbm>> -> memref<1x1x40x128xi32, #tpu.memory_space<hbm>>
      %dma_wait3A_90 = tpu.memref_squeeze %dma_wait3A_89 : memref<1x1x40x128xi32, #tpu.memory_space<hbm>> -> memref<40x128xi32, #tpu.memory_space<hbm>>
      tpu.wait_dma2 semaphore(%run_scoped3A_75 : memref<!tpu.dma_semaphore, #tpu.memory_space<semaphore_mem>>) src(%dma_wait3A_90 : memref<40x128xi32, #tpu.memory_space<hbm>>) dst(%arg6 : memref<40x128xi32, #tpu.memory_space<vmem>>)
      tpu.yield
    }) : () -> ()
    %run_scoped3A_40 = arith.constant 1 : i32
    "tpu.region"() ({
      %run_scoped3A_75 = tpu.sem_alloc : memref<!tpu.dma_semaphore, #tpu.memory_space<semaphore_mem>>
      %dma_start3A_76 = arith.constant 40 : i32
      %dma_start3A_77 = arith.constant 0 : i32
      %dma_start3A_78 = tpu.memref_slice %arg2[%run_scoped3A_40, %add3A, %dma_start3A_76, %dma_start3A_77] : memref<2x32x80x128xi32, #tpu.memory_space<hbm>> -> memref<1x1x40x128xi32, #tpu.memory_space<hbm>>
      %dma_start3A_79 = tpu.memref_squeeze %dma_start3A_78 : memref<1x1x40x128xi32, #tpu.memory_space<hbm>> -> memref<40x128xi32, #tpu.memory_space<hbm>>
      %dma_start3A_80 = arith.constant 40 : i32
      %dma_start3A_81 = arith.constant 0 : i32
      %dma_start3A_82 = tpu.memref_slice %arg2[%run_scoped3A_40, %add3A, %dma_start3A_80, %dma_start3A_81] : memref<2x32x80x128xi32, #tpu.memory_space<hbm>> -> memref<1x1x40x128xi32, #tpu.memory_space<hbm>>
      %dma_start3A_83 = tpu.memref_squeeze %dma_start3A_82 : memref<1x1x40x128xi32, #tpu.memory_space<hbm>> -> memref<40x128xi32, #tpu.memory_space<hbm>>
      tpu.enqueue_dma source(%dma_start3A_83 : memref<40x128xi32, #tpu.memory_space<hbm>>) target(%arg7 : memref<40x128xi32, #tpu.memory_space<vmem>>) target_semaphore(%run_scoped3A_75 : memref<!tpu.dma_semaphore, #tpu.memory_space<semaphore_mem>>)
      %dma_wait3A = arith.constant 40 : i32
      %dma_wait3A_84 = arith.constant 0 : i32
      %dma_wait3A_85 = tpu.memref_slice %arg2[%run_scoped3A_40, %add3A, %dma_wait3A, %dma_wait3A_84] : memref<2x32x80x128xi32, #tpu.memory_space<hbm>> -> memref<1x1x40x128xi32, #tpu.memory_space<hbm>>
      %dma_wait3A_86 = tpu.memref_squeeze %dma_wait3A_85 : memref<1x1x40x128xi32, #tpu.memory_space<hbm>> -> memref<40x128xi32, #tpu.memory_space<hbm>>
      %dma_wait3A_87 = arith.constant 40 : i32
      %dma_wait3A_88 = arith.constant 0 : i32
      %dma_wait3A_89 = tpu.memref_slice %arg2[%run_scoped3A_40, %add3A, %dma_wait3A_87, %dma_wait3A_88] : memref<2x32x80x128xi32, #tpu.memory_space<hbm>> -> memref<1x1x40x128xi32, #tpu.memory_space<hbm>>
      %dma_wait3A_90 = tpu.memref_squeeze %dma_wait3A_89 : memref<1x1x40x128xi32, #tpu.memory_space<hbm>> -> memref<40x128xi32, #tpu.memory_space<hbm>>
      tpu.wait_dma2 semaphore(%run_scoped3A_75 : memref<!tpu.dma_semaphore, #tpu.memory_space<semaphore_mem>>) src(%dma_wait3A_90 : memref<40x128xi32, #tpu.memory_space<hbm>>) dst(%arg7 : memref<40x128xi32, #tpu.memory_space<vmem>>)
      tpu.yield
    }) : () -> ()
    %dma_start3A_41 = arith.constant 0 : i32
    %dma_start3A_42 = arith.constant 0 : i32
    %dma_start3A_43 = tpu.memref_slice %arg6[%dma_start3A_41, %dma_start3A_42] : memref<40x128xi32, #tpu.memory_space<vmem>> -> memref<1x128xi32, #tpu.memory_space<vmem>>
    %dma_start3A_44 = tpu.memref_squeeze %dma_start3A_43 : memref<1x128xi32, #tpu.memory_space<vmem>> -> memref<128xi32, #tpu.memory_space<vmem>>
    %dma_start3A_45 = arith.constant 0 : i32
    %dma_start3A_46 = arith.constant 0 : i32
    %dma_start3A_47 = tpu.memref_slice %arg3[%dma_start3A_45, %dma_start3A_46] : memref<10000x128xf32, #tpu.memory_space<hbm>> -> memref<10000x128xf32, #tpu.memory_space<hbm>>
    tpu.enqueue_indirect_dma source(%dma_start3A_47 : memref<10000x128xf32, #tpu.memory_space<hbm>>) target(%arg8 : memref<128x128xf32, #tpu.memory_space<vmem>>) offsets(%dma_start3A_44 : memref<128xi32, #tpu.memory_space<vmem>>) semaphore(%arg10 : memref<!tpu.dma_semaphore, #tpu.memory_space<semaphore_mem>>)
    %scan3A_48 = arith.constant 0 : i32
    %scan3A_49 = arith.constant 0 : i32
    %scan3A_50 = arith.constant 20 : i32
    %scan3A_51 = arith.addi %scan3A_49, %scan3A_50 : i32
    %scan3A_52 = arith.constant 1 : i32
    scf.for %scan3A_75 = %scan3A_49 to %scan3A_51 step %scan3A_52  : i32 {
      %mul3A_76 = arith.constant 2 : i32
      %mul3A_77 = arith.muli %mul3A_76, %scan3A_75 : i32
      %add3A_78 = arith.constant 1 : i32
      %add3A_79 = arith.addi %mul3A_77, %add3A_78 : i32
      %dma_start3A_80 = arith.constant 0 : i32
      %dma_start3A_81 = tpu.memref_slice %arg6[%add3A_79, %dma_start3A_80] : memref<40x128xi32, #tpu.memory_space<vmem>> -> memref<1x128xi32, #tpu.memory_space<vmem>>
      %dma_start3A_82 = tpu.memref_squeeze %dma_start3A_81 : memref<1x128xi32, #tpu.memory_space<vmem>> -> memref<128xi32, #tpu.memory_space<vmem>>
      %dma_start3A_83 = arith.constant 0 : i32
      %dma_start3A_84 = arith.constant 0 : i32
      %dma_start3A_85 = tpu.memref_slice %arg3[%dma_start3A_83, %dma_start3A_84] : memref<10000x128xf32, #tpu.memory_space<hbm>> -> memref<10000x128xf32, #tpu.memory_space<hbm>>
      tpu.enqueue_indirect_dma source(%dma_start3A_85 : memref<10000x128xf32, #tpu.memory_space<hbm>>) target(%arg9 : memref<128x128xf32, #tpu.memory_space<vmem>>) offsets(%dma_start3A_82 : memref<128xi32, #tpu.memory_space<vmem>>) semaphore(%arg11 : memref<!tpu.dma_semaphore, #tpu.memory_space<semaphore_mem>>)
      %mul3A_86 = arith.constant 2 : i32
      %mul3A_87 = arith.muli %mul3A_86, %scan3A_75 : i32
      %dma_wait3A = arith.constant 0 : i32
      %dma_wait3A_88 = tpu.memref_slice %arg6[%mul3A_87, %dma_wait3A] : memref<40x128xi32, #tpu.memory_space<vmem>> -> memref<1x128xi32, #tpu.memory_space<vmem>>
      %dma_wait3A_89 = tpu.memref_squeeze %dma_wait3A_88 : memref<1x128xi32, #tpu.memory_space<vmem>> -> memref<128xi32, #tpu.memory_space<vmem>>
      %dma_wait3A_90 = arith.constant 0 : i32
      %dma_wait3A_91 = arith.constant 0 : i32
      %dma_wait3A_92 = tpu.memref_slice %arg3[%dma_wait3A_90, %dma_wait3A_91] : memref<10000x128xf32, #tpu.memory_space<hbm>> -> memref<10000x128xf32, #tpu.memory_space<hbm>>
      tpu.wait_indirect_dma semaphore(%arg10 : memref<!tpu.dma_semaphore, #tpu.memory_space<semaphore_mem>>) src(%dma_wait3A_92 : memref<10000x128xf32, #tpu.memory_space<hbm>>) dst(%arg8 : memref<128x128xf32, #tpu.memory_space<vmem>>)
      %mul3A_93 = arith.constant 2 : i32
      %mul3A_94 = arith.muli %mul3A_93, %scan3A_75 : i32
      "tpu.region"() ({
        %run_scoped3A_111 = tpu.sem_alloc : memref<!tpu.dma_semaphore, #tpu.memory_space<semaphore_mem>>
        %dma_start3A_112 = arith.constant 0 : i32
        %dma_start3A_113 = tpu.memref_slice %arg7[%mul3A_94, %dma_start3A_112] : memref<40x128xi32, #tpu.memory_space<vmem>> -> memref<1x128xi32, #tpu.memory_space<vmem>>
        %dma_start3A_114 = tpu.memref_squeeze %dma_start3A_113 : memref<1x128xi32, #tpu.memory_space<vmem>> -> memref<128xi32, #tpu.memory_space<vmem>>
        %dma_start3A_115 = arith.constant 0 : i32
        %dma_start3A_116 = arith.constant 0 : i32
        %dma_start3A_117 = tpu.memref_slice %arg5[%dma_start3A_115, %dma_start3A_116] : memref<10112x128xf32, #tpu.memory_space<vmem_shared>> -> memref<10112x128xf32, #tpu.memory_space<vmem_shared>>
        tpu.enqueue_indirect_dma source(%arg8 : memref<128x128xf32, #tpu.memory_space<vmem>>) target(%dma_start3A_117 : memref<10112x128xf32, #tpu.memory_space<vmem_shared>>) offsets(%dma_start3A_114 : memref<128xi32, #tpu.memory_space<vmem>>) semaphore(%run_scoped3A_111 : memref<!tpu.dma_semaphore, #tpu.memory_space<semaphore_mem>>) {add = true}
        %dma_wait3A_118 = arith.constant 0 : i32
        %dma_wait3A_119 = tpu.memref_slice %arg7[%mul3A_94, %dma_wait3A_118] : memref<40x128xi32, #tpu.memory_space<vmem>> -> memref<1x128xi32, #tpu.memory_space<vmem>>
        %dma_wait3A_120 = tpu.memref_squeeze %dma_wait3A_119 : memref<1x128xi32, #tpu.memory_space<vmem>> -> memref<128xi32, #tpu.memory_space<vmem>>
        %dma_wait3A_121 = arith.constant 0 : i32
        %dma_wait3A_122 = arith.constant 0 : i32
        %dma_wait3A_123 = tpu.memref_slice %arg5[%dma_wait3A_121, %dma_wait3A_122] : memref<10112x128xf32, #tpu.memory_space<vmem_shared>> -> memref<10112x128xf32, #tpu.memory_space<vmem_shared>>
        tpu.wait_indirect_dma semaphore(%run_scoped3A_111 : memref<!tpu.dma_semaphore, #tpu.memory_space<semaphore_mem>>) src(%arg8 : memref<128x128xf32, #tpu.memory_space<vmem>>) dst(%dma_wait3A_123 : memref<10112x128xf32, #tpu.memory_space<vmem_shared>>)
        tpu.yield
      }) : () -> ()
      %lt3A = arith.constant 19 : i32
      %lt3A_95 = arith.cmpi slt, %scan3A_75, %lt3A : i32
      %convert_element_type3A = arith.extui %lt3A_95 : i1 to i32
      %cond3A = arith.constant 0 : i32
      %cond3A_96 = arith.cmpi ne, %convert_element_type3A, %cond3A : i32
      scf.if %cond3A_96 {
        %mul3A_111 = arith.constant 2 : i32
        %mul3A_112 = arith.muli %mul3A_111, %scan3A_75 : i32
        %add3A_113 = arith.constant 2 : i32
        %add3A_114 = arith.addi %mul3A_112, %add3A_113 : i32
        %dma_start3A_115 = arith.constant 0 : i32
        %dma_start3A_116 = tpu.memref_slice %arg6[%add3A_114, %dma_start3A_115] : memref<40x128xi32, #tpu.memory_space<vmem>> -> memref<1x128xi32, #tpu.memory_space<vmem>>
        %dma_start3A_117 = tpu.memref_squeeze %dma_start3A_116 : memref<1x128xi32, #tpu.memory_space<vmem>> -> memref<128xi32, #tpu.memory_space<vmem>>
        %dma_start3A_118 = arith.constant 0 : i32
        %dma_start3A_119 = arith.constant 0 : i32
        %dma_start3A_120 = tpu.memref_slice %arg3[%dma_start3A_118, %dma_start3A_119] : memref<10000x128xf32, #tpu.memory_space<hbm>> -> memref<10000x128xf32, #tpu.memory_space<hbm>>
        tpu.enqueue_indirect_dma source(%dma_start3A_120 : memref<10000x128xf32, #tpu.memory_space<hbm>>) target(%arg8 : memref<128x128xf32, #tpu.memory_space<vmem>>) offsets(%dma_start3A_117 : memref<128xi32, #tpu.memory_space<vmem>>) semaphore(%arg10 : memref<!tpu.dma_semaphore, #tpu.memory_space<semaphore_mem>>)
      } else {
      }
      %mul3A_97 = arith.constant 2 : i32
      %mul3A_98 = arith.muli %mul3A_97, %scan3A_75 : i32
      %add3A_99 = arith.constant 1 : i32
      %add3A_100 = arith.addi %mul3A_98, %add3A_99 : i32
      %dma_wait3A_101 = arith.constant 0 : i32
      %dma_wait3A_102 = tpu.memref_slice %arg6[%add3A_100, %dma_wait3A_101] : memref<40x128xi32, #tpu.memory_space<vmem>> -> memref<1x128xi32, #tpu.memory_space<vmem>>
      %dma_wait3A_103 = tpu.memref_squeeze %dma_wait3A_102 : memref<1x128xi32, #tpu.memory_space<vmem>> -> memref<128xi32, #tpu.memory_space<vmem>>
      %dma_wait3A_104 = arith.constant 0 : i32
      %dma_wait3A_105 = arith.constant 0 : i32
      %dma_wait3A_106 = tpu.memref_slice %arg3[%dma_wait3A_104, %dma_wait3A_105] : memref<10000x128xf32, #tpu.memory_space<hbm>> -> memref<10000x128xf32, #tpu.memory_space<hbm>>
      tpu.wait_indirect_dma semaphore(%arg11 : memref<!tpu.dma_semaphore, #tpu.memory_space<semaphore_mem>>) src(%dma_wait3A_106 : memref<10000x128xf32, #tpu.memory_space<hbm>>) dst(%arg9 : memref<128x128xf32, #tpu.memory_space<vmem>>)
      %mul3A_107 = arith.constant 2 : i32
      %mul3A_108 = arith.muli %mul3A_107, %scan3A_75 : i32
      %add3A_109 = arith.constant 1 : i32
      %add3A_110 = arith.addi %mul3A_108, %add3A_109 : i32
      "tpu.region"() ({
        %run_scoped3A_111 = tpu.sem_alloc : memref<!tpu.dma_semaphore, #tpu.memory_space<semaphore_mem>>
        %dma_start3A_112 = arith.constant 0 : i32
        %dma_start3A_113 = tpu.memref_slice %arg7[%add3A_110, %dma_start3A_112] : memref<40x128xi32, #tpu.memory_space<vmem>> -> memref<1x128xi32, #tpu.memory_space<vmem>>
        %dma_start3A_114 = tpu.memref_squeeze %dma_start3A_113 : memref<1x128xi32, #tpu.memory_space<vmem>> -> memref<128xi32, #tpu.memory_space<vmem>>
        %dma_start3A_115 = arith.constant 0 : i32
        %dma_start3A_116 = arith.constant 0 : i32
        %dma_start3A_117 = tpu.memref_slice %arg5[%dma_start3A_115, %dma_start3A_116] : memref<10112x128xf32, #tpu.memory_space<vmem_shared>> -> memref<10112x128xf32, #tpu.memory_space<vmem_shared>>
        tpu.enqueue_indirect_dma source(%arg9 : memref<128x128xf32, #tpu.memory_space<vmem>>) target(%dma_start3A_117 : memref<10112x128xf32, #tpu.memory_space<vmem_shared>>) offsets(%dma_start3A_114 : memref<128xi32, #tpu.memory_space<vmem>>) semaphore(%run_scoped3A_111 : memref<!tpu.dma_semaphore, #tpu.memory_space<semaphore_mem>>) {add = true}
        %dma_wait3A_118 = arith.constant 0 : i32
        %dma_wait3A_119 = tpu.memref_slice %arg7[%add3A_110, %dma_wait3A_118] : memref<40x128xi32, #tpu.memory_space<vmem>> -> memref<1x128xi32, #tpu.memory_space<vmem>>
        %dma_wait3A_120 = tpu.memref_squeeze %dma_wait3A_119 : memref<1x128xi32, #tpu.memory_space<vmem>> -> memref<128xi32, #tpu.memory_space<vmem>>
        %dma_wait3A_121 = arith.constant 0 : i32
        %dma_wait3A_122 = arith.constant 0 : i32
        %dma_wait3A_123 = tpu.memref_slice %arg5[%dma_wait3A_121, %dma_wait3A_122] : memref<10112x128xf32, #tpu.memory_space<vmem_shared>> -> memref<10112x128xf32, #tpu.memory_space<vmem_shared>>
        tpu.wait_indirect_dma semaphore(%run_scoped3A_111 : memref<!tpu.dma_semaphore, #tpu.memory_space<semaphore_mem>>) src(%arg9 : memref<128x128xf32, #tpu.memory_space<vmem>>) dst(%dma_wait3A_123 : memref<10112x128xf32, #tpu.memory_space<vmem_shared>>)
        tpu.yield
      }) : () -> ()
    }
    %scan3A_53 = arith.constant 20 : i32
    %barrier3A_54 = arith.constant 0 : index
    tpu.barrier barrier_id(%barrier3A_54)
    %mul3A_55 = arith.constant 632 : i32
    %mul3A_56 = arith.muli %arg1, %mul3A_55 : i32
    %add3A_57 = arith.constant 0 : i32
    %add3A_58 = arith.addi %mul3A_56, %add3A_57 : i32
    "tpu.region"() ({
      %run_scoped3A_75 = tpu.sem_alloc : memref<!tpu.dma_semaphore, #tpu.memory_space<semaphore_mem>>
      %dma_start3A_76 = arith.constant 0 : i32
      %dma_start3A_77 = tpu.memref_slice %arg4[%arg0, %add3A_58, %dma_start3A_76] : memref<2x10112x128xf32, #tpu.memory_space<hbm>> -> memref<1x128x128xf32, #tpu.memory_space<hbm>>
      %dma_start3A_78 = tpu.memref_squeeze %dma_start3A_77 : memref<1x128x128xf32, #tpu.memory_space<hbm>> -> memref<128x128xf32, #tpu.memory_space<hbm>>
      %dma_start3A_79 = arith.constant 0 : i32
      %dma_start3A_80 = tpu.memref_slice %arg5[%add3A_58, %dma_start3A_79] : memref<10112x128xf32, #tpu.memory_space<vmem_shared>> -> memref<128x128xf32, #tpu.memory_space<vmem_shared>>
      tpu.enqueue_dma source(%dma_start3A_80 : memref<128x128xf32, #tpu.memory_space<vmem_shared>>) target(%dma_start3A_78 : memref<128x128xf32, #tpu.memory_space<hbm>>) target_semaphore(%run_scoped3A_75 : memref<!tpu.dma_semaphore, #tpu.memory_space<semaphore_mem>>)
      %dma_wait3A = arith.constant 0 : i32
      %dma_wait3A_81 = tpu.memref_slice %arg4[%arg0, %add3A_58, %dma_wait3A] : memref<2x10112x128xf32, #tpu.memory_space<hbm>> -> memref<1x128x128xf32, #tpu.memory_space<hbm>>
      %dma_wait3A_82 = tpu.memref_squeeze %dma_wait3A_81 : memref<1x128x128xf32, #tpu.memory_space<hbm>> -> memref<128x128xf32, #tpu.memory_space<hbm>>
      %dma_wait3A_83 = arith.constant 0 : i32
      %dma_wait3A_84 = tpu.memref_slice %arg5[%add3A_58, %dma_wait3A_83] : memref<10112x128xf32, #tpu.memory_space<vmem_shared>> -> memref<128x128xf32, #tpu.memory_space<vmem_shared>>
      tpu.wait_dma2 semaphore(%run_scoped3A_75 : memref<!tpu.dma_semaphore, #tpu.memory_space<semaphore_mem>>) src(%dma_wait3A_84 : memref<128x128xf32, #tpu.memory_space<vmem_shared>>) dst(%dma_wait3A_82 : memref<128x128xf32, #tpu.memory_space<hbm>>)
      tpu.yield
    }) : () -> ()
    %mul3A_59 = arith.constant 632 : i32
    %mul3A_60 = arith.muli %arg1, %mul3A_59 : i32
    %add3A_61 = arith.constant 128 : i32
    %add3A_62 = arith.addi %mul3A_60, %add3A_61 : i32
    "tpu.region"() ({
      %run_scoped3A_75 = tpu.sem_alloc : memref<!tpu.dma_semaphore, #tpu.memory_space<semaphore_mem>>
      %dma_start3A_76 = arith.constant 0 : i32
      %dma_start3A_77 = tpu.memref_slice %arg4[%arg0, %add3A_62, %dma_start3A_76] : memref<2x10112x128xf32, #tpu.memory_space<hbm>> -> memref<1x128x128xf32, #tpu.memory_space<hbm>>
      %dma_start3A_78 = tpu.memref_squeeze %dma_start3A_77 : memref<1x128x128xf32, #tpu.memory_space<hbm>> -> memref<128x128xf32, #tpu.memory_space<hbm>>
      %dma_start3A_79 = arith.constant 0 : i32
      %dma_start3A_80 = tpu.memref_slice %arg5[%add3A_62, %dma_start3A_79] : memref<10112x128xf32, #tpu.memory_space<vmem_shared>> -> memref<128x128xf32, #tpu.memory_space<vmem_shared>>
      tpu.enqueue_dma source(%dma_start3A_80 : memref<128x128xf32, #tpu.memory_space<vmem_shared>>) target(%dma_start3A_78 : memref<128x128xf32, #tpu.memory_space<hbm>>) target_semaphore(%run_scoped3A_75 : memref<!tpu.dma_semaphore, #tpu.memory_space<semaphore_mem>>)
      %dma_wait3A = arith.constant 0 : i32
      %dma_wait3A_81 = tpu.memref_slice %arg4[%arg0, %add3A_62, %dma_wait3A] : memref<2x10112x128xf32, #tpu.memory_space<hbm>> -> memref<1x128x128xf32, #tpu.memory_space<hbm>>
      %dma_wait3A_82 = tpu.memref_squeeze %dma_wait3A_81 : memref<1x128x128xf32, #tpu.memory_space<hbm>> -> memref<128x128xf32, #tpu.memory_space<hbm>>
      %dma_wait3A_83 = arith.constant 0 : i32
      %dma_wait3A_84 = tpu.memref_slice %arg5[%add3A_62, %dma_wait3A_83] : memref<10112x128xf32, #tpu.memory_space<vmem_shared>> -> memref<128x128xf32, #tpu.memory_space<vmem_shared>>
      tpu.wait_dma2 semaphore(%run_scoped3A_75 : memref<!tpu.dma_semaphore, #tpu.memory_space<semaphore_mem>>) src(%dma_wait3A_84 : memref<128x128xf32, #tpu.memory_space<vmem_shared>>) dst(%dma_wait3A_82 : memref<128x128xf32, #tpu.memory_space<hbm>>)
      tpu.yield
    }) : () -> ()
    %mul3A_63 = arith.constant 632 : i32
    %mul3A_64 = arith.muli %arg1, %mul3A_63 : i32
    %add3A_65 = arith.constant 256 : i32
    %add3A_66 = arith.addi %mul3A_64, %add3A_65 : i32
    "tpu.region"() ({
      %run_scoped3A_75 = tpu.sem_alloc : memref<!tpu.dma_semaphore, #tpu.memory_space<semaphore_mem>>
      %dma_start3A_76 = arith.constant 0 : i32
      %dma_start3A_77 = tpu.memref_slice %arg4[%arg0, %add3A_66, %dma_start3A_76] : memref<2x10112x128xf32, #tpu.memory_space<hbm>> -> memref<1x128x128xf32, #tpu.memory_space<hbm>>
      %dma_start3A_78 = tpu.memref_squeeze %dma_start3A_77 : memref<1x128x128xf32, #tpu.memory_space<hbm>> -> memref<128x128xf32, #tpu.memory_space<hbm>>
      %dma_start3A_79 = arith.constant 0 : i32
      %dma_start3A_80 = tpu.memref_slice %arg5[%add3A_66, %dma_start3A_79] : memref<10112x128xf32, #tpu.memory_space<vmem_shared>> -> memref<128x128xf32, #tpu.memory_space<vmem_shared>>
      tpu.enqueue_dma source(%dma_start3A_80 : memref<128x128xf32, #tpu.memory_space<vmem_shared>>) target(%dma_start3A_78 : memref<128x128xf32, #tpu.memory_space<hbm>>) target_semaphore(%run_scoped3A_75 : memref<!tpu.dma_semaphore, #tpu.memory_space<semaphore_mem>>)
      %dma_wait3A = arith.constant 0 : i32
      %dma_wait3A_81 = tpu.memref_slice %arg4[%arg0, %add3A_66, %dma_wait3A] : memref<2x10112x128xf32, #tpu.memory_space<hbm>> -> memref<1x128x128xf32, #tpu.memory_space<hbm>>
      %dma_wait3A_82 = tpu.memref_squeeze %dma_wait3A_81 : memref<1x128x128xf32, #tpu.memory_space<hbm>> -> memref<128x128xf32, #tpu.memory_space<hbm>>
      %dma_wait3A_83 = arith.constant 0 : i32
      %dma_wait3A_84 = tpu.memref_slice %arg5[%add3A_66, %dma_wait3A_83] : memref<10112x128xf32, #tpu.memory_space<vmem_shared>> -> memref<128x128xf32, #tpu.memory_space<vmem_shared>>
      tpu.wait_dma2 semaphore(%run_scoped3A_75 : memref<!tpu.dma_semaphore, #tpu.memory_space<semaphore_mem>>) src(%dma_wait3A_84 : memref<128x128xf32, #tpu.memory_space<vmem_shared>>) dst(%dma_wait3A_82 : memref<128x128xf32, #tpu.memory_space<hbm>>)
      tpu.yield
    }) : () -> ()
    %mul3A_67 = arith.constant 632 : i32
    %mul3A_68 = arith.muli %arg1, %mul3A_67 : i32
    %add3A_69 = arith.constant 384 : i32
    %add3A_70 = arith.addi %mul3A_68, %add3A_69 : i32
    "tpu.region"() ({
      %run_scoped3A_75 = tpu.sem_alloc : memref<!tpu.dma_semaphore, #tpu.memory_space<semaphore_mem>>
      %dma_start3A_76 = arith.constant 0 : i32
      %dma_start3A_77 = tpu.memref_slice %arg4[%arg0, %add3A_70, %dma_start3A_76] : memref<2x10112x128xf32, #tpu.memory_space<hbm>> -> memref<1x128x128xf32, #tpu.memory_space<hbm>>
      %dma_start3A_78 = tpu.memref_squeeze %dma_start3A_77 : memref<1x128x128xf32, #tpu.memory_space<hbm>> -> memref<128x128xf32, #tpu.memory_space<hbm>>
      %dma_start3A_79 = arith.constant 0 : i32
      %dma_start3A_80 = tpu.memref_slice %arg5[%add3A_70, %dma_start3A_79] : memref<10112x128xf32, #tpu.memory_space<vmem_shared>> -> memref<128x128xf32, #tpu.memory_space<vmem_shared>>
      tpu.enqueue_dma source(%dma_start3A_80 : memref<128x128xf32, #tpu.memory_space<vmem_shared>>) target(%dma_start3A_78 : memref<128x128xf32, #tpu.memory_space<hbm>>) target_semaphore(%run_scoped3A_75 : memref<!tpu.dma_semaphore, #tpu.memory_space<semaphore_mem>>)
      %dma_wait3A = arith.constant 0 : i32
      %dma_wait3A_81 = tpu.memref_slice %arg4[%arg0, %add3A_70, %dma_wait3A] : memref<2x10112x128xf32, #tpu.memory_space<hbm>> -> memref<1x128x128xf32, #tpu.memory_space<hbm>>
      %dma_wait3A_82 = tpu.memref_squeeze %dma_wait3A_81 : memref<1x128x128xf32, #tpu.memory_space<hbm>> -> memref<128x128xf32, #tpu.memory_space<hbm>>
      %dma_wait3A_83 = arith.constant 0 : i32
      %dma_wait3A_84 = tpu.memref_slice %arg5[%add3A_70, %dma_wait3A_83] : memref<10112x128xf32, #tpu.memory_space<vmem_shared>> -> memref<128x128xf32, #tpu.memory_space<vmem_shared>>
      tpu.wait_dma2 semaphore(%run_scoped3A_75 : memref<!tpu.dma_semaphore, #tpu.memory_space<semaphore_mem>>) src(%dma_wait3A_84 : memref<128x128xf32, #tpu.memory_space<vmem_shared>>) dst(%dma_wait3A_82 : memref<128x128xf32, #tpu.memory_space<hbm>>)
      tpu.yield
    }) : () -> ()
    %mul3A_71 = arith.constant 632 : i32
    %mul3A_72 = arith.muli %arg1, %mul3A_71 : i32
    %add3A_73 = arith.constant 512 : i32
    %add3A_74 = arith.addi %mul3A_72, %add3A_73 : i32
    "tpu.region"() ({
      %run_scoped3A_75 = tpu.sem_alloc : memref<!tpu.dma_semaphore, #tpu.memory_space<semaphore_mem>>
      %dma_start3A_76 = arith.constant 0 : i32
      %dma_start3A_77 = tpu.memref_slice %arg4[%arg0, %add3A_74, %dma_start3A_76] : memref<2x10112x128xf32, #tpu.memory_space<hbm>> -> memref<1x120x128xf32, #tpu.memory_space<hbm>>
      %dma_start3A_78 = tpu.memref_squeeze %dma_start3A_77 : memref<1x120x128xf32, #tpu.memory_space<hbm>> -> memref<120x128xf32, #tpu.memory_space<hbm>>
      %dma_start3A_79 = arith.constant 0 : i32
      %dma_start3A_80 = tpu.memref_slice %arg5[%add3A_74, %dma_start3A_79] : memref<10112x128xf32, #tpu.memory_space<vmem_shared>> -> memref<120x128xf32, #tpu.memory_space<vmem_shared>>
      tpu.enqueue_dma source(%dma_start3A_80 : memref<120x128xf32, #tpu.memory_space<vmem_shared>>) target(%dma_start3A_78 : memref<120x128xf32, #tpu.memory_space<hbm>>) target_semaphore(%run_scoped3A_75 : memref<!tpu.dma_semaphore, #tpu.memory_space<semaphore_mem>>)
      %dma_wait3A = arith.constant 0 : i32
      %dma_wait3A_81 = tpu.memref_slice %arg4[%arg0, %add3A_74, %dma_wait3A] : memref<2x10112x128xf32, #tpu.memory_space<hbm>> -> memref<1x120x128xf32, #tpu.memory_space<hbm>>
      %dma_wait3A_82 = tpu.memref_squeeze %dma_wait3A_81 : memref<1x120x128xf32, #tpu.memory_space<hbm>> -> memref<120x128xf32, #tpu.memory_space<hbm>>
      %dma_wait3A_83 = arith.constant 0 : i32
      %dma_wait3A_84 = tpu.memref_slice %arg5[%add3A_74, %dma_wait3A_83] : memref<10112x128xf32, #tpu.memory_space<vmem_shared>> -> memref<120x128xf32, #tpu.memory_space<vmem_shared>>
      tpu.wait_dma2 semaphore(%run_scoped3A_75 : memref<!tpu.dma_semaphore, #tpu.memory_space<semaphore_mem>>) src(%dma_wait3A_84 : memref<120x128xf32, #tpu.memory_space<vmem_shared>>) dst(%dma_wait3A_82 : memref<120x128xf32, #tpu.memory_space<hbm>>)
      tpu.yield
    }) : () -> ()
    return
  }
}

module attributes {stable_mosaic.version = 14 : i64} {
  func.func @_tc_layer_body(%arg0: memref<1xf32, #tpu.memory_space<smem>>, %arg1: memref<2x10112x128xf32, #tpu.memory_space<vmem>>, %arg2: memref<2x64x10112xf32, #tpu.memory_space<vmem>>, %arg3: memref<64x128xf32, #tpu.memory_space<vmem>>, %arg4: memref<10000x128xf32, #tpu.memory_space<vmem>>, %arg5: memref<10000x128xf32, #tpu.memory_space<vmem>>, %arg6: memref<128x128xf32, #tpu.memory_space<vmem>>, %arg7: memref<128x128xf32, #tpu.memory_space<vmem>>, %arg8: memref<10000x128xf32, #tpu.memory_space<vmem>>) attributes {dimension_semantics = [], scalar_prefetch = 0 : i64, scratch_operands = 0 : i64, tpu.core_type = #tpu.core_type<tc>} {
    %get3A = arith.constant 0 : index
    %get3A_0 = arith.constant 0 : index
    %get3A_1 = arith.constant 0 : index
    %get3A_2 = vector.load %arg2[%get3A, %get3A_0, %get3A_1] : memref<2x64x10112xf32, #tpu.memory_space<vmem>>, vector<1x64x10112xf32>
    %get3A_3 = vector.shape_cast %get3A_2 : vector<1x64x10112xf32> to vector<64x10112xf32>
    %get3A_4 = arith.constant 1 : index
    %get3A_5 = arith.constant 0 : index
    %get3A_6 = arith.constant 0 : index
    %get3A_7 = vector.load %arg2[%get3A_4, %get3A_5, %get3A_6] : memref<2x64x10112xf32, #tpu.memory_space<vmem>>, vector<1x64x10112xf32>
    %get3A_8 = vector.shape_cast %get3A_7 : vector<1x64x10112xf32> to vector<64x10112xf32>
    %add3A = arith.addf %get3A_3, %get3A_8 : vector<64x10112xf32>
    %broadcast_in_dim3A = arith.constant 1.000000e+00 : f32
    %broadcast_in_dim3A_9 = vector.broadcast %broadcast_in_dim3A : f32 to vector<64x1xf32>
    %dot_general3A = arith.constant dense<0.000000e+00> : vector<10112x1xf32>
    %dot_general3A_10 = tpu.matmul %add3A, %broadcast_in_dim3A_9, %dot_general3A {dimension_numbers = #tpu.dot_dimension_numbers<[0], [0], [1], [1], [0, 1, 1, 1], [], []>, transpose_lhs_hint = false} : vector<64x10112xf32>, vector<64x1xf32>, vector<10112x1xf32> -> vector<10112x1xf32>
    %max3A = arith.constant 1.000000e+00 : f32
    %max3A_11 = vector.broadcast %max3A : f32 to vector<10112x1xf32>
    %max3A_12 = arith.maximumf %dot_general3A_10, %max3A_11 : vector<10112x1xf32>
    %div3A = arith.constant 1.000000e+00 : f32
    %div3A_13 = vector.broadcast %div3A : f32 to vector<10112x1xf32>
    %div3A_14 = arith.divf %div3A_13, %max3A_12 : vector<10112x1xf32>
    %get3A_15 = arith.constant 0 : index
    %get3A_16 = arith.constant 0 : index
    %get3A_17 = vector.load %arg3[%get3A_15, %get3A_16] : memref<64x128xf32, #tpu.memory_space<vmem>>, vector<64x128xf32>
    %dot_general3A_18 = arith.constant dense<0.000000e+00> : vector<10112x128xf32>
    %dot_general3A_19 = tpu.matmul %add3A, %get3A_17, %dot_general3A_18 {dimension_numbers = #tpu.dot_dimension_numbers<[0], [0], [1], [1], [0, 1, 1, 1], [], []>, transpose_lhs_hint = false} : vector<64x10112xf32>, vector<64x128xf32>, vector<10112x128xf32> -> vector<10112x128xf32>
    %get3A_20 = arith.constant 0 : index
    %get3A_21 = arith.constant 0 : index
    %get3A_22 = arith.constant 0 : index
    %get3A_23 = vector.load %arg1[%get3A_20, %get3A_21, %get3A_22] : memref<2x10112x128xf32, #tpu.memory_space<vmem>>, vector<1x10112x128xf32>
    %get3A_24 = vector.shape_cast %get3A_23 : vector<1x10112x128xf32> to vector<10112x128xf32>
    %get3A_25 = arith.constant 1 : index
    %get3A_26 = arith.constant 0 : index
    %get3A_27 = arith.constant 0 : index
    %get3A_28 = vector.load %arg1[%get3A_25, %get3A_26, %get3A_27] : memref<2x10112x128xf32, #tpu.memory_space<vmem>>, vector<1x10112x128xf32>
    %get3A_29 = vector.shape_cast %get3A_28 : vector<1x10112x128xf32> to vector<10112x128xf32>
    %add3A_30 = arith.addf %get3A_24, %get3A_29 : vector<10112x128xf32>
    %sub3A = arith.subf %add3A_30, %dot_general3A_19 : vector<10112x128xf32>
    %mul3A = vector.broadcast %div3A_14 : vector<10112x1xf32> to vector<10112x128xf32>
    %mul3A_31 = arith.mulf %sub3A, %mul3A : vector<10112x128xf32>
    %slice3A = vector.extract_strided_slice %mul3A_31 {offsets = [0, 0], sizes = [10000, 128], strides = [1, 1]} : vector<10112x128xf32> to vector<10000x128xf32>
    %get3A_32 = arith.constant 0 : index
    %get3A_33 = arith.constant 0 : index
    %get3A_34 = vector.load %arg6[%get3A_32, %get3A_33] : memref<128x128xf32, #tpu.memory_space<vmem>>, vector<128x128xf32>
    %dot_general3A_35 = arith.constant dense<0.000000e+00> : vector<10000x128xf32>
    %dot_general3A_36 = tpu.matmul %slice3A, %get3A_34, %dot_general3A_35 {dimension_numbers = #tpu.dot_dimension_numbers<[1], [0], [0], [1], [0, 0, 1, 1], [], []>, transpose_lhs_hint = false} : vector<10000x128xf32>, vector<128x128xf32>, vector<10000x128xf32> -> vector<10000x128xf32>
    %get3A_37 = arith.constant 0 : index
    %get3A_38 = arith.constant 0 : index
    %get3A_39 = vector.load %arg4[%get3A_37, %get3A_38] : memref<10000x128xf32, #tpu.memory_space<vmem>>, vector<10000x128xf32>
    %get3A_40 = arith.constant 0 : index
    %get3A_41 = arith.constant 0 : index
    %get3A_42 = vector.load %arg7[%get3A_40, %get3A_41] : memref<128x128xf32, #tpu.memory_space<vmem>>, vector<128x128xf32>
    %dot_general3A_43 = arith.constant dense<0.000000e+00> : vector<10000x128xf32>
    %dot_general3A_44 = tpu.matmul %get3A_39, %get3A_42, %dot_general3A_43 {dimension_numbers = #tpu.dot_dimension_numbers<[1], [0], [0], [1], [0, 0, 1, 1], [], []>, transpose_lhs_hint = false} : vector<10000x128xf32>, vector<128x128xf32>, vector<10000x128xf32> -> vector<10000x128xf32>
    %add3A_45 = arith.addf %dot_general3A_36, %dot_general3A_44 : vector<10000x128xf32>
    %ge3A = arith.constant 0.000000e+00 : f32
    %ge3A_46 = vector.broadcast %ge3A : f32 to vector<10000x128xf32>
    %ge3A_47 = arith.cmpf oge, %add3A_45, %ge3A_46 : vector<10000x128xf32>
    %mul3A_48 = arith.constant 2.000000e-01 : f32
    %mul3A_49 = vector.broadcast %mul3A_48 : f32 to vector<10000x128xf32>
    %mul3A_50 = arith.mulf %mul3A_49, %add3A_45 : vector<10000x128xf32>
    %select_n3A = arith.select %ge3A_47, %add3A_45, %mul3A_50 : vector<10000x128xi1>, vector<10000x128xf32>
    %get3A_51 = arith.constant 0 : index
    %get3A_52 = memref.load %arg0[%get3A_51] : memref<1xf32, #tpu.memory_space<smem>>
    %neg3A = arith.constant 0.000000e+00 : f32
    %neg3A_53 = arith.subf %neg3A, %get3A_52 : f32
    %exp3A = math.exp %neg3A_53 : f32
    %add3A_54 = arith.constant 1.000000e+00 : f32
    %add3A_55 = arith.addf %add3A_54, %exp3A : f32
    %div3A_56 = arith.constant 1.000000e+00 : f32
    %div3A_57 = arith.divf %div3A_56, %add3A_55 : f32
    %sub3A_58 = arith.constant 1.000000e+00 : f32
    %sub3A_59 = arith.subf %sub3A_58, %div3A_57 : f32
    %mul3A_60 = vector.broadcast %sub3A_59 : f32 to vector<10000x128xf32>
    %mul3A_61 = arith.mulf %mul3A_60, %select_n3A : vector<10000x128xf32>
    %get3A_62 = arith.constant 0 : index
    %get3A_63 = arith.constant 0 : index
    %get3A_64 = vector.load %arg5[%get3A_62, %get3A_63] : memref<10000x128xf32, #tpu.memory_space<vmem>>, vector<10000x128xf32>
    %mul3A_65 = vector.broadcast %div3A_57 : f32 to vector<10000x128xf32>
    %mul3A_66 = arith.mulf %mul3A_65, %get3A_64 : vector<10000x128xf32>
    %add3A_67 = arith.addf %mul3A_61, %mul3A_66 : vector<10000x128xf32>
    %swap3A = arith.constant 0 : index
    %swap3A_68 = arith.constant 0 : index
    %swap3A_69 = vector.load %arg8[%swap3A, %swap3A_68] : memref<10000x128xf32, #tpu.memory_space<vmem>>, vector<10000x128xf32>
    tpu.vector_store %arg8[%swap3A, %swap3A_68], %add3A_67 {strides = array<i32>} : memref<10000x128xf32, #tpu.memory_space<vmem>>, vector<10000x128xf32>,
    return
  }
}

module attributes {stable_mosaic.version = 14 : i64} {
  func.func @_tc_layer_body(%arg0: memref<1xf32, #tpu.memory_space<smem>>, %arg1: memref<2x10112x128xf32, #tpu.memory_space<vmem>>, %arg2: memref<2x64x10112xf32, #tpu.memory_space<vmem>>, %arg3: memref<64x128xf32, #tpu.memory_space<vmem>>, %arg4: memref<10000x128xf32, #tpu.memory_space<vmem>>, %arg5: memref<10000x128xf32, #tpu.memory_space<vmem>>, %arg6: memref<128x128xf32, #tpu.memory_space<vmem>>, %arg7: memref<128x128xf32, #tpu.memory_space<vmem>>, %arg8: memref<10000x128xf32, #tpu.memory_space<vmem>>) attributes {dimension_semantics = [], scalar_prefetch = 0 : i64, scratch_operands = 0 : i64, tpu.core_type = #tpu.core_type<tc>} {
    %get3A = arith.constant 0 : index
    %get3A_0 = arith.constant 0 : index
    %get3A_1 = arith.constant 0 : index
    %get3A_2 = vector.load %arg2[%get3A, %get3A_0, %get3A_1] : memref<2x64x10112xf32, #tpu.memory_space<vmem>>, vector<1x64x10112xf32>
    %get3A_3 = vector.shape_cast %get3A_2 : vector<1x64x10112xf32> to vector<64x10112xf32>
    %get3A_4 = arith.constant 1 : index
    %get3A_5 = arith.constant 0 : index
    %get3A_6 = arith.constant 0 : index
    %get3A_7 = vector.load %arg2[%get3A_4, %get3A_5, %get3A_6] : memref<2x64x10112xf32, #tpu.memory_space<vmem>>, vector<1x64x10112xf32>
    %get3A_8 = vector.shape_cast %get3A_7 : vector<1x64x10112xf32> to vector<64x10112xf32>
    %add3A = arith.addf %get3A_3, %get3A_8 : vector<64x10112xf32>
    %broadcast_in_dim3A = arith.constant 1.000000e+00 : f32
    %broadcast_in_dim3A_9 = vector.broadcast %broadcast_in_dim3A : f32 to vector<64x1xf32>
    %dot_general3A = arith.constant dense<0.000000e+00> : vector<10112x1xf32>
    %dot_general3A_10 = tpu.matmul %add3A, %broadcast_in_dim3A_9, %dot_general3A {dimension_numbers = #tpu.dot_dimension_numbers<[0], [0], [1], [1], [0, 1, 1, 1], [], []>, transpose_lhs_hint = false} : vector<64x10112xf32>, vector<64x1xf32>, vector<10112x1xf32> -> vector<10112x1xf32>
    %max3A = arith.constant 1.000000e+00 : f32
    %max3A_11 = vector.broadcast %max3A : f32 to vector<10112x1xf32>
    %max3A_12 = arith.maximumf %dot_general3A_10, %max3A_11 : vector<10112x1xf32>
    %div3A = arith.constant 1.000000e+00 : f32
    %div3A_13 = vector.broadcast %div3A : f32 to vector<10112x1xf32>
    %div3A_14 = arith.divf %div3A_13, %max3A_12 : vector<10112x1xf32>
    %get3A_15 = arith.constant 0 : index
    %get3A_16 = arith.constant 0 : index
    %get3A_17 = vector.load %arg3[%get3A_15, %get3A_16] : memref<64x128xf32, #tpu.memory_space<vmem>>, vector<64x128xf32>
    %dot_general3A_18 = arith.constant dense<0.000000e+00> : vector<10112x128xf32>
    %dot_general3A_19 = tpu.matmul %add3A, %get3A_17, %dot_general3A_18 {dimension_numbers = #tpu.dot_dimension_numbers<[0], [0], [1], [1], [0, 1, 1, 1], [], []>, transpose_lhs_hint = false} : vector<64x10112xf32>, vector<64x128xf32>, vector<10112x128xf32> -> vector<10112x128xf32>
    %get3A_20 = arith.constant 0 : index
    %get3A_21 = arith.constant 0 : index
    %get3A_22 = arith.constant 0 : index
    %get3A_23 = vector.load %arg1[%get3A_20, %get3A_21, %get3A_22] : memref<2x10112x128xf32, #tpu.memory_space<vmem>>, vector<1x10112x128xf32>
    %get3A_24 = vector.shape_cast %get3A_23 : vector<1x10112x128xf32> to vector<10112x128xf32>
    %get3A_25 = arith.constant 1 : index
    %get3A_26 = arith.constant 0 : index
    %get3A_27 = arith.constant 0 : index
    %get3A_28 = vector.load %arg1[%get3A_25, %get3A_26, %get3A_27] : memref<2x10112x128xf32, #tpu.memory_space<vmem>>, vector<1x10112x128xf32>
    %get3A_29 = vector.shape_cast %get3A_28 : vector<1x10112x128xf32> to vector<10112x128xf32>
    %add3A_30 = arith.addf %get3A_24, %get3A_29 : vector<10112x128xf32>
    %sub3A = arith.subf %add3A_30, %dot_general3A_19 : vector<10112x128xf32>
    %mul3A = vector.broadcast %div3A_14 : vector<10112x1xf32> to vector<10112x128xf32>
    %mul3A_31 = arith.mulf %sub3A, %mul3A : vector<10112x128xf32>
    %slice3A = vector.extract_strided_slice %mul3A_31 {offsets = [0, 0], sizes = [10000, 128], strides = [1, 1]} : vector<10112x128xf32> to vector<10000x128xf32>
    %get3A_32 = arith.constant 0 : index
    %get3A_33 = arith.constant 0 : index
    %get3A_34 = vector.load %arg6[%get3A_32, %get3A_33] : memref<128x128xf32, #tpu.memory_space<vmem>>, vector<128x128xf32>
    %dot_general3A_35 = arith.constant dense<0.000000e+00> : vector<10000x128xf32>
    %dot_general3A_36 = tpu.matmul %slice3A, %get3A_34, %dot_general3A_35 {dimension_numbers = #tpu.dot_dimension_numbers<[1], [0], [0], [1], [0, 0, 1, 1], [], []>, transpose_lhs_hint = false} : vector<10000x128xf32>, vector<128x128xf32>, vector<10000x128xf32> -> vector<10000x128xf32>
    %get3A_37 = arith.constant 0 : index
    %get3A_38 = arith.constant 0 : index
    %get3A_39 = vector.load %arg4[%get3A_37, %get3A_38] : memref<10000x128xf32, #tpu.memory_space<vmem>>, vector<10000x128xf32>
    %get3A_40 = arith.constant 0 : index
    %get3A_41 = arith.constant 0 : index
    %get3A_42 = vector.load %arg7[%get3A_40, %get3A_41] : memref<128x128xf32, #tpu.memory_space<vmem>>, vector<128x128xf32>
    %dot_general3A_43 = arith.constant dense<0.000000e+00> : vector<10000x128xf32>
    %dot_general3A_44 = tpu.matmul %get3A_39, %get3A_42, %dot_general3A_43 {dimension_numbers = #tpu.dot_dimension_numbers<[1], [0], [0], [1], [0, 0, 1, 1], [], []>, transpose_lhs_hint = false} : vector<10000x128xf32>, vector<128x128xf32>, vector<10000x128xf32> -> vector<10000x128xf32>
    %add3A_45 = arith.addf %dot_general3A_36, %dot_general3A_44 : vector<10000x128xf32>
    %ge3A = arith.constant 0.000000e+00 : f32
    %ge3A_46 = vector.broadcast %ge3A : f32 to vector<10000x128xf32>
    %ge3A_47 = arith.cmpf oge, %add3A_45, %ge3A_46 : vector<10000x128xf32>
    %mul3A_48 = arith.constant 2.000000e-01 : f32
    %mul3A_49 = vector.broadcast %mul3A_48 : f32 to vector<10000x128xf32>
    %mul3A_50 = arith.mulf %mul3A_49, %add3A_45 : vector<10000x128xf32>
    %select_n3A = arith.select %ge3A_47, %add3A_45, %mul3A_50 : vector<10000x128xi1>, vector<10000x128xf32>
    %get3A_51 = arith.constant 0 : index
    %get3A_52 = memref.load %arg0[%get3A_51] : memref<1xf32, #tpu.memory_space<smem>>
    %neg3A = arith.constant 0.000000e+00 : f32
    %neg3A_53 = arith.subf %neg3A, %get3A_52 : f32
    %exp3A = math.exp %neg3A_53 : f32
    %add3A_54 = arith.constant 1.000000e+00 : f32
    %add3A_55 = arith.addf %add3A_54, %exp3A : f32
    %div3A_56 = arith.constant 1.000000e+00 : f32
    %div3A_57 = arith.divf %div3A_56, %add3A_55 : f32
    %sub3A_58 = arith.constant 1.000000e+00 : f32
    %sub3A_59 = arith.subf %sub3A_58, %div3A_57 : f32
    %mul3A_60 = vector.broadcast %sub3A_59 : f32 to vector<10000x128xf32>
    %mul3A_61 = arith.mulf %mul3A_60, %select_n3A : vector<10000x128xf32>
    %get3A_62 = arith.constant 0 : index
    %get3A_63 = arith.constant 0 : index
    %get3A_64 = vector.load %arg5[%get3A_62, %get3A_63] : memref<10000x128xf32, #tpu.memory_space<vmem>>, vector<10000x128xf32>
    %mul3A_65 = vector.broadcast %div3A_57 : f32 to vector<10000x128xf32>
    %mul3A_66 = arith.mulf %mul3A_65, %get3A_64 : vector<10000x128xf32>
    %add3A_67 = arith.addf %mul3A_61, %mul3A_66 : vector<10000x128xf32>
    %swap3A = arith.constant 0 : index
    %swap3A_68 = arith.constant 0 : index
    %swap3A_69 = vector.load %arg8[%swap3A, %swap3A_68] : memref<10000x128xf32, #tpu.memory_space<vmem>>, vector<10000x128xf32>
    tpu.vector_store %arg8[%swap3A, %swap3A_68], %add3A_67 {strides = array<i32>} : memref<10000x128xf32, #tpu.memory_space<vmem>>, vector<10000x128xf32>,
    return
  }
}

</mosaic_0001>

<sc_bundles>
// kernel: kernel.12.cloned.1.call-start
scs
__scs_entry_jumppad:
0x0: {  	(pc) =	sbr.rel $0x88, $3  }
0x1: {  	(tag) =	ssettag $0x0;
	lr =	simm.s32 $0x1  }
0x2: {  	[smem:$0x3F9A] =	sst lr;
	_ =	strace $0xD0000000  }
0x3: {  	_ = 	snop  }
0x4: {  	_ = 	snop  }
0x5: {  	_ = 	snop  }
0x6: {  	_ = 	snop  }
0x7: {  	_ = 	snop  }
__scs_overlays_trampoline_lowered:
0x8: {  	[smem:$0x3FA9] =	sst s0  }
0x9: {  	[smem:$0x3FAA] =	sst s1  }
0xa: {  	[smem:$0x3FAB] =	sst s2  }
0xb: {  	[smem:$0x3FAC] =	sst s3  }
0xc: {  	[smem:$0x3FAD] =	sst s4  }
0xd: {  	[smem:$0x3FAE] =	sst s5  }
0xe: {  	[smem:$0x3FAF] =	sst s6  }
0xf: {  	[smem:$0x3FB0] =	sst s7  }
0x10: {  	[smem:$0x3FB1] =	sst s8  }
0x11: {  	[smem:$0x3FB2] =	sst s9;
	s0 =	simm.s32 @!p0 $0x0  }
0x12: {  	s1 =	sld [smem:$0x3F98];
	s0 =	simm.s32 @p0 $0x1  }
0x13: {  	[smem:$0x3FB3] =	sst s0;
	s0 =	simm.s32 @!p1 $0x0  }
0x14: {  	s2 =	sld [smem:$0x3F97];
	s0 =	simm.s32 @p1 $0x1  }
0x15: {  	[smem:$0x3FB4] =	sst s0;
	s0 =	simm.s32 @!p2 $0x0  }
0x16: {  	s3 =	sld [smem:$0x3FDB];
	s0 =	simm.s32 @p2 $0x1  }
0x17: {  	s4 =	simm.s32 $0x1BF5;
	[smem:$0x3FB6] =	sst s0  }
0x18: {  	s0 =	sld [smem:$0x3F99];
	_ =	swait.ge [sflag:s4], $0x0  }
0x19: {  	s7 =	sld [smem:$0x3F9A]  }
0x1a: {  	s8 =	sadd.s32 $0xFFFFE003, lr  }
0x1b: {  	s9 =	sadd.s32 $0xFFFFFEF7, lr;
	s5 =	simm.s32 $0xFFFFFFFF;
	p2 =	slt.u32 s8, $0xFFFFF086  }
0x1c: {  	p1 =	slt.u32 s9, $0xF7A;
	s5 =	simm.s32 @!p2 $0x0  }
0x1d: {  	s5 =	simm.s32 @p1 $0x1;
	p0 =	seq.s32 s7, s2  }
0x1e: {  	s7 =	smul.u32 @!p0 $0xF7A, s2;
	p2 =	seq.s32 @!p0 s5, $0x0  }
0x1f: {  	s9 =	smul.u32 $0xF7A, s1;
	s8 =	simm.s32 @!p0 $0x1BF5;
	p2 =	por !p2, p0  }
0x20: {  	[sflag:s8] =	ssyncset.s32 @!p0 $0xFFFFF086;
	s6 =	sadd.s32 @!p0 s3, s7;
	s7 =	simm.s32 @!p0 $0x108  }
0x21: {  	s3 =	sadd.s32 s3, s9;
	s6 =	sadd.s32 @!p0 $0x88, s6;
	s7 =	simm.s32 @p2 $0x1082  }
0x22: {  	[simem:s7], [sflag:s8] =	dma.local @!p0 [hbm:s6], $0xF7A  }
0x23: {  	s9 =	sor.u32 $0xD0000000, s2;
	s6 =	simm.s32 $0x108;
	_ =	swait.ge @!p0 [sflag:s8], $0x0  }
0x24: {  	s3 =	sadd.s32 $0x88, s3;
	s6 =	simm.s32 @!p1 $0x1082;
	[sflag:s4] =	ssyncset.s32 $0xFFFFF086  }
0x25: {  	[simem:s6], [sflag:s4] =	dma.local [hbm:s3], $0xF7A  }
0x26: {  	[smem:$0x3F9A] =	sst s1;
	(tag) =	ssettag s2;
	_ =	strace s9  }
0x27: {  	s1 =	sld [smem:$0x3FAA]  }
0x28: {  	s2 =	sld [smem:$0x3FAB]  }
0x29: {  	s4 =	sld [smem:$0x3FAD]  }
0x2a: {  	p0 =	seq.s32 s5, $0x0;
	s5 =	sld [smem:$0x3FAE]  }
0x2b: {  	s6 =	sld [smem:$0x3FAF]  }
0x2c: {  	s7 =	sld [smem:$0x3FB0]  }
0x2d: {  	s3 =	simm.s32 $0x108;
	s8 =	sld [smem:$0x3FB1]  }
0x2e: {  	s3 =	simm.s32 @!p0 $0x1082;
	s9 =	sld [smem:$0x3FB2]  }
0x2f: {  	lr =	sadd.s32 s0, s3;
	s0 =	sld [smem:$0x3FA9]  }
0x30: {  	s3 =	sld [smem:$0x3FAC]  }
0x31: {  	[smem:$0x3FB5] =	sst s10  }
0x32: {  	s10 =	sld [smem:$0x3FB3];
	_ =	sdelay $0x3  }
0x33: {  	p0 =	seq.s32 s10, $0x1;
	s10 =	sld [smem:$0x3FB5];
	_ =	sdelay $0x3  }
0x34: {  	[smem:$0x3FB5] =	sst s10  }
0x35: {  	s10 =	sld [smem:$0x3FB4];
	_ =	sdelay $0x3  }
0x36: {  	p1 =	seq.s32 s10, $0x1;
	s10 =	sld [smem:$0x3FB5];
	_ =	sdelay $0x3  }
0x37: {  	[smem:$0x3FB5] =	sst s10  }
0x38: {  	s10 =	sld [smem:$0x3FB6]  }
0x39: {  	_ = 	snop;
	(pc) =	sbr.ind lr, $3  }
0x3a: {  	_ = 	snop  }
0x3b: {  	_ = 	snop  }
0x3c: {  	p2 =	seq.s32 s10, $0x1;
	s10 =	sld [smem:$0x3FB5]  }
0x3d: {  	_ =	shalt  }
0x3e: {  	_ =	shalt  }
0x3f: {  	_ =	shalt  }
0x40: {  	_ =	shalt  }
0x41: {  	_ =	shalt  }
0x42: {  	_ =	shalt  }
0x43: {  	_ =	shalt  }
0x44: {  	_ =	shalt  }
0x45: {  	_ =	shalt  }
0x46: {  	_ =	shalt  }
0x47: {  	_ =	shalt  }
0x48: {  	_ =	shalt  }
0x49: {  	_ =	shalt  }
0x4a: {  	_ =	shalt  }
0x4b: {  	_ =	shalt  }
0x4c: {  	_ =	shalt  }
0x4d: {  	_ =	shalt  }
0x4e: {  	_ =	shalt  }
0x4f: {  	_ =	shalt  }
0x50: {  	_ =	shalt  }
0x51: {  	_ =	shalt  }
0x52: {  	_ =	shalt  }
0x53: {  	_ =	shalt  }
0x54: {  	_ =	shalt  }
0x55: {  	_ =	shalt  }
0x56: {  	_ =	shalt  }
0x57: {  	_ =	shalt  }
0x58: {  	_ =	shalt  }
0x59: {  	_ =	shalt  }
0x5a: {  	_ =	shalt  }
0x5b: {  	_ =	shalt  }
0x5c: {  	_ =	shalt  }
0x5d: {  	_ =	shalt  }
0x5e: {  	_ =	shalt  }
0x5f: {  	_ =	shalt  }
0x60: {  	_ =	shalt  }
0x61: {  	_ =	shalt  }
0x62: {  	_ =	shalt  }
0x63: {  	_ =	shalt  }
0x64: {  	_ =	shalt  }
0x65: {  	_ =	shalt  }
0x66: {  	_ =	shalt  }
0x67: {  	_ =	shalt  }
0x68: {  	_ =	shalt  }
0x69: {  	_ =	shalt  }
0x6a: {  	_ =	shalt  }
0x6b: {  	_ =	shalt  }
0x6c: {  	_ =	shalt  }
0x6d: {  	_ =	shalt  }
0x6e: {  	_ =	shalt  }
0x6f: {  	_ =	shalt  }
0x70: {  	_ =	shalt  }
0x71: {  	_ =	shalt  }
0x72: {  	_ =	shalt  }
0x73: {  	_ =	shalt  }
0x74: {  	_ =	shalt  }
0x75: {  	_ =	shalt  }
0x76: {  	_ =	shalt  }
0x77: {  	_ =	shalt  }
0x78: {  	_ =	shalt  }
0x79: {  	_ =	shalt  }
0x7a: {  	_ =	shalt  }
0x7b: {  	_ =	shalt  }
0x7c: {  	_ =	shalt  }
0x7d: {  	_ =	shalt  }
0x7e: {  	_ =	shalt  }
0x7f: {  	_ =	shalt  }
0x80: {  	_ =	shalt  }
0x81: {  	_ =	shalt  }
0x82: {  	_ =	shalt  }
0x83: {  	_ =	shalt  }
0x84: {  	_ =	shalt  }
0x85: {  	_ =	shalt  }
0x86: {  	_ =	shalt  }
0x87: {  	_ =	shalt  }
.Lfunc_end0:
.L_simem_size_0:
called_computation.1_lowered:
.L_overlay_start_0:
0x88: {  	s2 =	sld [smem:$0x3FD9]  }
0x89: {  	s3 =	sld [smem:$0x3FFE];
	_ =	sdelay $0x1  }
0x8a: {  	s1 =	srdreg.scid  }
0x8b: {  	s0 =	sand.u32 $0x1, s1  }
0x8c: {  	s17 =	sshll.u32 s0, $0xA;
	s2 =	sadd.s32 s3, s2  }
0x8d: {  	s2 =	sadd.s32 s2, s17  }
0x8e: {  	[smem:$0x3FC1] =	sst s2  }
0x8f: {  	_ = 	snop  }
0x90: {  	s18 =	sld [smem:$0x3FC9];
	(tm) =	ssettm $0x1  }
0x91: {  	s19 =	sld [smem:$0x3FFB];
	_ =	sdelay $0x3  }
0x92: {  	_ =	strace s19  }
0x93: {  	s2 =	sld [smem:$0x3FFC];
	_ =	sdelay $0x3  }
0x94: {  	_ =	strace s2  }
0x95: {  	s2 =	sld [smem:$0x3FFD];
	_ =	sdelay $0x3  }
0x96: {  	_ =	strace s2  }
0x97: {  	_ =	strace $0x8FFFFFFF  }
0x98: {  	s20 =	sld [smem:$0x3FDB];
	_ =	sdelay $0x1  }
0x99: {  	s4 =	simm.s32 $_scs_section_size  }
0x9a: {  	s5 =	simm.s32 $_size__tile_overlayer_lowered;
	s6 =	simm.s32 $_tile_overlayer_lowered  }
0x9b: {  	s7 =	simm.s32 $0x1BFF;
	s21 =	sshll.u32 s6, $0x1;
	s4 =	sadd.s32 s4, s20  }
0x9c: {  	s22 =	simm.s32 $0x0;
	s5 =	sshll.u32 s5, $0x1;
	s6 =	sadd.s32 s21, s4  }
0x9d: {  	[timem:s22], [sflag:s7] =	dma.local [hbm:s6], s5  }
0x9e: {  	_ =	swait.ge [sflag:s7], s5  }
0x9f: {  	s5 =	ssub.s32 $0x0, s5;
	[sflag:s7] =	ssyncset.done $0x0  }
0xa0: {  	[sflag:s7] =	ssyncadd.s32 s5;
	_ =	sdelay $0x1  }
0xa1: {  	s23 =	simm.s32 $0x1B8B  }
0xa2: {  	_ =	swait.ge [sflag:s23], $0x1  }
0xa3: {  	[sflag:s23] =	ssyncset.done $0x0  }
0xa4: {  	[sflag:s23] =	ssyncadd.s32 $0xFFFFFFFF  }
0xa5: {  	s5 =	sld [smem:$0x0]  }
0xa6: {  	s6 =	sand.u32 $0xFFFFFFFE, s1  }
0xa7: {  	p0 =	sne.s32 s1, s6  }
0xa8: {  	s6 =	sshll.u32 @p0 s6, $0xE  }
0xa9: {  	s6 =	sadd.s32 @p0 $0x11B8D, s6;
	s7 =	sshll.u32 @p0 s5, $0x11  }
0xaa: {  	s6 =	sor.u32 @p0 s7, s6  }
0xab: {  	[sflag:s6] =	ssyncadd.remote.s32 @p0 $0x1;
	_ =	sdelay $0x1  }
0xac: {  	s6 =	simm.s32 @p0 $0x1B8D  }
0xad: {  	_ =	swait.eq @p0 [sflag:s6], $0x1  }
0xae: {  	[sflag:s6] =	ssyncadd.s32 @p0 $0xFFFFFFFF  }
0xaf: {  	s7 =	sshll.u32 @!p0 s1, $0xE  }
0xb0: {  	s7 =	sor.u32 @!p0 $0x4000, s7;
	s6 =	simm.s32 @!p0 $0x1B8D  }
0xb1: {  	s5 =	sshll.u32 @!p0 s5, $0x11;
	s7 =	sadd.s32 @!p0 $0x11B8D, s7;
	_ =	swait.eq @!p0 [sflag:s6], $0x1  }
0xb2: {  	s5 =	sor.u32 @!p0 s5, s7;
	[sflag:s6] =	ssyncadd.s32 @!p0 $0xFFFFFFFF  }
0xb3: {  	s25 =	simm.s32 $0x1B8E;
	s24 =	sld [smem:$0x3FFE];
	[sflag:s5] =	ssyncadd.remote.s32 @!p0 $0x1  }
0xb4: {  	s26 =	simm.s32 $execute0_lowered;
	[smem:$0x3FD2] =	sst s25  }
0xb5: {  	s6 =	sshll.u32 s26, $0x1;
	_ =	strace $0x80000049;
	[dreg:$0x1] =	wrdreg $0xFFFFFFFF  }
0xb6: {  	s28 =	simm.s32 $_size_execute0_lowered;
	s4 =	sadd.s32 s4, s6;
	[dreg:$0x0] =	wrdreg $0x0  }
0xb7: {  	s6 =	sshll.u32 s28, $0x1;
	[dreg:$0x2] =	wrdreg s4  }
0xb8: {  	[dreg:$0x3] =	wrdreg s6  }
0xb9: {  	[dreg:$0x4] =	wrdreg $0xC0  }
0xba: {  	_ =	task [dreg:s22], $0x5FFFF  }
0xbb: {  	[dreg:$0x1] =	wrdreg $0xFFFFFFFF  }
0xbc: {  	[dreg:$0x0] =	wrdreg $0x60  }
0xbd: {  	[dreg:$0x2] =	wrdreg s24  }
0xbe: {  	[dreg:$0x3] =	wrdreg s18  }
0xbf: {  	[dreg:$0x4] =	wrdreg $0x0  }
0xc0: {  	[dreg:$0x5] =	wrdreg $0xA  }
0xc1: {  	_ =	task.clear_ibuf [dreg:s22], $0x6FFFF;
	_ =	strace $0x90000049  }
0xc2: {  	s29 =	simm.s32 $0xA;
	_ =	strace $0x8000004B  }
0xc3: {  	_ =	swait.ge [sflag:s29], $0x1  }
0xc4: {  	[sflag:s29] =	ssyncadd.s32 $0xFFFFFFFF  }
0xc5: {  	_ =	strace $0x9000004B  }
0xc6: {  	_ =	sfence  }
0xc7: {  	s30 =	sld [smem:$0x0];
	_ =	sdelay $0x2  }
0xc8: {  	s31 =	sshll.u32 s1, $0xD;
	s1 =	sshrl.u32 s1, $0x2  }
0xc9: {  	s4 =	sand.u32 $0x4000, s31;
	s1 =	sadd.s32 s1, s30  }
0xca: {  	s0 =	sor.u32 s4, s0;
	s1 =	sshll.u32 s1, $0x11  }
0xcb: {  	s0 =	sor.u32 s1, s0  }
0xcc: {  	s0 =	sadd.s32 $0x8F2B, s0  }
0xcd: {  	[sflag:s0] =	ssyncadd.remote.s32 $0x1  }
0xce: {  	_ =	sfence.sel $0xFFFF  }
0xcf: {  	[dreg:$0x0] =	wrdreg $0xFFFFFFFF;
	(pc) =	sbr.abs _section_cstart, $3  }
0xd0: {  	[dreg:$0x1] =	wrdreg $0xFFFFFFFF  }
0xd1: {  	_ =	task.clear_ibuf [dreg:s22], $0x2FFFF;
	_ =	strace $0x9FFFFFFF  }
0xd2: {  	(tm) =	ssettm $0x7FFFFFFF  }
0xd3: {  	_ =	shalt  }
tec
execute0_lowered:
.L_overlay_start_1:
0x0: {  	(tag) =	ssettag $0x1  }
0x1: {  	s0 =	rddreg [dreg:$0x0]  }
0x2: {  	s2 =	rddreg [dreg:$0x1];
	s1 =	srdreg.scid  }
0x3: {  	s8 =	stileid.u32;
	s3 =	rddreg [dreg:$0x2];
	s5 =	simm.s32 $0x0  }
0x4: {  	s28 =	simm.s32 $0x2;
	s29 =	simm.s32 $0x14F80;
	s30 =	simm.s32 $0x16300  }
0x5: {  	s31 =	simm.s32 $0x16380;
	s1 =	sand.u32 $0x1, s1;
	s7 =	smul.u32 $0x4F000, s8  }
0x6: {  	s4 =	sshll.u32 s8, $0x1;
	[smem:$0x7FF] =	sst s5;
	s13 =	smul.u32 $0x13C00, s8  }
0x7: {  	s4 =	sor.u32 s1, s4;
	s19 =	ssub.s32 $0x2, s1;
	s1 =	smul.u32 $0x13C000, s1  }
0x8: {  	_ =	strace $0x8000004A;
	s4 =	smul.u32 $0x2800, s4;
	s6 =	sshrl.u32 s19, $0x1  }
0x9: {  	s7 =	sshrl.u32 s7, $0x2;
	s14 =	sadd.s32 $0x4000, s13;
	s16 =	sadd.s32 $0x8000, s13  }
0xa: {  	s17 =	sadd.s32 $0xC000, s13;
	s18 =	sadd.s32 $0x10000, s13;
	s19 =	ssub.s32 s19, s6  }
0xb: {  	s7 =	sadd.s32 s7, s3;
	s8 =	sadd.s32 s14, s3;
	s9 =	sadd.s32 s16, s3  }
0xc: {  	s10 =	sadd.s32 s17, s3;
	s11 =	sadd.s32 s18, s3;
	s15 =	sadd.s32 s13, s1  }
0xd: {  	s14 =	sadd.s32 s1, s14;
	s25 =	sadd.s32 s1, s16;
	s17 =	sadd.s32 s1, s17  }
0xe: {  	s1 =	sadd.s32 s1, s18;
	s4 =	sshrl.u32 s4, $0x3;
	s23 =	sshrl.u32 s15, $0x3  }
0xf: {  	s24 =	sshrl.u32 s14, $0x3;
	s26 =	sshrl.u32 s17, $0x3;
	s1 =	sshrl.u32 s1, $0x3  }
0x10: {  	s19 =	smax.u32 s19, $0x1;
	s4 =	sadd.s32 s4, s0;
	s0 =	sadd.s32 $0x3E800, s0  }
0x11: {  	s20 =	sadd.s32 $0x3000, s4;
	s21 =	sadd.s32 $0xD000, s4;
	s22 =	sadd.s32 $0x3280, s4  }
0x12: {  	s13 =	sadd.s32 $0xD280, s4;
	s14 =	sadd.s32 s0, s23;
	s15 =	sadd.s32 s0, s24  }
0x13: {  	s4 =	sshrl.u32 s25, $0x3;
	s17 =	sadd.s32 s0, s26;
	s18 =	sadd.s32 s0, s1  }
0x14: {  	s23 =	simm.s32 $0x80;
	s24 =	simm.s32 $0x16400;
	[dreg:$0x4] =	wrdreg s20  }
0x15: {  	s25 =	simm.s32 $0x1A400;
	s26 =	simm.s32 $0x1;
	[dreg:$0x5] =	wrdreg s21  }
0x16: {  	s1 =	simm.s32 $0x0;
	[dreg:$0x6] =	wrdreg s22;
	s16 =	sadd.s32 s0, s4  }
0x17: {  	v0 =	vimm.f32 $0.0e+00;
	s20 =	simm.s32 $0x13C00;
	s21 =	simm.s32 $0x3;
	s22 =	simm.s32 $0x15000  }
.LBB2_1:
0x18: {  	s0 =	simm.s32 $0x0;
	s4 =	rddreg [dreg:$0x4]  }
0x19: {  	[tilespmem:s20], [sflag:$0x3] =	stream.linear.gather [hbm4b:s4+s0], $0x1400, $0x38;
	[tilespmem:$0x1E400] =	vst v63  }
0x1a: {  	_ =	swait.ge [sflag:s21], $0x1400  }
0x1b: {  	[sflag:s21] =	ssyncset.done $0x0  }
0x1c: {  	s12 =	rddreg [dreg:$0x5];
	[sflag:s21] =	ssyncadd.s32 $0xFFFFEC00  }
0x1d: {  	[tilespmem:s22], [sflag:$0x3] =	stream.linear.gather [hbm4b:s12+s0], $0x1400, $0x38;
	[tilespmem:$0x1E400] =	vst v63  }
0x1e: {  	_ =	swait.ge [sflag:s21], $0x1400  }
0x1f: {  	[sflag:s21] =	ssyncset.done $0x0  }
0x20: {  	s4 =	simm.s32 $0x200;
	s0 =	simm.s32 $0x0;
	[sflag:s21] =	ssyncadd.s32 $0xFFFFEC00  }
0x21: {  	[tilespmem:s24], [sflag:$0x1] =	stream.indirect.gather [hbm4b:s2+s23], $0x80, s20, s23, $0xb8;
	[tilespmem:$0x1E400] =	vst v63  }
.LBB2_2:
0x22: {  	p0 =	sne.s32 s4, $0xFE00;
	[tilespmem:s0+$0x1A470] =	vst v0  }
0x23: {  	[tilespmem:s0+$0x1A400] =	vst v0  }
0x24: {  	[tilespmem:s0+$0x1A410] =	vst v0  }
.Ltmp0:
0x25: {  	[tilespmem:s0+$0x1A420] =	vst v0;
	(pc) =	sbr.rel @p0 .LBB2_2-.Ltmp0, $4  }
0x26: {  	[tilespmem:s0+$0x1A430] =	vst v0  }
0x27: {  	[tilespmem:s0+$0x1A440] =	vst v0  }
0x28: {  	[tilespmem:s0+$0x1A450] =	vst v0  }
0x29: {  	[tilespmem:s0+$0x1A460] =	vst v0;
	s0 =	sshra.s32 s4, $0x2;
	s4 =	sadd.s32 $0x200, s4  }
0x2a: {  	[tilespmem:s0+$0x1A470] =	vst v0  }
0x2b: {  	[tilespmem:s0+$0x1A400] =	vst v0  }
0x2c: {  	[tilespmem:s0+$0x1A410] =	vst v0  }
0x2d: {  	[tilespmem:s0+$0x1A420] =	vst v0  }
0x2e: {  	[tilespmem:s0+$0x1A430] =	vst v0  }
0x2f: {  	[tilespmem:s0+$0x1A440] =	vst v0  }
0x30: {  	[tilespmem:s0+$0x1A450] =	vst v0  }
0x31: {  	[tilespmem:s0+$0x1A460] =	vst v0  }
0x32: {  	[spmem:s7] =	stream.linear.scatter [tilespmem:s25], [sflag:$0x3], $0x4000, $0x38;
	[tilespmem:$0x1E400] =	vst v63  }
0x33: {  	_ =	swait.ge [sflag:s21], $0x4000  }
0x34: {  	[sflag:s21] =	ssyncset.done $0x0  }
0x35: {  	[sflag:s21] =	ssyncadd.s32 $0xFFFFC000  }
0x36: {  	[spmem:s8] =	stream.linear.scatter [tilespmem:s25], [sflag:$0x3], $0x4000, $0x38;
	[tilespmem:$0x1E400] =	vst v63  }
0x37: {  	_ =	swait.ge [sflag:s21], $0x4000  }
0x38: {  	[sflag:s21] =	ssyncset.done $0x0  }
0x39: {  	[sflag:s21] =	ssyncadd.s32 $0xFFFFC000  }
0x3a: {  	[spmem:s9] =	stream.linear.scatter [tilespmem:s25], [sflag:$0x3], $0x4000, $0x38;
	[tilespmem:$0x1E400] =	vst v63  }
0x3b: {  	_ =	swait.ge [sflag:s21], $0x4000  }
0x3c: {  	[sflag:s21] =	ssyncset.done $0x0  }
0x3d: {  	[sflag:s21] =	ssyncadd.s32 $0xFFFFC000  }
0x3e: {  	[spmem:s10] =	stream.linear.scatter [tilespmem:s25], [sflag:$0x3], $0x4000, $0x38;
	[tilespmem:$0x1E400] =	vst v63  }
0x3f: {  	_ =	swait.ge [sflag:s21], $0x4000  }
0x40: {  	[sflag:s21] =	ssyncset.done $0x0  }
0x41: {  	[sflag:s21] =	ssyncadd.s32 $0xFFFFC000  }
0x42: {  	[spmem:s11] =	stream.linear.scatter [tilespmem:s25], [sflag:$0x3], $0x3C00, $0x38;
	[tilespmem:$0x1E400] =	vst v63  }
0x43: {  	_ =	swait.ge [sflag:s21], $0x3C00  }
0x44: {  	[sflag:s21] =	ssyncset.done $0x0  }
0x45: {  	[sflag:s21] =	ssyncadd.s32 $0xFFFFC400  }
0x46: {  	s4 =	simm.s32 $0x13C80;
	[bflag:$0x0] =	sbarrier.arrive $0xFFFF  }
0x47: {  	[tilespmem:s25], [sflag:$0x2] =	stream.indirect.gather [hbm4b:s2+s23], $0x80, s4, s23, $0xb8;
	[tilespmem:$0x1E400] =	vst v63  }
0x48: {  	_ =	swait.ge [sflag:s26], $0x4000  }
0x49: {  	[sflag:s26] =	ssyncset.done $0x0  }
0x4a: {  	s5 =	simm.s32 $0x15000;
	[sflag:s26] =	ssyncadd.s32 $0xFFFFC000  }
0x4b: {  	[spmem:s3] =	stream.indirect.scatter.add.f32 [tilespmem:s24], [sflag:$0x3], $0x80, s5, s23, $0xb8;
	[tilespmem:$0x1E400] =	vst v63  }
0x4c: {  	_ =	swait.ge [sflag:s21], $0x4000  }
0x4d: {  	[sflag:s21] =	ssyncset.done $0x0  }
0x4e: {  	s6 =	simm.s32 $0x13D00;
	[sflag:s21] =	ssyncadd.s32 $0xFFFFC000  }
0x4f: {  	[tilespmem:s24], [sflag:$0x1] =	stream.indirect.gather [hbm4b:s2+s23], $0x80, s6, s23, $0xb8;
	[tilespmem:$0x1E400] =	vst v63  }
0x50: {  	_ =	swait.ge [sflag:s28], $0x4000  }
0x51: {  	[sflag:s28] =	ssyncset.done $0x0  }
0x52: {  	s12 =	simm.s32 $0x15080;
	[sflag:s28] =	ssyncadd.s32 $0xFFFFC000  }
0x53: {  	[spmem:s3] =	stream.indirect.scatter.add.f32 [tilespmem:s25], [sflag:$0x3], $0x80, s12, s23, $0xb8;
	[tilespmem:$0x1E400] =	vst v63  }
0x54: {  	_ =	swait.ge [sflag:s21], $0x4000  }
0x55: {  	s0 =	simm.s32 $0x100;
	s4 =	simm.s32 $0x800;
	[sflag:s21] =	ssyncset.done $0x0  }
.LBB2_4:
0x56: {  	s5 =	sadd.s32 $0x13C80, s0  }
0x57: {  	[sflag:s21] =	ssyncadd.s32 $0xFFFFC000;
	s6 =	smov.u32 s4;
	s12 =	sadd.s32 $0x400, s4  }
0x58: {  	[tilespmem:s25], [sflag:$0x2] =	stream.indirect.gather [hbm4b:s2+s23], $0x80, s5, s23, $0xb8;
	[tilespmem:$0x1E400] =	vst v63  }
0x59: {  	p0 =	sne.s32 s4, $0x4800;
	_ =	swait.ge [sflag:s26], $0x4000  }
0x5a: {  	[sflag:s26] =	ssyncset.done $0x0  }
0x5b: {  	s4 =	sadd.s32 $0x15000, s0;
	[sflag:s26] =	ssyncadd.s32 $0xFFFFC000  }
0x5c: {  	[spmem:s3] =	stream.indirect.scatter.add.f32 [tilespmem:s24], [sflag:$0x3], $0x80, s4, s23, $0xb8;
	[tilespmem:$0x1E400] =	vst v63  }
0x5d: {  	_ =	swait.ge [sflag:s21], $0x4000  }
0x5e: {  	[sflag:s21] =	ssyncset.done $0x0  }
0x5f: {  	s4 =	sadd.s32 $0x13D00, s0;
	[sflag:s21] =	ssyncadd.s32 $0xFFFFC000  }
0x60: {  	[tilespmem:s24], [sflag:$0x1] =	stream.indirect.gather [hbm4b:s2+s23], $0x80, s4, s23, $0xb8;
	[tilespmem:$0x1E400] =	vst v63  }
0x61: {  	_ =	swait.ge [sflag:s28], $0x4000  }
.Ltmp1:
0x62: {  	[sflag:s28] =	ssyncset.done $0x0;
	(pc) =	sbr.rel @p0 .LBB2_4-.Ltmp1, $4  }
0x63: {  	s0 =	sadd.s32 $0x15080, s0;
	[sflag:s28] =	ssyncadd.s32 $0xFFFFC000  }
0x64: {  	[spmem:s3] =	stream.indirect.scatter.add.f32 [tilespmem:s25], [sflag:$0x3], $0x80, s0, s23, $0xb8;
	[tilespmem:$0x1E400] =	vst v63  }
0x65: {  	_ =	swait.ge [sflag:s21], $0x4000  }
0x66: {  	s4 =	smov.u32 s12;
	s0 =	sshra.s32 s6, $0x2;
	[sflag:s21] =	ssyncset.done $0x0  }
0x67: {  	s4 =	sadd.s32 $0x13C80, s0;
	[sflag:s21] =	ssyncadd.s32 $0xFFFFC000  }
0x68: {  	[tilespmem:s25], [sflag:$0x2] =	stream.indirect.gather [hbm4b:s2+s23], $0x80, s4, s23, $0xb8;
	[tilespmem:$0x1E400] =	vst v63  }
0x69: {  	_ =	swait.ge [sflag:s26], $0x4000  }
0x6a: {  	[sflag:s26] =	ssyncset.done $0x0  }
0x6b: {  	s6 =	sadd.s32 $0x15000, s0;
	[sflag:s26] =	ssyncadd.s32 $0xFFFFC000  }
0x6c: {  	[spmem:s3] =	stream.indirect.scatter.add.f32 [tilespmem:s24], [sflag:$0x3], $0x80, s6, s23, $0xb8;
	[tilespmem:$0x1E400] =	vst v63  }
0x6d: {  	_ =	swait.ge [sflag:s21], $0x4000  }
0x6e: {  	[sflag:s21] =	ssyncset.done $0x0  }
0x6f: {  	s12 =	sadd.s32 $0x13D00, s0;
	[sflag:s21] =	ssyncadd.s32 $0xFFFFC000  }
0x70: {  	[tilespmem:s24], [sflag:$0x1] =	stream.indirect.gather [hbm4b:s2+s23], $0x80, s12, s23, $0xb8;
	[tilespmem:$0x1E400] =	vst v63  }
0x71: {  	_ =	swait.ge [sflag:s28], $0x4000  }
0x72: {  	[sflag:s28] =	ssyncset.done $0x0  }
0x73: {  	s5 =	sadd.s32 $0x15080, s0;
	[sflag:s28] =	ssyncadd.s32 $0xFFFFC000  }
0x74: {  	[spmem:s3] =	stream.indirect.scatter.add.f32 [tilespmem:s25], [sflag:$0x3], $0x80, s5, s23, $0xb8;
	[tilespmem:$0x1E400] =	vst v63  }
0x75: {  	_ =	swait.ge [sflag:s21], $0x4000  }
0x76: {  	[sflag:s21] =	ssyncset.done $0x0  }
0x77: {  	[sflag:s21] =	ssyncadd.s32 $0xFFFFC000  }
0x78: {  	[tilespmem:s25], [sflag:$0x2] =	stream.indirect.gather [hbm4b:s2+s23], $0x80, s29, s23, $0xb8;
	[tilespmem:$0x1E400] =	vst v63  }
0x79: {  	_ =	swait.ge [sflag:s26], $0x4000  }
0x7a: {  	[sflag:s26] =	ssyncset.done $0x0  }
0x7b: {  	[sflag:s26] =	ssyncadd.s32 $0xFFFFC000  }
0x7c: {  	[spmem:s3] =	stream.indirect.scatter.add.f32 [tilespmem:s24], [sflag:$0x3], $0x80, s30, s23, $0xb8;
	[tilespmem:$0x1E400] =	vst v63  }
0x7d: {  	_ =	swait.ge [sflag:s21], $0x4000  }
0x7e: {  	[sflag:s21] =	ssyncset.done $0x0  }
0x7f: {  	[sflag:s21] =	ssyncadd.s32 $0xFFFFC000  }
0x80: {  	_ =	swait.ge [sflag:s28], $0x4000  }
0x81: {  	[sflag:s28] =	ssyncset.done $0x0  }
0x82: {  	[sflag:s28] =	ssyncadd.s32 $0xFFFFC000  }
0x83: {  	[spmem:s3] =	stream.indirect.scatter.add.f32 [tilespmem:s25], [sflag:$0x3], $0x80, s31, s23, $0xb8;
	[tilespmem:$0x1E400] =	vst v63  }
0x84: {  	_ =	swait.ge [sflag:s21], $0x4000  }
0x85: {  	[sflag:s21] =	ssyncset.done $0x0  }
0x86: {  	s6 =	simm.s32 $0x0;
	s12 =	rddreg [dreg:$0x6];
	[sflag:s21] =	ssyncadd.s32 $0xFFFFC000  }
0x87: {  	[tilespmem:s20], [sflag:$0x3] =	stream.linear.gather [hbm4b:s12+s6], $0x1400, $0x38;
	[tilespmem:$0x1E400] =	vst v63  }
0x88: {  	_ =	swait.ge [sflag:s21], $0x1400  }
0x89: {  	[sflag:s21] =	ssyncset.done $0x0  }
0x8a: {  	[sflag:s21] =	ssyncadd.s32 $0xFFFFEC00  }
0x8b: {  	[tilespmem:s22], [sflag:$0x3] =	stream.linear.gather [hbm4b:s13+s6], $0x1400, $0x38;
	[tilespmem:$0x1E400] =	vst v63  }
0x8c: {  	_ =	swait.ge [sflag:s21], $0x1400  }
0x8d: {  	[sflag:s21] =	ssyncset.done $0x0  }
0x8e: {  	[sflag:s21] =	ssyncadd.s32 $0xFFFFEC00  }
0x8f: {  	[tilespmem:s24], [sflag:$0x1] =	stream.indirect.gather [hbm4b:s2+s23], $0x80, s20, s23, $0xb8;
	[tilespmem:$0x1E400] =	vst v63  }
0x90: {  	s4 =	simm.s32 $0x13C80  }
0x91: {  	[tilespmem:s25], [sflag:$0x2] =	stream.indirect.gather [hbm4b:s2+s23], $0x80, s4, s23, $0xb8;
	[tilespmem:$0x1E400] =	vst v63  }
0x92: {  	_ =	swait.ge [sflag:s26], $0x4000  }
0x93: {  	[sflag:s26] =	ssyncset.done $0x0  }
0x94: {  	s5 =	simm.s32 $0x15000;
	[sflag:s26] =	ssyncadd.s32 $0xFFFFC000  }
0x95: {  	[spmem:s3] =	stream.indirect.scatter.add.f32 [tilespmem:s24], [sflag:$0x3], $0x80, s5, s23, $0xb8;
	[tilespmem:$0x1E400] =	vst v63  }
0x96: {  	_ =	swait.ge [sflag:s21], $0x4000  }
0x97: {  	[sflag:s21] =	ssyncset.done $0x0  }
0x98: {  	s6 =	simm.s32 $0x13D00;
	[sflag:s21] =	ssyncadd.s32 $0xFFFFC000  }
0x99: {  	[tilespmem:s24], [sflag:$0x1] =	stream.indirect.gather [hbm4b:s2+s23], $0x80, s6, s23, $0xb8;
	[tilespmem:$0x1E400] =	vst v63  }
0x9a: {  	_ =	swait.ge [sflag:s28], $0x4000  }
0x9b: {  	[sflag:s28] =	ssyncset.done $0x0  }
0x9c: {  	s12 =	simm.s32 $0x15080;
	[sflag:s28] =	ssyncadd.s32 $0xFFFFC000  }
0x9d: {  	[spmem:s3] =	stream.indirect.scatter.add.f32 [tilespmem:s25], [sflag:$0x3], $0x80, s12, s23, $0xb8;
	[tilespmem:$0x1E400] =	vst v63  }
0x9e: {  	_ =	swait.ge [sflag:s21], $0x4000  }
0x9f: {  	s0 =	simm.s32 $0x100;
	s4 =	simm.s32 $0x800;
	[sflag:s21] =	ssyncset.done $0x0  }
.LBB2_6:
0xa0: {  	s5 =	sadd.s32 $0x13C80, s0  }
0xa1: {  	[sflag:s21] =	ssyncadd.s32 $0xFFFFC000;
	s6 =	smov.u32 s4;
	s12 =	sadd.s32 $0x400, s4  }
0xa2: {  	[tilespmem:s25], [sflag:$0x2] =	stream.indirect.gather [hbm4b:s2+s23], $0x80, s5, s23, $0xb8;
	[tilespmem:$0x1E400] =	vst v63  }
0xa3: {  	p0 =	sne.s32 s4, $0x4800;
	_ =	swait.ge [sflag:s26], $0x4000  }
0xa4: {  	[sflag:s26] =	ssyncset.done $0x0  }
0xa5: {  	s4 =	sadd.s32 $0x15000, s0;
	[sflag:s26] =	ssyncadd.s32 $0xFFFFC000  }
0xa6: {  	[spmem:s3] =	stream.indirect.scatter.add.f32 [tilespmem:s24], [sflag:$0x3], $0x80, s4, s23, $0xb8;
	[tilespmem:$0x1E400] =	vst v63  }
0xa7: {  	_ =	swait.ge [sflag:s21], $0x4000  }
0xa8: {  	[sflag:s21] =	ssyncset.done $0x0  }
0xa9: {  	s4 =	sadd.s32 $0x13D00, s0;
	[sflag:s21] =	ssyncadd.s32 $0xFFFFC000  }
0xaa: {  	[tilespmem:s24], [sflag:$0x1] =	stream.indirect.gather [hbm4b:s2+s23], $0x80, s4, s23, $0xb8;
	[tilespmem:$0x1E400] =	vst v63  }
0xab: {  	_ =	swait.ge [sflag:s28], $0x4000  }
.Ltmp2:
0xac: {  	[sflag:s28] =	ssyncset.done $0x0;
	(pc) =	sbr.rel @p0 .LBB2_6-.Ltmp2, $4  }
0xad: {  	s0 =	sadd.s32 $0x15080, s0;
	[sflag:s28] =	ssyncadd.s32 $0xFFFFC000  }
0xae: {  	[spmem:s3] =	stream.indirect.scatter.add.f32 [tilespmem:s25], [sflag:$0x3], $0x80, s0, s23, $0xb8;
	[tilespmem:$0x1E400] =	vst v63  }
0xaf: {  	_ =	swait.ge [sflag:s21], $0x4000  }
0xb0: {  	s4 =	smov.u32 s12;
	s0 =	sshra.s32 s6, $0x2;
	[sflag:s21] =	ssyncset.done $0x0  }
0xb1: {  	s4 =	sadd.s32 $0x13C80, s0;
	[sflag:s21] =	ssyncadd.s32 $0xFFFFC000  }
0xb2: {  	[tilespmem:s25], [sflag:$0x2] =	stream.indirect.gather [hbm4b:s2+s23], $0x80, s4, s23, $0xb8;
	[tilespmem:$0x1E400] =	vst v63  }
0xb3: {  	_ =	swait.ge [sflag:s26], $0x4000  }
0xb4: {  	[sflag:s26] =	ssyncset.done $0x0  }
0xb5: {  	s6 =	sadd.s32 $0x15000, s0;
	[sflag:s26] =	ssyncadd.s32 $0xFFFFC000  }
0xb6: {  	[spmem:s3] =	stream.indirect.scatter.add.f32 [tilespmem:s24], [sflag:$0x3], $0x80, s6, s23, $0xb8;
	[tilespmem:$0x1E400] =	vst v63  }
0xb7: {  	_ =	swait.ge [sflag:s21], $0x4000  }
0xb8: {  	[sflag:s21] =	ssyncset.done $0x0  }
0xb9: {  	s12 =	sadd.s32 $0x13D00, s0;
	[sflag:s21] =	ssyncadd.s32 $0xFFFFC000  }
0xba: {  	[tilespmem:s24], [sflag:$0x1] =	stream.indirect.gather [hbm4b:s2+s23], $0x80, s12, s23, $0xb8;
	[tilespmem:$0x1E400] =	vst v63  }
0xbb: {  	_ =	swait.ge [sflag:s28], $0x4000  }
0xbc: {  	[sflag:s28] =	ssyncset.done $0x0  }
0xbd: {  	s4 =	sadd.s32 $0x15080, s0;
	[sflag:s28] =	ssyncadd.s32 $0xFFFFC000  }
0xbe: {  	[spmem:s3] =	stream.indirect.scatter.add.f32 [tilespmem:s25], [sflag:$0x3], $0x80, s4, s23, $0xb8;
	[tilespmem:$0x1E400] =	vst v63  }
0xbf: {  	_ =	swait.ge [sflag:s21], $0x4000  }
0xc0: {  	[sflag:s21] =	ssyncset.done $0x0  }
0xc1: {  	[sflag:s21] =	ssyncadd.s32 $0xFFFFC000  }
0xc2: {  	[tilespmem:s25], [sflag:$0x2] =	stream.indirect.gather [hbm4b:s2+s23], $0x80, s29, s23, $0xb8;
	[tilespmem:$0x1E400] =	vst v63  }
0xc3: {  	_ =	swait.ge [sflag:s26], $0x4000  }
0xc4: {  	[sflag:s26] =	ssyncset.done $0x0  }
0xc5: {  	[sflag:s26] =	ssyncadd.s32 $0xFFFFC000  }
0xc6: {  	[spmem:s3] =	stream.indirect.scatter.add.f32 [tilespmem:s24], [sflag:$0x3], $0x80, s30, s23, $0xb8;
	[tilespmem:$0x1E400] =	vst v63  }
0xc7: {  	_ =	swait.ge [sflag:s21], $0x4000  }
0xc8: {  	[sflag:s21] =	ssyncset.done $0x0  }
0xc9: {  	[sflag:s21] =	ssyncadd.s32 $0xFFFFC000  }
0xca: {  	_ =	swait.ge [sflag:s28], $0x4000  }
0xcb: {  	[sflag:s28] =	ssyncset.done $0x0  }
0xcc: {  	[sflag:s28] =	ssyncadd.s32 $0xFFFFC000  }
0xcd: {  	[spmem:s3] =	stream.indirect.scatter.add.f32 [tilespmem:s25], [sflag:$0x3], $0x80, s31, s23, $0xb8;
	[tilespmem:$0x1E400] =	vst v63  }
0xce: {  	_ =	swait.ge [sflag:s21], $0x4000  }
0xcf: {  	s5 =	stileid.u32;
	[sflag:s21] =	ssyncset.done $0x0  }
0xd0: {  	s0 =	sshll.u32 s5, $0x6;
	[sflag:s21] =	ssyncadd.s32 $0xFFFFC000  }
0xd1: {  	s0 =	sor.u32 $0x1C03, s0;
	s6 =	sshrl.u32 s7, $0x3;
	[bflag:$0x0] =	sbarrier.arrive $0xFFFF  }
0xd2: {  	[hbm:s14], [sflag:s0] =	dma.local [spmem:s6], $0x800  }
0xd3: {  	_ =	swait.ge [sflag:s21], $0x800  }
0xd4: {  	[sflag:s21] =	ssyncset.done $0x0  }
0xd5: {  	s12 =	sshrl.u32 s8, $0x3;
	[sflag:s21] =	ssyncadd.s32 $0xFFFFF800  }
0xd6: {  	[hbm:s15], [sflag:s0] =	dma.local [spmem:s12], $0x800  }
0xd7: {  	_ =	swait.ge [sflag:s21], $0x800  }
0xd8: {  	[sflag:s21] =	ssyncset.done $0x0  }
0xd9: {  	s5 =	sshrl.u32 s9, $0x3;
	[sflag:s21] =	ssyncadd.s32 $0xFFFFF800  }
0xda: {  	[hbm:s16], [sflag:s0] =	dma.local [spmem:s5], $0x800  }
0xdb: {  	_ =	swait.ge [sflag:s21], $0x800  }
0xdc: {  	[sflag:s21] =	ssyncset.done $0x0  }
0xdd: {  	s6 =	sshrl.u32 s10, $0x3;
	[sflag:s21] =	ssyncadd.s32 $0xFFFFF800  }
0xde: {  	[hbm:s17], [sflag:s0] =	dma.local [spmem:s6], $0x800  }
0xdf: {  	s1 =	sadd.s32 $0x1, s1;
	_ =	swait.ge [sflag:s21], $0x800  }
0xe0: {  	p0 =	sne.s32 s1, s19;
	[sflag:s21] =	ssyncset.done $0x0  }
.Ltmp3:
0xe1: {  	s12 =	sshrl.u32 s11, $0x3;
	[sflag:s21] =	ssyncadd.s32 $0xFFFFF800;
	(pc) =	sbr.rel @p0 .LBB2_1-.Ltmp3, $4  }
0xe2: {  	[hbm:s18], [sflag:s0] =	dma.local [spmem:s12], $0x780  }
0xe3: {  	_ =	swait.ge [sflag:s21], $0x780  }
0xe4: {  	[sflag:s21] =	ssyncset.done $0x0  }
0xe5: {  	[sflag:s21] =	ssyncadd.s32 $0xFFFFF880  }
0xe6: {  	_ =	sfence.sel $0x180000  }
0xe7: {  	[bflag:$0x0] =	sbarrier.arrive $0xFFFF  }
0xe8: {  	_ =	strace $0x9000004A  }
0xe9: {  	s0 =	stileid.u32;
	[bflag:$0x2] =	sbarrier.arrive $0xFFFF  }
0xea: {  	p0 =	sne.s32 s0, $0x0;
	s0 =	rddreg [dreg:$0x3]  }
0xeb: {  	s0 =	sadd.s32 @!p0 $0x100000, s0  }
0xec: {  	[sflag:s0] =	ssyncadd.tile.s32 @!p0 $0x1;
	_ =	shalt  }
.Lfunc_end2:
_tile_overlayer_lowered:
.L_overlay_start_2:
0xed: {  	(tag) =	ssettag $0x2  }
0xee: {  	s0 =	rddreg [dreg:$0x0];
	s2 =	stileid.u32  }
0xef: {  	s1 =	rddreg [dreg:$0x1];
	p0 =	sne.s32 s2, $0x0  }
0xf0: {  	s3 =	rddreg [dreg:$0x2];
	[bflag:$0x3] =	sbarrier.arrive $0xFFFF;
	s2 =	simm.s32 @!p0 $0x1C03  }
0xf1: {  	[timem:s3], [sflag:s2] =	dma.local @!p0 [hbm:s0], s1  }
0xf2: {  	s0 =	simm.s32 @!p0 $0x3  }
0xf3: {  	_ =	swait.ge @!p0 [sflag:s0], s1  }
0xf4: {  	s1 =	ssub.s32 @!p0 $0x0, s1;
	[sflag:s0] =	ssyncset.done @!p0 $0x0  }
0xf5: {  	[sflag:s0] =	ssyncadd.s32 @!p0 s1  }
0xf6: {  	[bflag:$0x3] =	sbarrier.arrive $0xFFFF  }
0xf7: {  	_ =	shalt  }

// kernel: kernel.15.cloned.1.call-start
scs
__scs_entry_jumppad:
0x0: {  	(pc) =	sbr.rel $0x88, $3  }
0x1: {  	(tag) =	ssettag $0x0;
	lr =	simm.s32 $0x1  }
0x2: {  	[smem:$0x3F9A] =	sst lr;
	_ =	strace $0xD0000000  }
0x3: {  	_ = 	snop  }
0x4: {  	_ = 	snop  }
0x5: {  	_ = 	snop  }
0x6: {  	_ = 	snop  }
0x7: {  	_ = 	snop  }
__scs_overlays_trampoline_lowered:
0x8: {  	[smem:$0x3FA9] =	sst s0  }
0x9: {  	[smem:$0x3FAA] =	sst s1  }
0xa: {  	[smem:$0x3FAB] =	sst s2  }
0xb: {  	[smem:$0x3FAC] =	sst s3  }
0xc: {  	[smem:$0x3FAD] =	sst s4  }
0xd: {  	[smem:$0x3FAE] =	sst s5  }
0xe: {  	[smem:$0x3FAF] =	sst s6  }
0xf: {  	[smem:$0x3FB0] =	sst s7  }
0x10: {  	[smem:$0x3FB1] =	sst s8  }
0x11: {  	[smem:$0x3FB2] =	sst s9;
	s0 =	simm.s32 @!p0 $0x0  }
0x12: {  	s1 =	sld [smem:$0x3F98];
	s0 =	simm.s32 @p0 $0x1  }
0x13: {  	[smem:$0x3FB3] =	sst s0;
	s0 =	simm.s32 @!p1 $0x0  }
0x14: {  	s2 =	sld [smem:$0x3F97];
	s0 =	simm.s32 @p1 $0x1  }
0x15: {  	[smem:$0x3FB4] =	sst s0;
	s0 =	simm.s32 @!p2 $0x0  }
0x16: {  	s3 =	sld [smem:$0x3FDB];
	s0 =	simm.s32 @p2 $0x1  }
0x17: {  	s4 =	simm.s32 $0x1BF5;
	[smem:$0x3FB6] =	sst s0  }
0x18: {  	s0 =	sld [smem:$0x3F99];
	_ =	swait.ge [sflag:s4], $0x0  }
0x19: {  	s7 =	sld [smem:$0x3F9A]  }
0x1a: {  	s8 =	sadd.s32 $0xFFFFE003, lr  }
0x1b: {  	s9 =	sadd.s32 $0xFFFFFEF7, lr;
	s5 =	simm.s32 $0xFFFFFFFF;
	p2 =	slt.u32 s8, $0xFFFFF086  }
0x1c: {  	p1 =	slt.u32 s9, $0xF7A;
	s5 =	simm.s32 @!p2 $0x0  }
0x1d: {  	s5 =	simm.s32 @p1 $0x1;
	p0 =	seq.s32 s7, s2  }
0x1e: {  	s7 =	smul.u32 @!p0 $0xF7A, s2;
	p2 =	seq.s32 @!p0 s5, $0x0  }
0x1f: {  	s9 =	smul.u32 $0xF7A, s1;
	s8 =	simm.s32 @!p0 $0x1BF5;
	p2 =	por !p2, p0  }
0x20: {  	[sflag:s8] =	ssyncset.s32 @!p0 $0xFFFFF086;
	s6 =	sadd.s32 @!p0 s3, s7;
	s7 =	simm.s32 @!p0 $0x108  }
0x21: {  	s3 =	sadd.s32 s3, s9;
	s6 =	sadd.s32 @!p0 $0x88, s6;
	s7 =	simm.s32 @p2 $0x1082  }
0x22: {  	[simem:s7], [sflag:s8] =	dma.local @!p0 [hbm:s6], $0xF7A  }
0x23: {  	s9 =	sor.u32 $0xD0000000, s2;
	s6 =	simm.s32 $0x108;
	_ =	swait.ge @!p0 [sflag:s8], $0x0  }
0x24: {  	s3 =	sadd.s32 $0x88, s3;
	s6 =	simm.s32 @!p1 $0x1082;
	[sflag:s4] =	ssyncset.s32 $0xFFFFF086  }
0x25: {  	[simem:s6], [sflag:s4] =	dma.local [hbm:s3], $0xF7A  }
0x26: {  	[smem:$0x3F9A] =	sst s1;
	(tag) =	ssettag s2;
	_ =	strace s9  }
0x27: {  	s1 =	sld [smem:$0x3FAA]  }
0x28: {  	s2 =	sld [smem:$0x3FAB]  }
0x29: {  	s4 =	sld [smem:$0x3FAD]  }
0x2a: {  	p0 =	seq.s32 s5, $0x0;
	s5 =	sld [smem:$0x3FAE]  }
0x2b: {  	s6 =	sld [smem:$0x3FAF]  }
0x2c: {  	s7 =	sld [smem:$0x3FB0]  }
0x2d: {  	s3 =	simm.s32 $0x108;
	s8 =	sld [smem:$0x3FB1]  }
0x2e: {  	s3 =	simm.s32 @!p0 $0x1082;
	s9 =	sld [smem:$0x3FB2]  }
0x2f: {  	lr =	sadd.s32 s0, s3;
	s0 =	sld [smem:$0x3FA9]  }
0x30: {  	s3 =	sld [smem:$0x3FAC]  }
0x31: {  	[smem:$0x3FB5] =	sst s10  }
0x32: {  	s10 =	sld [smem:$0x3FB3];
	_ =	sdelay $0x3  }
0x33: {  	p0 =	seq.s32 s10, $0x1;
	s10 =	sld [smem:$0x3FB5];
	_ =	sdelay $0x3  }
0x34: {  	[smem:$0x3FB5] =	sst s10  }
0x35: {  	s10 =	sld [smem:$0x3FB4];
	_ =	sdelay $0x3  }
0x36: {  	p1 =	seq.s32 s10, $0x1;
	s10 =	sld [smem:$0x3FB5];
	_ =	sdelay $0x3  }
0x37: {  	[smem:$0x3FB5] =	sst s10  }
0x38: {  	s10 =	sld [smem:$0x3FB6]  }
0x39: {  	_ = 	snop;
	(pc) =	sbr.ind lr, $3  }
0x3a: {  	_ = 	snop  }
0x3b: {  	_ = 	snop  }
0x3c: {  	p2 =	seq.s32 s10, $0x1;
	s10 =	sld [smem:$0x3FB5]  }
0x3d: {  	_ =	shalt  }
0x3e: {  	_ =	shalt  }
0x3f: {  	_ =	shalt  }
0x40: {  	_ =	shalt  }
0x41: {  	_ =	shalt  }
0x42: {  	_ =	shalt  }
0x43: {  	_ =	shalt  }
0x44: {  	_ =	shalt  }
0x45: {  	_ =	shalt  }
0x46: {  	_ =	shalt  }
0x47: {  	_ =	shalt  }
0x48: {  	_ =	shalt  }
0x49: {  	_ =	shalt  }
0x4a: {  	_ =	shalt  }
0x4b: {  	_ =	shalt  }
0x4c: {  	_ =	shalt  }
0x4d: {  	_ =	shalt  }
0x4e: {  	_ =	shalt  }
0x4f: {  	_ =	shalt  }
0x50: {  	_ =	shalt  }
0x51: {  	_ =	shalt  }
0x52: {  	_ =	shalt  }
0x53: {  	_ =	shalt  }
0x54: {  	_ =	shalt  }
0x55: {  	_ =	shalt  }
0x56: {  	_ =	shalt  }
0x57: {  	_ =	shalt  }
0x58: {  	_ =	shalt  }
0x59: {  	_ =	shalt  }
0x5a: {  	_ =	shalt  }
0x5b: {  	_ =	shalt  }
0x5c: {  	_ =	shalt  }
0x5d: {  	_ =	shalt  }
0x5e: {  	_ =	shalt  }
0x5f: {  	_ =	shalt  }
0x60: {  	_ =	shalt  }
0x61: {  	_ =	shalt  }
0x62: {  	_ =	shalt  }
0x63: {  	_ =	shalt  }
0x64: {  	_ =	shalt  }
0x65: {  	_ =	shalt  }
0x66: {  	_ =	shalt  }
0x67: {  	_ =	shalt  }
0x68: {  	_ =	shalt  }
0x69: {  	_ =	shalt  }
0x6a: {  	_ =	shalt  }
0x6b: {  	_ =	shalt  }
0x6c: {  	_ =	shalt  }
0x6d: {  	_ =	shalt  }
0x6e: {  	_ =	shalt  }
0x6f: {  	_ =	shalt  }
0x70: {  	_ =	shalt  }
0x71: {  	_ =	shalt  }
0x72: {  	_ =	shalt  }
0x73: {  	_ =	shalt  }
0x74: {  	_ =	shalt  }
0x75: {  	_ =	shalt  }
0x76: {  	_ =	shalt  }
0x77: {  	_ =	shalt  }
0x78: {  	_ =	shalt  }
0x79: {  	_ =	shalt  }
0x7a: {  	_ =	shalt  }
0x7b: {  	_ =	shalt  }
0x7c: {  	_ =	shalt  }
0x7d: {  	_ =	shalt  }
0x7e: {  	_ =	shalt  }
0x7f: {  	_ =	shalt  }
0x80: {  	_ =	shalt  }
0x81: {  	_ =	shalt  }
0x82: {  	_ =	shalt  }
0x83: {  	_ =	shalt  }
0x84: {  	_ =	shalt  }
0x85: {  	_ =	shalt  }
0x86: {  	_ =	shalt  }
0x87: {  	_ =	shalt  }
.Lfunc_end0:
.L_simem_size_0:
called_computation.2_lowered:
.L_overlay_start_0:
0x88: {  	s2 =	sld [smem:$0x3FD9]  }
0x89: {  	s3 =	sld [smem:$0x3FFE];
	_ =	sdelay $0x1  }
0x8a: {  	s1 =	srdreg.scid  }
0x8b: {  	s0 =	sand.u32 $0x1, s1  }
0x8c: {  	s17 =	sshll.u32 s0, $0xA;
	s2 =	sadd.s32 s3, s2  }
0x8d: {  	s2 =	sadd.s32 s2, s17  }
0x8e: {  	[smem:$0x3FC1] =	sst s2  }
0x8f: {  	_ = 	snop  }
0x90: {  	s2 =	sld [smem:$0x3FD0];
	(tm) =	ssettm $0x1  }
0x91: {  	s18 =	sld [smem:$0x3FFB];
	_ =	sdelay $0x3  }
0x92: {  	_ =	strace s18  }
0x93: {  	s3 =	sld [smem:$0x3FFC];
	_ =	sdelay $0x3  }
0x94: {  	_ =	strace s3  }
0x95: {  	s3 =	sld [smem:$0x3FFD];
	_ =	sdelay $0x3  }
0x96: {  	_ =	strace s3  }
0x97: {  	_ =	strace $0x8FFFFFFF  }
0x98: {  	s19 =	sld [smem:$0x3FDB];
	_ =	sdelay $0x1  }
0x99: {  	s4 =	simm.s32 $_scs_section_size  }
0x9a: {  	s5 =	simm.s32 $_size__tile_overlayer_lowered;
	s6 =	simm.s32 $_tile_overlayer_lowered  }
0x9b: {  	s22 =	simm.s32 $0x1BFF;
	s21 =	sshll.u32 s6, $0x1;
	s3 =	sadd.s32 s4, s19  }
0x9c: {  	s7 =	simm.s32 $0x0;
	s20 =	sshll.u32 s5, $0x1;
	s5 =	sadd.s32 s21, s3  }
0x9d: {  	[timem:s7], [sflag:s22] =	dma.local [hbm:s5], s20  }
0x9e: {  	_ =	swait.ge [sflag:s22], s20  }
0x9f: {  	s4 =	ssub.s32 $0x0, s20;
	[sflag:s22] =	ssyncset.done $0x0  }
0xa0: {  	[sflag:s22] =	ssyncadd.s32 s4;
	_ =	sdelay $0x1  }
0xa1: {  	s23 =	simm.s32 $0x1B8B  }
0xa2: {  	_ =	swait.ge [sflag:s23], $0x1  }
0xa3: {  	[sflag:s23] =	ssyncset.done $0x0  }
0xa4: {  	s25 =	simm.s32 $0x1B8E;
	s24 =	sld [smem:$0x3FFE];
	[sflag:s23] =	ssyncadd.s32 $0xFFFFFFFF  }
0xa5: {  	s26 =	simm.s32 $execute0_lowered;
	[smem:$0x3FD2] =	sst s25  }
0xa6: {  	s5 =	sshll.u32 s26, $0x1;
	_ =	strace $0x8000004C;
	[dreg:$0x1] =	wrdreg $0xFFFFFFFF  }
0xa7: {  	s28 =	simm.s32 $_size_execute0_lowered;
	s3 =	sadd.s32 s3, s5;
	[dreg:$0x0] =	wrdreg $0x0  }
0xa8: {  	s5 =	sshll.u32 s28, $0x1;
	[dreg:$0x2] =	wrdreg s3  }
0xa9: {  	[dreg:$0x3] =	wrdreg s5  }
0xaa: {  	[dreg:$0x4] =	wrdreg $0xC0  }
0xab: {  	_ =	task [dreg:s7], $0x5FFFF  }
0xac: {  	[dreg:$0x1] =	wrdreg $0xFFFFFFFF  }
0xad: {  	[dreg:$0x0] =	wrdreg $0x60  }
0xae: {  	[dreg:$0x2] =	wrdreg s24  }
0xaf: {  	[dreg:$0x3] =	wrdreg s2  }
0xb0: {  	[dreg:$0x4] =	wrdreg $0x0  }
0xb1: {  	[dreg:$0x5] =	wrdreg $0x9  }
0xb2: {  	_ =	task.clear_ibuf [dreg:s7], $0x6FFFF;
	_ =	strace $0x9000004C  }
0xb3: {  	s29 =	simm.s32 $0x9;
	_ =	strace $0x8000004E  }
0xb4: {  	_ =	swait.ge [sflag:s29], $0x1  }
0xb5: {  	[sflag:s29] =	ssyncadd.s32 $0xFFFFFFFF  }
0xb6: {  	_ =	strace $0x9000004E  }
0xb7: {  	_ =	sfence  }
0xb8: {  	s30 =	sld [smem:$0x0];
	_ =	sdelay $0x2  }
0xb9: {  	s31 =	sshll.u32 s1, $0xD;
	s1 =	sshrl.u32 s1, $0x2  }
0xba: {  	s3 =	sand.u32 $0x4000, s31;
	s1 =	sadd.s32 s1, s30  }
0xbb: {  	s0 =	sor.u32 s3, s0;
	s1 =	sshll.u32 s1, $0x11  }
0xbc: {  	s0 =	sor.u32 s1, s0  }
0xbd: {  	s0 =	sadd.s32 $0x8F2B, s0  }
0xbe: {  	[sflag:s0] =	ssyncadd.remote.s32 $0x1  }
0xbf: {  	_ =	sfence.sel $0xFFFF  }
0xc0: {  	[dreg:$0x0] =	wrdreg $0xFFFFFFFF;
	(pc) =	sbr.abs _section_cstart, $3  }
0xc1: {  	[dreg:$0x1] =	wrdreg $0xFFFFFFFF  }
0xc2: {  	_ =	task.clear_ibuf [dreg:s7], $0x2FFFF;
	_ =	strace $0x9FFFFFFF  }
0xc3: {  	(tm) =	ssettm $0x7FFFFFFF  }
tec
execute0_lowered:
.L_overlay_start_1:
0x0: {  	(tag) =	ssettag $0x1  }
0x1: {  	s0 =	rddreg [dreg:$0x0]  }
0x2: {  	s2 =	rddreg [dreg:$0x1];
	s1 =	srdreg.scid  }
0x3: {  	s8 =	stileid.u32;
	s3 =	rddreg [dreg:$0x2];
	s5 =	simm.s32 $0x0  }
0x4: {  	s28 =	simm.s32 $0x2;
	s29 =	simm.s32 $0x14F80;
	s30 =	simm.s32 $0x16300  }
0x5: {  	s31 =	simm.s32 $0x16380;
	s1 =	sand.u32 $0x1, s1;
	s7 =	smul.u32 $0x4F000, s8  }
0x6: {  	s4 =	sshll.u32 s8, $0x1;
	[smem:$0x7FF] =	sst s5;
	s13 =	smul.u32 $0x13C00, s8  }
0x7: {  	s4 =	sor.u32 s1, s4;
	s19 =	ssub.s32 $0x2, s1;
	s1 =	smul.u32 $0x13C000, s1  }
0x8: {  	_ =	strace $0x8000004D;
	s4 =	smul.u32 $0x2800, s4;
	s6 =	sshrl.u32 s19, $0x1  }
0x9: {  	s7 =	sshrl.u32 s7, $0x2;
	s14 =	sadd.s32 $0x4000, s13;
	s16 =	sadd.s32 $0x8000, s13  }
0xa: {  	s17 =	sadd.s32 $0xC000, s13;
	s18 =	sadd.s32 $0x10000, s13;
	s19 =	ssub.s32 s19, s6  }
0xb: {  	s7 =	sadd.s32 s7, s3;
	s8 =	sadd.s32 s14, s3;
	s9 =	sadd.s32 s16, s3  }
0xc: {  	s10 =	sadd.s32 s17, s3;
	s11 =	sadd.s32 s18, s3;
	s15 =	sadd.s32 s13, s1  }
0xd: {  	s14 =	sadd.s32 s1, s14;
	s25 =	sadd.s32 s1, s16;
	s17 =	sadd.s32 s1, s17  }
0xe: {  	s1 =	sadd.s32 s1, s18;
	s4 =	sshrl.u32 s4, $0x3;
	s23 =	sshrl.u32 s15, $0x3  }
0xf: {  	s24 =	sshrl.u32 s14, $0x3;
	s26 =	sshrl.u32 s17, $0x3;
	s1 =	sshrl.u32 s1, $0x3  }
0x10: {  	s19 =	smax.u32 s19, $0x1;
	s4 =	sadd.s32 s4, s0;
	s0 =	sadd.s32 $0x17000, s0  }
0x11: {  	s20 =	sadd.s32 $0x3000, s4;
	s21 =	sadd.s32 $0xD000, s4;
	s22 =	sadd.s32 $0x3280, s4  }
0x12: {  	s13 =	sadd.s32 $0xD280, s4;
	s14 =	sadd.s32 s0, s23;
	s15 =	sadd.s32 s0, s24  }
0x13: {  	s4 =	sshrl.u32 s25, $0x3;
	s17 =	sadd.s32 s0, s26;
	s18 =	sadd.s32 s0, s1  }
0x14: {  	s23 =	simm.s32 $0x80;
	s24 =	simm.s32 $0x16400;
	[dreg:$0x4] =	wrdreg s20  }
0x15: {  	s25 =	simm.s32 $0x1A400;
	s26 =	simm.s32 $0x1;
	[dreg:$0x5] =	wrdreg s21  }
0x16: {  	s1 =	simm.s32 $0x0;
	[dreg:$0x6] =	wrdreg s22;
	s16 =	sadd.s32 s0, s4  }
0x17: {  	v0 =	vimm.f32 $0.0e+00;
	s20 =	simm.s32 $0x13C00;
	s21 =	simm.s32 $0x3;
	s22 =	simm.s32 $0x15000  }
.LBB2_1:
0x18: {  	s0 =	simm.s32 $0x0;
	s4 =	rddreg [dreg:$0x4]  }
0x19: {  	[tilespmem:s20], [sflag:$0x3] =	stream.linear.gather [hbm4b:s4+s0], $0x1400, $0x38;
	[tilespmem:$0x1E400] =	vst v63  }
0x1a: {  	_ =	swait.ge [sflag:s21], $0x1400  }
0x1b: {  	[sflag:s21] =	ssyncset.done $0x0  }
0x1c: {  	s12 =	rddreg [dreg:$0x5];
	[sflag:s21] =	ssyncadd.s32 $0xFFFFEC00  }
0x1d: {  	[tilespmem:s22], [sflag:$0x3] =	stream.linear.gather [hbm4b:s12+s0], $0x1400, $0x38;
	[tilespmem:$0x1E400] =	vst v63  }
0x1e: {  	_ =	swait.ge [sflag:s21], $0x1400  }
0x1f: {  	[sflag:s21] =	ssyncset.done $0x0  }
0x20: {  	s4 =	simm.s32 $0x200;
	s0 =	simm.s32 $0x0;
	[sflag:s21] =	ssyncadd.s32 $0xFFFFEC00  }
0x21: {  	[tilespmem:s24], [sflag:$0x1] =	stream.indirect.gather [hbm4b:s2+s23], $0x80, s20, s23, $0xb8;
	[tilespmem:$0x1E400] =	vst v63  }
.LBB2_2:
0x22: {  	p0 =	sne.s32 s4, $0xFE00;
	[tilespmem:s0+$0x1A470] =	vst v0  }
0x23: {  	[tilespmem:s0+$0x1A400] =	vst v0  }
0x24: {  	[tilespmem:s0+$0x1A410] =	vst v0  }
.Ltmp0:
0x25: {  	[tilespmem:s0+$0x1A420] =	vst v0;
	(pc) =	sbr.rel @p0 .LBB2_2-.Ltmp0, $4  }
0x26: {  	[tilespmem:s0+$0x1A430] =	vst v0  }
0x27: {  	[tilespmem:s0+$0x1A440] =	vst v0  }
0x28: {  	[tilespmem:s0+$0x1A450] =	vst v0  }
0x29: {  	[tilespmem:s0+$0x1A460] =	vst v0;
	s0 =	sshra.s32 s4, $0x2;
	s4 =	sadd.s32 $0x200, s4  }
0x2a: {  	[tilespmem:s0+$0x1A470] =	vst v0  }
0x2b: {  	[tilespmem:s0+$0x1A400] =	vst v0  }
0x2c: {  	[tilespmem:s0+$0x1A410] =	vst v0  }
0x2d: {  	[tilespmem:s0+$0x1A420] =	vst v0  }
0x2e: {  	[tilespmem:s0+$0x1A430] =	vst v0  }
0x2f: {  	[tilespmem:s0+$0x1A440] =	vst v0  }
0x30: {  	[tilespmem:s0+$0x1A450] =	vst v0  }
0x31: {  	[tilespmem:s0+$0x1A460] =	vst v0  }
0x32: {  	[spmem:s7] =	stream.linear.scatter [tilespmem:s25], [sflag:$0x3], $0x4000, $0x38;
	[tilespmem:$0x1E400] =	vst v63  }
0x33: {  	_ =	swait.ge [sflag:s21], $0x4000  }
0x34: {  	[sflag:s21] =	ssyncset.done $0x0  }
0x35: {  	[sflag:s21] =	ssyncadd.s32 $0xFFFFC000  }
0x36: {  	[spmem:s8] =	stream.linear.scatter [tilespmem:s25], [sflag:$0x3], $0x4000, $0x38;
	[tilespmem:$0x1E400] =	vst v63  }
0x37: {  	_ =	swait.ge [sflag:s21], $0x4000  }
0x38: {  	[sflag:s21] =	ssyncset.done $0x0  }
0x39: {  	[sflag:s21] =	ssyncadd.s32 $0xFFFFC000  }
0x3a: {  	[spmem:s9] =	stream.linear.scatter [tilespmem:s25], [sflag:$0x3], $0x4000, $0x38;
	[tilespmem:$0x1E400] =	vst v63  }
0x3b: {  	_ =	swait.ge [sflag:s21], $0x4000  }
0x3c: {  	[sflag:s21] =	ssyncset.done $0x0  }
0x3d: {  	[sflag:s21] =	ssyncadd.s32 $0xFFFFC000  }
0x3e: {  	[spmem:s10] =	stream.linear.scatter [tilespmem:s25], [sflag:$0x3], $0x4000, $0x38;
	[tilespmem:$0x1E400] =	vst v63  }
0x3f: {  	_ =	swait.ge [sflag:s21], $0x4000  }
0x40: {  	[sflag:s21] =	ssyncset.done $0x0  }
0x41: {  	[sflag:s21] =	ssyncadd.s32 $0xFFFFC000  }
0x42: {  	[spmem:s11] =	stream.linear.scatter [tilespmem:s25], [sflag:$0x3], $0x3C00, $0x38;
	[tilespmem:$0x1E400] =	vst v63  }
0x43: {  	_ =	swait.ge [sflag:s21], $0x3C00  }
0x44: {  	[sflag:s21] =	ssyncset.done $0x0  }
0x45: {  	[sflag:s21] =	ssyncadd.s32 $0xFFFFC400  }
0x46: {  	s4 =	simm.s32 $0x13C80;
	[bflag:$0x0] =	sbarrier.arrive $0xFFFF  }
0x47: {  	[tilespmem:s25], [sflag:$0x2] =	stream.indirect.gather [hbm4b:s2+s23], $0x80, s4, s23, $0xb8;
	[tilespmem:$0x1E400] =	vst v63  }
0x48: {  	_ =	swait.ge [sflag:s26], $0x4000  }
0x49: {  	[sflag:s26] =	ssyncset.done $0x0  }
0x4a: {  	s5 =	simm.s32 $0x15000;
	[sflag:s26] =	ssyncadd.s32 $0xFFFFC000  }
0x4b: {  	[spmem:s3] =	stream.indirect.scatter.add.f32 [tilespmem:s24], [sflag:$0x3], $0x80, s5, s23, $0xb8;
	[tilespmem:$0x1E400] =	vst v63  }
0x4c: {  	_ =	swait.ge [sflag:s21], $0x4000  }
0x4d: {  	[sflag:s21] =	ssyncset.done $0x0  }
0x4e: {  	s6 =	simm.s32 $0x13D00;
	[sflag:s21] =	ssyncadd.s32 $0xFFFFC000  }
0x4f: {  	[tilespmem:s24], [sflag:$0x1] =	stream.indirect.gather [hbm4b:s2+s23], $0x80, s6, s23, $0xb8;
	[tilespmem:$0x1E400] =	vst v63  }
0x50: {  	_ =	swait.ge [sflag:s28], $0x4000  }
0x51: {  	[sflag:s28] =	ssyncset.done $0x0  }
0x52: {  	s12 =	simm.s32 $0x15080;
	[sflag:s28] =	ssyncadd.s32 $0xFFFFC000  }
0x53: {  	[spmem:s3] =	stream.indirect.scatter.add.f32 [tilespmem:s25], [sflag:$0x3], $0x80, s12, s23, $0xb8;
	[tilespmem:$0x1E400] =	vst v63  }
0x54: {  	_ =	swait.ge [sflag:s21], $0x4000  }
0x55: {  	s0 =	simm.s32 $0x100;
	s4 =	simm.s32 $0x800;
	[sflag:s21] =	ssyncset.done $0x0  }
.LBB2_4:
0x56: {  	s5 =	sadd.s32 $0x13C80, s0  }
0x57: {  	[sflag:s21] =	ssyncadd.s32 $0xFFFFC000;
	s6 =	smov.u32 s4;
	s12 =	sadd.s32 $0x400, s4  }
0x58: {  	[tilespmem:s25], [sflag:$0x2] =	stream.indirect.gather [hbm4b:s2+s23], $0x80, s5, s23, $0xb8;
	[tilespmem:$0x1E400] =	vst v63  }
0x59: {  	p0 =	sne.s32 s4, $0x4800;
	_ =	swait.ge [sflag:s26], $0x4000  }
0x5a: {  	[sflag:s26] =	ssyncset.done $0x0  }
0x5b: {  	s4 =	sadd.s32 $0x15000, s0;
	[sflag:s26] =	ssyncadd.s32 $0xFFFFC000  }
0x5c: {  	[spmem:s3] =	stream.indirect.scatter.add.f32 [tilespmem:s24], [sflag:$0x3], $0x80, s4, s23, $0xb8;
	[tilespmem:$0x1E400] =	vst v63  }
0x5d: {  	_ =	swait.ge [sflag:s21], $0x4000  }
0x5e: {  	[sflag:s21] =	ssyncset.done $0x0  }
0x5f: {  	s4 =	sadd.s32 $0x13D00, s0;
	[sflag:s21] =	ssyncadd.s32 $0xFFFFC000  }
0x60: {  	[tilespmem:s24], [sflag:$0x1] =	stream.indirect.gather [hbm4b:s2+s23], $0x80, s4, s23, $0xb8;
	[tilespmem:$0x1E400] =	vst v63  }
0x61: {  	_ =	swait.ge [sflag:s28], $0x4000  }
.Ltmp1:
0x62: {  	[sflag:s28] =	ssyncset.done $0x0;
	(pc) =	sbr.rel @p0 .LBB2_4-.Ltmp1, $4  }
0x63: {  	s0 =	sadd.s32 $0x15080, s0;
	[sflag:s28] =	ssyncadd.s32 $0xFFFFC000  }
0x64: {  	[spmem:s3] =	stream.indirect.scatter.add.f32 [tilespmem:s25], [sflag:$0x3], $0x80, s0, s23, $0xb8;
	[tilespmem:$0x1E400] =	vst v63  }
0x65: {  	_ =	swait.ge [sflag:s21], $0x4000  }
0x66: {  	s4 =	smov.u32 s12;
	s0 =	sshra.s32 s6, $0x2;
	[sflag:s21] =	ssyncset.done $0x0  }
0x67: {  	s4 =	sadd.s32 $0x13C80, s0;
	[sflag:s21] =	ssyncadd.s32 $0xFFFFC000  }
0x68: {  	[tilespmem:s25], [sflag:$0x2] =	stream.indirect.gather [hbm4b:s2+s23], $0x80, s4, s23, $0xb8;
	[tilespmem:$0x1E400] =	vst v63  }
0x69: {  	_ =	swait.ge [sflag:s26], $0x4000  }
0x6a: {  	[sflag:s26] =	ssyncset.done $0x0  }
0x6b: {  	s6 =	sadd.s32 $0x15000, s0;
	[sflag:s26] =	ssyncadd.s32 $0xFFFFC000  }
0x6c: {  	[spmem:s3] =	stream.indirect.scatter.add.f32 [tilespmem:s24], [sflag:$0x3], $0x80, s6, s23, $0xb8;
	[tilespmem:$0x1E400] =	vst v63  }
0x6d: {  	_ =	swait.ge [sflag:s21], $0x4000  }
0x6e: {  	[sflag:s21] =	ssyncset.done $0x0  }
0x6f: {  	s12 =	sadd.s32 $0x13D00, s0;
	[sflag:s21] =	ssyncadd.s32 $0xFFFFC000  }
0x70: {  	[tilespmem:s24], [sflag:$0x1] =	stream.indirect.gather [hbm4b:s2+s23], $0x80, s12, s23, $0xb8;
	[tilespmem:$0x1E400] =	vst v63  }
0x71: {  	_ =	swait.ge [sflag:s28], $0x4000  }
0x72: {  	[sflag:s28] =	ssyncset.done $0x0  }
0x73: {  	s5 =	sadd.s32 $0x15080, s0;
	[sflag:s28] =	ssyncadd.s32 $0xFFFFC000  }
0x74: {  	[spmem:s3] =	stream.indirect.scatter.add.f32 [tilespmem:s25], [sflag:$0x3], $0x80, s5, s23, $0xb8;
	[tilespmem:$0x1E400] =	vst v63  }
0x75: {  	_ =	swait.ge [sflag:s21], $0x4000  }
0x76: {  	[sflag:s21] =	ssyncset.done $0x0  }
0x77: {  	[sflag:s21] =	ssyncadd.s32 $0xFFFFC000  }
0x78: {  	[tilespmem:s25], [sflag:$0x2] =	stream.indirect.gather [hbm4b:s2+s23], $0x80, s29, s23, $0xb8;
	[tilespmem:$0x1E400] =	vst v63  }
0x79: {  	_ =	swait.ge [sflag:s26], $0x4000  }
0x7a: {  	[sflag:s26] =	ssyncset.done $0x0  }
0x7b: {  	[sflag:s26] =	ssyncadd.s32 $0xFFFFC000  }
0x7c: {  	[spmem:s3] =	stream.indirect.scatter.add.f32 [tilespmem:s24], [sflag:$0x3], $0x80, s30, s23, $0xb8;
	[tilespmem:$0x1E400] =	vst v63  }
0x7d: {  	_ =	swait.ge [sflag:s21], $0x4000  }
0x7e: {  	[sflag:s21] =	ssyncset.done $0x0  }
0x7f: {  	[sflag:s21] =	ssyncadd.s32 $0xFFFFC000  }
0x80: {  	_ =	swait.ge [sflag:s28], $0x4000  }
0x81: {  	[sflag:s28] =	ssyncset.done $0x0  }
0x82: {  	[sflag:s28] =	ssyncadd.s32 $0xFFFFC000  }
0x83: {  	[spmem:s3] =	stream.indirect.scatter.add.f32 [tilespmem:s25], [sflag:$0x3], $0x80, s31, s23, $0xb8;
	[tilespmem:$0x1E400] =	vst v63  }
0x84: {  	_ =	swait.ge [sflag:s21], $0x4000  }
0x85: {  	[sflag:s21] =	ssyncset.done $0x0  }
0x86: {  	s6 =	simm.s32 $0x0;
	s12 =	rddreg [dreg:$0x6];
	[sflag:s21] =	ssyncadd.s32 $0xFFFFC000  }
0x87: {  	[tilespmem:s20], [sflag:$0x3] =	stream.linear.gather [hbm4b:s12+s6], $0x1400, $0x38;
	[tilespmem:$0x1E400] =	vst v63  }
0x88: {  	_ =	swait.ge [sflag:s21], $0x1400  }
0x89: {  	[sflag:s21] =	ssyncset.done $0x0  }
0x8a: {  	[sflag:s21] =	ssyncadd.s32 $0xFFFFEC00  }
0x8b: {  	[tilespmem:s22], [sflag:$0x3] =	stream.linear.gather [hbm4b:s13+s6], $0x1400, $0x38;
	[tilespmem:$0x1E400] =	vst v63  }
0x8c: {  	_ =	swait.ge [sflag:s21], $0x1400  }
0x8d: {  	[sflag:s21] =	ssyncset.done $0x0  }
0x8e: {  	[sflag:s21] =	ssyncadd.s32 $0xFFFFEC00  }
0x8f: {  	[tilespmem:s24], [sflag:$0x1] =	stream.indirect.gather [hbm4b:s2+s23], $0x80, s20, s23, $0xb8;
	[tilespmem:$0x1E400] =	vst v63  }
0x90: {  	s4 =	simm.s32 $0x13C80  }
0x91: {  	[tilespmem:s25], [sflag:$0x2] =	stream.indirect.gather [hbm4b:s2+s23], $0x80, s4, s23, $0xb8;
	[tilespmem:$0x1E400] =	vst v63  }
0x92: {  	_ =	swait.ge [sflag:s26], $0x4000  }
0x93: {  	[sflag:s26] =	ssyncset.done $0x0  }
0x94: {  	s5 =	simm.s32 $0x15000;
	[sflag:s26] =	ssyncadd.s32 $0xFFFFC000  }
0x95: {  	[spmem:s3] =	stream.indirect.scatter.add.f32 [tilespmem:s24], [sflag:$0x3], $0x80, s5, s23, $0xb8;
	[tilespmem:$0x1E400] =	vst v63  }
0x96: {  	_ =	swait.ge [sflag:s21], $0x4000  }
0x97: {  	[sflag:s21] =	ssyncset.done $0x0  }
0x98: {  	s6 =	simm.s32 $0x13D00;
	[sflag:s21] =	ssyncadd.s32 $0xFFFFC000  }
0x99: {  	[tilespmem:s24], [sflag:$0x1] =	stream.indirect.gather [hbm4b:s2+s23], $0x80, s6, s23, $0xb8;
	[tilespmem:$0x1E400] =	vst v63  }
0x9a: {  	_ =	swait.ge [sflag:s28], $0x4000  }
0x9b: {  	[sflag:s28] =	ssyncset.done $0x0  }
0x9c: {  	s12 =	simm.s32 $0x15080;
	[sflag:s28] =	ssyncadd.s32 $0xFFFFC000  }
0x9d: {  	[spmem:s3] =	stream.indirect.scatter.add.f32 [tilespmem:s25], [sflag:$0x3], $0x80, s12, s23, $0xb8;
	[tilespmem:$0x1E400] =	vst v63  }
0x9e: {  	_ =	swait.ge [sflag:s21], $0x4000  }
0x9f: {  	s0 =	simm.s32 $0x100;
	s4 =	simm.s32 $0x800;
	[sflag:s21] =	ssyncset.done $0x0  }
.LBB2_6:
0xa0: {  	s5 =	sadd.s32 $0x13C80, s0  }
0xa1: {  	[sflag:s21] =	ssyncadd.s32 $0xFFFFC000;
	s6 =	smov.u32 s4;
	s12 =	sadd.s32 $0x400, s4  }
0xa2: {  	[tilespmem:s25], [sflag:$0x2] =	stream.indirect.gather [hbm4b:s2+s23], $0x80, s5, s23, $0xb8;
	[tilespmem:$0x1E400] =	vst v63  }
0xa3: {  	p0 =	sne.s32 s4, $0x4800;
	_ =	swait.ge [sflag:s26], $0x4000  }
0xa4: {  	[sflag:s26] =	ssyncset.done $0x0  }
0xa5: {  	s4 =	sadd.s32 $0x15000, s0;
	[sflag:s26] =	ssyncadd.s32 $0xFFFFC000  }
0xa6: {  	[spmem:s3] =	stream.indirect.scatter.add.f32 [tilespmem:s24], [sflag:$0x3], $0x80, s4, s23, $0xb8;
	[tilespmem:$0x1E400] =	vst v63  }
0xa7: {  	_ =	swait.ge [sflag:s21], $0x4000  }
0xa8: {  	[sflag:s21] =	ssyncset.done $0x0  }
0xa9: {  	s4 =	sadd.s32 $0x13D00, s0;
	[sflag:s21] =	ssyncadd.s32 $0xFFFFC000  }
0xaa: {  	[tilespmem:s24], [sflag:$0x1] =	stream.indirect.gather [hbm4b:s2+s23], $0x80, s4, s23, $0xb8;
	[tilespmem:$0x1E400] =	vst v63  }
0xab: {  	_ =	swait.ge [sflag:s28], $0x4000  }
.Ltmp2:
0xac: {  	[sflag:s28] =	ssyncset.done $0x0;
	(pc) =	sbr.rel @p0 .LBB2_6-.Ltmp2, $4  }
0xad: {  	s0 =	sadd.s32 $0x15080, s0;
	[sflag:s28] =	ssyncadd.s32 $0xFFFFC000  }
0xae: {  	[spmem:s3] =	stream.indirect.scatter.add.f32 [tilespmem:s25], [sflag:$0x3], $0x80, s0, s23, $0xb8;
	[tilespmem:$0x1E400] =	vst v63  }
0xaf: {  	_ =	swait.ge [sflag:s21], $0x4000  }
0xb0: {  	s4 =	smov.u32 s12;
	s0 =	sshra.s32 s6, $0x2;
	[sflag:s21] =	ssyncset.done $0x0  }
0xb1: {  	s4 =	sadd.s32 $0x13C80, s0;
	[sflag:s21] =	ssyncadd.s32 $0xFFFFC000  }
0xb2: {  	[tilespmem:s25], [sflag:$0x2] =	stream.indirect.gather [hbm4b:s2+s23], $0x80, s4, s23, $0xb8;
	[tilespmem:$0x1E400] =	vst v63  }
0xb3: {  	_ =	swait.ge [sflag:s26], $0x4000  }
0xb4: {  	[sflag:s26] =	ssyncset.done $0x0  }
0xb5: {  	s6 =	sadd.s32 $0x15000, s0;
	[sflag:s26] =	ssyncadd.s32 $0xFFFFC000  }
0xb6: {  	[spmem:s3] =	stream.indirect.scatter.add.f32 [tilespmem:s24], [sflag:$0x3], $0x80, s6, s23, $0xb8;
	[tilespmem:$0x1E400] =	vst v63  }
0xb7: {  	_ =	swait.ge [sflag:s21], $0x4000  }
0xb8: {  	[sflag:s21] =	ssyncset.done $0x0  }
0xb9: {  	s12 =	sadd.s32 $0x13D00, s0;
	[sflag:s21] =	ssyncadd.s32 $0xFFFFC000  }
0xba: {  	[tilespmem:s24], [sflag:$0x1] =	stream.indirect.gather [hbm4b:s2+s23], $0x80, s12, s23, $0xb8;
	[tilespmem:$0x1E400] =	vst v63  }
0xbb: {  	_ =	swait.ge [sflag:s28], $0x4000  }
0xbc: {  	[sflag:s28] =	ssyncset.done $0x0  }
0xbd: {  	s4 =	sadd.s32 $0x15080, s0;
	[sflag:s28] =	ssyncadd.s32 $0xFFFFC000  }
0xbe: {  	[spmem:s3] =	stream.indirect.scatter.add.f32 [tilespmem:s25], [sflag:$0x3], $0x80, s4, s23, $0xb8;
	[tilespmem:$0x1E400] =	vst v63  }
0xbf: {  	_ =	swait.ge [sflag:s21], $0x4000  }
0xc0: {  	[sflag:s21] =	ssyncset.done $0x0  }
0xc1: {  	[sflag:s21] =	ssyncadd.s32 $0xFFFFC000  }
0xc2: {  	[tilespmem:s25], [sflag:$0x2] =	stream.indirect.gather [hbm4b:s2+s23], $0x80, s29, s23, $0xb8;
	[tilespmem:$0x1E400] =	vst v63  }
0xc3: {  	_ =	swait.ge [sflag:s26], $0x4000  }
0xc4: {  	[sflag:s26] =	ssyncset.done $0x0  }
0xc5: {  	[sflag:s26] =	ssyncadd.s32 $0xFFFFC000  }
0xc6: {  	[spmem:s3] =	stream.indirect.scatter.add.f32 [tilespmem:s24], [sflag:$0x3], $0x80, s30, s23, $0xb8;
	[tilespmem:$0x1E400] =	vst v63  }
0xc7: {  	_ =	swait.ge [sflag:s21], $0x4000  }
0xc8: {  	[sflag:s21] =	ssyncset.done $0x0  }
0xc9: {  	[sflag:s21] =	ssyncadd.s32 $0xFFFFC000  }
0xca: {  	_ =	swait.ge [sflag:s28], $0x4000  }
0xcb: {  	[sflag:s28] =	ssyncset.done $0x0  }
0xcc: {  	[sflag:s28] =	ssyncadd.s32 $0xFFFFC000  }
0xcd: {  	[spmem:s3] =	stream.indirect.scatter.add.f32 [tilespmem:s25], [sflag:$0x3], $0x80, s31, s23, $0xb8;
	[tilespmem:$0x1E400] =	vst v63  }
0xce: {  	_ =	swait.ge [sflag:s21], $0x4000  }
0xcf: {  	s5 =	stileid.u32;
	[sflag:s21] =	ssyncset.done $0x0  }
0xd0: {  	s0 =	sshll.u32 s5, $0x6;
	[sflag:s21] =	ssyncadd.s32 $0xFFFFC000  }
0xd1: {  	s0 =	sor.u32 $0x1C03, s0;
	s6 =	sshrl.u32 s7, $0x3;
	[bflag:$0x0] =	sbarrier.arrive $0xFFFF  }
0xd2: {  	[hbm:s14], [sflag:s0] =	dma.local [spmem:s6], $0x800  }
0xd3: {  	_ =	swait.ge [sflag:s21], $0x800  }
0xd4: {  	[sflag:s21] =	ssyncset.done $0x0  }
0xd5: {  	s12 =	sshrl.u32 s8, $0x3;
	[sflag:s21] =	ssyncadd.s32 $0xFFFFF800  }
0xd6: {  	[hbm:s15], [sflag:s0] =	dma.local [spmem:s12], $0x800  }
0xd7: {  	_ =	swait.ge [sflag:s21], $0x800  }
0xd8: {  	[sflag:s21] =	ssyncset.done $0x0  }
0xd9: {  	s5 =	sshrl.u32 s9, $0x3;
	[sflag:s21] =	ssyncadd.s32 $0xFFFFF800  }
0xda: {  	[hbm:s16], [sflag:s0] =	dma.local [spmem:s5], $0x800  }
0xdb: {  	_ =	swait.ge [sflag:s21], $0x800  }
0xdc: {  	[sflag:s21] =	ssyncset.done $0x0  }
0xdd: {  	s6 =	sshrl.u32 s10, $0x3;
	[sflag:s21] =	ssyncadd.s32 $0xFFFFF800  }
0xde: {  	[hbm:s17], [sflag:s0] =	dma.local [spmem:s6], $0x800  }
0xdf: {  	s1 =	sadd.s32 $0x1, s1;
	_ =	swait.ge [sflag:s21], $0x800  }
0xe0: {  	p0 =	sne.s32 s1, s19;
	[sflag:s21] =	ssyncset.done $0x0  }
.Ltmp3:
0xe1: {  	s12 =	sshrl.u32 s11, $0x3;
	[sflag:s21] =	ssyncadd.s32 $0xFFFFF800;
	(pc) =	sbr.rel @p0 .LBB2_1-.Ltmp3, $4  }
0xe2: {  	[hbm:s18], [sflag:s0] =	dma.local [spmem:s12], $0x780  }
0xe3: {  	_ =	swait.ge [sflag:s21], $0x780  }
0xe4: {  	[sflag:s21] =	ssyncset.done $0x0  }
0xe5: {  	[sflag:s21] =	ssyncadd.s32 $0xFFFFF880  }
0xe6: {  	_ =	sfence.sel $0x180000  }
0xe7: {  	[bflag:$0x0] =	sbarrier.arrive $0xFFFF  }
0xe8: {  	_ =	strace $0x9000004D  }
0xe9: {  	s0 =	stileid.u32;
	[bflag:$0x2] =	sbarrier.arrive $0xFFFF  }
0xea: {  	p0 =	sne.s32 s0, $0x0;
	s0 =	rddreg [dreg:$0x3]  }
0xeb: {  	s0 =	sadd.s32 @!p0 $0x100000, s0  }
0xec: {  	[sflag:s0] =	ssyncadd.tile.s32 @!p0 $0x1;
	_ =	shalt  }
.Lfunc_end2:
_tile_overlayer_lowered:
.L_overlay_start_2:
0xed: {  	(tag) =	ssettag $0x2  }
0xee: {  	s0 =	rddreg [dreg:$0x0];
	s2 =	stileid.u32  }
0xef: {  	s1 =	rddreg [dreg:$0x1];
	p0 =	sne.s32 s2, $0x0  }
0xf0: {  	s3 =	rddreg [dreg:$0x2];
	[bflag:$0x3] =	sbarrier.arrive $0xFFFF;
	s2 =	simm.s32 @!p0 $0x1C03  }
0xf1: {  	[timem:s3], [sflag:s2] =	dma.local @!p0 [hbm:s0], s1  }
0xf2: {  	s0 =	simm.s32 @!p0 $0x3  }
0xf3: {  	_ =	swait.ge @!p0 [sflag:s0], s1  }
0xf4: {  	s1 =	ssub.s32 @!p0 $0x0, s1;
	[sflag:s0] =	ssyncset.done @!p0 $0x0  }
0xf5: {  	[sflag:s0] =	ssyncadd.s32 @!p0 s1  }
0xf6: {  	[bflag:$0x3] =	sbarrier.arrive $0xFFFF  }
0xf7: {  	_ =	shalt  }

// kernel: kernel.18.cloned.1.call-start
scs
__scs_entry_jumppad:
0x0: {  	(pc) =	sbr.rel $0x88, $3  }
0x1: {  	(tag) =	ssettag $0x0;
	lr =	simm.s32 $0x1  }
0x2: {  	[smem:$0x3F9A] =	sst lr;
	_ =	strace $0xD0000000  }
0x3: {  	_ = 	snop  }
0x4: {  	_ = 	snop  }
0x5: {  	_ = 	snop  }
0x6: {  	_ = 	snop  }
0x7: {  	_ = 	snop  }
__scs_overlays_trampoline_lowered:
0x8: {  	[smem:$0x3FA9] =	sst s0  }
0x9: {  	[smem:$0x3FAA] =	sst s1  }
0xa: {  	[smem:$0x3FAB] =	sst s2  }
0xb: {  	[smem:$0x3FAC] =	sst s3  }
0xc: {  	[smem:$0x3FAD] =	sst s4  }
0xd: {  	[smem:$0x3FAE] =	sst s5  }
0xe: {  	[smem:$0x3FAF] =	sst s6  }
0xf: {  	[smem:$0x3FB0] =	sst s7  }
0x10: {  	[smem:$0x3FB1] =	sst s8  }
0x11: {  	[smem:$0x3FB2] =	sst s9;
	s0 =	simm.s32 @!p0 $0x0  }
0x12: {  	s1 =	sld [smem:$0x3F98];
	s0 =	simm.s32 @p0 $0x1  }
0x13: {  	[smem:$0x3FB3] =	sst s0;
	s0 =	simm.s32 @!p1 $0x0  }
0x14: {  	s2 =	sld [smem:$0x3F97];
	s0 =	simm.s32 @p1 $0x1  }
0x15: {  	[smem:$0x3FB4] =	sst s0;
	s0 =	simm.s32 @!p2 $0x0  }
0x16: {  	s3 =	sld [smem:$0x3FDB];
	s0 =	simm.s32 @p2 $0x1  }
0x17: {  	s4 =	simm.s32 $0x1BF5;
	[smem:$0x3FB6] =	sst s0  }
0x18: {  	s0 =	sld [smem:$0x3F99];
	_ =	swait.ge [sflag:s4], $0x0  }
0x19: {  	s7 =	sld [smem:$0x3F9A]  }
0x1a: {  	s8 =	sadd.s32 $0xFFFFE003, lr  }
0x1b: {  	s9 =	sadd.s32 $0xFFFFFEF7, lr;
	s5 =	simm.s32 $0xFFFFFFFF;
	p2 =	slt.u32 s8, $0xFFFFF086  }
0x1c: {  	p1 =	slt.u32 s9, $0xF7A;
	s5 =	simm.s32 @!p2 $0x0  }
0x1d: {  	s5 =	simm.s32 @p1 $0x1;
	p0 =	seq.s32 s7, s2  }
0x1e: {  	s7 =	smul.u32 @!p0 $0xF7A, s2;
	p2 =	seq.s32 @!p0 s5, $0x0  }
0x1f: {  	s9 =	smul.u32 $0xF7A, s1;
	s8 =	simm.s32 @!p0 $0x1BF5;
	p2 =	por !p2, p0  }
0x20: {  	[sflag:s8] =	ssyncset.s32 @!p0 $0xFFFFF086;
	s6 =	sadd.s32 @!p0 s3, s7;
	s7 =	simm.s32 @!p0 $0x108  }
0x21: {  	s3 =	sadd.s32 s3, s9;
	s6 =	sadd.s32 @!p0 $0x88, s6;
	s7 =	simm.s32 @p2 $0x1082  }
0x22: {  	[simem:s7], [sflag:s8] =	dma.local @!p0 [hbm:s6], $0xF7A  }
0x23: {  	s9 =	sor.u32 $0xD0000000, s2;
	s6 =	simm.s32 $0x108;
	_ =	swait.ge @!p0 [sflag:s8], $0x0  }
0x24: {  	s3 =	sadd.s32 $0x88, s3;
	s6 =	simm.s32 @!p1 $0x1082;
	[sflag:s4] =	ssyncset.s32 $0xFFFFF086  }
0x25: {  	[simem:s6], [sflag:s4] =	dma.local [hbm:s3], $0xF7A  }
0x26: {  	[smem:$0x3F9A] =	sst s1;
	(tag) =	ssettag s2;
	_ =	strace s9  }
0x27: {  	s1 =	sld [smem:$0x3FAA]  }
0x28: {  	s2 =	sld [smem:$0x3FAB]  }
0x29: {  	s4 =	sld [smem:$0x3FAD]  }
0x2a: {  	p0 =	seq.s32 s5, $0x0;
	s5 =	sld [smem:$0x3FAE]  }
0x2b: {  	s6 =	sld [smem:$0x3FAF]  }
0x2c: {  	s7 =	sld [smem:$0x3FB0]  }
0x2d: {  	s3 =	simm.s32 $0x108;
	s8 =	sld [smem:$0x3FB1]  }
0x2e: {  	s3 =	simm.s32 @!p0 $0x1082;
	s9 =	sld [smem:$0x3FB2]  }
0x2f: {  	lr =	sadd.s32 s0, s3;
	s0 =	sld [smem:$0x3FA9]  }
0x30: {  	s3 =	sld [smem:$0x3FAC]  }
0x31: {  	[smem:$0x3FB5] =	sst s10  }
0x32: {  	s10 =	sld [smem:$0x3FB3];
	_ =	sdelay $0x3  }
0x33: {  	p0 =	seq.s32 s10, $0x1;
	s10 =	sld [smem:$0x3FB5];
	_ =	sdelay $0x3  }
0x34: {  	[smem:$0x3FB5] =	sst s10  }
0x35: {  	s10 =	sld [smem:$0x3FB4];
	_ =	sdelay $0x3  }
0x36: {  	p1 =	seq.s32 s10, $0x1;
	s10 =	sld [smem:$0x3FB5];
	_ =	sdelay $0x3  }
0x37: {  	[smem:$0x3FB5] =	sst s10  }
0x38: {  	s10 =	sld [smem:$0x3FB6]  }
0x39: {  	_ = 	snop;
	(pc) =	sbr.ind lr, $3  }
0x3a: {  	_ = 	snop  }
0x3b: {  	_ = 	snop  }
0x3c: {  	p2 =	seq.s32 s10, $0x1;
	s10 =	sld [smem:$0x3FB5]  }
0x3d: {  	_ =	shalt  }
0x3e: {  	_ =	shalt  }
0x3f: {  	_ =	shalt  }
0x40: {  	_ =	shalt  }
0x41: {  	_ =	shalt  }
0x42: {  	_ =	shalt  }
0x43: {  	_ =	shalt  }
0x44: {  	_ =	shalt  }
0x45: {  	_ =	shalt  }
0x46: {  	_ =	shalt  }
0x47: {  	_ =	shalt  }
0x48: {  	_ =	shalt  }
0x49: {  	_ =	shalt  }
0x4a: {  	_ =	shalt  }
0x4b: {  	_ =	shalt  }
0x4c: {  	_ =	shalt  }
0x4d: {  	_ =	shalt  }
0x4e: {  	_ =	shalt  }
0x4f: {  	_ =	shalt  }
0x50: {  	_ =	shalt  }
0x51: {  	_ =	shalt  }
0x52: {  	_ =	shalt  }
0x53: {  	_ =	shalt  }
0x54: {  	_ =	shalt  }
0x55: {  	_ =	shalt  }
0x56: {  	_ =	shalt  }
0x57: {  	_ =	shalt  }
0x58: {  	_ =	shalt  }
0x59: {  	_ =	shalt  }
0x5a: {  	_ =	shalt  }
0x5b: {  	_ =	shalt  }
0x5c: {  	_ =	shalt  }
0x5d: {  	_ =	shalt  }
0x5e: {  	_ =	shalt  }
0x5f: {  	_ =	shalt  }
0x60: {  	_ =	shalt  }
0x61: {  	_ =	shalt  }
0x62: {  	_ =	shalt  }
0x63: {  	_ =	shalt  }
0x64: {  	_ =	shalt  }
0x65: {  	_ =	shalt  }
0x66: {  	_ =	shalt  }
0x67: {  	_ =	shalt  }
0x68: {  	_ =	shalt  }
0x69: {  	_ =	shalt  }
0x6a: {  	_ =	shalt  }
0x6b: {  	_ =	shalt  }
0x6c: {  	_ =	shalt  }
0x6d: {  	_ =	shalt  }
0x6e: {  	_ =	shalt  }
0x6f: {  	_ =	shalt  }
0x70: {  	_ =	shalt  }
0x71: {  	_ =	shalt  }
0x72: {  	_ =	shalt  }
0x73: {  	_ =	shalt  }
0x74: {  	_ =	shalt  }
0x75: {  	_ =	shalt  }
0x76: {  	_ =	shalt  }
0x77: {  	_ =	shalt  }
0x78: {  	_ =	shalt  }
0x79: {  	_ =	shalt  }
0x7a: {  	_ =	shalt  }
0x7b: {  	_ =	shalt  }
0x7c: {  	_ =	shalt  }
0x7d: {  	_ =	shalt  }
0x7e: {  	_ =	shalt  }
0x7f: {  	_ =	shalt  }
0x80: {  	_ =	shalt  }
0x81: {  	_ =	shalt  }
0x82: {  	_ =	shalt  }
0x83: {  	_ =	shalt  }
0x84: {  	_ =	shalt  }
0x85: {  	_ =	shalt  }
0x86: {  	_ =	shalt  }
0x87: {  	_ =	shalt  }
.Lfunc_end0:
.L_simem_size_0:
called_computation.3_lowered:
.L_overlay_start_0:
0x88: {  	s2 =	sld [smem:$0x3FD9]  }
0x89: {  	s3 =	sld [smem:$0x3FFE];
	_ =	sdelay $0x1  }
0x8a: {  	s1 =	srdreg.scid  }
0x8b: {  	s0 =	sand.u32 $0x1, s1  }
0x8c: {  	s17 =	sshll.u32 s0, $0xA;
	s2 =	sadd.s32 s3, s2  }
0x8d: {  	s2 =	sadd.s32 s2, s17  }
0x8e: {  	[smem:$0x3FC1] =	sst s2  }
0x8f: {  	_ = 	snop  }
0x90: {  	s2 =	sld [smem:$0x3FD0];
	(tm) =	ssettm $0x1  }
0x91: {  	s18 =	sld [smem:$0x3FFB];
	_ =	sdelay $0x3  }
0x92: {  	_ =	strace s18  }
0x93: {  	s3 =	sld [smem:$0x3FFC];
	_ =	sdelay $0x3  }
0x94: {  	_ =	strace s3  }
0x95: {  	s3 =	sld [smem:$0x3FFD];
	_ =	sdelay $0x3  }
0x96: {  	_ =	strace s3  }
0x97: {  	_ =	strace $0x8FFFFFFF  }
0x98: {  	s19 =	sld [smem:$0x3FDB];
	_ =	sdelay $0x1  }
0x99: {  	s4 =	simm.s32 $_scs_section_size  }
0x9a: {  	s5 =	simm.s32 $_size__tile_overlayer_lowered;
	s6 =	simm.s32 $_tile_overlayer_lowered  }
0x9b: {  	s22 =	simm.s32 $0x1BFF;
	s21 =	sshll.u32 s6, $0x1;
	s3 =	sadd.s32 s4, s19  }
0x9c: {  	s7 =	simm.s32 $0x0;
	s20 =	sshll.u32 s5, $0x1;
	s5 =	sadd.s32 s21, s3  }
0x9d: {  	[timem:s7], [sflag:s22] =	dma.local [hbm:s5], s20  }
0x9e: {  	_ =	swait.ge [sflag:s22], s20  }
0x9f: {  	s4 =	ssub.s32 $0x0, s20;
	[sflag:s22] =	ssyncset.done $0x0  }
0xa0: {  	[sflag:s22] =	ssyncadd.s32 s4;
	_ =	sdelay $0x1  }
0xa1: {  	s23 =	simm.s32 $0x1B8B  }
0xa2: {  	_ =	swait.ge [sflag:s23], $0x1  }
0xa3: {  	[sflag:s23] =	ssyncset.done $0x0  }
0xa4: {  	s25 =	simm.s32 $0x1B8E;
	s24 =	sld [smem:$0x3FFE];
	[sflag:s23] =	ssyncadd.s32 $0xFFFFFFFF  }
0xa5: {  	s26 =	simm.s32 $execute0_lowered;
	[smem:$0x3FD2] =	sst s25  }
0xa6: {  	s5 =	sshll.u32 s26, $0x1;
	_ =	strace $0x8000004F;
	[dreg:$0x1] =	wrdreg $0xFFFFFFFF  }
0xa7: {  	s28 =	simm.s32 $_size_execute0_lowered;
	s3 =	sadd.s32 s3, s5;
	[dreg:$0x0] =	wrdreg $0x0  }
0xa8: {  	s5 =	sshll.u32 s28, $0x1;
	[dreg:$0x2] =	wrdreg s3  }
0xa9: {  	[dreg:$0x3] =	wrdreg s5  }
0xaa: {  	[dreg:$0x4] =	wrdreg $0xC0  }
0xab: {  	_ =	task [dreg:s7], $0x5FFFF  }
0xac: {  	[dreg:$0x1] =	wrdreg $0xFFFFFFFF  }
0xad: {  	[dreg:$0x0] =	wrdreg $0x60  }
0xae: {  	[dreg:$0x2] =	wrdreg s24  }
0xaf: {  	[dreg:$0x3] =	wrdreg s2  }
0xb0: {  	[dreg:$0x4] =	wrdreg $0x0  }
0xb1: {  	[dreg:$0x5] =	wrdreg $0x9  }
0xb2: {  	_ =	task.clear_ibuf [dreg:s7], $0x6FFFF;
	_ =	strace $0x9000004F  }
0xb3: {  	s29 =	simm.s32 $0x9;
	_ =	strace $0x80000051  }
0xb4: {  	_ =	swait.ge [sflag:s29], $0x1  }
0xb5: {  	[sflag:s29] =	ssyncadd.s32 $0xFFFFFFFF  }
0xb6: {  	_ =	strace $0x90000051  }
0xb7: {  	_ =	sfence  }
0xb8: {  	s30 =	sld [smem:$0x0];
	_ =	sdelay $0x2  }
0xb9: {  	s31 =	sshll.u32 s1, $0xD;
	s1 =	sshrl.u32 s1, $0x2  }
0xba: {  	s3 =	sand.u32 $0x4000, s31;
	s1 =	sadd.s32 s1, s30  }
0xbb: {  	s0 =	sor.u32 s3, s0;
	s1 =	sshll.u32 s1, $0x11  }
0xbc: {  	s0 =	sor.u32 s1, s0  }
0xbd: {  	s0 =	sadd.s32 $0x8F2B, s0  }
0xbe: {  	[sflag:s0] =	ssyncadd.remote.s32 $0x1  }
0xbf: {  	_ =	sfence.sel $0xFFFF  }
0xc0: {  	[dreg:$0x0] =	wrdreg $0xFFFFFFFF;
	(pc) =	sbr.abs _section_cstart, $3  }
0xc1: {  	[dreg:$0x1] =	wrdreg $0xFFFFFFFF  }
0xc2: {  	_ =	task.clear_ibuf [dreg:s7], $0x2FFFF;
	_ =	strace $0x9FFFFFFF  }
0xc3: {  	(tm) =	ssettm $0x7FFFFFFF  }
tec
execute0_lowered:
.L_overlay_start_1:
0x0: {  	(tag) =	ssettag $0x1  }
0x1: {  	s0 =	rddreg [dreg:$0x0]  }
0x2: {  	s2 =	rddreg [dreg:$0x1];
	s1 =	srdreg.scid  }
0x3: {  	s8 =	stileid.u32;
	s3 =	rddreg [dreg:$0x2];
	s5 =	simm.s32 $0x0  }
0x4: {  	s28 =	simm.s32 $0x2;
	s29 =	simm.s32 $0x14F80;
	s30 =	simm.s32 $0x16300  }
0x5: {  	s31 =	simm.s32 $0x16380;
	s1 =	sand.u32 $0x1, s1;
	s7 =	smul.u32 $0x4F000, s8  }
0x6: {  	s4 =	sshll.u32 s8, $0x1;
	[smem:$0x7FF] =	sst s5;
	s13 =	smul.u32 $0x13C00, s8  }
0x7: {  	s4 =	sor.u32 s1, s4;
	s19 =	ssub.s32 $0x2, s1;
	s1 =	smul.u32 $0x13C000, s1  }
0x8: {  	_ =	strace $0x80000050;
	s4 =	smul.u32 $0x2800, s4;
	s6 =	sshrl.u32 s19, $0x1  }
0x9: {  	s7 =	sshrl.u32 s7, $0x2;
	s14 =	sadd.s32 $0x4000, s13;
	s16 =	sadd.s32 $0x8000, s13  }
0xa: {  	s17 =	sadd.s32 $0xC000, s13;
	s18 =	sadd.s32 $0x10000, s13;
	s19 =	ssub.s32 s19, s6  }
0xb: {  	s7 =	sadd.s32 s7, s3;
	s8 =	sadd.s32 s14, s3;
	s9 =	sadd.s32 s16, s3  }
0xc: {  	s10 =	sadd.s32 s17, s3;
	s11 =	sadd.s32 s18, s3;
	s15 =	sadd.s32 s13, s1  }
0xd: {  	s14 =	sadd.s32 s1, s14;
	s25 =	sadd.s32 s1, s16;
	s17 =	sadd.s32 s1, s17  }
0xe: {  	s1 =	sadd.s32 s1, s18;
	s4 =	sshrl.u32 s4, $0x3;
	s23 =	sshrl.u32 s15, $0x3  }
0xf: {  	s24 =	sshrl.u32 s14, $0x3;
	s26 =	sshrl.u32 s17, $0x3;
	s1 =	sshrl.u32 s1, $0x3  }
0x10: {  	s19 =	smax.u32 s19, $0x1;
	s4 =	sadd.s32 s4, s0;
	s0 =	sadd.s32 $0x17000, s0  }
0x11: {  	s20 =	sadd.s32 $0x3000, s4;
	s21 =	sadd.s32 $0xD000, s4;
	s22 =	sadd.s32 $0x3280, s4  }
0x12: {  	s13 =	sadd.s32 $0xD280, s4;
	s14 =	sadd.s32 s0, s23;
	s15 =	sadd.s32 s0, s24  }
0x13: {  	s4 =	sshrl.u32 s25, $0x3;
	s17 =	sadd.s32 s0, s26;
	s18 =	sadd.s32 s0, s1  }
0x14: {  	s23 =	simm.s32 $0x80;
	s24 =	simm.s32 $0x16400;
	[dreg:$0x4] =	wrdreg s20  }
0x15: {  	s25 =	simm.s32 $0x1A400;
	s26 =	simm.s32 $0x1;
	[dreg:$0x5] =	wrdreg s21  }
0x16: {  	s1 =	simm.s32 $0x0;
	[dreg:$0x6] =	wrdreg s22;
	s16 =	sadd.s32 s0, s4  }
0x17: {  	v0 =	vimm.f32 $0.0e+00;
	s20 =	simm.s32 $0x13C00;
	s21 =	simm.s32 $0x3;
	s22 =	simm.s32 $0x15000  }
.LBB2_1:
0x18: {  	s0 =	simm.s32 $0x0;
	s4 =	rddreg [dreg:$0x4]  }
0x19: {  	[tilespmem:s20], [sflag:$0x3] =	stream.linear.gather [hbm4b:s4+s0], $0x1400, $0x38;
	[tilespmem:$0x1E400] =	vst v63  }
0x1a: {  	_ =	swait.ge [sflag:s21], $0x1400  }
0x1b: {  	[sflag:s21] =	ssyncset.done $0x0  }
0x1c: {  	s12 =	rddreg [dreg:$0x5];
	[sflag:s21] =	ssyncadd.s32 $0xFFFFEC00  }
0x1d: {  	[tilespmem:s22], [sflag:$0x3] =	stream.linear.gather [hbm4b:s12+s0], $0x1400, $0x38;
	[tilespmem:$0x1E400] =	vst v63  }
0x1e: {  	_ =	swait.ge [sflag:s21], $0x1400  }
0x1f: {  	[sflag:s21] =	ssyncset.done $0x0  }
0x20: {  	s4 =	simm.s32 $0x200;
	s0 =	simm.s32 $0x0;
	[sflag:s21] =	ssyncadd.s32 $0xFFFFEC00  }
0x21: {  	[tilespmem:s24], [sflag:$0x1] =	stream.indirect.gather [hbm4b:s2+s23], $0x80, s20, s23, $0xb8;
	[tilespmem:$0x1E400] =	vst v63  }
.LBB2_2:
0x22: {  	p0 =	sne.s32 s4, $0xFE00;
	[tilespmem:s0+$0x1A470] =	vst v0  }
0x23: {  	[tilespmem:s0+$0x1A400] =	vst v0  }
0x24: {  	[tilespmem:s0+$0x1A410] =	vst v0  }
.Ltmp0:
0x25: {  	[tilespmem:s0+$0x1A420] =	vst v0;
	(pc) =	sbr.rel @p0 .LBB2_2-.Ltmp0, $4  }
0x26: {  	[tilespmem:s0+$0x1A430] =	vst v0  }
0x27: {  	[tilespmem:s0+$0x1A440] =	vst v0  }
0x28: {  	[tilespmem:s0+$0x1A450] =	vst v0  }
0x29: {  	[tilespmem:s0+$0x1A460] =	vst v0;
	s0 =	sshra.s32 s4, $0x2;
	s4 =	sadd.s32 $0x200, s4  }
0x2a: {  	[tilespmem:s0+$0x1A470] =	vst v0  }
0x2b: {  	[tilespmem:s0+$0x1A400] =	vst v0  }
0x2c: {  	[tilespmem:s0+$0x1A410] =	vst v0  }
0x2d: {  	[tilespmem:s0+$0x1A420] =	vst v0  }
0x2e: {  	[tilespmem:s0+$0x1A430] =	vst v0  }
0x2f: {  	[tilespmem:s0+$0x1A440] =	vst v0  }
0x30: {  	[tilespmem:s0+$0x1A450] =	vst v0  }
0x31: {  	[tilespmem:s0+$0x1A460] =	vst v0  }
0x32: {  	[spmem:s7] =	stream.linear.scatter [tilespmem:s25], [sflag:$0x3], $0x4000, $0x38;
	[tilespmem:$0x1E400] =	vst v63  }
0x33: {  	_ =	swait.ge [sflag:s21], $0x4000  }
0x34: {  	[sflag:s21] =	ssyncset.done $0x0  }
0x35: {  	[sflag:s21] =	ssyncadd.s32 $0xFFFFC000  }
0x36: {  	[spmem:s8] =	stream.linear.scatter [tilespmem:s25], [sflag:$0x3], $0x4000, $0x38;
	[tilespmem:$0x1E400] =	vst v63  }
0x37: {  	_ =	swait.ge [sflag:s21], $0x4000  }
0x38: {  	[sflag:s21] =	ssyncset.done $0x0  }
0x39: {  	[sflag:s21] =	ssyncadd.s32 $0xFFFFC000  }
0x3a: {  	[spmem:s9] =	stream.linear.scatter [tilespmem:s25], [sflag:$0x3], $0x4000, $0x38;
	[tilespmem:$0x1E400] =	vst v63  }
0x3b: {  	_ =	swait.ge [sflag:s21], $0x4000  }
0x3c: {  	[sflag:s21] =	ssyncset.done $0x0  }
0x3d: {  	[sflag:s21] =	ssyncadd.s32 $0xFFFFC000  }
0x3e: {  	[spmem:s10] =	stream.linear.scatter [tilespmem:s25], [sflag:$0x3], $0x4000, $0x38;
	[tilespmem:$0x1E400] =	vst v63  }
0x3f: {  	_ =	swait.ge [sflag:s21], $0x4000  }
0x40: {  	[sflag:s21] =	ssyncset.done $0x0  }
0x41: {  	[sflag:s21] =	ssyncadd.s32 $0xFFFFC000  }
0x42: {  	[spmem:s11] =	stream.linear.scatter [tilespmem:s25], [sflag:$0x3], $0x3C00, $0x38;
	[tilespmem:$0x1E400] =	vst v63  }
0x43: {  	_ =	swait.ge [sflag:s21], $0x3C00  }
0x44: {  	[sflag:s21] =	ssyncset.done $0x0  }
0x45: {  	[sflag:s21] =	ssyncadd.s32 $0xFFFFC400  }
0x46: {  	s4 =	simm.s32 $0x13C80;
	[bflag:$0x0] =	sbarrier.arrive $0xFFFF  }
0x47: {  	[tilespmem:s25], [sflag:$0x2] =	stream.indirect.gather [hbm4b:s2+s23], $0x80, s4, s23, $0xb8;
	[tilespmem:$0x1E400] =	vst v63  }
0x48: {  	_ =	swait.ge [sflag:s26], $0x4000  }
0x49: {  	[sflag:s26] =	ssyncset.done $0x0  }
0x4a: {  	s5 =	simm.s32 $0x15000;
	[sflag:s26] =	ssyncadd.s32 $0xFFFFC000  }
0x4b: {  	[spmem:s3] =	stream.indirect.scatter.add.f32 [tilespmem:s24], [sflag:$0x3], $0x80, s5, s23, $0xb8;
	[tilespmem:$0x1E400] =	vst v63  }
0x4c: {  	_ =	swait.ge [sflag:s21], $0x4000  }
0x4d: {  	[sflag:s21] =	ssyncset.done $0x0  }
0x4e: {  	s6 =	simm.s32 $0x13D00;
	[sflag:s21] =	ssyncadd.s32 $0xFFFFC000  }
0x4f: {  	[tilespmem:s24], [sflag:$0x1] =	stream.indirect.gather [hbm4b:s2+s23], $0x80, s6, s23, $0xb8;
	[tilespmem:$0x1E400] =	vst v63  }
0x50: {  	_ =	swait.ge [sflag:s28], $0x4000  }
0x51: {  	[sflag:s28] =	ssyncset.done $0x0  }
0x52: {  	s12 =	simm.s32 $0x15080;
	[sflag:s28] =	ssyncadd.s32 $0xFFFFC000  }
0x53: {  	[spmem:s3] =	stream.indirect.scatter.add.f32 [tilespmem:s25], [sflag:$0x3], $0x80, s12, s23, $0xb8;
	[tilespmem:$0x1E400] =	vst v63  }
0x54: {  	_ =	swait.ge [sflag:s21], $0x4000  }
0x55: {  	s0 =	simm.s32 $0x100;
	s4 =	simm.s32 $0x800;
	[sflag:s21] =	ssyncset.done $0x0  }
.LBB2_4:
0x56: {  	s5 =	sadd.s32 $0x13C80, s0  }
0x57: {  	[sflag:s21] =	ssyncadd.s32 $0xFFFFC000;
	s6 =	smov.u32 s4;
	s12 =	sadd.s32 $0x400, s4  }
0x58: {  	[tilespmem:s25], [sflag:$0x2] =	stream.indirect.gather [hbm4b:s2+s23], $0x80, s5, s23, $0xb8;
	[tilespmem:$0x1E400] =	vst v63  }
0x59: {  	p0 =	sne.s32 s4, $0x4800;
	_ =	swait.ge [sflag:s26], $0x4000  }
0x5a: {  	[sflag:s26] =	ssyncset.done $0x0  }
0x5b: {  	s4 =	sadd.s32 $0x15000, s0;
	[sflag:s26] =	ssyncadd.s32 $0xFFFFC000  }
0x5c: {  	[spmem:s3] =	stream.indirect.scatter.add.f32 [tilespmem:s24], [sflag:$0x3], $0x80, s4, s23, $0xb8;
	[tilespmem:$0x1E400] =	vst v63  }
0x5d: {  	_ =	swait.ge [sflag:s21], $0x4000  }
0x5e: {  	[sflag:s21] =	ssyncset.done $0x0  }
0x5f: {  	s4 =	sadd.s32 $0x13D00, s0;
	[sflag:s21] =	ssyncadd.s32 $0xFFFFC000  }
0x60: {  	[tilespmem:s24], [sflag:$0x1] =	stream.indirect.gather [hbm4b:s2+s23], $0x80, s4, s23, $0xb8;
	[tilespmem:$0x1E400] =	vst v63  }
0x61: {  	_ =	swait.ge [sflag:s28], $0x4000  }
.Ltmp1:
0x62: {  	[sflag:s28] =	ssyncset.done $0x0;
	(pc) =	sbr.rel @p0 .LBB2_4-.Ltmp1, $4  }
0x63: {  	s0 =	sadd.s32 $0x15080, s0;
	[sflag:s28] =	ssyncadd.s32 $0xFFFFC000  }
0x64: {  	[spmem:s3] =	stream.indirect.scatter.add.f32 [tilespmem:s25], [sflag:$0x3], $0x80, s0, s23, $0xb8;
	[tilespmem:$0x1E400] =	vst v63  }
0x65: {  	_ =	swait.ge [sflag:s21], $0x4000  }
0x66: {  	s4 =	smov.u32 s12;
	s0 =	sshra.s32 s6, $0x2;
	[sflag:s21] =	ssyncset.done $0x0  }
0x67: {  	s4 =	sadd.s32 $0x13C80, s0;
	[sflag:s21] =	ssyncadd.s32 $0xFFFFC000  }
0x68: {  	[tilespmem:s25], [sflag:$0x2] =	stream.indirect.gather [hbm4b:s2+s23], $0x80, s4, s23, $0xb8;
	[tilespmem:$0x1E400] =	vst v63  }
0x69: {  	_ =	swait.ge [sflag:s26], $0x4000  }
0x6a: {  	[sflag:s26] =	ssyncset.done $0x0  }
0x6b: {  	s6 =	sadd.s32 $0x15000, s0;
	[sflag:s26] =	ssyncadd.s32 $0xFFFFC000  }
0x6c: {  	[spmem:s3] =	stream.indirect.scatter.add.f32 [tilespmem:s24], [sflag:$0x3], $0x80, s6, s23, $0xb8;
	[tilespmem:$0x1E400] =	vst v63  }
0x6d: {  	_ =	swait.ge [sflag:s21], $0x4000  }
0x6e: {  	[sflag:s21] =	ssyncset.done $0x0  }
0x6f: {  	s12 =	sadd.s32 $0x13D00, s0;
	[sflag:s21] =	ssyncadd.s32 $0xFFFFC000  }
0x70: {  	[tilespmem:s24], [sflag:$0x1] =	stream.indirect.gather [hbm4b:s2+s23], $0x80, s12, s23, $0xb8;
	[tilespmem:$0x1E400] =	vst v63  }
0x71: {  	_ =	swait.ge [sflag:s28], $0x4000  }
0x72: {  	[sflag:s28] =	ssyncset.done $0x0  }
0x73: {  	s5 =	sadd.s32 $0x15080, s0;
	[sflag:s28] =	ssyncadd.s32 $0xFFFFC000  }
0x74: {  	[spmem:s3] =	stream.indirect.scatter.add.f32 [tilespmem:s25], [sflag:$0x3], $0x80, s5, s23, $0xb8;
	[tilespmem:$0x1E400] =	vst v63  }
0x75: {  	_ =	swait.ge [sflag:s21], $0x4000  }
0x76: {  	[sflag:s21] =	ssyncset.done $0x0  }
0x77: {  	[sflag:s21] =	ssyncadd.s32 $0xFFFFC000  }
0x78: {  	[tilespmem:s25], [sflag:$0x2] =	stream.indirect.gather [hbm4b:s2+s23], $0x80, s29, s23, $0xb8;
	[tilespmem:$0x1E400] =	vst v63  }
0x79: {  	_ =	swait.ge [sflag:s26], $0x4000  }
0x7a: {  	[sflag:s26] =	ssyncset.done $0x0  }
0x7b: {  	[sflag:s26] =	ssyncadd.s32 $0xFFFFC000  }
0x7c: {  	[spmem:s3] =	stream.indirect.scatter.add.f32 [tilespmem:s24], [sflag:$0x3], $0x80, s30, s23, $0xb8;
	[tilespmem:$0x1E400] =	vst v63  }
0x7d: {  	_ =	swait.ge [sflag:s21], $0x4000  }
0x7e: {  	[sflag:s21] =	ssyncset.done $0x0  }
0x7f: {  	[sflag:s21] =	ssyncadd.s32 $0xFFFFC000  }
0x80: {  	_ =	swait.ge [sflag:s28], $0x4000  }
0x81: {  	[sflag:s28] =	ssyncset.done $0x0  }
0x82: {  	[sflag:s28] =	ssyncadd.s32 $0xFFFFC000  }
0x83: {  	[spmem:s3] =	stream.indirect.scatter.add.f32 [tilespmem:s25], [sflag:$0x3], $0x80, s31, s23, $0xb8;
	[tilespmem:$0x1E400] =	vst v63  }
0x84: {  	_ =	swait.ge [sflag:s21], $0x4000  }
0x85: {  	[sflag:s21] =	ssyncset.done $0x0  }
0x86: {  	s6 =	simm.s32 $0x0;
	s12 =	rddreg [dreg:$0x6];
	[sflag:s21] =	ssyncadd.s32 $0xFFFFC000  }
0x87: {  	[tilespmem:s20], [sflag:$0x3] =	stream.linear.gather [hbm4b:s12+s6], $0x1400, $0x38;
	[tilespmem:$0x1E400] =	vst v63  }
0x88: {  	_ =	swait.ge [sflag:s21], $0x1400  }
0x89: {  	[sflag:s21] =	ssyncset.done $0x0  }
0x8a: {  	[sflag:s21] =	ssyncadd.s32 $0xFFFFEC00  }
0x8b: {  	[tilespmem:s22], [sflag:$0x3] =	stream.linear.gather [hbm4b:s13+s6], $0x1400, $0x38;
	[tilespmem:$0x1E400] =	vst v63  }
0x8c: {  	_ =	swait.ge [sflag:s21], $0x1400  }
0x8d: {  	[sflag:s21] =	ssyncset.done $0x0  }
0x8e: {  	[sflag:s21] =	ssyncadd.s32 $0xFFFFEC00  }
0x8f: {  	[tilespmem:s24], [sflag:$0x1] =	stream.indirect.gather [hbm4b:s2+s23], $0x80, s20, s23, $0xb8;
	[tilespmem:$0x1E400] =	vst v63  }
0x90: {  	s4 =	simm.s32 $0x13C80  }
0x91: {  	[tilespmem:s25], [sflag:$0x2] =	stream.indirect.gather [hbm4b:s2+s23], $0x80, s4, s23, $0xb8;
	[tilespmem:$0x1E400] =	vst v63  }
0x92: {  	_ =	swait.ge [sflag:s26], $0x4000  }
0x93: {  	[sflag:s26] =	ssyncset.done $0x0  }
0x94: {  	s5 =	simm.s32 $0x15000;
	[sflag:s26] =	ssyncadd.s32 $0xFFFFC000  }
0x95: {  	[spmem:s3] =	stream.indirect.scatter.add.f32 [tilespmem:s24], [sflag:$0x3], $0x80, s5, s23, $0xb8;
	[tilespmem:$0x1E400] =	vst v63  }
0x96: {  	_ =	swait.ge [sflag:s21], $0x4000  }
0x97: {  	[sflag:s21] =	ssyncset.done $0x0  }
0x98: {  	s6 =	simm.s32 $0x13D00;
	[sflag:s21] =	ssyncadd.s32 $0xFFFFC000  }
0x99: {  	[tilespmem:s24], [sflag:$0x1] =	stream.indirect.gather [hbm4b:s2+s23], $0x80, s6, s23, $0xb8;
	[tilespmem:$0x1E400] =	vst v63  }
0x9a: {  	_ =	swait.ge [sflag:s28], $0x4000  }
0x9b: {  	[sflag:s28] =	ssyncset.done $0x0  }
0x9c: {  	s12 =	simm.s32 $0x15080;
	[sflag:s28] =	ssyncadd.s32 $0xFFFFC000  }
0x9d: {  	[spmem:s3] =	stream.indirect.scatter.add.f32 [tilespmem:s25], [sflag:$0x3], $0x80, s12, s23, $0xb8;
	[tilespmem:$0x1E400] =	vst v63  }
0x9e: {  	_ =	swait.ge [sflag:s21], $0x4000  }
0x9f: {  	s0 =	simm.s32 $0x100;
	s4 =	simm.s32 $0x800;
	[sflag:s21] =	ssyncset.done $0x0  }
.LBB2_6:
0xa0: {  	s5 =	sadd.s32 $0x13C80, s0  }
0xa1: {  	[sflag:s21] =	ssyncadd.s32 $0xFFFFC000;
	s6 =	smov.u32 s4;
	s12 =	sadd.s32 $0x400, s4  }
0xa2: {  	[tilespmem:s25], [sflag:$0x2] =	stream.indirect.gather [hbm4b:s2+s23], $0x80, s5, s23, $0xb8;
	[tilespmem:$0x1E400] =	vst v63  }
0xa3: {  	p0 =	sne.s32 s4, $0x4800;
	_ =	swait.ge [sflag:s26], $0x4000  }
0xa4: {  	[sflag:s26] =	ssyncset.done $0x0  }
0xa5: {  	s4 =	sadd.s32 $0x15000, s0;
	[sflag:s26] =	ssyncadd.s32 $0xFFFFC000  }
0xa6: {  	[spmem:s3] =	stream.indirect.scatter.add.f32 [tilespmem:s24], [sflag:$0x3], $0x80, s4, s23, $0xb8;
	[tilespmem:$0x1E400] =	vst v63  }
0xa7: {  	_ =	swait.ge [sflag:s21], $0x4000  }
0xa8: {  	[sflag:s21] =	ssyncset.done $0x0  }
0xa9: {  	s4 =	sadd.s32 $0x13D00, s0;
	[sflag:s21] =	ssyncadd.s32 $0xFFFFC000  }
0xaa: {  	[tilespmem:s24], [sflag:$0x1] =	stream.indirect.gather [hbm4b:s2+s23], $0x80, s4, s23, $0xb8;
	[tilespmem:$0x1E400] =	vst v63  }
0xab: {  	_ =	swait.ge [sflag:s28], $0x4000  }
.Ltmp2:
0xac: {  	[sflag:s28] =	ssyncset.done $0x0;
	(pc) =	sbr.rel @p0 .LBB2_6-.Ltmp2, $4  }
0xad: {  	s0 =	sadd.s32 $0x15080, s0;
	[sflag:s28] =	ssyncadd.s32 $0xFFFFC000  }
0xae: {  	[spmem:s3] =	stream.indirect.scatter.add.f32 [tilespmem:s25], [sflag:$0x3], $0x80, s0, s23, $0xb8;
	[tilespmem:$0x1E400] =	vst v63  }
0xaf: {  	_ =	swait.ge [sflag:s21], $0x4000  }
0xb0: {  	s4 =	smov.u32 s12;
	s0 =	sshra.s32 s6, $0x2;
	[sflag:s21] =	ssyncset.done $0x0  }
0xb1: {  	s4 =	sadd.s32 $0x13C80, s0;
	[sflag:s21] =	ssyncadd.s32 $0xFFFFC000  }
0xb2: {  	[tilespmem:s25], [sflag:$0x2] =	stream.indirect.gather [hbm4b:s2+s23], $0x80, s4, s23, $0xb8;
	[tilespmem:$0x1E400] =	vst v63  }
0xb3: {  	_ =	swait.ge [sflag:s26], $0x4000  }
0xb4: {  	[sflag:s26] =	ssyncset.done $0x0  }
0xb5: {  	s6 =	sadd.s32 $0x15000, s0;
	[sflag:s26] =	ssyncadd.s32 $0xFFFFC000  }
0xb6: {  	[spmem:s3] =	stream.indirect.scatter.add.f32 [tilespmem:s24], [sflag:$0x3], $0x80, s6, s23, $0xb8;
	[tilespmem:$0x1E400] =	vst v63  }
0xb7: {  	_ =	swait.ge [sflag:s21], $0x4000  }
0xb8: {  	[sflag:s21] =	ssyncset.done $0x0  }
0xb9: {  	s12 =	sadd.s32 $0x13D00, s0;
	[sflag:s21] =	ssyncadd.s32 $0xFFFFC000  }
0xba: {  	[tilespmem:s24], [sflag:$0x1] =	stream.indirect.gather [hbm4b:s2+s23], $0x80, s12, s23, $0xb8;
	[tilespmem:$0x1E400] =	vst v63  }
0xbb: {  	_ =	swait.ge [sflag:s28], $0x4000  }
0xbc: {  	[sflag:s28] =	ssyncset.done $0x0  }
0xbd: {  	s4 =	sadd.s32 $0x15080, s0;
	[sflag:s28] =	ssyncadd.s32 $0xFFFFC000  }
0xbe: {  	[spmem:s3] =	stream.indirect.scatter.add.f32 [tilespmem:s25], [sflag:$0x3], $0x80, s4, s23, $0xb8;
	[tilespmem:$0x1E400] =	vst v63  }
0xbf: {  	_ =	swait.ge [sflag:s21], $0x4000  }
0xc0: {  	[sflag:s21] =	ssyncset.done $0x0  }
0xc1: {  	[sflag:s21] =	ssyncadd.s32 $0xFFFFC000  }
0xc2: {  	[tilespmem:s25], [sflag:$0x2] =	stream.indirect.gather [hbm4b:s2+s23], $0x80, s29, s23, $0xb8;
	[tilespmem:$0x1E400] =	vst v63  }
0xc3: {  	_ =	swait.ge [sflag:s26], $0x4000  }
0xc4: {  	[sflag:s26] =	ssyncset.done $0x0  }
0xc5: {  	[sflag:s26] =	ssyncadd.s32 $0xFFFFC000  }
0xc6: {  	[spmem:s3] =	stream.indirect.scatter.add.f32 [tilespmem:s24], [sflag:$0x3], $0x80, s30, s23, $0xb8;
	[tilespmem:$0x1E400] =	vst v63  }
0xc7: {  	_ =	swait.ge [sflag:s21], $0x4000  }
0xc8: {  	[sflag:s21] =	ssyncset.done $0x0  }
0xc9: {  	[sflag:s21] =	ssyncadd.s32 $0xFFFFC000  }
0xca: {  	_ =	swait.ge [sflag:s28], $0x4000  }
0xcb: {  	[sflag:s28] =	ssyncset.done $0x0  }
0xcc: {  	[sflag:s28] =	ssyncadd.s32 $0xFFFFC000  }
0xcd: {  	[spmem:s3] =	stream.indirect.scatter.add.f32 [tilespmem:s25], [sflag:$0x3], $0x80, s31, s23, $0xb8;
	[tilespmem:$0x1E400] =	vst v63  }
0xce: {  	_ =	swait.ge [sflag:s21], $0x4000  }
0xcf: {  	s5 =	stileid.u32;
	[sflag:s21] =	ssyncset.done $0x0  }
0xd0: {  	s0 =	sshll.u32 s5, $0x6;
	[sflag:s21] =	ssyncadd.s32 $0xFFFFC000  }
0xd1: {  	s0 =	sor.u32 $0x1C03, s0;
	s6 =	sshrl.u32 s7, $0x3;
	[bflag:$0x0] =	sbarrier.arrive $0xFFFF  }
0xd2: {  	[hbm:s14], [sflag:s0] =	dma.local [spmem:s6], $0x800  }
0xd3: {  	_ =	swait.ge [sflag:s21], $0x800  }
0xd4: {  	[sflag:s21] =	ssyncset.done $0x0  }
0xd5: {  	s12 =	sshrl.u32 s8, $0x3;
	[sflag:s21] =	ssyncadd.s32 $0xFFFFF800  }
0xd6: {  	[hbm:s15], [sflag:s0] =	dma.local [spmem:s12], $0x800  }
0xd7: {  	_ =	swait.ge [sflag:s21], $0x800  }
0xd8: {  	[sflag:s21] =	ssyncset.done $0x0  }
0xd9: {  	s5 =	sshrl.u32 s9, $0x3;
	[sflag:s21] =	ssyncadd.s32 $0xFFFFF800  }
0xda: {  	[hbm:s16], [sflag:s0] =	dma.local [spmem:s5], $0x800  }
0xdb: {  	_ =	swait.ge [sflag:s21], $0x800  }
0xdc: {  	[sflag:s21] =	ssyncset.done $0x0  }
0xdd: {  	s6 =	sshrl.u32 s10, $0x3;
	[sflag:s21] =	ssyncadd.s32 $0xFFFFF800  }
0xde: {  	[hbm:s17], [sflag:s0] =	dma.local [spmem:s6], $0x800  }
0xdf: {  	s1 =	sadd.s32 $0x1, s1;
	_ =	swait.ge [sflag:s21], $0x800  }
0xe0: {  	p0 =	sne.s32 s1, s19;
	[sflag:s21] =	ssyncset.done $0x0  }
.Ltmp3:
0xe1: {  	s12 =	sshrl.u32 s11, $0x3;
	[sflag:s21] =	ssyncadd.s32 $0xFFFFF800;
	(pc) =	sbr.rel @p0 .LBB2_1-.Ltmp3, $4  }
0xe2: {  	[hbm:s18], [sflag:s0] =	dma.local [spmem:s12], $0x780  }
0xe3: {  	_ =	swait.ge [sflag:s21], $0x780  }
0xe4: {  	[sflag:s21] =	ssyncset.done $0x0  }
0xe5: {  	[sflag:s21] =	ssyncadd.s32 $0xFFFFF880  }
0xe6: {  	_ =	sfence.sel $0x180000  }
0xe7: {  	[bflag:$0x0] =	sbarrier.arrive $0xFFFF  }
0xe8: {  	_ =	strace $0x90000050  }
0xe9: {  	s0 =	stileid.u32;
	[bflag:$0x2] =	sbarrier.arrive $0xFFFF  }
0xea: {  	p0 =	sne.s32 s0, $0x0;
	s0 =	rddreg [dreg:$0x3]  }
0xeb: {  	s0 =	sadd.s32 @!p0 $0x100000, s0  }
0xec: {  	[sflag:s0] =	ssyncadd.tile.s32 @!p0 $0x1;
	_ =	shalt  }
.Lfunc_end2:
_tile_overlayer_lowered:
.L_overlay_start_2:
0xed: {  	(tag) =	ssettag $0x2  }
0xee: {  	s0 =	rddreg [dreg:$0x0];
	s2 =	stileid.u32  }
0xef: {  	s1 =	rddreg [dreg:$0x1];
	p0 =	sne.s32 s2, $0x0  }
0xf0: {  	s3 =	rddreg [dreg:$0x2];
	[bflag:$0x3] =	sbarrier.arrive $0xFFFF;
	s2 =	simm.s32 @!p0 $0x1C03  }
0xf1: {  	[timem:s3], [sflag:s2] =	dma.local @!p0 [hbm:s0], s1  }
0xf2: {  	s0 =	simm.s32 @!p0 $0x3  }
0xf3: {  	_ =	swait.ge @!p0 [sflag:s0], s1  }
0xf4: {  	s1 =	ssub.s32 @!p0 $0x0, s1;
	[sflag:s0] =	ssyncset.done @!p0 $0x0  }
0xf5: {  	[sflag:s0] =	ssyncadd.s32 @!p0 s1  }
0xf6: {  	[bflag:$0x3] =	sbarrier.arrive $0xFFFF  }
0xf7: {  	_ =	shalt  }

// kernel: kernel.9.cloned.1.call-start
scs
__scs_entry_jumppad:
0x0: {  	(pc) =	sbr.rel $0x88, $3  }
0x1: {  	(tag) =	ssettag $0x0;
	lr =	simm.s32 $0x1  }
0x2: {  	[smem:$0x3F9A] =	sst lr;
	_ =	strace $0xD0000000  }
0x3: {  	_ = 	snop  }
0x4: {  	_ = 	snop  }
0x5: {  	_ = 	snop  }
0x6: {  	_ = 	snop  }
0x7: {  	_ = 	snop  }
__scs_overlays_trampoline_lowered:
0x8: {  	[smem:$0x3FA9] =	sst s0  }
0x9: {  	[smem:$0x3FAA] =	sst s1  }
0xa: {  	[smem:$0x3FAB] =	sst s2  }
0xb: {  	[smem:$0x3FAC] =	sst s3  }
0xc: {  	[smem:$0x3FAD] =	sst s4  }
0xd: {  	[smem:$0x3FAE] =	sst s5  }
0xe: {  	[smem:$0x3FAF] =	sst s6  }
0xf: {  	[smem:$0x3FB0] =	sst s7  }
0x10: {  	[smem:$0x3FB1] =	sst s8  }
0x11: {  	[smem:$0x3FB2] =	sst s9;
	s0 =	simm.s32 @!p0 $0x0  }
0x12: {  	s1 =	sld [smem:$0x3F98];
	s0 =	simm.s32 @p0 $0x1  }
0x13: {  	[smem:$0x3FB3] =	sst s0;
	s0 =	simm.s32 @!p1 $0x0  }
0x14: {  	s2 =	sld [smem:$0x3F97];
	s0 =	simm.s32 @p1 $0x1  }
0x15: {  	[smem:$0x3FB4] =	sst s0;
	s0 =	simm.s32 @!p2 $0x0  }
0x16: {  	s3 =	sld [smem:$0x3FDB];
	s0 =	simm.s32 @p2 $0x1  }
0x17: {  	s4 =	simm.s32 $0x1BF5;
	[smem:$0x3FB6] =	sst s0  }
0x18: {  	s0 =	sld [smem:$0x3F99];
	_ =	swait.ge [sflag:s4], $0x0  }
0x19: {  	s7 =	sld [smem:$0x3F9A]  }
0x1a: {  	s8 =	sadd.s32 $0xFFFFE003, lr  }
0x1b: {  	s9 =	sadd.s32 $0xFFFFFEF7, lr;
	s5 =	simm.s32 $0xFFFFFFFF;
	p2 =	slt.u32 s8, $0xFFFFF086  }
0x1c: {  	p1 =	slt.u32 s9, $0xF7A;
	s5 =	simm.s32 @!p2 $0x0  }
0x1d: {  	s5 =	simm.s32 @p1 $0x1;
	p0 =	seq.s32 s7, s2  }
0x1e: {  	s7 =	smul.u32 @!p0 $0xF7A, s2;
	p2 =	seq.s32 @!p0 s5, $0x0  }
0x1f: {  	s9 =	smul.u32 $0xF7A, s1;
	s8 =	simm.s32 @!p0 $0x1BF5;
	p2 =	por !p2, p0  }
0x20: {  	[sflag:s8] =	ssyncset.s32 @!p0 $0xFFFFF086;
	s6 =	sadd.s32 @!p0 s3, s7;
	s7 =	simm.s32 @!p0 $0x108  }
0x21: {  	s3 =	sadd.s32 s3, s9;
	s6 =	sadd.s32 @!p0 $0x88, s6;
	s7 =	simm.s32 @p2 $0x1082  }
0x22: {  	[simem:s7], [sflag:s8] =	dma.local @!p0 [hbm:s6], $0xF7A  }
0x23: {  	s9 =	sor.u32 $0xD0000000, s2;
	s6 =	simm.s32 $0x108;
	_ =	swait.ge @!p0 [sflag:s8], $0x0  }
0x24: {  	s3 =	sadd.s32 $0x88, s3;
	s6 =	simm.s32 @!p1 $0x1082;
	[sflag:s4] =	ssyncset.s32 $0xFFFFF086  }
0x25: {  	[simem:s6], [sflag:s4] =	dma.local [hbm:s3], $0xF7A  }
0x26: {  	[smem:$0x3F9A] =	sst s1;
	(tag) =	ssettag s2;
	_ =	strace s9  }
0x27: {  	s1 =	sld [smem:$0x3FAA]  }
0x28: {  	s2 =	sld [smem:$0x3FAB]  }
0x29: {  	s4 =	sld [smem:$0x3FAD]  }
0x2a: {  	p0 =	seq.s32 s5, $0x0;
	s5 =	sld [smem:$0x3FAE]  }
0x2b: {  	s6 =	sld [smem:$0x3FAF]  }
0x2c: {  	s7 =	sld [smem:$0x3FB0]  }
0x2d: {  	s3 =	simm.s32 $0x108;
	s8 =	sld [smem:$0x3FB1]  }
0x2e: {  	s3 =	simm.s32 @!p0 $0x1082;
	s9 =	sld [smem:$0x3FB2]  }
0x2f: {  	lr =	sadd.s32 s0, s3;
	s0 =	sld [smem:$0x3FA9]  }
0x30: {  	s3 =	sld [smem:$0x3FAC]  }
0x31: {  	[smem:$0x3FB5] =	sst s10  }
0x32: {  	s10 =	sld [smem:$0x3FB3];
	_ =	sdelay $0x3  }
0x33: {  	p0 =	seq.s32 s10, $0x1;
	s10 =	sld [smem:$0x3FB5];
	_ =	sdelay $0x3  }
0x34: {  	[smem:$0x3FB5] =	sst s10  }
0x35: {  	s10 =	sld [smem:$0x3FB4];
	_ =	sdelay $0x3  }
0x36: {  	p1 =	seq.s32 s10, $0x1;
	s10 =	sld [smem:$0x3FB5];
	_ =	sdelay $0x3  }
0x37: {  	[smem:$0x3FB5] =	sst s10  }
0x38: {  	s10 =	sld [smem:$0x3FB6]  }
0x39: {  	_ = 	snop;
	(pc) =	sbr.ind lr, $3  }
0x3a: {  	_ = 	snop  }
0x3b: {  	_ = 	snop  }
0x3c: {  	p2 =	seq.s32 s10, $0x1;
	s10 =	sld [smem:$0x3FB5]  }
0x3d: {  	_ =	shalt  }
0x3e: {  	_ =	shalt  }
0x3f: {  	_ =	shalt  }
0x40: {  	_ =	shalt  }
0x41: {  	_ =	shalt  }
0x42: {  	_ =	shalt  }
0x43: {  	_ =	shalt  }
0x44: {  	_ =	shalt  }
0x45: {  	_ =	shalt  }
0x46: {  	_ =	shalt  }
0x47: {  	_ =	shalt  }
0x48: {  	_ =	shalt  }
0x49: {  	_ =	shalt  }
0x4a: {  	_ =	shalt  }
0x4b: {  	_ =	shalt  }
0x4c: {  	_ =	shalt  }
0x4d: {  	_ =	shalt  }
0x4e: {  	_ =	shalt  }
0x4f: {  	_ =	shalt  }
0x50: {  	_ =	shalt  }
0x51: {  	_ =	shalt  }
0x52: {  	_ =	shalt  }
0x53: {  	_ =	shalt  }
0x54: {  	_ =	shalt  }
0x55: {  	_ =	shalt  }
0x56: {  	_ =	shalt  }
0x57: {  	_ =	shalt  }
0x58: {  	_ =	shalt  }
0x59: {  	_ =	shalt  }
0x5a: {  	_ =	shalt  }
0x5b: {  	_ =	shalt  }
0x5c: {  	_ =	shalt  }
0x5d: {  	_ =	shalt  }
0x5e: {  	_ =	shalt  }
0x5f: {  	_ =	shalt  }
0x60: {  	_ =	shalt  }
0x61: {  	_ =	shalt  }
0x62: {  	_ =	shalt  }
0x63: {  	_ =	shalt  }
0x64: {  	_ =	shalt  }
0x65: {  	_ =	shalt  }
0x66: {  	_ =	shalt  }
0x67: {  	_ =	shalt  }
0x68: {  	_ =	shalt  }
0x69: {  	_ =	shalt  }
0x6a: {  	_ =	shalt  }
0x6b: {  	_ =	shalt  }
0x6c: {  	_ =	shalt  }
0x6d: {  	_ =	shalt  }
0x6e: {  	_ =	shalt  }
0x6f: {  	_ =	shalt  }
0x70: {  	_ =	shalt  }
0x71: {  	_ =	shalt  }
0x72: {  	_ =	shalt  }
0x73: {  	_ =	shalt  }
0x74: {  	_ =	shalt  }
0x75: {  	_ =	shalt  }
0x76: {  	_ =	shalt  }
0x77: {  	_ =	shalt  }
0x78: {  	_ =	shalt  }
0x79: {  	_ =	shalt  }
0x7a: {  	_ =	shalt  }
0x7b: {  	_ =	shalt  }
0x7c: {  	_ =	shalt  }
0x7d: {  	_ =	shalt  }
0x7e: {  	_ =	shalt  }
0x7f: {  	_ =	shalt  }
0x80: {  	_ =	shalt  }
0x81: {  	_ =	shalt  }
0x82: {  	_ =	shalt  }
0x83: {  	_ =	shalt  }
0x84: {  	_ =	shalt  }
0x85: {  	_ =	shalt  }
0x86: {  	_ =	shalt  }
0x87: {  	_ =	shalt  }
.Lfunc_end0:
.L_simem_size_0:
called_computation_lowered:
.L_overlay_start_0:
0x88: {  	s2 =	sld [smem:$0x3FD9]  }
0x89: {  	s3 =	sld [smem:$0x3FFE];
	_ =	sdelay $0x1  }
0x8a: {  	s1 =	srdreg.scid  }
0x8b: {  	s0 =	sand.u32 $0x1, s1  }
0x8c: {  	s17 =	sshll.u32 s0, $0xA;
	s2 =	sadd.s32 s3, s2  }
0x8d: {  	s2 =	sadd.s32 s2, s17  }
0x8e: {  	[smem:$0x3FC1] =	sst s2  }
0x8f: {  	_ = 	snop  }
0x90: {  	s2 =	sld [smem:$0x3FD0];
	(tm) =	ssettm $0x1  }
0x91: {  	s18 =	sld [smem:$0x3FFB];
	_ =	sdelay $0x3  }
0x92: {  	_ =	strace s18  }
0x93: {  	s3 =	sld [smem:$0x3FFC];
	_ =	sdelay $0x3  }
0x94: {  	_ =	strace s3  }
0x95: {  	s3 =	sld [smem:$0x3FFD];
	_ =	sdelay $0x3  }
0x96: {  	_ =	strace s3  }
0x97: {  	_ =	strace $0x8FFFFFFF  }
0x98: {  	s19 =	sld [smem:$0x3FDB];
	_ =	sdelay $0x1  }
0x99: {  	s4 =	simm.s32 $_scs_section_size  }
0x9a: {  	s5 =	simm.s32 $_size__tile_overlayer_lowered;
	s6 =	simm.s32 $_tile_overlayer_lowered  }
0x9b: {  	s22 =	simm.s32 $0x1BFF;
	s21 =	sshll.u32 s6, $0x1;
	s3 =	sadd.s32 s4, s19  }
0x9c: {  	s7 =	simm.s32 $0x0;
	s20 =	sshll.u32 s5, $0x1;
	s5 =	sadd.s32 s21, s3  }
0x9d: {  	[timem:s7], [sflag:s22] =	dma.local [hbm:s5], s20  }
0x9e: {  	_ =	swait.ge [sflag:s22], s20  }
0x9f: {  	s4 =	ssub.s32 $0x0, s20;
	[sflag:s22] =	ssyncset.done $0x0  }
0xa0: {  	[sflag:s22] =	ssyncadd.s32 s4;
	_ =	sdelay $0x1  }
0xa1: {  	s23 =	simm.s32 $0x1B8B  }
0xa2: {  	_ =	swait.ge [sflag:s23], $0x1  }
0xa3: {  	[sflag:s23] =	ssyncset.done $0x0  }
0xa4: {  	s25 =	simm.s32 $0x1B8E;
	s24 =	sld [smem:$0x3FFE];
	[sflag:s23] =	ssyncadd.s32 $0xFFFFFFFF  }
0xa5: {  	s26 =	simm.s32 $execute0_lowered;
	[smem:$0x3FD2] =	sst s25  }
0xa6: {  	s5 =	sshll.u32 s26, $0x1;
	_ =	strace $0x80000046;
	[dreg:$0x1] =	wrdreg $0xFFFFFFFF  }
0xa7: {  	s28 =	simm.s32 $_size_execute0_lowered;
	s3 =	sadd.s32 s3, s5;
	[dreg:$0x0] =	wrdreg $0x0  }
0xa8: {  	s5 =	sshll.u32 s28, $0x1;
	[dreg:$0x2] =	wrdreg s3  }
0xa9: {  	[dreg:$0x3] =	wrdreg s5  }
0xaa: {  	[dreg:$0x4] =	wrdreg $0xC0  }
0xab: {  	_ =	task [dreg:s7], $0x5FFFF  }
0xac: {  	[dreg:$0x1] =	wrdreg $0xFFFFFFFF  }
0xad: {  	[dreg:$0x0] =	wrdreg $0x60  }
0xae: {  	[dreg:$0x2] =	wrdreg s24  }
0xaf: {  	[dreg:$0x3] =	wrdreg s2  }
0xb0: {  	[dreg:$0x4] =	wrdreg $0x0  }
0xb1: {  	[dreg:$0x5] =	wrdreg $0x9  }
0xb2: {  	_ =	task.clear_ibuf [dreg:s7], $0x6FFFF;
	_ =	strace $0x90000046  }
0xb3: {  	s29 =	simm.s32 $0x9;
	_ =	strace $0x80000048  }
0xb4: {  	_ =	swait.ge [sflag:s29], $0x1  }
0xb5: {  	[sflag:s29] =	ssyncadd.s32 $0xFFFFFFFF  }
0xb6: {  	_ =	strace $0x90000048  }
0xb7: {  	_ =	sfence  }
0xb8: {  	s30 =	sld [smem:$0x0];
	_ =	sdelay $0x2  }
0xb9: {  	s31 =	sshll.u32 s1, $0xD;
	s1 =	sshrl.u32 s1, $0x2  }
0xba: {  	s3 =	sand.u32 $0x4000, s31;
	s1 =	sadd.s32 s1, s30  }
0xbb: {  	s0 =	sor.u32 s3, s0;
	s1 =	sshll.u32 s1, $0x11  }
0xbc: {  	s0 =	sor.u32 s1, s0  }
0xbd: {  	s0 =	sadd.s32 $0x8F2B, s0  }
0xbe: {  	[sflag:s0] =	ssyncadd.remote.s32 $0x1  }
0xbf: {  	_ =	sfence.sel $0xFFFF  }
0xc0: {  	[dreg:$0x0] =	wrdreg $0xFFFFFFFF;
	(pc) =	sbr.abs _section_cstart, $3  }
0xc1: {  	[dreg:$0x1] =	wrdreg $0xFFFFFFFF  }
0xc2: {  	_ =	task.clear_ibuf [dreg:s7], $0x2FFFF;
	_ =	strace $0x9FFFFFFF  }
0xc3: {  	(tm) =	ssettm $0x7FFFFFFF  }
tec
execute0_lowered:
.L_overlay_start_1:
0x0: {  	(tag) =	ssettag $0x1  }
0x1: {  	s0 =	rddreg [dreg:$0x0]  }
0x2: {  	s1 =	srdreg.scid;
	s6 =	rddreg [dreg:$0x1]  }
0x3: {  	s9 =	stileid.u32;
	s2 =	rddreg [dreg:$0x2]  }
0x4: {  	s25 =	simm.s32 $0x0;
	s17 =	simm.s32 $0x9E00;
	s18 =	simm.s32 $0x3  }
0x5: {  	s19 =	simm.s32 $0xB200;
	s20 =	simm.s32 $0xC780;
	s21 =	simm.s32 $0x80  }
0x6: {  	s22 =	simm.s32 $0xC600;
	s23 =	simm.s32 $0xC700;
	s24 =	simm.s32 $0xC680  }
0x7: {  	s28 =	simm.s32 $0x10;
	s29 =	simm.s32 $0x0;
	s1 =	sand.u32 $0x1, s1  }
0x8: {  	s3 =	sshll.u32 s9, $0x1;
	s7 =	sshrl.u32 s9, $0x1;
	s30 =	smul.u32 $0x27800, s9  }
0x9: {  	[smem:$0x7FF] =	sst s25;
	s26 =	sshll.u32 s9, $0x9;
	s5 =	smul.u32 $0x9E000, s1  }
0xa: {  	s25 =	simm.s32 $0x1;
	s3 =	sor.u32 s1, s3;
	s7 =	smul.u32 $0x13C00, s7  }
0xb: {  	_ =	strace $0x80000047;
	s1 =	ssub.s32 $0x2, s1;
	s4 =	smul.u32 $0x2800, s3  }
0xc: {  	s31 =	sshrl.u32 s1, $0x1;
	s5 =	sadd.s32 s5, s7;
	s7 =	sshrl.u32 s30, $0x2  }
0xd: {  	s1 =	ssub.s32 s1, s31;
	s8 =	sshrl.u32 s4, $0x3;
	s4 =	sand.u32 $0x200, s26  }
0xe: {  	s16 =	smax.u32 s1, $0x1;
	s26 =	simm.s32 $0x2;
	s4 =	sor.u32 s4, s5  }
0xf: {  	s10 =	sadd.s32 s8, s0;
	s6 =	sadd.s32 s6, s8;
	s4 =	sshrl.u32 s4, $0x3  }
0x10: {  	s5 =	sadd.s32 $0xD000, s10;
	s0 =	sadd.s32 s4, s0;
	s4 =	sadd.s32 s7, s2  }
0x11: {  	s10 =	sadd.s32 $0xD280, s10;
	s11 =	sadd.s32 $0x280, s6;
	s7 =	sadd.s32 $0x2780, s4  }
0x12: {  	s8 =	sadd.s32 $0x4F00, s4;
	s9 =	sadd.s32 $0x7680, s4;
	s12 =	sadd.s32 $0x17000, s0  }
0x13: {  	v0 =	vimm.f32 $0.0e+00;
	v1 =	vimm.f32 $1.000000000e+00;
	s13 =	sadd.s32 $0x17010, s0;
	s14 =	sadd.s32 $0x17020, s0;
	s15 =	sadd.s32 $0x17030, s0  }
.LBB2_1:
0x14: {  	s0 =	simm.s32 $0x0  }
0x15: {  	[tilespmem:s17], [sflag:$0x3] =	stream.linear.gather [hbm4b:s5+s0], $0x1400, $0x38;
	[tilespmem:$0xEF00] =	vst v63  }
0x16: {  	_ =	swait.ge [sflag:s18], $0x1400  }
0x17: {  	[sflag:s18] =	ssyncset.done $0x0  }
0x18: {  	[sflag:s18] =	ssyncadd.s32 $0xFFFFEC00  }
0x19: {  	[tilespmem:s19], [sflag:$0x3] =	stream.linear.gather [hbm4b:s6+s0], $0x1400, $0x38;
	[tilespmem:$0xEF00] =	vst v63  }
0x1a: {  	_ =	swait.ge [sflag:s18], $0x1400  }
0x1b: {  	[sflag:s18] =	ssyncset.done $0x0  }
0x1c: {  	s1 =	simm.s32 $0x0;
	s0 =	simm.s32 $0x40;
	[sflag:s18] =	ssyncadd.s32 $0xFFFFEC00  }
.LBB2_2:
0x1d: {  	p0 =	sne.s32 s0, $0x9DC0;
	[tilespmem:s1+$0xC780] =	vst v0;
	s1 =	smov.u32 s0;
	s0 =	sadd.s32 $0x40, s0  }
.Ltmp0:
0x1e: {  	(pc) =	sbr.rel @p0 .LBB2_2-.Ltmp0, $2  }
0x1f: {  	_ =	sdelay $0x2  }
0x20: {  	s1 =	sshra.s32 s1, $0x2  }
0x21: {  	[tilespmem:s1+$0xC780] =	vst v0  }
0x22: {  	[tilespmem:$0xC700] =	vst v1  }
0x23: {  	[tilespmem:$0xC710] =	vst v1  }
0x24: {  	[tilespmem:$0xC720] =	vst v1  }
0x25: {  	[tilespmem:$0xC730] =	vst v1  }
0x26: {  	[tilespmem:$0xC740] =	vst v1  }
0x27: {  	[tilespmem:$0xC750] =	vst v1  }
0x28: {  	[tilespmem:$0xC760] =	vst v1  }
0x29: {  	[tilespmem:$0xC770] =	vst v1  }
0x2a: {  	[spmem:s4] =	stream.linear.scatter [tilespmem:s20], [sflag:$0x3], $0x2780, $0x38;
	[tilespmem:$0xEF00] =	vst v63  }
0x2b: {  	_ =	swait.ge [sflag:s18], $0x2780  }
0x2c: {  	[sflag:s18] =	ssyncset.done $0x0  }
0x2d: {  	[sflag:s18] =	ssyncadd.s32 $0xFFFFD880  }
0x2e: {  	[spmem:s7] =	stream.linear.scatter [tilespmem:s20], [sflag:$0x3], $0x2780, $0x38;
	[tilespmem:$0xEF00] =	vst v63  }
0x2f: {  	_ =	swait.ge [sflag:s18], $0x2780  }
0x30: {  	[sflag:s18] =	ssyncset.done $0x0  }
0x31: {  	[sflag:s18] =	ssyncadd.s32 $0xFFFFD880  }
0x32: {  	[spmem:s8] =	stream.linear.scatter [tilespmem:s20], [sflag:$0x3], $0x2780, $0x38;
	[tilespmem:$0xEF00] =	vst v63  }
0x33: {  	_ =	swait.ge [sflag:s18], $0x2780  }
0x34: {  	[sflag:s18] =	ssyncset.done $0x0  }
0x35: {  	[sflag:s18] =	ssyncadd.s32 $0xFFFFD880  }
0x36: {  	[spmem:s9] =	stream.linear.scatter [tilespmem:s20], [sflag:$0x3], $0x2780, $0x38;
	[tilespmem:$0xEF00] =	vst v63  }
0x37: {  	_ =	swait.ge [sflag:s18], $0x2780  }
0x38: {  	[sflag:s18] =	ssyncset.done $0x0  }
0x39: {  	[sflag:s18] =	ssyncadd.s32 $0xFFFFD880  }
0x3a: {  	[bflag:$0x0] =	sbarrier.arrive $0xFFFF  }
0x3b: {  	v2 =	vld [tilespmem:$0x9E00]  }
0x3c: {  	v3 =	vld [tilespmem:$0xB200]  }
0x3d: {  	v4 =	vld [tilespmem:$0x9E10]  }
0x3e: {  	v5 =	vld [tilespmem:$0xB210]  }
0x3f: {  	v6 =	vld [tilespmem:$0x9E20]  }
0x40: {  	v7 =	vld [tilespmem:$0xB220]  }
0x41: {  	v8 =	vld [tilespmem:$0x9E30]  }
0x42: {  	v9 =	vld [tilespmem:$0xB230]  }
0x43: {  	v10 =	vld [tilespmem:$0x9E40]  }
0x44: {  	v11 =	vld [tilespmem:$0xB240]  }
0x45: {  	v12 =	vld [tilespmem:$0x9E50]  }
0x46: {  	v13 =	vld [tilespmem:$0xB250];
	v3 =	vmul.u32 $0x2780, v3  }
0x47: {  	v14 =	vld [tilespmem:$0xB260];
	v5 =	vmul.u32 $0x2780, v5  }
0x48: {  	v58 =	vld [tilespmem:$0xB270];
	v2 =	vadd.s32 v2, v3;
	v3 =	vmul.u32 $0x2780, v7  }
0x49: {  	v60 =	vld [tilespmem:$0x9E60];
	v59 =	vmul.u32 $0x2780, v9;
	[tilespmem:$0xC600] =	vst v2;
	v2 =	vadd.s32 v4, v5  }
0x4a: {  	v61 =	vld [tilespmem:$0x9E70];
	[tilespmem:$0xC610] =	vst v2;
	v2 =	vadd.s32 v6, v3;
	v3 =	vmul.u32 $0x2780, v11  }
0x4b: {  	v62 =	vmul.u32 $0x2780, v13;
	[tilespmem:$0xC620] =	vst v2;
	v2 =	vadd.s32 v8, v59  }
0x4c: {  	[tilespmem:$0xC630] =	vst v2;
	v2 =	vadd.s32 v10, v3;
	v3 =	vmul.u32 $0x2780, v14  }
0x4d: {  	v63 =	vmul.u32 $0x2780, v58;
	[tilespmem:$0xC640] =	vst v2;
	v2 =	vadd.s32 v12, v62  }
0x4e: {  	[tilespmem:$0xC650] =	vst v2;
	v2 =	vadd.s32 v60, v3  }
0x4f: {  	[tilespmem:$0xC660] =	vst v2;
	v2 =	vadd.s32 v61, v63  }
0x50: {  	s0 =	simm.s32 $0x0;
	[tilespmem:$0xC670] =	vst v2  }
0x51: {  	[spmem:s2] =	stream.indirect.scatter.add.f32 [tilespmem:s23], [sflag:$0x1], $0x1, s22, s21, $0xb8;
	[tilespmem:$0xEF00] =	vst v63  }
0x52: {  	v2 =	vld [tilespmem:s0+$0xB280];
	_ =	sdelay $0x1  }
0x53: {  	v3 =	vld [tilespmem:s0+$0x9E80];
	_ =	sdelay $0x2  }
0x54: {  	v2 =	vmul.u32 $0x2780, v2;
	_ =	sdelay $0x1  }
0x55: {  	v2 =	vadd.s32 v3, v2  }
0x56: {  	[tilespmem:$0xC680] =	vst v2  }
0x57: {  	v2 =	vld [tilespmem:s0+$0xB290];
	_ =	sdelay $0x1  }
0x58: {  	v3 =	vld [tilespmem:s0+$0x9E90];
	_ =	sdelay $0x2  }
0x59: {  	v2 =	vmul.u32 $0x2780, v2;
	_ =	sdelay $0x1  }
0x5a: {  	v2 =	vadd.s32 v3, v2  }
0x5b: {  	[tilespmem:$0xC690] =	vst v2  }
0x5c: {  	v2 =	vld [tilespmem:s0+$0xB2A0];
	_ =	sdelay $0x1  }
0x5d: {  	v3 =	vld [tilespmem:s0+$0x9EA0];
	_ =	sdelay $0x2  }
0x5e: {  	v2 =	vmul.u32 $0x2780, v2;
	_ =	sdelay $0x1  }
0x5f: {  	v2 =	vadd.s32 v3, v2  }
0x60: {  	[tilespmem:$0xC6A0] =	vst v2  }
0x61: {  	v2 =	vld [tilespmem:s0+$0xB2B0];
	_ =	sdelay $0x1  }
0x62: {  	v3 =	vld [tilespmem:s0+$0x9EB0];
	_ =	sdelay $0x2  }
0x63: {  	v2 =	vmul.u32 $0x2780, v2;
	_ =	sdelay $0x1  }
0x64: {  	v2 =	vadd.s32 v3, v2  }
0x65: {  	[tilespmem:$0xC6B0] =	vst v2  }
0x66: {  	v2 =	vld [tilespmem:s0+$0xB2C0];
	_ =	sdelay $0x1  }
0x67: {  	v3 =	vld [tilespmem:s0+$0x9EC0];
	_ =	sdelay $0x2  }
0x68: {  	v2 =	vmul.u32 $0x2780, v2;
	_ =	sdelay $0x1  }
0x69: {  	v2 =	vadd.s32 v3, v2  }
0x6a: {  	[tilespmem:$0xC6C0] =	vst v2  }
0x6b: {  	v2 =	vld [tilespmem:s0+$0xB2D0];
	_ =	sdelay $0x1  }
0x6c: {  	v3 =	vld [tilespmem:s0+$0x9ED0];
	_ =	sdelay $0x2  }
0x6d: {  	v2 =	vmul.u32 $0x2780, v2;
	_ =	sdelay $0x1  }
0x6e: {  	v2 =	vadd.s32 v3, v2  }
0x6f: {  	[tilespmem:$0xC6D0] =	vst v2  }
0x70: {  	v2 =	vld [tilespmem:s0+$0xB2E0];
	_ =	sdelay $0x1  }
0x71: {  	v3 =	vld [tilespmem:s0+$0x9EE0];
	_ =	sdelay $0x2  }
0x72: {  	v2 =	vmul.u32 $0x2780, v2;
	_ =	sdelay $0x1  }
0x73: {  	v2 =	vadd.s32 v3, v2  }
0x74: {  	[tilespmem:$0xC6E0] =	vst v2  }
0x75: {  	v2 =	vld [tilespmem:s0+$0xB2F0];
	_ =	sdelay $0x1  }
0x76: {  	v3 =	vld [tilespmem:s0+$0x9EF0];
	_ =	sdelay $0x2  }
0x77: {  	v2 =	vmul.u32 $0x2780, v2;
	_ =	sdelay $0x1  }
0x78: {  	v2 =	vadd.s32 v3, v2  }
0x79: {  	[tilespmem:$0xC6F0] =	vst v2  }
0x7a: {  	[spmem:s2] =	stream.indirect.scatter.add.f32 [tilespmem:s23], [sflag:$0x2], $0x1, s24, s21, $0xb8;
	[tilespmem:$0xEF00] =	vst v63  }
0x7b: {  	_ =	swait.ge [sflag:s25], $0x80  }
0x7c: {  	p0 =	por $0x0, $0x0;
	[sflag:s25] =	ssyncset.done $0x0  }
0x7d: {  	s0 =	simm.s32 @!p0 $0x0;
	[sflag:s25] =	ssyncadd.s32 $0xFFFFFF80  }
0x7e: {  	v2 =	vld @!p0 [tilespmem:s0+$0xB300];
	_ =	sdelay $0x1  }
0x7f: {  	v3 =	vld @!p0 [tilespmem:s0+$0x9F00];
	_ =	sdelay $0x2  }
0x80: {  	v2 =	vmul.u32 @!p0 $0x2780, v2;
	_ =	sdelay $0x1  }
0x81: {  	v2 =	vadd.s32 @!p0 v3, v2  }
0x82: {  	[tilespmem:$0xC600] =	vst @!p0 v2  }
0x83: {  	v2 =	vld @!p0 [tilespmem:s0+$0xB310];
	_ =	sdelay $0x1  }
0x84: {  	v3 =	vld @!p0 [tilespmem:s0+$0x9F10];
	_ =	sdelay $0x2  }
0x85: {  	v2 =	vmul.u32 @!p0 $0x2780, v2;
	_ =	sdelay $0x1  }
0x86: {  	v2 =	vadd.s32 @!p0 v3, v2  }
0x87: {  	[tilespmem:$0xC610] =	vst @!p0 v2  }
0x88: {  	v2 =	vld @!p0 [tilespmem:s0+$0xB320];
	_ =	sdelay $0x1  }
0x89: {  	v3 =	vld @!p0 [tilespmem:s0+$0x9F20];
	_ =	sdelay $0x2  }
0x8a: {  	v2 =	vmul.u32 @!p0 $0x2780, v2;
	_ =	sdelay $0x1  }
0x8b: {  	v2 =	vadd.s32 @!p0 v3, v2  }
0x8c: {  	[tilespmem:$0xC620] =	vst @!p0 v2  }
0x8d: {  	v2 =	vld @!p0 [tilespmem:s0+$0xB330];
	_ =	sdelay $0x1  }
0x8e: {  	v3 =	vld @!p0 [tilespmem:s0+$0x9F30];
	_ =	sdelay $0x2  }
0x8f: {  	v2 =	vmul.u32 @!p0 $0x2780, v2;
	_ =	sdelay $0x1  }
0x90: {  	v2 =	vadd.s32 @!p0 v3, v2  }
0x91: {  	[tilespmem:$0xC630] =	vst @!p0 v2  }
0x92: {  	v2 =	vld @!p0 [tilespmem:s0+$0xB340];
	_ =	sdelay $0x1  }
0x93: {  	v3 =	vld @!p0 [tilespmem:s0+$0x9F40];
	_ =	sdelay $0x2  }
0x94: {  	v2 =	vmul.u32 @!p0 $0x2780, v2;
	_ =	sdelay $0x1  }
0x95: {  	v2 =	vadd.s32 @!p0 v3, v2  }
0x96: {  	[tilespmem:$0xC640] =	vst @!p0 v2  }
0x97: {  	v2 =	vld @!p0 [tilespmem:s0+$0xB350];
	_ =	sdelay $0x1  }
0x98: {  	v3 =	vld @!p0 [tilespmem:s0+$0x9F50];
	_ =	sdelay $0x2  }
0x99: {  	v2 =	vmul.u32 @!p0 $0x2780, v2;
	_ =	sdelay $0x1  }
0x9a: {  	v2 =	vadd.s32 @!p0 v3, v2  }
0x9b: {  	[tilespmem:$0xC650] =	vst @!p0 v2  }
0x9c: {  	v2 =	vld @!p0 [tilespmem:s0+$0xB360];
	_ =	sdelay $0x1  }
0x9d: {  	v3 =	vld @!p0 [tilespmem:s0+$0x9F60];
	_ =	sdelay $0x2  }
0x9e: {  	v2 =	vmul.u32 @!p0 $0x2780, v2;
	_ =	sdelay $0x1  }
0x9f: {  	v2 =	vadd.s32 @!p0 v3, v2  }
0xa0: {  	[tilespmem:$0xC660] =	vst @!p0 v2  }
0xa1: {  	v2 =	vld @!p0 [tilespmem:s0+$0xB370];
	_ =	sdelay $0x1  }
0xa2: {  	v3 =	vld @!p0 [tilespmem:s0+$0x9F70];
	_ =	sdelay $0x2  }
0xa3: {  	v2 =	vmul.u32 @!p0 $0x2780, v2;
	_ =	sdelay $0x1  }
0xa4: {  	v2 =	vadd.s32 @!p0 v3, v2  }
0xa5: {  	s1 =	simm.s32 @!p0 $0xC600;
	s30 =	simm.s32 @!p0 $0xC700;
	s0 =	simm.s32 @!p0 $0x80;
	[tilespmem:$0xC670] =	vst @!p0 v2  }
0xa6: {  	[spmem:s2] =	stream.indirect.scatter.add.f32 @!p0 [tilespmem:s30], [sflag:$0x1], $0x1, s1, s0, $0xb8;
	[tilespmem:$0xEF00] =	vst v63  }
0xa7: {  	_ =	swait.ge [sflag:s26], $0x80  }
0xa8: {  	s31 =	simm.s32 $0x800;
	s30 =	simm.s32 $0x400;
	[sflag:s26] =	ssyncset.done $0x0  }
.LBB2_4:
0xa9: {  	s0 =	sshra.s32 s30, $0x2  }
0xaa: {  	[sflag:s26] =	ssyncadd.s32 $0xFFFFFF80;
	s1 =	smov.u32 s31;
	s31 =	sadd.s32 $0x400, s31  }
0xab: {  	p0 =	sne.s32 s31, $0x5000;
	v2 =	vld [tilespmem:s0+$0xB280];
	_ =	sdelay $0x1  }
0xac: {  	v3 =	vld [tilespmem:s0+$0x9E80];
	_ =	sdelay $0x2  }
0xad: {  	v2 =	vmul.u32 $0x2780, v2;
	_ =	sdelay $0x1  }
0xae: {  	v2 =	vadd.s32 v3, v2  }
0xaf: {  	[tilespmem:$0xC680] =	vst v2  }
0xb0: {  	v2 =	vld [tilespmem:s0+$0xB290];
	_ =	sdelay $0x1  }
0xb1: {  	v3 =	vld [tilespmem:s0+$0x9E90];
	_ =	sdelay $0x2  }
0xb2: {  	v2 =	vmul.u32 $0x2780, v2;
	_ =	sdelay $0x1  }
0xb3: {  	v2 =	vadd.s32 v3, v2  }
0xb4: {  	[tilespmem:$0xC690] =	vst v2  }
0xb5: {  	v2 =	vld [tilespmem:s0+$0xB2A0];
	_ =	sdelay $0x1  }
0xb6: {  	v3 =	vld [tilespmem:s0+$0x9EA0];
	_ =	sdelay $0x2  }
0xb7: {  	v2 =	vmul.u32 $0x2780, v2;
	_ =	sdelay $0x1  }
0xb8: {  	v2 =	vadd.s32 v3, v2  }
0xb9: {  	[tilespmem:$0xC6A0] =	vst v2  }
0xba: {  	v2 =	vld [tilespmem:s0+$0xB2B0];
	_ =	sdelay $0x1  }
0xbb: {  	v3 =	vld [tilespmem:s0+$0x9EB0];
	_ =	sdelay $0x2  }
0xbc: {  	v2 =	vmul.u32 $0x2780, v2;
	_ =	sdelay $0x1  }
0xbd: {  	v2 =	vadd.s32 v3, v2  }
0xbe: {  	[tilespmem:$0xC6B0] =	vst v2  }
0xbf: {  	v2 =	vld [tilespmem:s0+$0xB2C0];
	_ =	sdelay $0x1  }
0xc0: {  	v3 =	vld [tilespmem:s0+$0x9EC0];
	_ =	sdelay $0x2  }
0xc1: {  	v2 =	vmul.u32 $0x2780, v2;
	_ =	sdelay $0x1  }
0xc2: {  	v2 =	vadd.s32 v3, v2  }
0xc3: {  	[tilespmem:$0xC6C0] =	vst v2  }
0xc4: {  	v2 =	vld [tilespmem:s0+$0xB2D0];
	_ =	sdelay $0x1  }
0xc5: {  	v3 =	vld [tilespmem:s0+$0x9ED0];
	_ =	sdelay $0x2  }
0xc6: {  	v2 =	vmul.u32 $0x2780, v2;
	_ =	sdelay $0x1  }
0xc7: {  	v2 =	vadd.s32 v3, v2  }
0xc8: {  	[tilespmem:$0xC6D0] =	vst v2  }
0xc9: {  	v2 =	vld [tilespmem:s0+$0xB2E0]  }
0xca: {  	v3 =	vld [tilespmem:s0+$0x9EE0];
	_ =	sdelay $0x3  }
0xcb: {  	v2 =	vmul.u32 $0x2780, v2;
	_ =	sdelay $0x1  }
0xcc: {  	v2 =	vadd.s32 v3, v2  }
0xcd: {  	[tilespmem:$0xC6E0] =	vst v2  }
0xce: {  	v2 =	vld [tilespmem:s0+$0xB2F0]  }
0xcf: {  	v3 =	vld [tilespmem:s0+$0x9EF0];
	_ =	sdelay $0x3  }
0xd0: {  	v2 =	vmul.u32 $0x2780, v2;
	_ =	sdelay $0x1  }
0xd1: {  	v2 =	vadd.s32 v3, v2  }
0xd2: {  	[tilespmem:$0xC6F0] =	vst v2  }
0xd3: {  	[spmem:s2] =	stream.indirect.scatter.add.f32 [tilespmem:s23], [sflag:$0x2], $0x1, s24, s21, $0xb8;
	[tilespmem:$0xEF00] =	vst v63  }
0xd4: {  	_ =	swait.ge [sflag:s25], $0x80  }
0xd5: {  	p1 =	seq.s32 s30, $0x4C00;
	[sflag:s25] =	ssyncset.done $0x0  }
0xd6: {  	s0 =	sshra.s32 @!p1 s30, $0x2;
	s30 =	smov.u32 s1;
	[sflag:s25] =	ssyncadd.s32 $0xFFFFFF80  }
0xd7: {  	v2 =	vld @!p1 [tilespmem:s0+$0xB300];
	_ =	sdelay $0x1  }
0xd8: {  	v3 =	vld @!p1 [tilespmem:s0+$0x9F00];
	_ =	sdelay $0x2  }
0xd9: {  	v2 =	vmul.u32 @!p1 $0x2780, v2;
	_ =	sdelay $0x1  }
0xda: {  	v2 =	vadd.s32 @!p1 v3, v2  }
0xdb: {  	[tilespmem:$0xC600] =	vst @!p1 v2  }
0xdc: {  	v2 =	vld @!p1 [tilespmem:s0+$0xB310];
	_ =	sdelay $0x1  }
0xdd: {  	v3 =	vld @!p1 [tilespmem:s0+$0x9F10];
	_ =	sdelay $0x2  }
0xde: {  	v2 =	vmul.u32 @!p1 $0x2780, v2;
	_ =	sdelay $0x1  }
0xdf: {  	v2 =	vadd.s32 @!p1 v3, v2  }
0xe0: {  	[tilespmem:$0xC610] =	vst @!p1 v2  }
0xe1: {  	v2 =	vld @!p1 [tilespmem:s0+$0xB320];
	_ =	sdelay $0x1  }
0xe2: {  	v3 =	vld @!p1 [tilespmem:s0+$0x9F20];
	_ =	sdelay $0x2  }
0xe3: {  	v2 =	vmul.u32 @!p1 $0x2780, v2;
	_ =	sdelay $0x1  }
0xe4: {  	v2 =	vadd.s32 @!p1 v3, v2  }
0xe5: {  	[tilespmem:$0xC620] =	vst @!p1 v2  }
0xe6: {  	v2 =	vld @!p1 [tilespmem:s0+$0xB330];
	_ =	sdelay $0x1  }
0xe7: {  	v3 =	vld @!p1 [tilespmem:s0+$0x9F30];
	_ =	sdelay $0x2  }
0xe8: {  	v2 =	vmul.u32 @!p1 $0x2780, v2;
	_ =	sdelay $0x1  }
0xe9: {  	v2 =	vadd.s32 @!p1 v3, v2  }
0xea: {  	[tilespmem:$0xC630] =	vst @!p1 v2  }
0xeb: {  	v2 =	vld @!p1 [tilespmem:s0+$0xB340];
	_ =	sdelay $0x1  }
0xec: {  	v3 =	vld @!p1 [tilespmem:s0+$0x9F40];
	_ =	sdelay $0x2  }
0xed: {  	v2 =	vmul.u32 @!p1 $0x2780, v2;
	_ =	sdelay $0x1  }
0xee: {  	v2 =	vadd.s32 @!p1 v3, v2  }
0xef: {  	[tilespmem:$0xC640] =	vst @!p1 v2  }
0xf0: {  	v2 =	vld @!p1 [tilespmem:s0+$0xB350]  }
0xf1: {  	v3 =	vld @!p1 [tilespmem:s0+$0x9F50];
	_ =	sdelay $0x3  }
0xf2: {  	v2 =	vmul.u32 @!p1 $0x2780, v2;
	_ =	sdelay $0x1  }
0xf3: {  	v2 =	vadd.s32 @!p1 v3, v2  }
0xf4: {  	[tilespmem:$0xC650] =	vst @!p1 v2  }
0xf5: {  	v2 =	vld @!p1 [tilespmem:s0+$0xB360]  }
0xf6: {  	v3 =	vld @!p1 [tilespmem:s0+$0x9F60];
	_ =	sdelay $0x3  }
0xf7: {  	v2 =	vmul.u32 @!p1 $0x2780, v2;
	_ =	sdelay $0x1  }
0xf8: {  	v2 =	vadd.s32 @!p1 v3, v2  }
0xf9: {  	[tilespmem:$0xC660] =	vst @!p1 v2  }
0xfa: {  	v2 =	vld @!p1 [tilespmem:s0+$0xB370]  }
0xfb: {  	v3 =	vld @!p1 [tilespmem:s0+$0x9F70];
	_ =	sdelay $0x3  }
0xfc: {  	v2 =	vmul.u32 @!p1 $0x2780, v2;
	_ =	sdelay $0x1  }
.Ltmp1:
0xfd: {  	v2 =	vadd.s32 @!p1 v3, v2;
	(pc) =	sbr.rel @p0 .LBB2_4-.Ltmp1, $4  }
0xfe: {  	s3 =	simm.s32 @!p1 $0xC700;
	s1 =	simm.s32 @!p1 $0xC600;
	s0 =	simm.s32 @!p1 $0x80;
	[tilespmem:$0xC670] =	vst @!p1 v2  }
0xff: {  	[spmem:s2] =	stream.indirect.scatter.add.f32 @!p1 [tilespmem:s3], [sflag:$0x1], $0x1, s1, s0, $0xb8;
	[tilespmem:$0xEF00] =	vst v63  }
0x100: {  	_ =	swait.ge [sflag:s26], $0x80  }
0x101: {  	[sflag:s26] =	ssyncset.done $0x0  }
0x102: {  	s0 =	sshra.s32 s30, $0x2;
	[sflag:s26] =	ssyncadd.s32 $0xFFFFFF80  }
0x103: {  	v2 =	vld [tilespmem:s0+$0xB280];
	_ =	sdelay $0x1  }
0x104: {  	v3 =	vld [tilespmem:s0+$0x9E80];
	_ =	sdelay $0x2  }
0x105: {  	v2 =	vmul.u32 $0x2780, v2;
	_ =	sdelay $0x1  }
0x106: {  	v2 =	vadd.s32 v3, v2  }
0x107: {  	[tilespmem:$0xC680] =	vst v2  }
0x108: {  	v2 =	vld [tilespmem:s0+$0xB290];
	_ =	sdelay $0x1  }
0x109: {  	v3 =	vld [tilespmem:s0+$0x9E90];
	_ =	sdelay $0x2  }
0x10a: {  	v2 =	vmul.u32 $0x2780, v2;
	_ =	sdelay $0x1  }
0x10b: {  	v2 =	vadd.s32 v3, v2  }
0x10c: {  	[tilespmem:$0xC690] =	vst v2  }
0x10d: {  	v2 =	vld [tilespmem:s0+$0xB2A0];
	_ =	sdelay $0x1  }
0x10e: {  	v3 =	vld [tilespmem:s0+$0x9EA0];
	_ =	sdelay $0x2  }
0x10f: {  	v2 =	vmul.u32 $0x2780, v2;
	_ =	sdelay $0x1  }
0x110: {  	v2 =	vadd.s32 v3, v2  }
0x111: {  	[tilespmem:$0xC6A0] =	vst v2  }
0x112: {  	v2 =	vld [tilespmem:s0+$0xB2B0];
	_ =	sdelay $0x1  }
0x113: {  	v3 =	vld [tilespmem:s0+$0x9EB0];
	_ =	sdelay $0x2  }
0x114: {  	v2 =	vmul.u32 $0x2780, v2;
	_ =	sdelay $0x1  }
0x115: {  	v2 =	vadd.s32 v3, v2  }
0x116: {  	[tilespmem:$0xC6B0] =	vst v2  }
0x117: {  	v2 =	vld [tilespmem:s0+$0xB2C0];
	_ =	sdelay $0x1  }
0x118: {  	v3 =	vld [tilespmem:s0+$0x9EC0];
	_ =	sdelay $0x2  }
0x119: {  	v2 =	vmul.u32 $0x2780, v2;
	_ =	sdelay $0x1  }
0x11a: {  	v2 =	vadd.s32 v3, v2  }
0x11b: {  	[tilespmem:$0xC6C0] =	vst v2  }
0x11c: {  	v2 =	vld [tilespmem:s0+$0xB2D0];
	_ =	sdelay $0x1  }
0x11d: {  	v3 =	vld [tilespmem:s0+$0x9ED0];
	_ =	sdelay $0x2  }
0x11e: {  	v2 =	vmul.u32 $0x2780, v2;
	_ =	sdelay $0x1  }
0x11f: {  	v2 =	vadd.s32 v3, v2  }
0x120: {  	[tilespmem:$0xC6D0] =	vst v2  }
0x121: {  	v2 =	vld [tilespmem:s0+$0xB2E0];
	_ =	sdelay $0x1  }
0x122: {  	v3 =	vld [tilespmem:s0+$0x9EE0];
	_ =	sdelay $0x2  }
0x123: {  	v2 =	vmul.u32 $0x2780, v2;
	_ =	sdelay $0x1  }
0x124: {  	v2 =	vadd.s32 v3, v2  }
0x125: {  	[tilespmem:$0xC6E0] =	vst v2  }
0x126: {  	v2 =	vld [tilespmem:s0+$0xB2F0];
	_ =	sdelay $0x1  }
0x127: {  	v3 =	vld [tilespmem:s0+$0x9EF0];
	_ =	sdelay $0x2  }
0x128: {  	v2 =	vmul.u32 $0x2780, v2;
	_ =	sdelay $0x1  }
0x129: {  	v2 =	vadd.s32 v3, v2  }
0x12a: {  	[tilespmem:$0xC6F0] =	vst v2  }
0x12b: {  	[spmem:s2] =	stream.indirect.scatter.add.f32 [tilespmem:s23], [sflag:$0x2], $0x1, s24, s21, $0xb8;
	[tilespmem:$0xEF00] =	vst v63  }
0x12c: {  	_ =	swait.ge [sflag:s25], $0x80  }
0x12d: {  	p0 =	seq.s32 s30, $0x4C00;
	[sflag:s25] =	ssyncset.done $0x0  }
0x12e: {  	s0 =	sshra.s32 @!p0 s30, $0x2;
	[sflag:s25] =	ssyncadd.s32 $0xFFFFFF80  }
0x12f: {  	v2 =	vld @!p0 [tilespmem:s0+$0xB300];
	_ =	sdelay $0x1  }
0x130: {  	v3 =	vld @!p0 [tilespmem:s0+$0x9F00];
	_ =	sdelay $0x2  }
0x131: {  	v2 =	vmul.u32 @!p0 $0x2780, v2;
	_ =	sdelay $0x1  }
0x132: {  	v2 =	vadd.s32 @!p0 v3, v2  }
0x133: {  	[tilespmem:$0xC600] =	vst @!p0 v2  }
0x134: {  	v2 =	vld @!p0 [tilespmem:s0+$0xB310];
	_ =	sdelay $0x1  }
0x135: {  	v3 =	vld @!p0 [tilespmem:s0+$0x9F10];
	_ =	sdelay $0x2  }
0x136: {  	v2 =	vmul.u32 @!p0 $0x2780, v2;
	_ =	sdelay $0x1  }
0x137: {  	v2 =	vadd.s32 @!p0 v3, v2  }
0x138: {  	[tilespmem:$0xC610] =	vst @!p0 v2  }
0x139: {  	v2 =	vld @!p0 [tilespmem:s0+$0xB320];
	_ =	sdelay $0x1  }
0x13a: {  	v3 =	vld @!p0 [tilespmem:s0+$0x9F20];
	_ =	sdelay $0x2  }
0x13b: {  	v2 =	vmul.u32 @!p0 $0x2780, v2;
	_ =	sdelay $0x1  }
0x13c: {  	v2 =	vadd.s32 @!p0 v3, v2  }
0x13d: {  	[tilespmem:$0xC620] =	vst @!p0 v2  }
0x13e: {  	v2 =	vld @!p0 [tilespmem:s0+$0xB330];
	_ =	sdelay $0x1  }
0x13f: {  	v3 =	vld @!p0 [tilespmem:s0+$0x9F30];
	_ =	sdelay $0x2  }
0x140: {  	v2 =	vmul.u32 @!p0 $0x2780, v2;
	_ =	sdelay $0x1  }
0x141: {  	v2 =	vadd.s32 @!p0 v3, v2  }
0x142: {  	[tilespmem:$0xC630] =	vst @!p0 v2  }
0x143: {  	v2 =	vld @!p0 [tilespmem:s0+$0xB340];
	_ =	sdelay $0x1  }
0x144: {  	v3 =	vld @!p0 [tilespmem:s0+$0x9F40];
	_ =	sdelay $0x2  }
0x145: {  	v2 =	vmul.u32 @!p0 $0x2780, v2;
	_ =	sdelay $0x1  }
0x146: {  	v2 =	vadd.s32 @!p0 v3, v2  }
0x147: {  	[tilespmem:$0xC640] =	vst @!p0 v2  }
0x148: {  	v2 =	vld @!p0 [tilespmem:s0+$0xB350];
	_ =	sdelay $0x1  }
0x149: {  	v3 =	vld @!p0 [tilespmem:s0+$0x9F50];
	_ =	sdelay $0x2  }
0x14a: {  	v2 =	vmul.u32 @!p0 $0x2780, v2;
	_ =	sdelay $0x1  }
0x14b: {  	v2 =	vadd.s32 @!p0 v3, v2  }
0x14c: {  	[tilespmem:$0xC650] =	vst @!p0 v2  }
0x14d: {  	v2 =	vld @!p0 [tilespmem:s0+$0xB360];
	_ =	sdelay $0x1  }
0x14e: {  	v3 =	vld @!p0 [tilespmem:s0+$0x9F60];
	_ =	sdelay $0x2  }
0x14f: {  	v2 =	vmul.u32 @!p0 $0x2780, v2;
	_ =	sdelay $0x1  }
0x150: {  	v2 =	vadd.s32 @!p0 v3, v2  }
0x151: {  	[tilespmem:$0xC660] =	vst @!p0 v2  }
0x152: {  	v2 =	vld @!p0 [tilespmem:s0+$0xB370];
	_ =	sdelay $0x1  }
0x153: {  	v3 =	vld @!p0 [tilespmem:s0+$0x9F70];
	_ =	sdelay $0x2  }
0x154: {  	v2 =	vmul.u32 @!p0 $0x2780, v2;
	_ =	sdelay $0x1  }
0x155: {  	v2 =	vadd.s32 @!p0 v3, v2  }
0x156: {  	s1 =	simm.s32 @!p0 $0xC600;
	s3 =	simm.s32 @!p0 $0xC700;
	s0 =	simm.s32 @!p0 $0x80;
	[tilespmem:$0xC670] =	vst @!p0 v2  }
0x157: {  	[spmem:s2] =	stream.indirect.scatter.add.f32 @!p0 [tilespmem:s3], [sflag:$0x1], $0x1, s1, s0, $0xb8;
	[tilespmem:$0xEF00] =	vst v63  }
0x158: {  	_ =	swait.ge [sflag:s26], $0x80  }
0x159: {  	[sflag:s26] =	ssyncset.done $0x0  }
0x15a: {  	s1 =	simm.s32 $0x0;
	[sflag:s26] =	ssyncadd.s32 $0xFFFFFF80  }
0x15b: {  	[tilespmem:s17], [sflag:$0x3] =	stream.linear.gather [hbm4b:s10+s1], $0x1400, $0x38;
	[tilespmem:$0xEF00] =	vst v63  }
0x15c: {  	_ =	swait.ge [sflag:s18], $0x1400  }
0x15d: {  	[sflag:s18] =	ssyncset.done $0x0  }
0x15e: {  	[sflag:s18] =	ssyncadd.s32 $0xFFFFEC00  }
0x15f: {  	[tilespmem:s19], [sflag:$0x3] =	stream.linear.gather [hbm4b:s11+s1], $0x1400, $0x38;
	[tilespmem:$0xEF00] =	vst v63  }
0x160: {  	_ =	swait.ge [sflag:s18], $0x1400  }
0x161: {  	[sflag:s18] =	ssyncset.done $0x0  }
0x162: {  	[sflag:s18] =	ssyncadd.s32 $0xFFFFEC00  }
0x163: {  	v2 =	vld [tilespmem:$0x9E00]  }
0x164: {  	v3 =	vld [tilespmem:$0xB200]  }
0x165: {  	v4 =	vld [tilespmem:$0x9E10]  }
0x166: {  	v5 =	vld [tilespmem:$0xB210]  }
0x167: {  	v6 =	vld [tilespmem:$0x9E20]  }
0x168: {  	v7 =	vld [tilespmem:$0xB220]  }
0x169: {  	v8 =	vld [tilespmem:$0x9E30]  }
0x16a: {  	v9 =	vld [tilespmem:$0xB230]  }
0x16b: {  	v10 =	vld [tilespmem:$0x9E40]  }
0x16c: {  	v11 =	vld [tilespmem:$0xB240]  }
0x16d: {  	v12 =	vld [tilespmem:$0x9E50]  }
0x16e: {  	v13 =	vld [tilespmem:$0xB250];
	v3 =	vmul.u32 $0x2780, v3  }
0x16f: {  	v14 =	vld [tilespmem:$0xB260];
	v5 =	vmul.u32 $0x2780, v5  }
0x170: {  	v58 =	vld [tilespmem:$0xB270];
	v2 =	vadd.s32 v2, v3;
	v3 =	vmul.u32 $0x2780, v7  }
0x171: {  	v60 =	vld [tilespmem:$0x9E60];
	v59 =	vmul.u32 $0x2780, v9;
	[tilespmem:$0xC600] =	vst v2;
	v2 =	vadd.s32 v4, v5  }
0x172: {  	v61 =	vld [tilespmem:$0x9E70];
	[tilespmem:$0xC610] =	vst v2;
	v2 =	vadd.s32 v6, v3;
	v3 =	vmul.u32 $0x2780, v11  }
0x173: {  	v62 =	vmul.u32 $0x2780, v13;
	[tilespmem:$0xC620] =	vst v2;
	v2 =	vadd.s32 v8, v59  }
0x174: {  	[tilespmem:$0xC630] =	vst v2;
	v2 =	vadd.s32 v10, v3;
	v3 =	vmul.u32 $0x2780, v14  }
0x175: {  	v63 =	vmul.u32 $0x2780, v58;
	[tilespmem:$0xC640] =	vst v2;
	v2 =	vadd.s32 v12, v62  }
0x176: {  	[tilespmem:$0xC650] =	vst v2;
	v2 =	vadd.s32 v60, v3  }
0x177: {  	[tilespmem:$0xC660] =	vst v2;
	v2 =	vadd.s32 v61, v63  }
0x178: {  	s3 =	simm.s32 $0x0;
	[tilespmem:$0xC670] =	vst v2  }
0x179: {  	[spmem:s2] =	stream.indirect.scatter.add.f32 [tilespmem:s23], [sflag:$0x1], $0x1, s22, s21, $0xb8;
	[tilespmem:$0xEF00] =	vst v63  }
0x17a: {  	v2 =	vld [tilespmem:s3+$0xB280];
	_ =	sdelay $0x1  }
0x17b: {  	v3 =	vld [tilespmem:s3+$0x9E80];
	_ =	sdelay $0x2  }
0x17c: {  	v2 =	vmul.u32 $0x2780, v2;
	_ =	sdelay $0x1  }
0x17d: {  	v2 =	vadd.s32 v3, v2  }
0x17e: {  	[tilespmem:$0xC680] =	vst v2  }
0x17f: {  	v2 =	vld [tilespmem:s3+$0xB290];
	_ =	sdelay $0x1  }
0x180: {  	v3 =	vld [tilespmem:s3+$0x9E90];
	_ =	sdelay $0x2  }
0x181: {  	v2 =	vmul.u32 $0x2780, v2;
	_ =	sdelay $0x1  }
0x182: {  	v2 =	vadd.s32 v3, v2  }
0x183: {  	[tilespmem:$0xC690] =	vst v2  }
0x184: {  	v2 =	vld [tilespmem:s3+$0xB2A0];
	_ =	sdelay $0x1  }
0x185: {  	v3 =	vld [tilespmem:s3+$0x9EA0];
	_ =	sdelay $0x2  }
0x186: {  	v2 =	vmul.u32 $0x2780, v2;
	_ =	sdelay $0x1  }
0x187: {  	v2 =	vadd.s32 v3, v2  }
0x188: {  	[tilespmem:$0xC6A0] =	vst v2  }
0x189: {  	v2 =	vld [tilespmem:s3+$0xB2B0];
	_ =	sdelay $0x1  }
0x18a: {  	v3 =	vld [tilespmem:s3+$0x9EB0];
	_ =	sdelay $0x2  }
0x18b: {  	v2 =	vmul.u32 $0x2780, v2;
	_ =	sdelay $0x1  }
0x18c: {  	v2 =	vadd.s32 v3, v2  }
0x18d: {  	[tilespmem:$0xC6B0] =	vst v2  }
0x18e: {  	v2 =	vld [tilespmem:s3+$0xB2C0];
	_ =	sdelay $0x1  }
0x18f: {  	v3 =	vld [tilespmem:s3+$0x9EC0];
	_ =	sdelay $0x2  }
0x190: {  	v2 =	vmul.u32 $0x2780, v2;
	_ =	sdelay $0x1  }
0x191: {  	v2 =	vadd.s32 v3, v2  }
0x192: {  	[tilespmem:$0xC6C0] =	vst v2  }
0x193: {  	v2 =	vld [tilespmem:s3+$0xB2D0];
	_ =	sdelay $0x1  }
0x194: {  	v3 =	vld [tilespmem:s3+$0x9ED0];
	_ =	sdelay $0x2  }
0x195: {  	v2 =	vmul.u32 $0x2780, v2;
	_ =	sdelay $0x1  }
0x196: {  	v2 =	vadd.s32 v3, v2  }
0x197: {  	[tilespmem:$0xC6D0] =	vst v2  }
0x198: {  	v2 =	vld [tilespmem:s3+$0xB2E0];
	_ =	sdelay $0x1  }
0x199: {  	v3 =	vld [tilespmem:s3+$0x9EE0];
	_ =	sdelay $0x2  }
0x19a: {  	v2 =	vmul.u32 $0x2780, v2;
	_ =	sdelay $0x1  }
0x19b: {  	v2 =	vadd.s32 v3, v2  }
0x19c: {  	[tilespmem:$0xC6E0] =	vst v2  }
0x19d: {  	v2 =	vld [tilespmem:s3+$0xB2F0];
	_ =	sdelay $0x1  }
0x19e: {  	v3 =	vld [tilespmem:s3+$0x9EF0];
	_ =	sdelay $0x2  }
0x19f: {  	v2 =	vmul.u32 $0x2780, v2;
	_ =	sdelay $0x1  }
0x1a0: {  	v2 =	vadd.s32 v3, v2  }
0x1a1: {  	[tilespmem:$0xC6F0] =	vst v2  }
0x1a2: {  	[spmem:s2] =	stream.indirect.scatter.add.f32 [tilespmem:s23], [sflag:$0x2], $0x1, s24, s21, $0xb8;
	[tilespmem:$0xEF00] =	vst v63  }
0x1a3: {  	_ =	swait.ge [sflag:s25], $0x80  }
0x1a4: {  	p0 =	por $0x0, $0x0;
	[sflag:s25] =	ssyncset.done $0x0  }
0x1a5: {  	s0 =	simm.s32 @!p0 $0x0;
	[sflag:s25] =	ssyncadd.s32 $0xFFFFFF80  }
0x1a6: {  	v2 =	vld @!p0 [tilespmem:s0+$0xB300];
	_ =	sdelay $0x1  }
0x1a7: {  	v3 =	vld @!p0 [tilespmem:s0+$0x9F00];
	_ =	sdelay $0x2  }
0x1a8: {  	v2 =	vmul.u32 @!p0 $0x2780, v2;
	_ =	sdelay $0x1  }
0x1a9: {  	v2 =	vadd.s32 @!p0 v3, v2  }
0x1aa: {  	[tilespmem:$0xC600] =	vst @!p0 v2  }
0x1ab: {  	v2 =	vld @!p0 [tilespmem:s0+$0xB310];
	_ =	sdelay $0x1  }
0x1ac: {  	v3 =	vld @!p0 [tilespmem:s0+$0x9F10];
	_ =	sdelay $0x2  }
0x1ad: {  	v2 =	vmul.u32 @!p0 $0x2780, v2;
	_ =	sdelay $0x1  }
0x1ae: {  	v2 =	vadd.s32 @!p0 v3, v2  }
0x1af: {  	[tilespmem:$0xC610] =	vst @!p0 v2  }
0x1b0: {  	v2 =	vld @!p0 [tilespmem:s0+$0xB320];
	_ =	sdelay $0x1  }
0x1b1: {  	v3 =	vld @!p0 [tilespmem:s0+$0x9F20];
	_ =	sdelay $0x2  }
0x1b2: {  	v2 =	vmul.u32 @!p0 $0x2780, v2;
	_ =	sdelay $0x1  }
0x1b3: {  	v2 =	vadd.s32 @!p0 v3, v2  }
0x1b4: {  	[tilespmem:$0xC620] =	vst @!p0 v2  }
0x1b5: {  	v2 =	vld @!p0 [tilespmem:s0+$0xB330];
	_ =	sdelay $0x1  }
0x1b6: {  	v3 =	vld @!p0 [tilespmem:s0+$0x9F30];
	_ =	sdelay $0x2  }
0x1b7: {  	v2 =	vmul.u32 @!p0 $0x2780, v2;
	_ =	sdelay $0x1  }
0x1b8: {  	v2 =	vadd.s32 @!p0 v3, v2  }
0x1b9: {  	[tilespmem:$0xC630] =	vst @!p0 v2  }
0x1ba: {  	v2 =	vld @!p0 [tilespmem:s0+$0xB340];
	_ =	sdelay $0x1  }
0x1bb: {  	v3 =	vld @!p0 [tilespmem:s0+$0x9F40];
	_ =	sdelay $0x2  }
0x1bc: {  	v2 =	vmul.u32 @!p0 $0x2780, v2;
	_ =	sdelay $0x1  }
0x1bd: {  	v2 =	vadd.s32 @!p0 v3, v2  }
0x1be: {  	[tilespmem:$0xC640] =	vst @!p0 v2  }
0x1bf: {  	v2 =	vld @!p0 [tilespmem:s0+$0xB350];
	_ =	sdelay $0x1  }
0x1c0: {  	v3 =	vld @!p0 [tilespmem:s0+$0x9F50];
	_ =	sdelay $0x2  }
0x1c1: {  	v2 =	vmul.u32 @!p0 $0x2780, v2;
	_ =	sdelay $0x1  }
0x1c2: {  	v2 =	vadd.s32 @!p0 v3, v2  }
0x1c3: {  	[tilespmem:$0xC650] =	vst @!p0 v2  }
0x1c4: {  	v2 =	vld @!p0 [tilespmem:s0+$0xB360];
	_ =	sdelay $0x1  }
0x1c5: {  	v3 =	vld @!p0 [tilespmem:s0+$0x9F60];
	_ =	sdelay $0x2  }
0x1c6: {  	v2 =	vmul.u32 @!p0 $0x2780, v2;
	_ =	sdelay $0x1  }
0x1c7: {  	v2 =	vadd.s32 @!p0 v3, v2  }
0x1c8: {  	[tilespmem:$0xC660] =	vst @!p0 v2  }
0x1c9: {  	v2 =	vld @!p0 [tilespmem:s0+$0xB370];
	_ =	sdelay $0x1  }
0x1ca: {  	v3 =	vld @!p0 [tilespmem:s0+$0x9F70];
	_ =	sdelay $0x2  }
0x1cb: {  	v2 =	vmul.u32 @!p0 $0x2780, v2;
	_ =	sdelay $0x1  }
0x1cc: {  	v2 =	vadd.s32 @!p0 v3, v2  }
0x1cd: {  	s1 =	simm.s32 @!p0 $0xC600;
	s3 =	simm.s32 @!p0 $0xC700;
	s0 =	simm.s32 @!p0 $0x80;
	[tilespmem:$0xC670] =	vst @!p0 v2  }
0x1ce: {  	[spmem:s2] =	stream.indirect.scatter.add.f32 @!p0 [tilespmem:s3], [sflag:$0x1], $0x1, s1, s0, $0xb8;
	[tilespmem:$0xEF00] =	vst v63  }
0x1cf: {  	_ =	swait.ge [sflag:s26], $0x80  }
0x1d0: {  	s31 =	simm.s32 $0x800;
	s30 =	simm.s32 $0x400;
	[sflag:s26] =	ssyncset.done $0x0  }
.LBB2_6:
0x1d1: {  	s0 =	sshra.s32 s30, $0x2  }
0x1d2: {  	[sflag:s26] =	ssyncadd.s32 $0xFFFFFF80;
	s1 =	smov.u32 s31;
	s31 =	sadd.s32 $0x400, s31  }
0x1d3: {  	p0 =	sne.s32 s31, $0x5000;
	v2 =	vld [tilespmem:s0+$0xB280];
	_ =	sdelay $0x1  }
0x1d4: {  	v3 =	vld [tilespmem:s0+$0x9E80];
	_ =	sdelay $0x2  }
0x1d5: {  	v2 =	vmul.u32 $0x2780, v2;
	_ =	sdelay $0x1  }
0x1d6: {  	v2 =	vadd.s32 v3, v2  }
0x1d7: {  	[tilespmem:$0xC680] =	vst v2  }
0x1d8: {  	v2 =	vld [tilespmem:s0+$0xB290];
	_ =	sdelay $0x1  }
0x1d9: {  	v3 =	vld [tilespmem:s0+$0x9E90];
	_ =	sdelay $0x2  }
0x1da: {  	v2 =	vmul.u32 $0x2780, v2;
	_ =	sdelay $0x1  }
0x1db: {  	v2 =	vadd.s32 v3, v2  }
0x1dc: {  	[tilespmem:$0xC690] =	vst v2  }
0x1dd: {  	v2 =	vld [tilespmem:s0+$0xB2A0];
	_ =	sdelay $0x1  }
0x1de: {  	v3 =	vld [tilespmem:s0+$0x9EA0];
	_ =	sdelay $0x2  }
0x1df: {  	v2 =	vmul.u32 $0x2780, v2;
	_ =	sdelay $0x1  }
0x1e0: {  	v2 =	vadd.s32 v3, v2  }
0x1e1: {  	[tilespmem:$0xC6A0] =	vst v2  }
0x1e2: {  	v2 =	vld [tilespmem:s0+$0xB2B0];
	_ =	sdelay $0x1  }
0x1e3: {  	v3 =	vld [tilespmem:s0+$0x9EB0];
	_ =	sdelay $0x2  }
0x1e4: {  	v2 =	vmul.u32 $0x2780, v2;
	_ =	sdelay $0x1  }
0x1e5: {  	v2 =	vadd.s32 v3, v2  }
0x1e6: {  	[tilespmem:$0xC6B0] =	vst v2  }
0x1e7: {  	v2 =	vld [tilespmem:s0+$0xB2C0];
	_ =	sdelay $0x1  }
0x1e8: {  	v3 =	vld [tilespmem:s0+$0x9EC0];
	_ =	sdelay $0x2  }
0x1e9: {  	v2 =	vmul.u32 $0x2780, v2;
	_ =	sdelay $0x1  }
0x1ea: {  	v2 =	vadd.s32 v3, v2  }
0x1eb: {  	[tilespmem:$0xC6C0] =	vst v2  }
0x1ec: {  	v2 =	vld [tilespmem:s0+$0xB2D0];
	_ =	sdelay $0x1  }
0x1ed: {  	v3 =	vld [tilespmem:s0+$0x9ED0];
	_ =	sdelay $0x2  }
0x1ee: {  	v2 =	vmul.u32 $0x2780, v2;
	_ =	sdelay $0x1  }
0x1ef: {  	v2 =	vadd.s32 v3, v2  }
0x1f0: {  	[tilespmem:$0xC6D0] =	vst v2  }
0x1f1: {  	v2 =	vld [tilespmem:s0+$0xB2E0]  }
0x1f2: {  	v3 =	vld [tilespmem:s0+$0x9EE0];
	_ =	sdelay $0x3  }
0x1f3: {  	v2 =	vmul.u32 $0x2780, v2;
	_ =	sdelay $0x1  }
0x1f4: {  	v2 =	vadd.s32 v3, v2  }
0x1f5: {  	[tilespmem:$0xC6E0] =	vst v2  }
0x1f6: {  	v2 =	vld [tilespmem:s0+$0xB2F0]  }
0x1f7: {  	v3 =	vld [tilespmem:s0+$0x9EF0];
	_ =	sdelay $0x3  }
0x1f8: {  	v2 =	vmul.u32 $0x2780, v2;
	_ =	sdelay $0x1  }
0x1f9: {  	v2 =	vadd.s32 v3, v2  }
0x1fa: {  	[tilespmem:$0xC6F0] =	vst v2  }
0x1fb: {  	[spmem:s2] =	stream.indirect.scatter.add.f32 [tilespmem:s23], [sflag:$0x2], $0x1, s24, s21, $0xb8;
	[tilespmem:$0xEF00] =	vst v63  }
0x1fc: {  	_ =	swait.ge [sflag:s25], $0x80  }
0x1fd: {  	p1 =	seq.s32 s30, $0x4C00;
	[sflag:s25] =	ssyncset.done $0x0  }
0x1fe: {  	s0 =	sshra.s32 @!p1 s30, $0x2;
	s30 =	smov.u32 s1;
	[sflag:s25] =	ssyncadd.s32 $0xFFFFFF80  }
0x1ff: {  	v2 =	vld @!p1 [tilespmem:s0+$0xB300];
	_ =	sdelay $0x1  }
0x200: {  	v3 =	vld @!p1 [tilespmem:s0+$0x9F00];
	_ =	sdelay $0x2  }
0x201: {  	v2 =	vmul.u32 @!p1 $0x2780, v2;
	_ =	sdelay $0x1  }
0x202: {  	v2 =	vadd.s32 @!p1 v3, v2  }
0x203: {  	[tilespmem:$0xC600] =	vst @!p1 v2  }
0x204: {  	v2 =	vld @!p1 [tilespmem:s0+$0xB310];
	_ =	sdelay $0x1  }
0x205: {  	v3 =	vld @!p1 [tilespmem:s0+$0x9F10];
	_ =	sdelay $0x2  }
0x206: {  	v2 =	vmul.u32 @!p1 $0x2780, v2;
	_ =	sdelay $0x1  }
0x207: {  	v2 =	vadd.s32 @!p1 v3, v2  }
0x208: {  	[tilespmem:$0xC610] =	vst @!p1 v2  }
0x209: {  	v2 =	vld @!p1 [tilespmem:s0+$0xB320];
	_ =	sdelay $0x1  }
0x20a: {  	v3 =	vld @!p1 [tilespmem:s0+$0x9F20];
	_ =	sdelay $0x2  }
0x20b: {  	v2 =	vmul.u32 @!p1 $0x2780, v2;
	_ =	sdelay $0x1  }
0x20c: {  	v2 =	vadd.s32 @!p1 v3, v2  }
0x20d: {  	[tilespmem:$0xC620] =	vst @!p1 v2  }
0x20e: {  	v2 =	vld @!p1 [tilespmem:s0+$0xB330];
	_ =	sdelay $0x1  }
0x20f: {  	v3 =	vld @!p1 [tilespmem:s0+$0x9F30];
	_ =	sdelay $0x2  }
0x210: {  	v2 =	vmul.u32 @!p1 $0x2780, v2;
	_ =	sdelay $0x1  }
0x211: {  	v2 =	vadd.s32 @!p1 v3, v2  }
0x212: {  	[tilespmem:$0xC630] =	vst @!p1 v2  }
0x213: {  	v2 =	vld @!p1 [tilespmem:s0+$0xB340];
	_ =	sdelay $0x1  }
0x214: {  	v3 =	vld @!p1 [tilespmem:s0+$0x9F40];
	_ =	sdelay $0x2  }
0x215: {  	v2 =	vmul.u32 @!p1 $0x2780, v2;
	_ =	sdelay $0x1  }
0x216: {  	v2 =	vadd.s32 @!p1 v3, v2  }
0x217: {  	[tilespmem:$0xC640] =	vst @!p1 v2  }
0x218: {  	v2 =	vld @!p1 [tilespmem:s0+$0xB350]  }
0x219: {  	v3 =	vld @!p1 [tilespmem:s0+$0x9F50];
	_ =	sdelay $0x3  }
0x21a: {  	v2 =	vmul.u32 @!p1 $0x2780, v2;
	_ =	sdelay $0x1  }
0x21b: {  	v2 =	vadd.s32 @!p1 v3, v2  }
0x21c: {  	[tilespmem:$0xC650] =	vst @!p1 v2  }
0x21d: {  	v2 =	vld @!p1 [tilespmem:s0+$0xB360]  }
0x21e: {  	v3 =	vld @!p1 [tilespmem:s0+$0x9F60];
	_ =	sdelay $0x3  }
0x21f: {  	v2 =	vmul.u32 @!p1 $0x2780, v2;
	_ =	sdelay $0x1  }
0x220: {  	v2 =	vadd.s32 @!p1 v3, v2  }
0x221: {  	[tilespmem:$0xC660] =	vst @!p1 v2  }
0x222: {  	v2 =	vld @!p1 [tilespmem:s0+$0xB370]  }
0x223: {  	v3 =	vld @!p1 [tilespmem:s0+$0x9F70];
	_ =	sdelay $0x3  }
0x224: {  	v2 =	vmul.u32 @!p1 $0x2780, v2;
	_ =	sdelay $0x1  }
.Ltmp2:
0x225: {  	v2 =	vadd.s32 @!p1 v3, v2;
	(pc) =	sbr.rel @p0 .LBB2_6-.Ltmp2, $4  }
0x226: {  	s3 =	simm.s32 @!p1 $0xC700;
	s1 =	simm.s32 @!p1 $0xC600;
	s0 =	simm.s32 @!p1 $0x80;
	[tilespmem:$0xC670] =	vst @!p1 v2  }
0x227: {  	[spmem:s2] =	stream.indirect.scatter.add.f32 @!p1 [tilespmem:s3], [sflag:$0x1], $0x1, s1, s0, $0xb8;
	[tilespmem:$0xEF00] =	vst v63  }
0x228: {  	_ =	swait.ge [sflag:s26], $0x80  }
0x229: {  	[sflag:s26] =	ssyncset.done $0x0  }
0x22a: {  	s0 =	sshra.s32 s30, $0x2;
	[sflag:s26] =	ssyncadd.s32 $0xFFFFFF80  }
0x22b: {  	v2 =	vld [tilespmem:s0+$0xB280];
	_ =	sdelay $0x1  }
0x22c: {  	v3 =	vld [tilespmem:s0+$0x9E80];
	_ =	sdelay $0x2  }
0x22d: {  	v2 =	vmul.u32 $0x2780, v2;
	_ =	sdelay $0x1  }
0x22e: {  	v2 =	vadd.s32 v3, v2  }
0x22f: {  	[tilespmem:$0xC680] =	vst v2  }
0x230: {  	v2 =	vld [tilespmem:s0+$0xB290];
	_ =	sdelay $0x1  }
0x231: {  	v3 =	vld [tilespmem:s0+$0x9E90];
	_ =	sdelay $0x2  }
0x232: {  	v2 =	vmul.u32 $0x2780, v2;
	_ =	sdelay $0x1  }
0x233: {  	v2 =	vadd.s32 v3, v2  }
0x234: {  	[tilespmem:$0xC690] =	vst v2  }
0x235: {  	v2 =	vld [tilespmem:s0+$0xB2A0];
	_ =	sdelay $0x1  }
0x236: {  	v3 =	vld [tilespmem:s0+$0x9EA0];
	_ =	sdelay $0x2  }
0x237: {  	v2 =	vmul.u32 $0x2780, v2;
	_ =	sdelay $0x1  }
0x238: {  	v2 =	vadd.s32 v3, v2  }
0x239: {  	[tilespmem:$0xC6A0] =	vst v2  }
0x23a: {  	v2 =	vld [tilespmem:s0+$0xB2B0];
	_ =	sdelay $0x1  }
0x23b: {  	v3 =	vld [tilespmem:s0+$0x9EB0];
	_ =	sdelay $0x2  }
0x23c: {  	v2 =	vmul.u32 $0x2780, v2;
	_ =	sdelay $0x1  }
0x23d: {  	v2 =	vadd.s32 v3, v2  }
0x23e: {  	[tilespmem:$0xC6B0] =	vst v2  }
0x23f: {  	v2 =	vld [tilespmem:s0+$0xB2C0];
	_ =	sdelay $0x1  }
0x240: {  	v3 =	vld [tilespmem:s0+$0x9EC0];
	_ =	sdelay $0x2  }
0x241: {  	v2 =	vmul.u32 $0x2780, v2;
	_ =	sdelay $0x1  }
0x242: {  	v2 =	vadd.s32 v3, v2  }
0x243: {  	[tilespmem:$0xC6C0] =	vst v2  }
0x244: {  	v2 =	vld [tilespmem:s0+$0xB2D0];
	_ =	sdelay $0x1  }
0x245: {  	v3 =	vld [tilespmem:s0+$0x9ED0];
	_ =	sdelay $0x2  }
0x246: {  	v2 =	vmul.u32 $0x2780, v2;
	_ =	sdelay $0x1  }
0x247: {  	v2 =	vadd.s32 v3, v2  }
0x248: {  	[tilespmem:$0xC6D0] =	vst v2  }
0x249: {  	v2 =	vld [tilespmem:s0+$0xB2E0];
	_ =	sdelay $0x1  }
0x24a: {  	v3 =	vld [tilespmem:s0+$0x9EE0];
	_ =	sdelay $0x2  }
0x24b: {  	v2 =	vmul.u32 $0x2780, v2;
	_ =	sdelay $0x1  }
0x24c: {  	v2 =	vadd.s32 v3, v2  }
0x24d: {  	[tilespmem:$0xC6E0] =	vst v2  }
0x24e: {  	v2 =	vld [tilespmem:s0+$0xB2F0];
	_ =	sdelay $0x1  }
0x24f: {  	v3 =	vld [tilespmem:s0+$0x9EF0];
	_ =	sdelay $0x2  }
0x250: {  	v2 =	vmul.u32 $0x2780, v2;
	_ =	sdelay $0x1  }
0x251: {  	v2 =	vadd.s32 v3, v2  }
0x252: {  	[tilespmem:$0xC6F0] =	vst v2  }
0x253: {  	[spmem:s2] =	stream.indirect.scatter.add.f32 [tilespmem:s23], [sflag:$0x2], $0x1, s24, s21, $0xb8;
	[tilespmem:$0xEF00] =	vst v63  }
0x254: {  	_ =	swait.ge [sflag:s25], $0x80  }
0x255: {  	p0 =	seq.s32 s30, $0x4C00;
	[sflag:s25] =	ssyncset.done $0x0  }
0x256: {  	s0 =	sshra.s32 @!p0 s30, $0x2;
	[sflag:s25] =	ssyncadd.s32 $0xFFFFFF80  }
0x257: {  	v2 =	vld @!p0 [tilespmem:s0+$0xB300];
	_ =	sdelay $0x1  }
0x258: {  	v3 =	vld @!p0 [tilespmem:s0+$0x9F00];
	_ =	sdelay $0x2  }
0x259: {  	v2 =	vmul.u32 @!p0 $0x2780, v2;
	_ =	sdelay $0x1  }
0x25a: {  	v2 =	vadd.s32 @!p0 v3, v2  }
0x25b: {  	[tilespmem:$0xC600] =	vst @!p0 v2  }
0x25c: {  	v2 =	vld @!p0 [tilespmem:s0+$0xB310];
	_ =	sdelay $0x1  }
0x25d: {  	v3 =	vld @!p0 [tilespmem:s0+$0x9F10];
	_ =	sdelay $0x2  }
0x25e: {  	v2 =	vmul.u32 @!p0 $0x2780, v2;
	_ =	sdelay $0x1  }
0x25f: {  	v2 =	vadd.s32 @!p0 v3, v2  }
0x260: {  	[tilespmem:$0xC610] =	vst @!p0 v2  }
0x261: {  	v2 =	vld @!p0 [tilespmem:s0+$0xB320];
	_ =	sdelay $0x1  }
0x262: {  	v3 =	vld @!p0 [tilespmem:s0+$0x9F20];
	_ =	sdelay $0x2  }
0x263: {  	v2 =	vmul.u32 @!p0 $0x2780, v2;
	_ =	sdelay $0x1  }
0x264: {  	v2 =	vadd.s32 @!p0 v3, v2  }
0x265: {  	[tilespmem:$0xC620] =	vst @!p0 v2  }
0x266: {  	v2 =	vld @!p0 [tilespmem:s0+$0xB330];
	_ =	sdelay $0x1  }
0x267: {  	v3 =	vld @!p0 [tilespmem:s0+$0x9F30];
	_ =	sdelay $0x2  }
0x268: {  	v2 =	vmul.u32 @!p0 $0x2780, v2;
	_ =	sdelay $0x1  }
0x269: {  	v2 =	vadd.s32 @!p0 v3, v2  }
0x26a: {  	[tilespmem:$0xC630] =	vst @!p0 v2  }
0x26b: {  	v2 =	vld @!p0 [tilespmem:s0+$0xB340];
	_ =	sdelay $0x1  }
0x26c: {  	v3 =	vld @!p0 [tilespmem:s0+$0x9F40];
	_ =	sdelay $0x2  }
0x26d: {  	v2 =	vmul.u32 @!p0 $0x2780, v2;
	_ =	sdelay $0x1  }
0x26e: {  	v2 =	vadd.s32 @!p0 v3, v2  }
0x26f: {  	[tilespmem:$0xC640] =	vst @!p0 v2  }
0x270: {  	v2 =	vld @!p0 [tilespmem:s0+$0xB350];
	_ =	sdelay $0x1  }
0x271: {  	v3 =	vld @!p0 [tilespmem:s0+$0x9F50];
	_ =	sdelay $0x2  }
0x272: {  	v2 =	vmul.u32 @!p0 $0x2780, v2;
	_ =	sdelay $0x1  }
0x273: {  	v2 =	vadd.s32 @!p0 v3, v2  }
0x274: {  	[tilespmem:$0xC650] =	vst @!p0 v2  }
0x275: {  	v2 =	vld @!p0 [tilespmem:s0+$0xB360];
	_ =	sdelay $0x1  }
0x276: {  	v3 =	vld @!p0 [tilespmem:s0+$0x9F60];
	_ =	sdelay $0x2  }
0x277: {  	v2 =	vmul.u32 @!p0 $0x2780, v2;
	_ =	sdelay $0x1  }
0x278: {  	v2 =	vadd.s32 @!p0 v3, v2  }
0x279: {  	[tilespmem:$0xC660] =	vst @!p0 v2  }
0x27a: {  	v2 =	vld @!p0 [tilespmem:s0+$0xB370];
	_ =	sdelay $0x1  }
0x27b: {  	v3 =	vld @!p0 [tilespmem:s0+$0x9F70];
	_ =	sdelay $0x2  }
0x27c: {  	v2 =	vmul.u32 @!p0 $0x2780, v2;
	_ =	sdelay $0x1  }
0x27d: {  	v2 =	vadd.s32 @!p0 v3, v2  }
0x27e: {  	s1 =	simm.s32 @!p0 $0xC600;
	s3 =	simm.s32 @!p0 $0xC700;
	s0 =	simm.s32 @!p0 $0x80;
	[tilespmem:$0xC670] =	vst @!p0 v2  }
0x27f: {  	[spmem:s2] =	stream.indirect.scatter.add.f32 @!p0 [tilespmem:s3], [sflag:$0x1], $0x1, s1, s0, $0xb8;
	[tilespmem:$0xEF00] =	vst v63  }
0x280: {  	_ =	swait.ge [sflag:s26], $0x80  }
0x281: {  	s30 =	stileid.u32;
	[sflag:s26] =	ssyncset.done $0x0  }
0x282: {  	s0 =	sshll.u32 s30, $0x6;
	[sflag:s26] =	ssyncadd.s32 $0xFFFFFF80  }
0x283: {  	s31 =	sshrl.u32 s4, $0x3;
	s0 =	sor.u32 $0x1C03, s0;
	[bflag:$0x0] =	sbarrier.arrive $0xFFFF  }
0x284: {  	[hbm:s12@s21], [sflag:s0] =	dma.strided [spmem:s31@s28], $0x4F0, s25, $0x10   }
0x285: {  	_ =	swait.ge [sflag:s18], $0x4F0  }
0x286: {  	[sflag:s18] =	ssyncset.done $0x0  }
0x287: {  	s3 =	sshrl.u32 s7, $0x3;
	[sflag:s18] =	ssyncadd.s32 $0xFFFFFB10  }
0x288: {  	[hbm:s13@s21], [sflag:s0] =	dma.strided [spmem:s3@s28], $0x4F0, s25, $0x10   }
0x289: {  	_ =	swait.ge [sflag:s18], $0x4F0  }
0x28a: {  	[sflag:s18] =	ssyncset.done $0x0  }
0x28b: {  	s30 =	sshrl.u32 s8, $0x3;
	[sflag:s18] =	ssyncadd.s32 $0xFFFFFB10  }
0x28c: {  	[hbm:s14@s21], [sflag:s0] =	dma.strided [spmem:s30@s28], $0x4F0, s25, $0x10   }
0x28d: {  	s29 =	sadd.s32 $0x1, s29;
	_ =	swait.ge [sflag:s18], $0x4F0  }
0x28e: {  	p0 =	sne.s32 s29, s16;
	[sflag:s18] =	ssyncset.done $0x0  }
.Ltmp3:
0x28f: {  	s31 =	sshrl.u32 s9, $0x3;
	[sflag:s18] =	ssyncadd.s32 $0xFFFFFB10;
	(pc) =	sbr.rel @p0 .LBB2_1-.Ltmp3, $4  }
0x290: {  	[hbm:s15@s21], [sflag:s0] =	dma.strided [spmem:s31@s28], $0x4F0, s25, $0x10   }
0x291: {  	_ =	swait.ge [sflag:s18], $0x4F0  }
0x292: {  	[sflag:s18] =	ssyncset.done $0x0  }
0x293: {  	[sflag:s18] =	ssyncadd.s32 $0xFFFFFB10  }
0x294: {  	_ =	sfence.sel $0x180000  }
0x295: {  	[bflag:$0x0] =	sbarrier.arrive $0xFFFF  }
0x296: {  	_ =	strace $0x90000047  }
0x297: {  	s0 =	stileid.u32;
	[bflag:$0x2] =	sbarrier.arrive $0xFFFF  }
0x298: {  	p0 =	sne.s32 s0, $0x0;
	s0 =	rddreg [dreg:$0x3]  }
0x299: {  	s0 =	sadd.s32 @!p0 $0x100000, s0  }
0x29a: {  	[sflag:s0] =	ssyncadd.tile.s32 @!p0 $0x1;
	_ =	shalt  }
.Lfunc_end2:
_tile_overlayer_lowered:
.L_overlay_start_2:
0x29b: {  	(tag) =	ssettag $0x2  }
0x29c: {  	s0 =	rddreg [dreg:$0x0];
	s2 =	stileid.u32  }
0x29d: {  	s1 =	rddreg [dreg:$0x1];
	p0 =	sne.s32 s2, $0x0  }
0x29e: {  	s3 =	rddreg [dreg:$0x2];
	[bflag:$0x3] =	sbarrier.arrive $0xFFFF;
	s2 =	simm.s32 @!p0 $0x1C03  }
0x29f: {  	[timem:s3], [sflag:s2] =	dma.local @!p0 [hbm:s0], s1  }
0x2a0: {  	s0 =	simm.s32 @!p0 $0x3  }
0x2a1: {  	_ =	swait.ge @!p0 [sflag:s0], s1  }
0x2a2: {  	s1 =	ssub.s32 @!p0 $0x0, s1;
	[sflag:s0] =	ssyncset.done @!p0 $0x0  }
0x2a3: {  	[sflag:s0] =	ssyncadd.s32 @!p0 s1  }
0x2a4: {  	[bflag:$0x3] =	sbarrier.arrive $0xFFFF  }
0x2a5: {  	_ =	shalt  }

</sc_bundles>
